<compile_context>
chip_gen: v7x
topology: tpu7x:2x2x1
jax: 0.10.2.dev20260603
libtpu: 0.0.44.dev20260713+nightly
codegen_flags: <defaults>
</compile_context>

<pallas_src>
import jax
import jax.numpy as jnp
import numpy as np
from jax import lax
from jax.experimental import pallas as pl
from jax.experimental.pallas import tpu as pltpu
from jax.experimental.pallas import tpu_sc as plsc

N = 10000
E = 320000
D_IN = 128
H = 16
SLOPE = 0.01

NC = 2
NS = 16
NW = NC * NS
CH = 128
NCH = 80
ET = NCH * CH
EPAD = NW * ET - E
NTRASH = 2048
NROWS = N + NTRASH
RPT = N // NS

NCHR = E // CH
_PAD_IDS = np.arange(EPAD, dtype=np.int32)
_EXTRA = np.stack([(_PAD_IDS % N).reshape(EPAD // CH, CH),
                   (N + _PAD_IDS % NTRASH).reshape(EPAD // CH, CH)],
                  axis=1).astype(np.int32)


def _leaky(v):
    return jnp.maximum(v, SLOPE * v)



PB = 125


def _proj_body(x_ref, wcat_ref, bl_ref, y_ref, r_ref):
    i = pl.program_id(0)
    w = wcat_ref[...]
    rows = pl.ds(i * PB, PB)
    for u in range(8):
        xu = x_ref[:, u, :]
        yr = lax.dot_general(xu, w, (((1,), (1,)), ((), ())),
                             preferred_element_type=jnp.float32)
        y_ref[rows, H * u:H * u + H] = yr[:, :H]
        r_ref[rows, H * u:H * u + H] = yr[:, H:] + bl_ref[...]


def _project(x, wcat, bl2):
    return pl.pallas_call(
        _proj_body,
        grid=(N // 8 // PB,),
        in_specs=[
            pl.BlockSpec((PB, 8, D_IN), lambda i: (i, 0, 0)),
            pl.BlockSpec((2 * H, D_IN), lambda i: (0, 0)),
            pl.BlockSpec((1, H), lambda i: (0, 0)),
        ],
        out_specs=[
            pl.BlockSpec((N // 8, 128), lambda i: (0, 0)),
            pl.BlockSpec((N // 8, 128), lambda i: (0, 0)),
        ],
        out_shape=[
            jax.ShapeDtypeStruct((N // 8, 128), jnp.float32),
            jax.ShapeDtypeStruct((N // 8, 128), jnp.float32),
        ],
    )(x, wcat, bl2)



NBUF = 20
NSUP = NCH // NBUF
NPAIR = NSUP // 2


def _sc_body(y_hbm, eiw_hbm, extra_hbm, out_hbm,
             idx_v, rows_a, rows_b, stage_v, acc_sh, sem_g, sem_s):
    cid = lax.axis_index("c")
    sid = lax.axis_index("s")
    wid = cid * NS + sid

    last = wid == NW - 1
    nreal = NCHR - (NW - 1) * NCH

    @pl.when(jnp.logical_not(last))
    def _():
        pltpu.async_copy(eiw_hbm.at[pl.ds(wid * NCH, NCH)], idx_v, sem_g)

    @pl.when(last)
    def _():
        pltpu.async_copy(eiw_hbm.at[pl.ds((NW - 1) * NCH, nreal)],
                         idx_v.at[pl.ds(0, nreal)], sem_g)
        pltpu.async_copy(extra_hbm, idx_v.at[pl.ds(nreal, NCH - nreal)],
                         sem_g)

    zero = jnp.zeros((16,), jnp.float32)

    def zbody(i, carry):
        stage_v[i] = zero
        return carry

    lax.fori_loop(0, RPT, zbody, 0)

    @pl.when(jnp.logical_not(last))
    def _():
        pltpu.make_async_copy(eiw_hbm.at[pl.ds(wid * NCH, NCH)], idx_v,
                              sem_g).wait()

    @pl.when(last)
    def _():
        pltpu.make_async_copy(eiw_hbm.at[pl.ds((NW - 1) * NCH, nreal)],
                              idx_v.at[pl.ds(0, nreal)], sem_g).wait()
        pltpu.make_async_copy(extra_hbm,
                              idx_v.at[pl.ds(nreal, NCH - nreal)],
                              sem_g).wait()

    def issue_gathers(s, rows):
        for b in range(NBUF):
            pltpu.async_copy(y_hbm.at[idx_v.at[s * NBUF + b, 0]], rows[b],
                             sem_g)

    def drain_gathers(s, rows):
        for b in range(NBUF):
            pltpu.make_async_copy(y_hbm.at[idx_v.at[s * NBUF + b, 0]],
                                  rows[b], sem_g).wait()

    def issue_scatters(s, rows):
        for b in range(NBUF):
            pltpu.async_copy(rows[b], acc_sh.at[idx_v.at[s * NBUF + b, 1]],
                             sem_s, add=True)

    def drain_scatters(s, rows):
        for b in range(NBUF):
            pltpu.make_async_copy(rows[b], acc_sh.at[idx_v.at[s * NBUF + b, 1]],
                                  sem_s).wait()

    rows_a = list(rows_a)
    rows_b = list(rows_b)
    issue_gathers(0, rows_a)
    pltpu.sync_copy(stage_v, acc_sh.at[pl.ds(sid * RPT, RPT)])
    plsc.subcore_barrier()

    def pair_body(sp, carry):
        s0 = 2 * sp
        s1 = s0 + 1
        drain_gathers(s0, rows_a)

        @pl.when(sp > 0)
        def _():
            drain_scatters(s1 - 2, rows_b)

        issue_scatters(s0, rows_a)
        issue_gathers(s1, rows_b)
        drain_gathers(s1, rows_b)
        drain_scatters(s0, rows_a)
        issue_scatters(s1, rows_b)

        @pl.when(sp < NPAIR - 1)
        def _():
            issue_gathers(s0 + 2, rows_a)

        return carry

    lax.fori_loop(0, NPAIR, pair_body, 0)
    drain_scatters(NSUP - 1, rows_b)
    plsc.subcore_barrier()

    pltpu.sync_copy(acc_sh.at[pl.ds(sid * RPT, RPT)], stage_v)
    pltpu.sync_copy(stage_v, out_hbm.at[cid, sid])


def _sc_segment_sum(y, eiw, extra):
    mesh = plsc.VectorSubcoreMesh(core_axis_name="c", subcore_axis_name="s")
    f = pl.kernel(
        _sc_body,
        out_type=jax.ShapeDtypeStruct((NC, NS, RPT, H), jnp.float32),
        mesh=mesh,
        compiler_params=pltpu.CompilerParams(use_tc_tiling_on_sc=False),
        scratch_types=[
            pltpu.VMEM((NCH, 2, CH), jnp.int32),
            [pltpu.VMEM((CH, H), jnp.float32) for _ in range(NBUF)],
            [pltpu.VMEM((CH, H), jnp.float32) for _ in range(NBUF)],
            pltpu.VMEM((RPT, H), jnp.float32),
            pltpu.VMEM_SHARED((NROWS, H), jnp.float32),
            pltpu.SemaphoreType.DMA,
            pltpu.SemaphoreType.DMA,
        ],
    )
    return f(y, eiw, extra)



def _mlp_body(acc_ref, r_ref, w1_ref, b1_ref, w2_ref, b2_ref, o_ref):
    h = acc_ref[0] + acc_ref[1] + r_ref[...]
    h = _leaky(h)
    h = lax.dot_general(h, w1_ref[...], (((1,), (0,)), ((), ())),
                        preferred_element_type=jnp.float32) + b1_ref[...]
    h = _leaky(h)
    o_ref[...] = lax.dot_general(h, w2_ref[...], (((1,), (0,)), ((), ())),
                                 preferred_element_type=jnp.float32) + b2_ref[...]


def _mlp(acc_pk, r_pk, w1k, b1k, w2k, b2k):
    return pl.pallas_call(
        _mlp_body,
        out_shape=jax.ShapeDtypeStruct((N // 8, 128), jnp.float32),
    )(acc_pk, r_pk, w1k, b1k, w2k, b2k)



def kernel(x, edge_index, Wl, bl, Wr, W1, b1, W2, b2):
    ei = edge_index.astype(jnp.int32)
    eiw = ei.reshape(2, NCHR, CH).transpose(1, 0, 2)
    extra = jnp.asarray(_EXTRA)
    wcat = jnp.concatenate([Wl, Wr], axis=0)
    y_pk, r_pk = _project(x.reshape(N // 8, 8, D_IN), wcat, bl.reshape(1, H))
    acc = _sc_segment_sum(y_pk.reshape(N, H), eiw, extra)
    acc_pk = acc.reshape(NC, N // 8, 128)
    eye8 = jnp.eye(8, dtype=jnp.float32)
    w1k = jnp.kron(eye8, W1.T)
    w2k = jnp.kron(eye8, W2.T)
    b1k = jnp.tile(b1, 8).reshape(1, 128)
    b2k = jnp.tile(b2, 8).reshape(1, 128)
    out_pk = _mlp(acc_pk, r_pk, w1k, b1k, w2k, b2k)
    return out_pk.reshape(N, H)

# --- scband reference (transcript-rebuilt; emitter-appended) ---
"""Pipeline reference for scband-gcn-1872605741509 (READ-ONLY COPY).

The authoritative reference and input builder live on the scoring server;
editing this copy changes nothing except your own understanding.
"""

import jax, jax.numpy as jnp
import numpy as np

N = 10000
E = 320000
D_IN = 128
H = 16
BATCH = 10000
SLOPE = 0.01


def setup_inputs(seed: int = 0) -> dict:
    key = jax.random.key(seed)
    ks = jax.random.split(key, 10)
    x = jax.random.normal(ks[0], (N, D_IN), dtype=jnp.float32)
    edge_index = jax.random.randint(ks[1], (2, E), 0, N, dtype=jnp.int64)
    # SAGEConv params: lin_l (with bias) applied to aggregated msgs, lin_r (no bias) to root
    Wl = jax.random.normal(ks[2], (H, D_IN), dtype=jnp.float32) * 0.05
    bl = jnp.zeros((H,), dtype=jnp.float32)
    Wr = jax.random.normal(ks[3], (H, D_IN), dtype=jnp.float32) * 0.05
    W1 = jax.random.normal(ks[4], (H, H), dtype=jnp.float32) * 0.1
    b1 = jnp.zeros((H,), dtype=jnp.float32)
    W2 = jax.random.normal(ks[5], (H, H), dtype=jnp.float32) * 0.1
    b2 = jnp.zeros((H,), dtype=jnp.float32)
    return {"x": x, "edge_index": edge_index, "Wl": Wl, "bl": bl, "Wr": Wr,
            "W1": W1, "b1": b1, "W2": W2, "b2": b2}


def reference(x, edge_index, Wl, bl, Wr, W1, b1, W2, b2):
    src = edge_index[0]
    dst = edge_index[1]
    x_target = x[:BATCH]
    # SAGEConv aggr='add', normalize=False, bipartite (x, x_target)
    msgs = jnp.take(x, src, axis=0)                      # gather: [E, D_IN]
    agg = jax.ops.segment_sum(msgs, dst, num_segments=BATCH)  # scatter-add: [BATCH, D_IN]
    h = agg @ Wl.T + bl + x_target @ Wr.T               # lin_l(agg) + lin_r(root)
    h = jax.nn.leaky_relu(h, negative_slope=SLOPE)
    # dropout p=0.0 -> identity
    h = h @ W1.T + b1
    h = jax.nn.leaky_relu(h, negative_slope=SLOPE)
    h = h @ W2.T + b2
    return h

if __name__ == "__main__":
    import jax
    _d = setup_inputs()
    print(jax.jit(kernel)(*tuple(_d.values())))

</pallas_src>

<mosaic_0001>
#map = affine_map<(d0, d1) -> (0, 0)>
#map1 = affine_map<(d0, d1) -> (0, 0, 0)>
#map2 = affine_map<(d0, d1) -> (0, 0, 0, 0)>
module attributes {stable_mosaic.version = 14 : i64} {
  func.func @_sc_body(%arg0: i32, %arg1: i32, %arg2: memref<10000x16xf32, #tpu.memory_space<hbm>>, %arg3: memref<2500x2x128xi32, #tpu.memory_space<hbm>>, %arg4: memref<60x2x128xi32, #tpu.memory_space<hbm>>, %arg5: memref<2x16x625x16xf32, #tpu.memory_space<hbm>>, %arg6: memref<80x2x128xi32, #tpu.memory_space<vmem>>, %arg7: memref<128x16xf32, #tpu.memory_space<vmem>>, %arg8: memref<128x16xf32, #tpu.memory_space<vmem>>, %arg9: memref<128x16xf32, #tpu.memory_space<vmem>>, %arg10: memref<128x16xf32, #tpu.memory_space<vmem>>, %arg11: memref<128x16xf32, #tpu.memory_space<vmem>>, %arg12: memref<128x16xf32, #tpu.memory_space<vmem>>, %arg13: memref<128x16xf32, #tpu.memory_space<vmem>>, %arg14: memref<128x16xf32, #tpu.memory_space<vmem>>, %arg15: memref<128x16xf32, #tpu.memory_space<vmem>>, %arg16: memref<128x16xf32, #tpu.memory_space<vmem>>, %arg17: memref<128x16xf32, #tpu.memory_space<vmem>>, %arg18: memref<128x16xf32, #tpu.memory_space<vmem>>, %arg19: memref<128x16xf32, #tpu.memory_space<vmem>>, %arg20: memref<128x16xf32, #tpu.memory_space<vmem>>, %arg21: memref<128x16xf32, #tpu.memory_space<vmem>>, %arg22: memref<128x16xf32, #tpu.memory_space<vmem>>, %arg23: memref<128x16xf32, #tpu.memory_space<vmem>>, %arg24: memref<128x16xf32, #tpu.memory_space<vmem>>, %arg25: memref<128x16xf32, #tpu.memory_space<vmem>>, %arg26: memref<128x16xf32, #tpu.memory_space<vmem>>, %arg27: memref<128x16xf32, #tpu.memory_space<vmem>>, %arg28: memref<128x16xf32, #tpu.memory_space<vmem>>, %arg29: memref<128x16xf32, #tpu.memory_space<vmem>>, %arg30: memref<128x16xf32, #tpu.memory_space<vmem>>, %arg31: memref<128x16xf32, #tpu.memory_space<vmem>>, %arg32: memref<128x16xf32, #tpu.memory_space<vmem>>, %arg33: memref<128x16xf32, #tpu.memory_space<vmem>>, %arg34: memref<128x16xf32, #tpu.memory_space<vmem>>, %arg35: memref<128x16xf32, #tpu.memory_space<vmem>>, %arg36: memref<128x16xf32, #tpu.memory_space<vmem>>, %arg37: memref<128x16xf32, #tpu.memory_space<vmem>>, %arg38: memref<128x16xf32, #tpu.memory_space<vmem>>, %arg39: memref<128x16xf32, #tpu.memory_space<vmem>>, %arg40: memref<128x16xf32, #tpu.memory_space<vmem>>, %arg41: memref<128x16xf32, #tpu.memory_space<vmem>>, %arg42: memref<128x16xf32, #tpu.memory_space<vmem>>, %arg43: memref<128x16xf32, #tpu.memory_space<vmem>>, %arg44: memref<128x16xf32, #tpu.memory_space<vmem>>, %arg45: memref<128x16xf32, #tpu.memory_space<vmem>>, %arg46: memref<128x16xf32, #tpu.memory_space<vmem>>, %arg47: memref<625x16xf32, #tpu.memory_space<vmem>>, %arg48: memref<12048x16xf32, #tpu.memory_space<vmem_shared>>, %arg49: memref<!tpu.dma_semaphore, #tpu.memory_space<semaphore_mem>>, %arg50: memref<!tpu.dma_semaphore, #tpu.memory_space<semaphore_mem>>) attributes {dimension_semantics = [#tpu.dimension_semantics<core_parallel>, #tpu.dimension_semantics<subcore_parallel>], iteration_bounds = array<i64: 2, 16>, scalar_prefetch = 0 : i64, scratch_operands = 45 : i64, tpu.core_type = #tpu.core_type<sc_vector_subcore>, window_params = [{transform_indices = #map}, {transform_indices = #map1}, {transform_indices = #map1}, {transform_indices = #map2}]} {
    %mul3A = arith.constant 16 : i32
    %mul3A_0 = arith.muli %arg0, %mul3A : i32
    %add3A = arith.addi %mul3A_0, %arg1 : i32
    %eq3A = arith.constant 31 : i32
    %eq3A_1 = arith.cmpi eq, %add3A, %eq3A : i32
    %not3A = arith.constant true
    %not3A_2 = arith.xori %eq3A_1, %not3A : i1
    %convert_element_type3A = arith.extui %not3A_2 : i1 to i32
    %cond3A = arith.constant 0 : i32
    %cond3A_3 = arith.cmpi ne, %convert_element_type3A, %cond3A : i32
    scf.if %cond3A_3 {
      %mul3A_350 = arith.constant 80 : i32
      %mul3A_351 = arith.muli %add3A, %mul3A_350 : i32
      %dma_start3A_352 = arith.constant 0 : i32
      %dma_start3A_353 = arith.constant 0 : i32
      %dma_start3A_354 = tpu.memref_slice %arg3[%mul3A_351, %dma_start3A_352, %dma_start3A_353] : memref<2500x2x128xi32, #tpu.memory_space<hbm>> -> memref<80x2x128xi32, #tpu.memory_space<hbm>>
      %dma_start3A_355 = arith.constant 0 : i32
      %dma_start3A_356 = arith.constant 0 : i32
      %dma_start3A_357 = tpu.memref_slice %arg3[%mul3A_351, %dma_start3A_355, %dma_start3A_356] : memref<2500x2x128xi32, #tpu.memory_space<hbm>> -> memref<80x2x128xi32, #tpu.memory_space<hbm>>
      tpu.enqueue_dma source(%dma_start3A_357 : memref<80x2x128xi32, #tpu.memory_space<hbm>>) target(%arg6 : memref<80x2x128xi32, #tpu.memory_space<vmem>>) target_semaphore(%arg49 : memref<!tpu.dma_semaphore, #tpu.memory_space<semaphore_mem>>)
    } else {
    }
    %convert_element_type3A_4 = arith.extui %eq3A_1 : i1 to i32
    %cond3A_5 = arith.constant 0 : i32
    %cond3A_6 = arith.cmpi ne, %convert_element_type3A_4, %cond3A_5 : i32
    scf.if %cond3A_6 {
      %dma_start3A_350 = arith.constant 0 : i32
      %dma_start3A_351 = arith.constant 0 : i32
      %dma_start3A_352 = arith.constant 0 : i32
      %dma_start3A_353 = tpu.memref_slice %arg6[%dma_start3A_350, %dma_start3A_351, %dma_start3A_352] : memref<80x2x128xi32, #tpu.memory_space<vmem>> -> memref<20x2x128xi32, #tpu.memory_space<vmem>>
      %dma_start3A_354 = arith.constant 2480 : i32
      %dma_start3A_355 = arith.constant 0 : i32
      %dma_start3A_356 = arith.constant 0 : i32
      %dma_start3A_357 = tpu.memref_slice %arg3[%dma_start3A_354, %dma_start3A_355, %dma_start3A_356] : memref<2500x2x128xi32, #tpu.memory_space<hbm>> -> memref<20x2x128xi32, #tpu.memory_space<hbm>>
      %dma_start3A_358 = arith.constant 0 : i32
      %dma_start3A_359 = arith.constant 0 : i32
      %dma_start3A_360 = arith.constant 0 : i32
      %dma_start3A_361 = tpu.memref_slice %arg6[%dma_start3A_358, %dma_start3A_359, %dma_start3A_360] : memref<80x2x128xi32, #tpu.memory_space<vmem>> -> memref<20x2x128xi32, #tpu.memory_space<vmem>>
      %dma_start3A_362 = arith.constant 2480 : i32
      %dma_start3A_363 = arith.constant 0 : i32
      %dma_start3A_364 = arith.constant 0 : i32
      %dma_start3A_365 = tpu.memref_slice %arg3[%dma_start3A_362, %dma_start3A_363, %dma_start3A_364] : memref<2500x2x128xi32, #tpu.memory_space<hbm>> -> memref<20x2x128xi32, #tpu.memory_space<hbm>>
      tpu.enqueue_dma source(%dma_start3A_365 : memref<20x2x128xi32, #tpu.memory_space<hbm>>) target(%dma_start3A_361 : memref<20x2x128xi32, #tpu.memory_space<vmem>>) target_semaphore(%arg49 : memref<!tpu.dma_semaphore, #tpu.memory_space<semaphore_mem>>)
      %dma_start3A_366 = arith.constant 20 : i32
      %dma_start3A_367 = arith.constant 0 : i32
      %dma_start3A_368 = arith.constant 0 : i32
      %dma_start3A_369 = tpu.memref_slice %arg6[%dma_start3A_366, %dma_start3A_367, %dma_start3A_368] : memref<80x2x128xi32, #tpu.memory_space<vmem>> -> memref<60x2x128xi32, #tpu.memory_space<vmem>>
      %dma_start3A_370 = arith.constant 20 : i32
      %dma_start3A_371 = arith.constant 0 : i32
      %dma_start3A_372 = arith.constant 0 : i32
      %dma_start3A_373 = tpu.memref_slice %arg6[%dma_start3A_370, %dma_start3A_371, %dma_start3A_372] : memref<80x2x128xi32, #tpu.memory_space<vmem>> -> memref<60x2x128xi32, #tpu.memory_space<vmem>>
      tpu.enqueue_dma source(%arg4 : memref<60x2x128xi32, #tpu.memory_space<hbm>>) target(%dma_start3A_373 : memref<60x2x128xi32, #tpu.memory_space<vmem>>) target_semaphore(%arg49 : memref<!tpu.dma_semaphore, #tpu.memory_space<semaphore_mem>>)
    } else {
    }
    %broadcast_in_dim3A = arith.constant 0.000000e+00 : f32
    %broadcast_in_dim3A_7 = vector.broadcast %broadcast_in_dim3A : f32 to vector<16xf32>
    %scan3A = arith.constant 0 : i32
    %scan3A_8 = arith.constant 0 : i32
    %scan3A_9 = arith.constant 625 : i32
    %scan3A_10 = arith.addi %scan3A_8, %scan3A_9 : i32
    %scan3A_11 = arith.constant 1 : i32
    scf.for %scan3A_350 = %scan3A_8 to %scan3A_10 step %scan3A_11  : i32 {
      %swap3A = arith.index_cast %scan3A_350 : i32 to index
      %swap3A_351 = arith.constant 0 : index
      %swap3A_352 = tpu.vector_load %arg47[%swap3A, %swap3A_351] {strides = array<i32>} : memref<625x16xf32, #tpu.memory_space<vmem>>, vector<1x16xf32>,
      %swap3A_353 = vector.shape_cast %swap3A_352 : vector<1x16xf32> to vector<16xf32>
      %swap3A_354 = vector.shape_cast %broadcast_in_dim3A_7 : vector<16xf32> to vector<1x16xf32>
      tpu.vector_store %arg47[%swap3A, %swap3A_351], %swap3A_354 {strides = array<i32>} : memref<625x16xf32, #tpu.memory_space<vmem>>, vector<1x16xf32>,
    }
    %scan3A_12 = arith.constant 625 : i32
    %not3A_13 = arith.constant true
    %not3A_14 = arith.xori %eq3A_1, %not3A_13 : i1
    %convert_element_type3A_15 = arith.extui %not3A_14 : i1 to i32
    %cond3A_16 = arith.constant 0 : i32
    %cond3A_17 = arith.cmpi ne, %convert_element_type3A_15, %cond3A_16 : i32
    scf.if %cond3A_17 {
      %mul3A_350 = arith.constant 80 : i32
      %mul3A_351 = arith.muli %add3A, %mul3A_350 : i32
      %dma_wait3A_352 = arith.constant 0 : i32
      %dma_wait3A_353 = arith.constant 0 : i32
      %dma_wait3A_354 = tpu.memref_slice %arg3[%mul3A_351, %dma_wait3A_352, %dma_wait3A_353] : memref<2500x2x128xi32, #tpu.memory_space<hbm>> -> memref<80x2x128xi32, #tpu.memory_space<hbm>>
      %dma_wait3A_355 = arith.constant 0 : i32
      %dma_wait3A_356 = arith.constant 0 : i32
      %dma_wait3A_357 = tpu.memref_slice %arg3[%mul3A_351, %dma_wait3A_355, %dma_wait3A_356] : memref<2500x2x128xi32, #tpu.memory_space<hbm>> -> memref<80x2x128xi32, #tpu.memory_space<hbm>>
      tpu.wait_dma2 semaphore(%arg49 : memref<!tpu.dma_semaphore, #tpu.memory_space<semaphore_mem>>) src(%dma_wait3A_357 : memref<80x2x128xi32, #tpu.memory_space<hbm>>) dst(%arg6 : memref<80x2x128xi32, #tpu.memory_space<vmem>>)
    } else {
    }
    %convert_element_type3A_18 = arith.extui %eq3A_1 : i1 to i32
    %cond3A_19 = arith.constant 0 : i32
    %cond3A_20 = arith.cmpi ne, %convert_element_type3A_18, %cond3A_19 : i32
    scf.if %cond3A_20 {
      %dma_wait3A_350 = arith.constant 0 : i32
      %dma_wait3A_351 = arith.constant 0 : i32
      %dma_wait3A_352 = arith.constant 0 : i32
      %dma_wait3A_353 = tpu.memref_slice %arg6[%dma_wait3A_350, %dma_wait3A_351, %dma_wait3A_352] : memref<80x2x128xi32, #tpu.memory_space<vmem>> -> memref<20x2x128xi32, #tpu.memory_space<vmem>>
      %dma_wait3A_354 = arith.constant 2480 : i32
      %dma_wait3A_355 = arith.constant 0 : i32
      %dma_wait3A_356 = arith.constant 0 : i32
      %dma_wait3A_357 = tpu.memref_slice %arg3[%dma_wait3A_354, %dma_wait3A_355, %dma_wait3A_356] : memref<2500x2x128xi32, #tpu.memory_space<hbm>> -> memref<20x2x128xi32, #tpu.memory_space<hbm>>
      %dma_wait3A_358 = arith.constant 0 : i32
      %dma_wait3A_359 = arith.constant 0 : i32
      %dma_wait3A_360 = arith.constant 0 : i32
      %dma_wait3A_361 = tpu.memref_slice %arg6[%dma_wait3A_358, %dma_wait3A_359, %dma_wait3A_360] : memref<80x2x128xi32, #tpu.memory_space<vmem>> -> memref<20x2x128xi32, #tpu.memory_space<vmem>>
      %dma_wait3A_362 = arith.constant 2480 : i32
      %dma_wait3A_363 = arith.constant 0 : i32
      %dma_wait3A_364 = arith.constant 0 : i32
      %dma_wait3A_365 = tpu.memref_slice %arg3[%dma_wait3A_362, %dma_wait3A_363, %dma_wait3A_364] : memref<2500x2x128xi32, #tpu.memory_space<hbm>> -> memref<20x2x128xi32, #tpu.memory_space<hbm>>
      tpu.wait_dma2 semaphore(%arg49 : memref<!tpu.dma_semaphore, #tpu.memory_space<semaphore_mem>>) src(%dma_wait3A_365 : memref<20x2x128xi32, #tpu.memory_space<hbm>>) dst(%dma_wait3A_361 : memref<20x2x128xi32, #tpu.memory_space<vmem>>)
      %dma_wait3A_366 = arith.constant 20 : i32
      %dma_wait3A_367 = arith.constant 0 : i32
      %dma_wait3A_368 = arith.constant 0 : i32
      %dma_wait3A_369 = tpu.memref_slice %arg6[%dma_wait3A_366, %dma_wait3A_367, %dma_wait3A_368] : memref<80x2x128xi32, #tpu.memory_space<vmem>> -> memref<60x2x128xi32, #tpu.memory_space<vmem>>
      %dma_wait3A_370 = arith.constant 20 : i32
      %dma_wait3A_371 = arith.constant 0 : i32
      %dma_wait3A_372 = arith.constant 0 : i32
      %dma_wait3A_373 = tpu.memref_slice %arg6[%dma_wait3A_370, %dma_wait3A_371, %dma_wait3A_372] : memref<80x2x128xi32, #tpu.memory_space<vmem>> -> memref<60x2x128xi32, #tpu.memory_space<vmem>>
      tpu.wait_dma2 semaphore(%arg49 : memref<!tpu.dma_semaphore, #tpu.memory_space<semaphore_mem>>) src(%arg4 : memref<60x2x128xi32, #tpu.memory_space<hbm>>) dst(%dma_wait3A_373 : memref<60x2x128xi32, #tpu.memory_space<vmem>>)
    } else {
    }
    %dma_start3A = arith.constant 0 : i32
    %dma_start3A_21 = arith.constant 0 : i32
    %dma_start3A_22 = arith.constant 0 : i32
    %dma_start3A_23 = tpu.memref_slice %arg6[%dma_start3A, %dma_start3A_21, %dma_start3A_22] : memref<80x2x128xi32, #tpu.memory_space<vmem>> -> memref<1x1x128xi32, #tpu.memory_space<vmem>>
    %dma_start3A_24 = tpu.memref_squeeze %dma_start3A_23 : memref<1x1x128xi32, #tpu.memory_space<vmem>> -> memref<128xi32, #tpu.memory_space<vmem>>
    %dma_start3A_25 = arith.constant 0 : i32
    %dma_start3A_26 = arith.constant 0 : i32
    %dma_start3A_27 = tpu.memref_slice %arg2[%dma_start3A_25, %dma_start3A_26] : memref<10000x16xf32, #tpu.memory_space<hbm>> -> memref<10000x16xf32, #tpu.memory_space<hbm>>
    tpu.enqueue_indirect_dma source(%dma_start3A_27 : memref<10000x16xf32, #tpu.memory_space<hbm>>) target(%arg7 : memref<128x16xf32, #tpu.memory_space<vmem>>) offsets(%dma_start3A_24 : memref<128xi32, #tpu.memory_space<vmem>>) semaphore(%arg49 : memref<!tpu.dma_semaphore, #tpu.memory_space<semaphore_mem>>)
    %dma_start3A_28 = arith.constant 1 : i32
    %dma_start3A_29 = arith.constant 0 : i32
    %dma_start3A_30 = arith.constant 0 : i32
    %dma_start3A_31 = tpu.memref_slice %arg6[%dma_start3A_28, %dma_start3A_29, %dma_start3A_30] : memref<80x2x128xi32, #tpu.memory_space<vmem>> -> memref<1x1x128xi32, #tpu.memory_space<vmem>>
    %dma_start3A_32 = tpu.memref_squeeze %dma_start3A_31 : memref<1x1x128xi32, #tpu.memory_space<vmem>> -> memref<128xi32, #tpu.memory_space<vmem>>
    %dma_start3A_33 = arith.constant 0 : i32
    %dma_start3A_34 = arith.constant 0 : i32
    %dma_start3A_35 = tpu.memref_slice %arg2[%dma_start3A_33, %dma_start3A_34] : memref<10000x16xf32, #tpu.memory_space<hbm>> -> memref<10000x16xf32, #tpu.memory_space<hbm>>
    tpu.enqueue_indirect_dma source(%dma_start3A_35 : memref<10000x16xf32, #tpu.memory_space<hbm>>) target(%arg8 : memref<128x16xf32, #tpu.memory_space<vmem>>) offsets(%dma_start3A_32 : memref<128xi32, #tpu.memory_space<vmem>>) semaphore(%arg49 : memref<!tpu.dma_semaphore, #tpu.memory_space<semaphore_mem>>)
    %dma_start3A_36 = arith.constant 2 : i32
    %dma_start3A_37 = arith.constant 0 : i32
    %dma_start3A_38 = arith.constant 0 : i32
    %dma_start3A_39 = tpu.memref_slice %arg6[%dma_start3A_36, %dma_start3A_37, %dma_start3A_38] : memref<80x2x128xi32, #tpu.memory_space<vmem>> -> memref<1x1x128xi32, #tpu.memory_space<vmem>>
    %dma_start3A_40 = tpu.memref_squeeze %dma_start3A_39 : memref<1x1x128xi32, #tpu.memory_space<vmem>> -> memref<128xi32, #tpu.memory_space<vmem>>
    %dma_start3A_41 = arith.constant 0 : i32
    %dma_start3A_42 = arith.constant 0 : i32
    %dma_start3A_43 = tpu.memref_slice %arg2[%dma_start3A_41, %dma_start3A_42] : memref<10000x16xf32, #tpu.memory_space<hbm>> -> memref<10000x16xf32, #tpu.memory_space<hbm>>
    tpu.enqueue_indirect_dma source(%dma_start3A_43 : memref<10000x16xf32, #tpu.memory_space<hbm>>) target(%arg9 : memref<128x16xf32, #tpu.memory_space<vmem>>) offsets(%dma_start3A_40 : memref<128xi32, #tpu.memory_space<vmem>>) semaphore(%arg49 : memref<!tpu.dma_semaphore, #tpu.memory_space<semaphore_mem>>)
    %dma_start3A_44 = arith.constant 3 : i32
    %dma_start3A_45 = arith.constant 0 : i32
    %dma_start3A_46 = arith.constant 0 : i32
    %dma_start3A_47 = tpu.memref_slice %arg6[%dma_start3A_44, %dma_start3A_45, %dma_start3A_46] : memref<80x2x128xi32, #tpu.memory_space<vmem>> -> memref<1x1x128xi32, #tpu.memory_space<vmem>>
    %dma_start3A_48 = tpu.memref_squeeze %dma_start3A_47 : memref<1x1x128xi32, #tpu.memory_space<vmem>> -> memref<128xi32, #tpu.memory_space<vmem>>
    %dma_start3A_49 = arith.constant 0 : i32
    %dma_start3A_50 = arith.constant 0 : i32
    %dma_start3A_51 = tpu.memref_slice %arg2[%dma_start3A_49, %dma_start3A_50] : memref<10000x16xf32, #tpu.memory_space<hbm>> -> memref<10000x16xf32, #tpu.memory_space<hbm>>
    tpu.enqueue_indirect_dma source(%dma_start3A_51 : memref<10000x16xf32, #tpu.memory_space<hbm>>) target(%arg10 : memref<128x16xf32, #tpu.memory_space<vmem>>) offsets(%dma_start3A_48 : memref<128xi32, #tpu.memory_space<vmem>>) semaphore(%arg49 : memref<!tpu.dma_semaphore, #tpu.memory_space<semaphore_mem>>)
    %dma_start3A_52 = arith.constant 4 : i32
    %dma_start3A_53 = arith.constant 0 : i32
    %dma_start3A_54 = arith.constant 0 : i32
    %dma_start3A_55 = tpu.memref_slice %arg6[%dma_start3A_52, %dma_start3A_53, %dma_start3A_54] : memref<80x2x128xi32, #tpu.memory_space<vmem>> -> memref<1x1x128xi32, #tpu.memory_space<vmem>>
    %dma_start3A_56 = tpu.memref_squeeze %dma_start3A_55 : memref<1x1x128xi32, #tpu.memory_space<vmem>> -> memref<128xi32, #tpu.memory_space<vmem>>
    %dma_start3A_57 = arith.constant 0 : i32
    %dma_start3A_58 = arith.constant 0 : i32
    %dma_start3A_59 = tpu.memref_slice %arg2[%dma_start3A_57, %dma_start3A_58] : memref<10000x16xf32, #tpu.memory_space<hbm>> -> memref<10000x16xf32, #tpu.memory_space<hbm>>
    tpu.enqueue_indirect_dma source(%dma_start3A_59 : memref<10000x16xf32, #tpu.memory_space<hbm>>) target(%arg11 : memref<128x16xf32, #tpu.memory_space<vmem>>) offsets(%dma_start3A_56 : memref<128xi32, #tpu.memory_space<vmem>>) semaphore(%arg49 : memref<!tpu.dma_semaphore, #tpu.memory_space<semaphore_mem>>)
    %dma_start3A_60 = arith.constant 5 : i32
    %dma_start3A_61 = arith.constant 0 : i32
    %dma_start3A_62 = arith.constant 0 : i32
    %dma_start3A_63 = tpu.memref_slice %arg6[%dma_start3A_60, %dma_start3A_61, %dma_start3A_62] : memref<80x2x128xi32, #tpu.memory_space<vmem>> -> memref<1x1x128xi32, #tpu.memory_space<vmem>>
    %dma_start3A_64 = tpu.memref_squeeze %dma_start3A_63 : memref<1x1x128xi32, #tpu.memory_space<vmem>> -> memref<128xi32, #tpu.memory_space<vmem>>
    %dma_start3A_65 = arith.constant 0 : i32
    %dma_start3A_66 = arith.constant 0 : i32
    %dma_start3A_67 = tpu.memref_slice %arg2[%dma_start3A_65, %dma_start3A_66] : memref<10000x16xf32, #tpu.memory_space<hbm>> -> memref<10000x16xf32, #tpu.memory_space<hbm>>
    tpu.enqueue_indirect_dma source(%dma_start3A_67 : memref<10000x16xf32, #tpu.memory_space<hbm>>) target(%arg12 : memref<128x16xf32, #tpu.memory_space<vmem>>) offsets(%dma_start3A_64 : memref<128xi32, #tpu.memory_space<vmem>>) semaphore(%arg49 : memref<!tpu.dma_semaphore, #tpu.memory_space<semaphore_mem>>)
    %dma_start3A_68 = arith.constant 6 : i32
    %dma_start3A_69 = arith.constant 0 : i32
    %dma_start3A_70 = arith.constant 0 : i32
    %dma_start3A_71 = tpu.memref_slice %arg6[%dma_start3A_68, %dma_start3A_69, %dma_start3A_70] : memref<80x2x128xi32, #tpu.memory_space<vmem>> -> memref<1x1x128xi32, #tpu.memory_space<vmem>>
    %dma_start3A_72 = tpu.memref_squeeze %dma_start3A_71 : memref<1x1x128xi32, #tpu.memory_space<vmem>> -> memref<128xi32, #tpu.memory_space<vmem>>
    %dma_start3A_73 = arith.constant 0 : i32
    %dma_start3A_74 = arith.constant 0 : i32
    %dma_start3A_75 = tpu.memref_slice %arg2[%dma_start3A_73, %dma_start3A_74] : memref<10000x16xf32, #tpu.memory_space<hbm>> -> memref<10000x16xf32, #tpu.memory_space<hbm>>
    tpu.enqueue_indirect_dma source(%dma_start3A_75 : memref<10000x16xf32, #tpu.memory_space<hbm>>) target(%arg13 : memref<128x16xf32, #tpu.memory_space<vmem>>) offsets(%dma_start3A_72 : memref<128xi32, #tpu.memory_space<vmem>>) semaphore(%arg49 : memref<!tpu.dma_semaphore, #tpu.memory_space<semaphore_mem>>)
    %dma_start3A_76 = arith.constant 7 : i32
    %dma_start3A_77 = arith.constant 0 : i32
    %dma_start3A_78 = arith.constant 0 : i32
    %dma_start3A_79 = tpu.memref_slice %arg6[%dma_start3A_76, %dma_start3A_77, %dma_start3A_78] : memref<80x2x128xi32, #tpu.memory_space<vmem>> -> memref<1x1x128xi32, #tpu.memory_space<vmem>>
    %dma_start3A_80 = tpu.memref_squeeze %dma_start3A_79 : memref<1x1x128xi32, #tpu.memory_space<vmem>> -> memref<128xi32, #tpu.memory_space<vmem>>
    %dma_start3A_81 = arith.constant 0 : i32
    %dma_start3A_82 = arith.constant 0 : i32
    %dma_start3A_83 = tpu.memref_slice %arg2[%dma_start3A_81, %dma_start3A_82] : memref<10000x16xf32, #tpu.memory_space<hbm>> -> memref<10000x16xf32, #tpu.memory_space<hbm>>
    tpu.enqueue_indirect_dma source(%dma_start3A_83 : memref<10000x16xf32, #tpu.memory_space<hbm>>) target(%arg14 : memref<128x16xf32, #tpu.memory_space<vmem>>) offsets(%dma_start3A_80 : memref<128xi32, #tpu.memory_space<vmem>>) semaphore(%arg49 : memref<!tpu.dma_semaphore, #tpu.memory_space<semaphore_mem>>)
    %dma_start3A_84 = arith.constant 8 : i32
    %dma_start3A_85 = arith.constant 0 : i32
    %dma_start3A_86 = arith.constant 0 : i32
    %dma_start3A_87 = tpu.memref_slice %arg6[%dma_start3A_84, %dma_start3A_85, %dma_start3A_86] : memref<80x2x128xi32, #tpu.memory_space<vmem>> -> memref<1x1x128xi32, #tpu.memory_space<vmem>>
    %dma_start3A_88 = tpu.memref_squeeze %dma_start3A_87 : memref<1x1x128xi32, #tpu.memory_space<vmem>> -> memref<128xi32, #tpu.memory_space<vmem>>
    %dma_start3A_89 = arith.constant 0 : i32
    %dma_start3A_90 = arith.constant 0 : i32
    %dma_start3A_91 = tpu.memref_slice %arg2[%dma_start3A_89, %dma_start3A_90] : memref<10000x16xf32, #tpu.memory_space<hbm>> -> memref<10000x16xf32, #tpu.memory_space<hbm>>
    tpu.enqueue_indirect_dma source(%dma_start3A_91 : memref<10000x16xf32, #tpu.memory_space<hbm>>) target(%arg15 : memref<128x16xf32, #tpu.memory_space<vmem>>) offsets(%dma_start3A_88 : memref<128xi32, #tpu.memory_space<vmem>>) semaphore(%arg49 : memref<!tpu.dma_semaphore, #tpu.memory_space<semaphore_mem>>)
    %dma_start3A_92 = arith.constant 9 : i32
    %dma_start3A_93 = arith.constant 0 : i32
    %dma_start3A_94 = arith.constant 0 : i32
    %dma_start3A_95 = tpu.memref_slice %arg6[%dma_start3A_92, %dma_start3A_93, %dma_start3A_94] : memref<80x2x128xi32, #tpu.memory_space<vmem>> -> memref<1x1x128xi32, #tpu.memory_space<vmem>>
    %dma_start3A_96 = tpu.memref_squeeze %dma_start3A_95 : memref<1x1x128xi32, #tpu.memory_space<vmem>> -> memref<128xi32, #tpu.memory_space<vmem>>
    %dma_start3A_97 = arith.constant 0 : i32
    %dma_start3A_98 = arith.constant 0 : i32
    %dma_start3A_99 = tpu.memref_slice %arg2[%dma_start3A_97, %dma_start3A_98] : memref<10000x16xf32, #tpu.memory_space<hbm>> -> memref<10000x16xf32, #tpu.memory_space<hbm>>
    tpu.enqueue_indirect_dma source(%dma_start3A_99 : memref<10000x16xf32, #tpu.memory_space<hbm>>) target(%arg16 : memref<128x16xf32, #tpu.memory_space<vmem>>) offsets(%dma_start3A_96 : memref<128xi32, #tpu.memory_space<vmem>>) semaphore(%arg49 : memref<!tpu.dma_semaphore, #tpu.memory_space<semaphore_mem>>)
    %dma_start3A_100 = arith.constant 10 : i32
    %dma_start3A_101 = arith.constant 0 : i32
    %dma_start3A_102 = arith.constant 0 : i32
    %dma_start3A_103 = tpu.memref_slice %arg6[%dma_start3A_100, %dma_start3A_101, %dma_start3A_102] : memref<80x2x128xi32, #tpu.memory_space<vmem>> -> memref<1x1x128xi32, #tpu.memory_space<vmem>>
    %dma_start3A_104 = tpu.memref_squeeze %dma_start3A_103 : memref<1x1x128xi32, #tpu.memory_space<vmem>> -> memref<128xi32, #tpu.memory_space<vmem>>
    %dma_start3A_105 = arith.constant 0 : i32
    %dma_start3A_106 = arith.constant 0 : i32
    %dma_start3A_107 = tpu.memref_slice %arg2[%dma_start3A_105, %dma_start3A_106] : memref<10000x16xf32, #tpu.memory_space<hbm>> -> memref<10000x16xf32, #tpu.memory_space<hbm>>
    tpu.enqueue_indirect_dma source(%dma_start3A_107 : memref<10000x16xf32, #tpu.memory_space<hbm>>) target(%arg17 : memref<128x16xf32, #tpu.memory_space<vmem>>) offsets(%dma_start3A_104 : memref<128xi32, #tpu.memory_space<vmem>>) semaphore(%arg49 : memref<!tpu.dma_semaphore, #tpu.memory_space<semaphore_mem>>)
    %dma_start3A_108 = arith.constant 11 : i32
    %dma_start3A_109 = arith.constant 0 : i32
    %dma_start3A_110 = arith.constant 0 : i32
    %dma_start3A_111 = tpu.memref_slice %arg6[%dma_start3A_108, %dma_start3A_109, %dma_start3A_110] : memref<80x2x128xi32, #tpu.memory_space<vmem>> -> memref<1x1x128xi32, #tpu.memory_space<vmem>>
    %dma_start3A_112 = tpu.memref_squeeze %dma_start3A_111 : memref<1x1x128xi32, #tpu.memory_space<vmem>> -> memref<128xi32, #tpu.memory_space<vmem>>
    %dma_start3A_113 = arith.constant 0 : i32
    %dma_start3A_114 = arith.constant 0 : i32
    %dma_start3A_115 = tpu.memref_slice %arg2[%dma_start3A_113, %dma_start3A_114] : memref<10000x16xf32, #tpu.memory_space<hbm>> -> memref<10000x16xf32, #tpu.memory_space<hbm>>
    tpu.enqueue_indirect_dma source(%dma_start3A_115 : memref<10000x16xf32, #tpu.memory_space<hbm>>) target(%arg18 : memref<128x16xf32, #tpu.memory_space<vmem>>) offsets(%dma_start3A_112 : memref<128xi32, #tpu.memory_space<vmem>>) semaphore(%arg49 : memref<!tpu.dma_semaphore, #tpu.memory_space<semaphore_mem>>)
    %dma_start3A_116 = arith.constant 12 : i32
    %dma_start3A_117 = arith.constant 0 : i32
    %dma_start3A_118 = arith.constant 0 : i32
    %dma_start3A_119 = tpu.memref_slice %arg6[%dma_start3A_116, %dma_start3A_117, %dma_start3A_118] : memref<80x2x128xi32, #tpu.memory_space<vmem>> -> memref<1x1x128xi32, #tpu.memory_space<vmem>>
    %dma_start3A_120 = tpu.memref_squeeze %dma_start3A_119 : memref<1x1x128xi32, #tpu.memory_space<vmem>> -> memref<128xi32, #tpu.memory_space<vmem>>
    %dma_start3A_121 = arith.constant 0 : i32
    %dma_start3A_122 = arith.constant 0 : i32
    %dma_start3A_123 = tpu.memref_slice %arg2[%dma_start3A_121, %dma_start3A_122] : memref<10000x16xf32, #tpu.memory_space<hbm>> -> memref<10000x16xf32, #tpu.memory_space<hbm>>
    tpu.enqueue_indirect_dma source(%dma_start3A_123 : memref<10000x16xf32, #tpu.memory_space<hbm>>) target(%arg19 : memref<128x16xf32, #tpu.memory_space<vmem>>) offsets(%dma_start3A_120 : memref<128xi32, #tpu.memory_space<vmem>>) semaphore(%arg49 : memref<!tpu.dma_semaphore, #tpu.memory_space<semaphore_mem>>)
    %dma_start3A_124 = arith.constant 13 : i32
    %dma_start3A_125 = arith.constant 0 : i32
    %dma_start3A_126 = arith.constant 0 : i32
    %dma_start3A_127 = tpu.memref_slice %arg6[%dma_start3A_124, %dma_start3A_125, %dma_start3A_126] : memref<80x2x128xi32, #tpu.memory_space<vmem>> -> memref<1x1x128xi32, #tpu.memory_space<vmem>>
    %dma_start3A_128 = tpu.memref_squeeze %dma_start3A_127 : memref<1x1x128xi32, #tpu.memory_space<vmem>> -> memref<128xi32, #tpu.memory_space<vmem>>
    %dma_start3A_129 = arith.constant 0 : i32
    %dma_start3A_130 = arith.constant 0 : i32
    %dma_start3A_131 = tpu.memref_slice %arg2[%dma_start3A_129, %dma_start3A_130] : memref<10000x16xf32, #tpu.memory_space<hbm>> -> memref<10000x16xf32, #tpu.memory_space<hbm>>
    tpu.enqueue_indirect_dma source(%dma_start3A_131 : memref<10000x16xf32, #tpu.memory_space<hbm>>) target(%arg20 : memref<128x16xf32, #tpu.memory_space<vmem>>) offsets(%dma_start3A_128 : memref<128xi32, #tpu.memory_space<vmem>>) semaphore(%arg49 : memref<!tpu.dma_semaphore, #tpu.memory_space<semaphore_mem>>)
    %dma_start3A_132 = arith.constant 14 : i32
    %dma_start3A_133 = arith.constant 0 : i32
    %dma_start3A_134 = arith.constant 0 : i32
    %dma_start3A_135 = tpu.memref_slice %arg6[%dma_start3A_132, %dma_start3A_133, %dma_start3A_134] : memref<80x2x128xi32, #tpu.memory_space<vmem>> -> memref<1x1x128xi32, #tpu.memory_space<vmem>>
    %dma_start3A_136 = tpu.memref_squeeze %dma_start3A_135 : memref<1x1x128xi32, #tpu.memory_space<vmem>> -> memref<128xi32, #tpu.memory_space<vmem>>
    %dma_start3A_137 = arith.constant 0 : i32
    %dma_start3A_138 = arith.constant 0 : i32
    %dma_start3A_139 = tpu.memref_slice %arg2[%dma_start3A_137, %dma_start3A_138] : memref<10000x16xf32, #tpu.memory_space<hbm>> -> memref<10000x16xf32, #tpu.memory_space<hbm>>
    tpu.enqueue_indirect_dma source(%dma_start3A_139 : memref<10000x16xf32, #tpu.memory_space<hbm>>) target(%arg21 : memref<128x16xf32, #tpu.memory_space<vmem>>) offsets(%dma_start3A_136 : memref<128xi32, #tpu.memory_space<vmem>>) semaphore(%arg49 : memref<!tpu.dma_semaphore, #tpu.memory_space<semaphore_mem>>)
    %dma_start3A_140 = arith.constant 15 : i32
    %dma_start3A_141 = arith.constant 0 : i32
    %dma_start3A_142 = arith.constant 0 : i32
    %dma_start3A_143 = tpu.memref_slice %arg6[%dma_start3A_140, %dma_start3A_141, %dma_start3A_142] : memref<80x2x128xi32, #tpu.memory_space<vmem>> -> memref<1x1x128xi32, #tpu.memory_space<vmem>>
    %dma_start3A_144 = tpu.memref_squeeze %dma_start3A_143 : memref<1x1x128xi32, #tpu.memory_space<vmem>> -> memref<128xi32, #tpu.memory_space<vmem>>
    %dma_start3A_145 = arith.constant 0 : i32
    %dma_start3A_146 = arith.constant 0 : i32
    %dma_start3A_147 = tpu.memref_slice %arg2[%dma_start3A_145, %dma_start3A_146] : memref<10000x16xf32, #tpu.memory_space<hbm>> -> memref<10000x16xf32, #tpu.memory_space<hbm>>
    tpu.enqueue_indirect_dma source(%dma_start3A_147 : memref<10000x16xf32, #tpu.memory_space<hbm>>) target(%arg22 : memref<128x16xf32, #tpu.memory_space<vmem>>) offsets(%dma_start3A_144 : memref<128xi32, #tpu.memory_space<vmem>>) semaphore(%arg49 : memref<!tpu.dma_semaphore, #tpu.memory_space<semaphore_mem>>)
    %dma_start3A_148 = arith.constant 16 : i32
    %dma_start3A_149 = arith.constant 0 : i32
    %dma_start3A_150 = arith.constant 0 : i32
    %dma_start3A_151 = tpu.memref_slice %arg6[%dma_start3A_148, %dma_start3A_149, %dma_start3A_150] : memref<80x2x128xi32, #tpu.memory_space<vmem>> -> memref<1x1x128xi32, #tpu.memory_space<vmem>>
    %dma_start3A_152 = tpu.memref_squeeze %dma_start3A_151 : memref<1x1x128xi32, #tpu.memory_space<vmem>> -> memref<128xi32, #tpu.memory_space<vmem>>
    %dma_start3A_153 = arith.constant 0 : i32
    %dma_start3A_154 = arith.constant 0 : i32
    %dma_start3A_155 = tpu.memref_slice %arg2[%dma_start3A_153, %dma_start3A_154] : memref<10000x16xf32, #tpu.memory_space<hbm>> -> memref<10000x16xf32, #tpu.memory_space<hbm>>
    tpu.enqueue_indirect_dma source(%dma_start3A_155 : memref<10000x16xf32, #tpu.memory_space<hbm>>) target(%arg23 : memref<128x16xf32, #tpu.memory_space<vmem>>) offsets(%dma_start3A_152 : memref<128xi32, #tpu.memory_space<vmem>>) semaphore(%arg49 : memref<!tpu.dma_semaphore, #tpu.memory_space<semaphore_mem>>)
    %dma_start3A_156 = arith.constant 17 : i32
    %dma_start3A_157 = arith.constant 0 : i32
    %dma_start3A_158 = arith.constant 0 : i32
    %dma_start3A_159 = tpu.memref_slice %arg6[%dma_start3A_156, %dma_start3A_157, %dma_start3A_158] : memref<80x2x128xi32, #tpu.memory_space<vmem>> -> memref<1x1x128xi32, #tpu.memory_space<vmem>>
    %dma_start3A_160 = tpu.memref_squeeze %dma_start3A_159 : memref<1x1x128xi32, #tpu.memory_space<vmem>> -> memref<128xi32, #tpu.memory_space<vmem>>
    %dma_start3A_161 = arith.constant 0 : i32
    %dma_start3A_162 = arith.constant 0 : i32
    %dma_start3A_163 = tpu.memref_slice %arg2[%dma_start3A_161, %dma_start3A_162] : memref<10000x16xf32, #tpu.memory_space<hbm>> -> memref<10000x16xf32, #tpu.memory_space<hbm>>
    tpu.enqueue_indirect_dma source(%dma_start3A_163 : memref<10000x16xf32, #tpu.memory_space<hbm>>) target(%arg24 : memref<128x16xf32, #tpu.memory_space<vmem>>) offsets(%dma_start3A_160 : memref<128xi32, #tpu.memory_space<vmem>>) semaphore(%arg49 : memref<!tpu.dma_semaphore, #tpu.memory_space<semaphore_mem>>)
    %dma_start3A_164 = arith.constant 18 : i32
    %dma_start3A_165 = arith.constant 0 : i32
    %dma_start3A_166 = arith.constant 0 : i32
    %dma_start3A_167 = tpu.memref_slice %arg6[%dma_start3A_164, %dma_start3A_165, %dma_start3A_166] : memref<80x2x128xi32, #tpu.memory_space<vmem>> -> memref<1x1x128xi32, #tpu.memory_space<vmem>>
    %dma_start3A_168 = tpu.memref_squeeze %dma_start3A_167 : memref<1x1x128xi32, #tpu.memory_space<vmem>> -> memref<128xi32, #tpu.memory_space<vmem>>
    %dma_start3A_169 = arith.constant 0 : i32
    %dma_start3A_170 = arith.constant 0 : i32
    %dma_start3A_171 = tpu.memref_slice %arg2[%dma_start3A_169, %dma_start3A_170] : memref<10000x16xf32, #tpu.memory_space<hbm>> -> memref<10000x16xf32, #tpu.memory_space<hbm>>
    tpu.enqueue_indirect_dma source(%dma_start3A_171 : memref<10000x16xf32, #tpu.memory_space<hbm>>) target(%arg25 : memref<128x16xf32, #tpu.memory_space<vmem>>) offsets(%dma_start3A_168 : memref<128xi32, #tpu.memory_space<vmem>>) semaphore(%arg49 : memref<!tpu.dma_semaphore, #tpu.memory_space<semaphore_mem>>)
    %dma_start3A_172 = arith.constant 19 : i32
    %dma_start3A_173 = arith.constant 0 : i32
    %dma_start3A_174 = arith.constant 0 : i32
    %dma_start3A_175 = tpu.memref_slice %arg6[%dma_start3A_172, %dma_start3A_173, %dma_start3A_174] : memref<80x2x128xi32, #tpu.memory_space<vmem>> -> memref<1x1x128xi32, #tpu.memory_space<vmem>>
    %dma_start3A_176 = tpu.memref_squeeze %dma_start3A_175 : memref<1x1x128xi32, #tpu.memory_space<vmem>> -> memref<128xi32, #tpu.memory_space<vmem>>
    %dma_start3A_177 = arith.constant 0 : i32
    %dma_start3A_178 = arith.constant 0 : i32
    %dma_start3A_179 = tpu.memref_slice %arg2[%dma_start3A_177, %dma_start3A_178] : memref<10000x16xf32, #tpu.memory_space<hbm>> -> memref<10000x16xf32, #tpu.memory_space<hbm>>
    tpu.enqueue_indirect_dma source(%dma_start3A_179 : memref<10000x16xf32, #tpu.memory_space<hbm>>) target(%arg26 : memref<128x16xf32, #tpu.memory_space<vmem>>) offsets(%dma_start3A_176 : memref<128xi32, #tpu.memory_space<vmem>>) semaphore(%arg49 : memref<!tpu.dma_semaphore, #tpu.memory_space<semaphore_mem>>)
    %mul3A_180 = arith.constant 625 : i32
    %mul3A_181 = arith.muli %arg1, %mul3A_180 : i32
    "tpu.region"() ({
      %run_scoped3A = tpu.sem_alloc : memref<!tpu.dma_semaphore, #tpu.memory_space<semaphore_mem>>
      %dma_start3A_350 = arith.constant 0 : i32
      %dma_start3A_351 = tpu.memref_slice %arg48[%mul3A_181, %dma_start3A_350] : memref<12048x16xf32, #tpu.memory_space<vmem_shared>> -> memref<625x16xf32, #tpu.memory_space<vmem_shared>>
      %dma_start3A_352 = arith.constant 0 : i32
      %dma_start3A_353 = tpu.memref_slice %arg48[%mul3A_181, %dma_start3A_352] : memref<12048x16xf32, #tpu.memory_space<vmem_shared>> -> memref<625x16xf32, #tpu.memory_space<vmem_shared>>
      tpu.enqueue_dma source(%arg47 : memref<625x16xf32, #tpu.memory_space<vmem>>) target(%dma_start3A_353 : memref<625x16xf32, #tpu.memory_space<vmem_shared>>) target_semaphore(%run_scoped3A : memref<!tpu.dma_semaphore, #tpu.memory_space<semaphore_mem>>)
      %dma_wait3A_354 = arith.constant 0 : i32
      %dma_wait3A_355 = tpu.memref_slice %arg48[%mul3A_181, %dma_wait3A_354] : memref<12048x16xf32, #tpu.memory_space<vmem_shared>> -> memref<625x16xf32, #tpu.memory_space<vmem_shared>>
      %dma_wait3A_356 = arith.constant 0 : i32
      %dma_wait3A_357 = tpu.memref_slice %arg48[%mul3A_181, %dma_wait3A_356] : memref<12048x16xf32, #tpu.memory_space<vmem_shared>> -> memref<625x16xf32, #tpu.memory_space<vmem_shared>>
      tpu.wait_dma2 semaphore(%run_scoped3A : memref<!tpu.dma_semaphore, #tpu.memory_space<semaphore_mem>>) src(%arg47 : memref<625x16xf32, #tpu.memory_space<vmem>>) dst(%dma_wait3A_357 : memref<625x16xf32, #tpu.memory_space<vmem_shared>>)
      tpu.yield
    }) : () -> ()
    %barrier3A = arith.constant 0 : index
    tpu.barrier barrier_id(%barrier3A)
    %scan3A_182 = arith.constant 0 : i32
    %scan3A_183 = arith.constant 0 : i32
    %scan3A_184 = arith.constant 2 : i32
    %scan3A_185 = arith.addi %scan3A_183, %scan3A_184 : i32
    %scan3A_186 = arith.constant 1 : i32
    scf.for %scan3A_350 = %scan3A_183 to %scan3A_185 step %scan3A_186  : i32 {
      %mul3A_351 = arith.constant 2 : i32
      %mul3A_352 = arith.muli %mul3A_351, %scan3A_350 : i32
      %add3A_353 = arith.constant 1 : i32
      %add3A_354 = arith.addi %mul3A_352, %add3A_353 : i32
      %mul3A_355 = arith.constant 20 : i32
      %mul3A_356 = arith.muli %mul3A_352, %mul3A_355 : i32
      %add3A_357 = arith.constant 0 : i32
      %add3A_358 = arith.addi %mul3A_356, %add3A_357 : i32
      %dma_wait3A_359 = arith.constant 0 : i32
      %dma_wait3A_360 = arith.constant 0 : i32
      %dma_wait3A_361 = tpu.memref_slice %arg6[%add3A_358, %dma_wait3A_359, %dma_wait3A_360] : memref<80x2x128xi32, #tpu.memory_space<vmem>> -> memref<1x1x128xi32, #tpu.memory_space<vmem>>
      %dma_wait3A_362 = tpu.memref_squeeze %dma_wait3A_361 : memref<1x1x128xi32, #tpu.memory_space<vmem>> -> memref<128xi32, #tpu.memory_space<vmem>>
      %dma_wait3A_363 = arith.constant 0 : i32
      %dma_wait3A_364 = arith.constant 0 : i32
      %dma_wait3A_365 = tpu.memref_slice %arg2[%dma_wait3A_363, %dma_wait3A_364] : memref<10000x16xf32, #tpu.memory_space<hbm>> -> memref<10000x16xf32, #tpu.memory_space<hbm>>
      tpu.wait_indirect_dma semaphore(%arg49 : memref<!tpu.dma_semaphore, #tpu.memory_space<semaphore_mem>>) src(%dma_wait3A_365 : memref<10000x16xf32, #tpu.memory_space<hbm>>) dst(%arg7 : memref<128x16xf32, #tpu.memory_space<vmem>>)
      %mul3A_366 = arith.constant 20 : i32
      %mul3A_367 = arith.muli %mul3A_352, %mul3A_366 : i32
      %add3A_368 = arith.constant 1 : i32
      %add3A_369 = arith.addi %mul3A_367, %add3A_368 : i32
      %dma_wait3A_370 = arith.constant 0 : i32
      %dma_wait3A_371 = arith.constant 0 : i32
      %dma_wait3A_372 = tpu.memref_slice %arg6[%add3A_369, %dma_wait3A_370, %dma_wait3A_371] : memref<80x2x128xi32, #tpu.memory_space<vmem>> -> memref<1x1x128xi32, #tpu.memory_space<vmem>>
      %dma_wait3A_373 = tpu.memref_squeeze %dma_wait3A_372 : memref<1x1x128xi32, #tpu.memory_space<vmem>> -> memref<128xi32, #tpu.memory_space<vmem>>
      %dma_wait3A_374 = arith.constant 0 : i32
      %dma_wait3A_375 = arith.constant 0 : i32
      %dma_wait3A_376 = tpu.memref_slice %arg2[%dma_wait3A_374, %dma_wait3A_375] : memref<10000x16xf32, #tpu.memory_space<hbm>> -> memref<10000x16xf32, #tpu.memory_space<hbm>>
      tpu.wait_indirect_dma semaphore(%arg49 : memref<!tpu.dma_semaphore, #tpu.memory_space<semaphore_mem>>) src(%dma_wait3A_376 : memref<10000x16xf32, #tpu.memory_space<hbm>>) dst(%arg8 : memref<128x16xf32, #tpu.memory_space<vmem>>)
      %mul3A_377 = arith.constant 20 : i32
      %mul3A_378 = arith.muli %mul3A_352, %mul3A_377 : i32
      %add3A_379 = arith.constant 2 : i32
      %add3A_380 = arith.addi %mul3A_378, %add3A_379 : i32
      %dma_wait3A_381 = arith.constant 0 : i32
      %dma_wait3A_382 = arith.constant 0 : i32
      %dma_wait3A_383 = tpu.memref_slice %arg6[%add3A_380, %dma_wait3A_381, %dma_wait3A_382] : memref<80x2x128xi32, #tpu.memory_space<vmem>> -> memref<1x1x128xi32, #tpu.memory_space<vmem>>
      %dma_wait3A_384 = tpu.memref_squeeze %dma_wait3A_383 : memref<1x1x128xi32, #tpu.memory_space<vmem>> -> memref<128xi32, #tpu.memory_space<vmem>>
      %dma_wait3A_385 = arith.constant 0 : i32
      %dma_wait3A_386 = arith.constant 0 : i32
      %dma_wait3A_387 = tpu.memref_slice %arg2[%dma_wait3A_385, %dma_wait3A_386] : memref<10000x16xf32, #tpu.memory_space<hbm>> -> memref<10000x16xf32, #tpu.memory_space<hbm>>
      tpu.wait_indirect_dma semaphore(%arg49 : memref<!tpu.dma_semaphore, #tpu.memory_space<semaphore_mem>>) src(%dma_wait3A_387 : memref<10000x16xf32, #tpu.memory_space<hbm>>) dst(%arg9 : memref<128x16xf32, #tpu.memory_space<vmem>>)
      %mul3A_388 = arith.constant 20 : i32
      %mul3A_389 = arith.muli %mul3A_352, %mul3A_388 : i32
      %add3A_390 = arith.constant 3 : i32
      %add3A_391 = arith.addi %mul3A_389, %add3A_390 : i32
      %dma_wait3A_392 = arith.constant 0 : i32
      %dma_wait3A_393 = arith.constant 0 : i32
      %dma_wait3A_394 = tpu.memref_slice %arg6[%add3A_391, %dma_wait3A_392, %dma_wait3A_393] : memref<80x2x128xi32, #tpu.memory_space<vmem>> -> memref<1x1x128xi32, #tpu.memory_space<vmem>>
      %dma_wait3A_395 = tpu.memref_squeeze %dma_wait3A_394 : memref<1x1x128xi32, #tpu.memory_space<vmem>> -> memref<128xi32, #tpu.memory_space<vmem>>
      %dma_wait3A_396 = arith.constant 0 : i32
      %dma_wait3A_397 = arith.constant 0 : i32
      %dma_wait3A_398 = tpu.memref_slice %arg2[%dma_wait3A_396, %dma_wait3A_397] : memref<10000x16xf32, #tpu.memory_space<hbm>> -> memref<10000x16xf32, #tpu.memory_space<hbm>>
      tpu.wait_indirect_dma semaphore(%arg49 : memref<!tpu.dma_semaphore, #tpu.memory_space<semaphore_mem>>) src(%dma_wait3A_398 : memref<10000x16xf32, #tpu.memory_space<hbm>>) dst(%arg10 : memref<128x16xf32, #tpu.memory_space<vmem>>)
      %mul3A_399 = arith.constant 20 : i32
      %mul3A_400 = arith.muli %mul3A_352, %mul3A_399 : i32
      %add3A_401 = arith.constant 4 : i32
      %add3A_402 = arith.addi %mul3A_400, %add3A_401 : i32
      %dma_wait3A_403 = arith.constant 0 : i32
      %dma_wait3A_404 = arith.constant 0 : i32
      %dma_wait3A_405 = tpu.memref_slice %arg6[%add3A_402, %dma_wait3A_403, %dma_wait3A_404] : memref<80x2x128xi32, #tpu.memory_space<vmem>> -> memref<1x1x128xi32, #tpu.memory_space<vmem>>
      %dma_wait3A_406 = tpu.memref_squeeze %dma_wait3A_405 : memref<1x1x128xi32, #tpu.memory_space<vmem>> -> memref<128xi32, #tpu.memory_space<vmem>>
      %dma_wait3A_407 = arith.constant 0 : i32
      %dma_wait3A_408 = arith.constant 0 : i32
      %dma_wait3A_409 = tpu.memref_slice %arg2[%dma_wait3A_407, %dma_wait3A_408] : memref<10000x16xf32, #tpu.memory_space<hbm>> -> memref<10000x16xf32, #tpu.memory_space<hbm>>
      tpu.wait_indirect_dma semaphore(%arg49 : memref<!tpu.dma_semaphore, #tpu.memory_space<semaphore_mem>>) src(%dma_wait3A_409 : memref<10000x16xf32, #tpu.memory_space<hbm>>) dst(%arg11 : memref<128x16xf32, #tpu.memory_space<vmem>>)
      %mul3A_410 = arith.constant 20 : i32
      %mul3A_411 = arith.muli %mul3A_352, %mul3A_410 : i32
      %add3A_412 = arith.constant 5 : i32
      %add3A_413 = arith.addi %mul3A_411, %add3A_412 : i32
      %dma_wait3A_414 = arith.constant 0 : i32
      %dma_wait3A_415 = arith.constant 0 : i32
      %dma_wait3A_416 = tpu.memref_slice %arg6[%add3A_413, %dma_wait3A_414, %dma_wait3A_415] : memref<80x2x128xi32, #tpu.memory_space<vmem>> -> memref<1x1x128xi32, #tpu.memory_space<vmem>>
      %dma_wait3A_417 = tpu.memref_squeeze %dma_wait3A_416 : memref<1x1x128xi32, #tpu.memory_space<vmem>> -> memref<128xi32, #tpu.memory_space<vmem>>
      %dma_wait3A_418 = arith.constant 0 : i32
      %dma_wait3A_419 = arith.constant 0 : i32
      %dma_wait3A_420 = tpu.memref_slice %arg2[%dma_wait3A_418, %dma_wait3A_419] : memref<10000x16xf32, #tpu.memory_space<hbm>> -> memref<10000x16xf32, #tpu.memory_space<hbm>>
      tpu.wait_indirect_dma semaphore(%arg49 : memref<!tpu.dma_semaphore, #tpu.memory_space<semaphore_mem>>) src(%dma_wait3A_420 : memref<10000x16xf32, #tpu.memory_space<hbm>>) dst(%arg12 : memref<128x16xf32, #tpu.memory_space<vmem>>)
      %mul3A_421 = arith.constant 20 : i32
      %mul3A_422 = arith.muli %mul3A_352, %mul3A_421 : i32
      %add3A_423 = arith.constant 6 : i32
      %add3A_424 = arith.addi %mul3A_422, %add3A_423 : i32
      %dma_wait3A_425 = arith.constant 0 : i32
      %dma_wait3A_426 = arith.constant 0 : i32
      %dma_wait3A_427 = tpu.memref_slice %arg6[%add3A_424, %dma_wait3A_425, %dma_wait3A_426] : memref<80x2x128xi32, #tpu.memory_space<vmem>> -> memref<1x1x128xi32, #tpu.memory_space<vmem>>
      %dma_wait3A_428 = tpu.memref_squeeze %dma_wait3A_427 : memref<1x1x128xi32, #tpu.memory_space<vmem>> -> memref<128xi32, #tpu.memory_space<vmem>>
      %dma_wait3A_429 = arith.constant 0 : i32
      %dma_wait3A_430 = arith.constant 0 : i32
      %dma_wait3A_431 = tpu.memref_slice %arg2[%dma_wait3A_429, %dma_wait3A_430] : memref<10000x16xf32, #tpu.memory_space<hbm>> -> memref<10000x16xf32, #tpu.memory_space<hbm>>
      tpu.wait_indirect_dma semaphore(%arg49 : memref<!tpu.dma_semaphore, #tpu.memory_space<semaphore_mem>>) src(%dma_wait3A_431 : memref<10000x16xf32, #tpu.memory_space<hbm>>) dst(%arg13 : memref<128x16xf32, #tpu.memory_space<vmem>>)
      %mul3A_432 = arith.constant 20 : i32
      %mul3A_433 = arith.muli %mul3A_352, %mul3A_432 : i32
      %add3A_434 = arith.constant 7 : i32
      %add3A_435 = arith.addi %mul3A_433, %add3A_434 : i32
      %dma_wait3A_436 = arith.constant 0 : i32
      %dma_wait3A_437 = arith.constant 0 : i32
      %dma_wait3A_438 = tpu.memref_slice %arg6[%add3A_435, %dma_wait3A_436, %dma_wait3A_437] : memref<80x2x128xi32, #tpu.memory_space<vmem>> -> memref<1x1x128xi32, #tpu.memory_space<vmem>>
      %dma_wait3A_439 = tpu.memref_squeeze %dma_wait3A_438 : memref<1x1x128xi32, #tpu.memory_space<vmem>> -> memref<128xi32, #tpu.memory_space<vmem>>
      %dma_wait3A_440 = arith.constant 0 : i32
      %dma_wait3A_441 = arith.constant 0 : i32
      %dma_wait3A_442 = tpu.memref_slice %arg2[%dma_wait3A_440, %dma_wait3A_441] : memref<10000x16xf32, #tpu.memory_space<hbm>> -> memref<10000x16xf32, #tpu.memory_space<hbm>>
      tpu.wait_indirect_dma semaphore(%arg49 : memref<!tpu.dma_semaphore, #tpu.memory_space<semaphore_mem>>) src(%dma_wait3A_442 : memref<10000x16xf32, #tpu.memory_space<hbm>>) dst(%arg14 : memref<128x16xf32, #tpu.memory_space<vmem>>)
      %mul3A_443 = arith.constant 20 : i32
      %mul3A_444 = arith.muli %mul3A_352, %mul3A_443 : i32
      %add3A_445 = arith.constant 8 : i32
      %add3A_446 = arith.addi %mul3A_444, %add3A_445 : i32
      %dma_wait3A_447 = arith.constant 0 : i32
      %dma_wait3A_448 = arith.constant 0 : i32
      %dma_wait3A_449 = tpu.memref_slice %arg6[%add3A_446, %dma_wait3A_447, %dma_wait3A_448] : memref<80x2x128xi32, #tpu.memory_space<vmem>> -> memref<1x1x128xi32, #tpu.memory_space<vmem>>
      %dma_wait3A_450 = tpu.memref_squeeze %dma_wait3A_449 : memref<1x1x128xi32, #tpu.memory_space<vmem>> -> memref<128xi32, #tpu.memory_space<vmem>>
      %dma_wait3A_451 = arith.constant 0 : i32
      %dma_wait3A_452 = arith.constant 0 : i32
      %dma_wait3A_453 = tpu.memref_slice %arg2[%dma_wait3A_451, %dma_wait3A_452] : memref<10000x16xf32, #tpu.memory_space<hbm>> -> memref<10000x16xf32, #tpu.memory_space<hbm>>
      tpu.wait_indirect_dma semaphore(%arg49 : memref<!tpu.dma_semaphore, #tpu.memory_space<semaphore_mem>>) src(%dma_wait3A_453 : memref<10000x16xf32, #tpu.memory_space<hbm>>) dst(%arg15 : memref<128x16xf32, #tpu.memory_space<vmem>>)
      %mul3A_454 = arith.constant 20 : i32
      %mul3A_455 = arith.muli %mul3A_352, %mul3A_454 : i32
      %add3A_456 = arith.constant 9 : i32
      %add3A_457 = arith.addi %mul3A_455, %add3A_456 : i32
      %dma_wait3A_458 = arith.constant 0 : i32
      %dma_wait3A_459 = arith.constant 0 : i32
      %dma_wait3A_460 = tpu.memref_slice %arg6[%add3A_457, %dma_wait3A_458, %dma_wait3A_459] : memref<80x2x128xi32, #tpu.memory_space<vmem>> -> memref<1x1x128xi32, #tpu.memory_space<vmem>>
      %dma_wait3A_461 = tpu.memref_squeeze %dma_wait3A_460 : memref<1x1x128xi32, #tpu.memory_space<vmem>> -> memref<128xi32, #tpu.memory_space<vmem>>
      %dma_wait3A_462 = arith.constant 0 : i32
      %dma_wait3A_463 = arith.constant 0 : i32
      %dma_wait3A_464 = tpu.memref_slice %arg2[%dma_wait3A_462, %dma_wait3A_463] : memref<10000x16xf32, #tpu.memory_space<hbm>> -> memref<10000x16xf32, #tpu.memory_space<hbm>>
      tpu.wait_indirect_dma semaphore(%arg49 : memref<!tpu.dma_semaphore, #tpu.memory_space<semaphore_mem>>) src(%dma_wait3A_464 : memref<10000x16xf32, #tpu.memory_space<hbm>>) dst(%arg16 : memref<128x16xf32, #tpu.memory_space<vmem>>)
      %mul3A_465 = arith.constant 20 : i32
      %mul3A_466 = arith.muli %mul3A_352, %mul3A_465 : i32
      %add3A_467 = arith.constant 10 : i32
      %add3A_468 = arith.addi %mul3A_466, %add3A_467 : i32
      %dma_wait3A_469 = arith.constant 0 : i32
      %dma_wait3A_470 = arith.constant 0 : i32
      %dma_wait3A_471 = tpu.memref_slice %arg6[%add3A_468, %dma_wait3A_469, %dma_wait3A_470] : memref<80x2x128xi32, #tpu.memory_space<vmem>> -> memref<1x1x128xi32, #tpu.memory_space<vmem>>
      %dma_wait3A_472 = tpu.memref_squeeze %dma_wait3A_471 : memref<1x1x128xi32, #tpu.memory_space<vmem>> -> memref<128xi32, #tpu.memory_space<vmem>>
      %dma_wait3A_473 = arith.constant 0 : i32
      %dma_wait3A_474 = arith.constant 0 : i32
      %dma_wait3A_475 = tpu.memref_slice %arg2[%dma_wait3A_473, %dma_wait3A_474] : memref<10000x16xf32, #tpu.memory_space<hbm>> -> memref<10000x16xf32, #tpu.memory_space<hbm>>
      tpu.wait_indirect_dma semaphore(%arg49 : memref<!tpu.dma_semaphore, #tpu.memory_space<semaphore_mem>>) src(%dma_wait3A_475 : memref<10000x16xf32, #tpu.memory_space<hbm>>) dst(%arg17 : memref<128x16xf32, #tpu.memory_space<vmem>>)
      %mul3A_476 = arith.constant 20 : i32
      %mul3A_477 = arith.muli %mul3A_352, %mul3A_476 : i32
      %add3A_478 = arith.constant 11 : i32
      %add3A_479 = arith.addi %mul3A_477, %add3A_478 : i32
      %dma_wait3A_480 = arith.constant 0 : i32
      %dma_wait3A_481 = arith.constant 0 : i32
      %dma_wait3A_482 = tpu.memref_slice %arg6[%add3A_479, %dma_wait3A_480, %dma_wait3A_481] : memref<80x2x128xi32, #tpu.memory_space<vmem>> -> memref<1x1x128xi32, #tpu.memory_space<vmem>>
      %dma_wait3A_483 = tpu.memref_squeeze %dma_wait3A_482 : memref<1x1x128xi32, #tpu.memory_space<vmem>> -> memref<128xi32, #tpu.memory_space<vmem>>
      %dma_wait3A_484 = arith.constant 0 : i32
      %dma_wait3A_485 = arith.constant 0 : i32
      %dma_wait3A_486 = tpu.memref_slice %arg2[%dma_wait3A_484, %dma_wait3A_485] : memref<10000x16xf32, #tpu.memory_space<hbm>> -> memref<10000x16xf32, #tpu.memory_space<hbm>>
      tpu.wait_indirect_dma semaphore(%arg49 : memref<!tpu.dma_semaphore, #tpu.memory_space<semaphore_mem>>) src(%dma_wait3A_486 : memref<10000x16xf32, #tpu.memory_space<hbm>>) dst(%arg18 : memref<128x16xf32, #tpu.memory_space<vmem>>)
      %mul3A_487 = arith.constant 20 : i32
      %mul3A_488 = arith.muli %mul3A_352, %mul3A_487 : i32
      %add3A_489 = arith.constant 12 : i32
      %add3A_490 = arith.addi %mul3A_488, %add3A_489 : i32
      %dma_wait3A_491 = arith.constant 0 : i32
      %dma_wait3A_492 = arith.constant 0 : i32
      %dma_wait3A_493 = tpu.memref_slice %arg6[%add3A_490, %dma_wait3A_491, %dma_wait3A_492] : memref<80x2x128xi32, #tpu.memory_space<vmem>> -> memref<1x1x128xi32, #tpu.memory_space<vmem>>
      %dma_wait3A_494 = tpu.memref_squeeze %dma_wait3A_493 : memref<1x1x128xi32, #tpu.memory_space<vmem>> -> memref<128xi32, #tpu.memory_space<vmem>>
      %dma_wait3A_495 = arith.constant 0 : i32
      %dma_wait3A_496 = arith.constant 0 : i32
      %dma_wait3A_497 = tpu.memref_slice %arg2[%dma_wait3A_495, %dma_wait3A_496] : memref<10000x16xf32, #tpu.memory_space<hbm>> -> memref<10000x16xf32, #tpu.memory_space<hbm>>
      tpu.wait_indirect_dma semaphore(%arg49 : memref<!tpu.dma_semaphore, #tpu.memory_space<semaphore_mem>>) src(%dma_wait3A_497 : memref<10000x16xf32, #tpu.memory_space<hbm>>) dst(%arg19 : memref<128x16xf32, #tpu.memory_space<vmem>>)
      %mul3A_498 = arith.constant 20 : i32
      %mul3A_499 = arith.muli %mul3A_352, %mul3A_498 : i32
      %add3A_500 = arith.constant 13 : i32
      %add3A_501 = arith.addi %mul3A_499, %add3A_500 : i32
      %dma_wait3A_502 = arith.constant 0 : i32
      %dma_wait3A_503 = arith.constant 0 : i32
      %dma_wait3A_504 = tpu.memref_slice %arg6[%add3A_501, %dma_wait3A_502, %dma_wait3A_503] : memref<80x2x128xi32, #tpu.memory_space<vmem>> -> memref<1x1x128xi32, #tpu.memory_space<vmem>>
      %dma_wait3A_505 = tpu.memref_squeeze %dma_wait3A_504 : memref<1x1x128xi32, #tpu.memory_space<vmem>> -> memref<128xi32, #tpu.memory_space<vmem>>
      %dma_wait3A_506 = arith.constant 0 : i32
      %dma_wait3A_507 = arith.constant 0 : i32
      %dma_wait3A_508 = tpu.memref_slice %arg2[%dma_wait3A_506, %dma_wait3A_507] : memref<10000x16xf32, #tpu.memory_space<hbm>> -> memref<10000x16xf32, #tpu.memory_space<hbm>>
      tpu.wait_indirect_dma semaphore(%arg49 : memref<!tpu.dma_semaphore, #tpu.memory_space<semaphore_mem>>) src(%dma_wait3A_508 : memref<10000x16xf32, #tpu.memory_space<hbm>>) dst(%arg20 : memref<128x16xf32, #tpu.memory_space<vmem>>)
      %mul3A_509 = arith.constant 20 : i32
      %mul3A_510 = arith.muli %mul3A_352, %mul3A_509 : i32
      %add3A_511 = arith.constant 14 : i32
      %add3A_512 = arith.addi %mul3A_510, %add3A_511 : i32
      %dma_wait3A_513 = arith.constant 0 : i32
      %dma_wait3A_514 = arith.constant 0 : i32
      %dma_wait3A_515 = tpu.memref_slice %arg6[%add3A_512, %dma_wait3A_513, %dma_wait3A_514] : memref<80x2x128xi32, #tpu.memory_space<vmem>> -> memref<1x1x128xi32, #tpu.memory_space<vmem>>
      %dma_wait3A_516 = tpu.memref_squeeze %dma_wait3A_515 : memref<1x1x128xi32, #tpu.memory_space<vmem>> -> memref<128xi32, #tpu.memory_space<vmem>>
      %dma_wait3A_517 = arith.constant 0 : i32
      %dma_wait3A_518 = arith.constant 0 : i32
      %dma_wait3A_519 = tpu.memref_slice %arg2[%dma_wait3A_517, %dma_wait3A_518] : memref<10000x16xf32, #tpu.memory_space<hbm>> -> memref<10000x16xf32, #tpu.memory_space<hbm>>
      tpu.wait_indirect_dma semaphore(%arg49 : memref<!tpu.dma_semaphore, #tpu.memory_space<semaphore_mem>>) src(%dma_wait3A_519 : memref<10000x16xf32, #tpu.memory_space<hbm>>) dst(%arg21 : memref<128x16xf32, #tpu.memory_space<vmem>>)
      %mul3A_520 = arith.constant 20 : i32
      %mul3A_521 = arith.muli %mul3A_352, %mul3A_520 : i32
      %add3A_522 = arith.constant 15 : i32
      %add3A_523 = arith.addi %mul3A_521, %add3A_522 : i32
      %dma_wait3A_524 = arith.constant 0 : i32
      %dma_wait3A_525 = arith.constant 0 : i32
      %dma_wait3A_526 = tpu.memref_slice %arg6[%add3A_523, %dma_wait3A_524, %dma_wait3A_525] : memref<80x2x128xi32, #tpu.memory_space<vmem>> -> memref<1x1x128xi32, #tpu.memory_space<vmem>>
      %dma_wait3A_527 = tpu.memref_squeeze %dma_wait3A_526 : memref<1x1x128xi32, #tpu.memory_space<vmem>> -> memref<128xi32, #tpu.memory_space<vmem>>
      %dma_wait3A_528 = arith.constant 0 : i32
      %dma_wait3A_529 = arith.constant 0 : i32
      %dma_wait3A_530 = tpu.memref_slice %arg2[%dma_wait3A_528, %dma_wait3A_529] : memref<10000x16xf32, #tpu.memory_space<hbm>> -> memref<10000x16xf32, #tpu.memory_space<hbm>>
      tpu.wait_indirect_dma semaphore(%arg49 : memref<!tpu.dma_semaphore, #tpu.memory_space<semaphore_mem>>) src(%dma_wait3A_530 : memref<10000x16xf32, #tpu.memory_space<hbm>>) dst(%arg22 : memref<128x16xf32, #tpu.memory_space<vmem>>)
      %mul3A_531 = arith.constant 20 : i32
      %mul3A_532 = arith.muli %mul3A_352, %mul3A_531 : i32
      %add3A_533 = arith.constant 16 : i32
      %add3A_534 = arith.addi %mul3A_532, %add3A_533 : i32
      %dma_wait3A_535 = arith.constant 0 : i32
      %dma_wait3A_536 = arith.constant 0 : i32
      %dma_wait3A_537 = tpu.memref_slice %arg6[%add3A_534, %dma_wait3A_535, %dma_wait3A_536] : memref<80x2x128xi32, #tpu.memory_space<vmem>> -> memref<1x1x128xi32, #tpu.memory_space<vmem>>
      %dma_wait3A_538 = tpu.memref_squeeze %dma_wait3A_537 : memref<1x1x128xi32, #tpu.memory_space<vmem>> -> memref<128xi32, #tpu.memory_space<vmem>>
      %dma_wait3A_539 = arith.constant 0 : i32
      %dma_wait3A_540 = arith.constant 0 : i32
      %dma_wait3A_541 = tpu.memref_slice %arg2[%dma_wait3A_539, %dma_wait3A_540] : memref<10000x16xf32, #tpu.memory_space<hbm>> -> memref<10000x16xf32, #tpu.memory_space<hbm>>
      tpu.wait_indirect_dma semaphore(%arg49 : memref<!tpu.dma_semaphore, #tpu.memory_space<semaphore_mem>>) src(%dma_wait3A_541 : memref<10000x16xf32, #tpu.memory_space<hbm>>) dst(%arg23 : memref<128x16xf32, #tpu.memory_space<vmem>>)
      %mul3A_542 = arith.constant 20 : i32
      %mul3A_543 = arith.muli %mul3A_352, %mul3A_542 : i32
      %add3A_544 = arith.constant 17 : i32
      %add3A_545 = arith.addi %mul3A_543, %add3A_544 : i32
      %dma_wait3A_546 = arith.constant 0 : i32
      %dma_wait3A_547 = arith.constant 0 : i32
      %dma_wait3A_548 = tpu.memref_slice %arg6[%add3A_545, %dma_wait3A_546, %dma_wait3A_547] : memref<80x2x128xi32, #tpu.memory_space<vmem>> -> memref<1x1x128xi32, #tpu.memory_space<vmem>>
      %dma_wait3A_549 = tpu.memref_squeeze %dma_wait3A_548 : memref<1x1x128xi32, #tpu.memory_space<vmem>> -> memref<128xi32, #tpu.memory_space<vmem>>
      %dma_wait3A_550 = arith.constant 0 : i32
      %dma_wait3A_551 = arith.constant 0 : i32
      %dma_wait3A_552 = tpu.memref_slice %arg2[%dma_wait3A_550, %dma_wait3A_551] : memref<10000x16xf32, #tpu.memory_space<hbm>> -> memref<10000x16xf32, #tpu.memory_space<hbm>>
      tpu.wait_indirect_dma semaphore(%arg49 : memref<!tpu.dma_semaphore, #tpu.memory_space<semaphore_mem>>) src(%dma_wait3A_552 : memref<10000x16xf32, #tpu.memory_space<hbm>>) dst(%arg24 : memref<128x16xf32, #tpu.memory_space<vmem>>)
      %mul3A_553 = arith.constant 20 : i32
      %mul3A_554 = arith.muli %mul3A_352, %mul3A_553 : i32
      %add3A_555 = arith.constant 18 : i32
      %add3A_556 = arith.addi %mul3A_554, %add3A_555 : i32
      %dma_wait3A_557 = arith.constant 0 : i32
      %dma_wait3A_558 = arith.constant 0 : i32
      %dma_wait3A_559 = tpu.memref_slice %arg6[%add3A_556, %dma_wait3A_557, %dma_wait3A_558] : memref<80x2x128xi32, #tpu.memory_space<vmem>> -> memref<1x1x128xi32, #tpu.memory_space<vmem>>
      %dma_wait3A_560 = tpu.memref_squeeze %dma_wait3A_559 : memref<1x1x128xi32, #tpu.memory_space<vmem>> -> memref<128xi32, #tpu.memory_space<vmem>>
      %dma_wait3A_561 = arith.constant 0 : i32
      %dma_wait3A_562 = arith.constant 0 : i32
      %dma_wait3A_563 = tpu.memref_slice %arg2[%dma_wait3A_561, %dma_wait3A_562] : memref<10000x16xf32, #tpu.memory_space<hbm>> -> memref<10000x16xf32, #tpu.memory_space<hbm>>
      tpu.wait_indirect_dma semaphore(%arg49 : memref<!tpu.dma_semaphore, #tpu.memory_space<semaphore_mem>>) src(%dma_wait3A_563 : memref<10000x16xf32, #tpu.memory_space<hbm>>) dst(%arg25 : memref<128x16xf32, #tpu.memory_space<vmem>>)
      %mul3A_564 = arith.constant 20 : i32
      %mul3A_565 = arith.muli %mul3A_352, %mul3A_564 : i32
      %add3A_566 = arith.constant 19 : i32
      %add3A_567 = arith.addi %mul3A_565, %add3A_566 : i32
      %dma_wait3A_568 = arith.constant 0 : i32
      %dma_wait3A_569 = arith.constant 0 : i32
      %dma_wait3A_570 = tpu.memref_slice %arg6[%add3A_567, %dma_wait3A_568, %dma_wait3A_569] : memref<80x2x128xi32, #tpu.memory_space<vmem>> -> memref<1x1x128xi32, #tpu.memory_space<vmem>>
      %dma_wait3A_571 = tpu.memref_squeeze %dma_wait3A_570 : memref<1x1x128xi32, #tpu.memory_space<vmem>> -> memref<128xi32, #tpu.memory_space<vmem>>
      %dma_wait3A_572 = arith.constant 0 : i32
      %dma_wait3A_573 = arith.constant 0 : i32
      %dma_wait3A_574 = tpu.memref_slice %arg2[%dma_wait3A_572, %dma_wait3A_573] : memref<10000x16xf32, #tpu.memory_space<hbm>> -> memref<10000x16xf32, #tpu.memory_space<hbm>>
      tpu.wait_indirect_dma semaphore(%arg49 : memref<!tpu.dma_semaphore, #tpu.memory_space<semaphore_mem>>) src(%dma_wait3A_574 : memref<10000x16xf32, #tpu.memory_space<hbm>>) dst(%arg26 : memref<128x16xf32, #tpu.memory_space<vmem>>)
      %gt3A = arith.constant 0 : i32
      %gt3A_575 = arith.cmpi sgt, %scan3A_350, %gt3A : i32
      %convert_element_type3A_576 = arith.extui %gt3A_575 : i1 to i32
      %cond3A_577 = arith.constant 0 : i32
      %cond3A_578 = arith.cmpi ne, %convert_element_type3A_576, %cond3A_577 : i32
      scf.if %cond3A_578 {
        %sub3A = arith.constant 2 : i32
        %sub3A_1683 = arith.subi %add3A_354, %sub3A : i32
        %mul3A_1684 = arith.constant 20 : i32
        %mul3A_1685 = arith.muli %sub3A_1683, %mul3A_1684 : i32
        %add3A_1686 = arith.constant 0 : i32
        %add3A_1687 = arith.addi %mul3A_1685, %add3A_1686 : i32
        %dma_wait3A_1688 = arith.constant 1 : i32
        %dma_wait3A_1689 = arith.constant 0 : i32
        %dma_wait3A_1690 = tpu.memref_slice %arg6[%add3A_1687, %dma_wait3A_1688, %dma_wait3A_1689] : memref<80x2x128xi32, #tpu.memory_space<vmem>> -> memref<1x1x128xi32, #tpu.memory_space<vmem>>
        %dma_wait3A_1691 = tpu.memref_squeeze %dma_wait3A_1690 : memref<1x1x128xi32, #tpu.memory_space<vmem>> -> memref<128xi32, #tpu.memory_space<vmem>>
        %dma_wait3A_1692 = arith.constant 0 : i32
        %dma_wait3A_1693 = arith.constant 0 : i32
        %dma_wait3A_1694 = tpu.memref_slice %arg48[%dma_wait3A_1692, %dma_wait3A_1693] : memref<12048x16xf32, #tpu.memory_space<vmem_shared>> -> memref<12048x16xf32, #tpu.memory_space<vmem_shared>>
        tpu.wait_indirect_dma semaphore(%arg50 : memref<!tpu.dma_semaphore, #tpu.memory_space<semaphore_mem>>) src(%arg27 : memref<128x16xf32, #tpu.memory_space<vmem>>) dst(%dma_wait3A_1694 : memref<12048x16xf32, #tpu.memory_space<vmem_shared>>)
        %mul3A_1695 = arith.constant 20 : i32
        %mul3A_1696 = arith.muli %sub3A_1683, %mul3A_1695 : i32
        %add3A_1697 = arith.constant 1 : i32
        %add3A_1698 = arith.addi %mul3A_1696, %add3A_1697 : i32
        %dma_wait3A_1699 = arith.constant 1 : i32
        %dma_wait3A_1700 = arith.constant 0 : i32
        %dma_wait3A_1701 = tpu.memref_slice %arg6[%add3A_1698, %dma_wait3A_1699, %dma_wait3A_1700] : memref<80x2x128xi32, #tpu.memory_space<vmem>> -> memref<1x1x128xi32, #tpu.memory_space<vmem>>
        %dma_wait3A_1702 = tpu.memref_squeeze %dma_wait3A_1701 : memref<1x1x128xi32, #tpu.memory_space<vmem>> -> memref<128xi32, #tpu.memory_space<vmem>>
        %dma_wait3A_1703 = arith.constant 0 : i32
        %dma_wait3A_1704 = arith.constant 0 : i32
        %dma_wait3A_1705 = tpu.memref_slice %arg48[%dma_wait3A_1703, %dma_wait3A_1704] : memref<12048x16xf32, #tpu.memory_space<vmem_shared>> -> memref<12048x16xf32, #tpu.memory_space<vmem_shared>>
        tpu.wait_indirect_dma semaphore(%arg50 : memref<!tpu.dma_semaphore, #tpu.memory_space<semaphore_mem>>) src(%arg28 : memref<128x16xf32, #tpu.memory_space<vmem>>) dst(%dma_wait3A_1705 : memref<12048x16xf32, #tpu.memory_space<vmem_shared>>)
        %mul3A_1706 = arith.constant 20 : i32
        %mul3A_1707 = arith.muli %sub3A_1683, %mul3A_1706 : i32
        %add3A_1708 = arith.constant 2 : i32
        %add3A_1709 = arith.addi %mul3A_1707, %add3A_1708 : i32
        %dma_wait3A_1710 = arith.constant 1 : i32
        %dma_wait3A_1711 = arith.constant 0 : i32
        %dma_wait3A_1712 = tpu.memref_slice %arg6[%add3A_1709, %dma_wait3A_1710, %dma_wait3A_1711] : memref<80x2x128xi32, #tpu.memory_space<vmem>> -> memref<1x1x128xi32, #tpu.memory_space<vmem>>
        %dma_wait3A_1713 = tpu.memref_squeeze %dma_wait3A_1712 : memref<1x1x128xi32, #tpu.memory_space<vmem>> -> memref<128xi32, #tpu.memory_space<vmem>>
        %dma_wait3A_1714 = arith.constant 0 : i32
        %dma_wait3A_1715 = arith.constant 0 : i32
        %dma_wait3A_1716 = tpu.memref_slice %arg48[%dma_wait3A_1714, %dma_wait3A_1715] : memref<12048x16xf32, #tpu.memory_space<vmem_shared>> -> memref<12048x16xf32, #tpu.memory_space<vmem_shared>>
        tpu.wait_indirect_dma semaphore(%arg50 : memref<!tpu.dma_semaphore, #tpu.memory_space<semaphore_mem>>) src(%arg29 : memref<128x16xf32, #tpu.memory_space<vmem>>) dst(%dma_wait3A_1716 : memref<12048x16xf32, #tpu.memory_space<vmem_shared>>)
        %mul3A_1717 = arith.constant 20 : i32
        %mul3A_1718 = arith.muli %sub3A_1683, %mul3A_1717 : i32
        %add3A_1719 = arith.constant 3 : i32
        %add3A_1720 = arith.addi %mul3A_1718, %add3A_1719 : i32
        %dma_wait3A_1721 = arith.constant 1 : i32
        %dma_wait3A_1722 = arith.constant 0 : i32
        %dma_wait3A_1723 = tpu.memref_slice %arg6[%add3A_1720, %dma_wait3A_1721, %dma_wait3A_1722] : memref<80x2x128xi32, #tpu.memory_space<vmem>> -> memref<1x1x128xi32, #tpu.memory_space<vmem>>
        %dma_wait3A_1724 = tpu.memref_squeeze %dma_wait3A_1723 : memref<1x1x128xi32, #tpu.memory_space<vmem>> -> memref<128xi32, #tpu.memory_space<vmem>>
        %dma_wait3A_1725 = arith.constant 0 : i32
        %dma_wait3A_1726 = arith.constant 0 : i32
        %dma_wait3A_1727 = tpu.memref_slice %arg48[%dma_wait3A_1725, %dma_wait3A_1726] : memref<12048x16xf32, #tpu.memory_space<vmem_shared>> -> memref<12048x16xf32, #tpu.memory_space<vmem_shared>>
        tpu.wait_indirect_dma semaphore(%arg50 : memref<!tpu.dma_semaphore, #tpu.memory_space<semaphore_mem>>) src(%arg30 : memref<128x16xf32, #tpu.memory_space<vmem>>) dst(%dma_wait3A_1727 : memref<12048x16xf32, #tpu.memory_space<vmem_shared>>)
        %mul3A_1728 = arith.constant 20 : i32
        %mul3A_1729 = arith.muli %sub3A_1683, %mul3A_1728 : i32
        %add3A_1730 = arith.constant 4 : i32
        %add3A_1731 = arith.addi %mul3A_1729, %add3A_1730 : i32
        %dma_wait3A_1732 = arith.constant 1 : i32
        %dma_wait3A_1733 = arith.constant 0 : i32
        %dma_wait3A_1734 = tpu.memref_slice %arg6[%add3A_1731, %dma_wait3A_1732, %dma_wait3A_1733] : memref<80x2x128xi32, #tpu.memory_space<vmem>> -> memref<1x1x128xi32, #tpu.memory_space<vmem>>
        %dma_wait3A_1735 = tpu.memref_squeeze %dma_wait3A_1734 : memref<1x1x128xi32, #tpu.memory_space<vmem>> -> memref<128xi32, #tpu.memory_space<vmem>>
        %dma_wait3A_1736 = arith.constant 0 : i32
        %dma_wait3A_1737 = arith.constant 0 : i32
        %dma_wait3A_1738 = tpu.memref_slice %arg48[%dma_wait3A_1736, %dma_wait3A_1737] : memref<12048x16xf32, #tpu.memory_space<vmem_shared>> -> memref<12048x16xf32, #tpu.memory_space<vmem_shared>>
        tpu.wait_indirect_dma semaphore(%arg50 : memref<!tpu.dma_semaphore, #tpu.memory_space<semaphore_mem>>) src(%arg31 : memref<128x16xf32, #tpu.memory_space<vmem>>) dst(%dma_wait3A_1738 : memref<12048x16xf32, #tpu.memory_space<vmem_shared>>)
        %mul3A_1739 = arith.constant 20 : i32
        %mul3A_1740 = arith.muli %sub3A_1683, %mul3A_1739 : i32
        %add3A_1741 = arith.constant 5 : i32
        %add3A_1742 = arith.addi %mul3A_1740, %add3A_1741 : i32
        %dma_wait3A_1743 = arith.constant 1 : i32
        %dma_wait3A_1744 = arith.constant 0 : i32
        %dma_wait3A_1745 = tpu.memref_slice %arg6[%add3A_1742, %dma_wait3A_1743, %dma_wait3A_1744] : memref<80x2x128xi32, #tpu.memory_space<vmem>> -> memref<1x1x128xi32, #tpu.memory_space<vmem>>
        %dma_wait3A_1746 = tpu.memref_squeeze %dma_wait3A_1745 : memref<1x1x128xi32, #tpu.memory_space<vmem>> -> memref<128xi32, #tpu.memory_space<vmem>>
        %dma_wait3A_1747 = arith.constant 0 : i32
        %dma_wait3A_1748 = arith.constant 0 : i32
        %dma_wait3A_1749 = tpu.memref_slice %arg48[%dma_wait3A_1747, %dma_wait3A_1748] : memref<12048x16xf32, #tpu.memory_space<vmem_shared>> -> memref<12048x16xf32, #tpu.memory_space<vmem_shared>>
        tpu.wait_indirect_dma semaphore(%arg50 : memref<!tpu.dma_semaphore, #tpu.memory_space<semaphore_mem>>) src(%arg32 : memref<128x16xf32, #tpu.memory_space<vmem>>) dst(%dma_wait3A_1749 : memref<12048x16xf32, #tpu.memory_space<vmem_shared>>)
        %mul3A_1750 = arith.constant 20 : i32
        %mul3A_1751 = arith.muli %sub3A_1683, %mul3A_1750 : i32
        %add3A_1752 = arith.constant 6 : i32
        %add3A_1753 = arith.addi %mul3A_1751, %add3A_1752 : i32
        %dma_wait3A_1754 = arith.constant 1 : i32
        %dma_wait3A_1755 = arith.constant 0 : i32
        %dma_wait3A_1756 = tpu.memref_slice %arg6[%add3A_1753, %dma_wait3A_1754, %dma_wait3A_1755] : memref<80x2x128xi32, #tpu.memory_space<vmem>> -> memref<1x1x128xi32, #tpu.memory_space<vmem>>
        %dma_wait3A_1757 = tpu.memref_squeeze %dma_wait3A_1756 : memref<1x1x128xi32, #tpu.memory_space<vmem>> -> memref<128xi32, #tpu.memory_space<vmem>>
        %dma_wait3A_1758 = arith.constant 0 : i32
        %dma_wait3A_1759 = arith.constant 0 : i32
        %dma_wait3A_1760 = tpu.memref_slice %arg48[%dma_wait3A_1758, %dma_wait3A_1759] : memref<12048x16xf32, #tpu.memory_space<vmem_shared>> -> memref<12048x16xf32, #tpu.memory_space<vmem_shared>>
        tpu.wait_indirect_dma semaphore(%arg50 : memref<!tpu.dma_semaphore, #tpu.memory_space<semaphore_mem>>) src(%arg33 : memref<128x16xf32, #tpu.memory_space<vmem>>) dst(%dma_wait3A_1760 : memref<12048x16xf32, #tpu.memory_space<vmem_shared>>)
        %mul3A_1761 = arith.constant 20 : i32
        %mul3A_1762 = arith.muli %sub3A_1683, %mul3A_1761 : i32
        %add3A_1763 = arith.constant 7 : i32
        %add3A_1764 = arith.addi %mul3A_1762, %add3A_1763 : i32
        %dma_wait3A_1765 = arith.constant 1 : i32
        %dma_wait3A_1766 = arith.constant 0 : i32
        %dma_wait3A_1767 = tpu.memref_slice %arg6[%add3A_1764, %dma_wait3A_1765, %dma_wait3A_1766] : memref<80x2x128xi32, #tpu.memory_space<vmem>> -> memref<1x1x128xi32, #tpu.memory_space<vmem>>
        %dma_wait3A_1768 = tpu.memref_squeeze %dma_wait3A_1767 : memref<1x1x128xi32, #tpu.memory_space<vmem>> -> memref<128xi32, #tpu.memory_space<vmem>>
        %dma_wait3A_1769 = arith.constant 0 : i32
        %dma_wait3A_1770 = arith.constant 0 : i32
        %dma_wait3A_1771 = tpu.memref_slice %arg48[%dma_wait3A_1769, %dma_wait3A_1770] : memref<12048x16xf32, #tpu.memory_space<vmem_shared>> -> memref<12048x16xf32, #tpu.memory_space<vmem_shared>>
        tpu.wait_indirect_dma semaphore(%arg50 : memref<!tpu.dma_semaphore, #tpu.memory_space<semaphore_mem>>) src(%arg34 : memref<128x16xf32, #tpu.memory_space<vmem>>) dst(%dma_wait3A_1771 : memref<12048x16xf32, #tpu.memory_space<vmem_shared>>)
        %mul3A_1772 = arith.constant 20 : i32
        %mul3A_1773 = arith.muli %sub3A_1683, %mul3A_1772 : i32
        %add3A_1774 = arith.constant 8 : i32
        %add3A_1775 = arith.addi %mul3A_1773, %add3A_1774 : i32
        %dma_wait3A_1776 = arith.constant 1 : i32
        %dma_wait3A_1777 = arith.constant 0 : i32
        %dma_wait3A_1778 = tpu.memref_slice %arg6[%add3A_1775, %dma_wait3A_1776, %dma_wait3A_1777] : memref<80x2x128xi32, #tpu.memory_space<vmem>> -> memref<1x1x128xi32, #tpu.memory_space<vmem>>
        %dma_wait3A_1779 = tpu.memref_squeeze %dma_wait3A_1778 : memref<1x1x128xi32, #tpu.memory_space<vmem>> -> memref<128xi32, #tpu.memory_space<vmem>>
        %dma_wait3A_1780 = arith.constant 0 : i32
        %dma_wait3A_1781 = arith.constant 0 : i32
        %dma_wait3A_1782 = tpu.memref_slice %arg48[%dma_wait3A_1780, %dma_wait3A_1781] : memref<12048x16xf32, #tpu.memory_space<vmem_shared>> -> memref<12048x16xf32, #tpu.memory_space<vmem_shared>>
        tpu.wait_indirect_dma semaphore(%arg50 : memref<!tpu.dma_semaphore, #tpu.memory_space<semaphore_mem>>) src(%arg35 : memref<128x16xf32, #tpu.memory_space<vmem>>) dst(%dma_wait3A_1782 : memref<12048x16xf32, #tpu.memory_space<vmem_shared>>)
        %mul3A_1783 = arith.constant 20 : i32
        %mul3A_1784 = arith.muli %sub3A_1683, %mul3A_1783 : i32
        %add3A_1785 = arith.constant 9 : i32
        %add3A_1786 = arith.addi %mul3A_1784, %add3A_1785 : i32
        %dma_wait3A_1787 = arith.constant 1 : i32
        %dma_wait3A_1788 = arith.constant 0 : i32
        %dma_wait3A_1789 = tpu.memref_slice %arg6[%add3A_1786, %dma_wait3A_1787, %dma_wait3A_1788] : memref<80x2x128xi32, #tpu.memory_space<vmem>> -> memref<1x1x128xi32, #tpu.memory_space<vmem>>
        %dma_wait3A_1790 = tpu.memref_squeeze %dma_wait3A_1789 : memref<1x1x128xi32, #tpu.memory_space<vmem>> -> memref<128xi32, #tpu.memory_space<vmem>>
        %dma_wait3A_1791 = arith.constant 0 : i32
        %dma_wait3A_1792 = arith.constant 0 : i32
        %dma_wait3A_1793 = tpu.memref_slice %arg48[%dma_wait3A_1791, %dma_wait3A_1792] : memref<12048x16xf32, #tpu.memory_space<vmem_shared>> -> memref<12048x16xf32, #tpu.memory_space<vmem_shared>>
        tpu.wait_indirect_dma semaphore(%arg50 : memref<!tpu.dma_semaphore, #tpu.memory_space<semaphore_mem>>) src(%arg36 : memref<128x16xf32, #tpu.memory_space<vmem>>) dst(%dma_wait3A_1793 : memref<12048x16xf32, #tpu.memory_space<vmem_shared>>)
        %mul3A_1794 = arith.constant 20 : i32
        %mul3A_1795 = arith.muli %sub3A_1683, %mul3A_1794 : i32
        %add3A_1796 = arith.constant 10 : i32
        %add3A_1797 = arith.addi %mul3A_1795, %add3A_1796 : i32
        %dma_wait3A_1798 = arith.constant 1 : i32
        %dma_wait3A_1799 = arith.constant 0 : i32
        %dma_wait3A_1800 = tpu.memref_slice %arg6[%add3A_1797, %dma_wait3A_1798, %dma_wait3A_1799] : memref<80x2x128xi32, #tpu.memory_space<vmem>> -> memref<1x1x128xi32, #tpu.memory_space<vmem>>
        %dma_wait3A_1801 = tpu.memref_squeeze %dma_wait3A_1800 : memref<1x1x128xi32, #tpu.memory_space<vmem>> -> memref<128xi32, #tpu.memory_space<vmem>>
        %dma_wait3A_1802 = arith.constant 0 : i32
        %dma_wait3A_1803 = arith.constant 0 : i32
        %dma_wait3A_1804 = tpu.memref_slice %arg48[%dma_wait3A_1802, %dma_wait3A_1803] : memref<12048x16xf32, #tpu.memory_space<vmem_shared>> -> memref<12048x16xf32, #tpu.memory_space<vmem_shared>>
        tpu.wait_indirect_dma semaphore(%arg50 : memref<!tpu.dma_semaphore, #tpu.memory_space<semaphore_mem>>) src(%arg37 : memref<128x16xf32, #tpu.memory_space<vmem>>) dst(%dma_wait3A_1804 : memref<12048x16xf32, #tpu.memory_space<vmem_shared>>)
        %mul3A_1805 = arith.constant 20 : i32
        %mul3A_1806 = arith.muli %sub3A_1683, %mul3A_1805 : i32
        %add3A_1807 = arith.constant 11 : i32
        %add3A_1808 = arith.addi %mul3A_1806, %add3A_1807 : i32
        %dma_wait3A_1809 = arith.constant 1 : i32
        %dma_wait3A_1810 = arith.constant 0 : i32
        %dma_wait3A_1811 = tpu.memref_slice %arg6[%add3A_1808, %dma_wait3A_1809, %dma_wait3A_1810] : memref<80x2x128xi32, #tpu.memory_space<vmem>> -> memref<1x1x128xi32, #tpu.memory_space<vmem>>
        %dma_wait3A_1812 = tpu.memref_squeeze %dma_wait3A_1811 : memref<1x1x128xi32, #tpu.memory_space<vmem>> -> memref<128xi32, #tpu.memory_space<vmem>>
        %dma_wait3A_1813 = arith.constant 0 : i32
        %dma_wait3A_1814 = arith.constant 0 : i32
        %dma_wait3A_1815 = tpu.memref_slice %arg48[%dma_wait3A_1813, %dma_wait3A_1814] : memref<12048x16xf32, #tpu.memory_space<vmem_shared>> -> memref<12048x16xf32, #tpu.memory_space<vmem_shared>>
        tpu.wait_indirect_dma semaphore(%arg50 : memref<!tpu.dma_semaphore, #tpu.memory_space<semaphore_mem>>) src(%arg38 : memref<128x16xf32, #tpu.memory_space<vmem>>) dst(%dma_wait3A_1815 : memref<12048x16xf32, #tpu.memory_space<vmem_shared>>)
        %mul3A_1816 = arith.constant 20 : i32
        %mul3A_1817 = arith.muli %sub3A_1683, %mul3A_1816 : i32
        %add3A_1818 = arith.constant 12 : i32
        %add3A_1819 = arith.addi %mul3A_1817, %add3A_1818 : i32
        %dma_wait3A_1820 = arith.constant 1 : i32
        %dma_wait3A_1821 = arith.constant 0 : i32
        %dma_wait3A_1822 = tpu.memref_slice %arg6[%add3A_1819, %dma_wait3A_1820, %dma_wait3A_1821] : memref<80x2x128xi32, #tpu.memory_space<vmem>> -> memref<1x1x128xi32, #tpu.memory_space<vmem>>
        %dma_wait3A_1823 = tpu.memref_squeeze %dma_wait3A_1822 : memref<1x1x128xi32, #tpu.memory_space<vmem>> -> memref<128xi32, #tpu.memory_space<vmem>>
        %dma_wait3A_1824 = arith.constant 0 : i32
        %dma_wait3A_1825 = arith.constant 0 : i32
        %dma_wait3A_1826 = tpu.memref_slice %arg48[%dma_wait3A_1824, %dma_wait3A_1825] : memref<12048x16xf32, #tpu.memory_space<vmem_shared>> -> memref<12048x16xf32, #tpu.memory_space<vmem_shared>>
        tpu.wait_indirect_dma semaphore(%arg50 : memref<!tpu.dma_semaphore, #tpu.memory_space<semaphore_mem>>) src(%arg39 : memref<128x16xf32, #tpu.memory_space<vmem>>) dst(%dma_wait3A_1826 : memref<12048x16xf32, #tpu.memory_space<vmem_shared>>)
        %mul3A_1827 = arith.constant 20 : i32
        %mul3A_1828 = arith.muli %sub3A_1683, %mul3A_1827 : i32
        %add3A_1829 = arith.constant 13 : i32
        %add3A_1830 = arith.addi %mul3A_1828, %add3A_1829 : i32
        %dma_wait3A_1831 = arith.constant 1 : i32
        %dma_wait3A_1832 = arith.constant 0 : i32
        %dma_wait3A_1833 = tpu.memref_slice %arg6[%add3A_1830, %dma_wait3A_1831, %dma_wait3A_1832] : memref<80x2x128xi32, #tpu.memory_space<vmem>> -> memref<1x1x128xi32, #tpu.memory_space<vmem>>
        %dma_wait3A_1834 = tpu.memref_squeeze %dma_wait3A_1833 : memref<1x1x128xi32, #tpu.memory_space<vmem>> -> memref<128xi32, #tpu.memory_space<vmem>>
        %dma_wait3A_1835 = arith.constant 0 : i32
        %dma_wait3A_1836 = arith.constant 0 : i32
        %dma_wait3A_1837 = tpu.memref_slice %arg48[%dma_wait3A_1835, %dma_wait3A_1836] : memref<12048x16xf32, #tpu.memory_space<vmem_shared>> -> memref<12048x16xf32, #tpu.memory_space<vmem_shared>>
        tpu.wait_indirect_dma semaphore(%arg50 : memref<!tpu.dma_semaphore, #tpu.memory_space<semaphore_mem>>) src(%arg40 : memref<128x16xf32, #tpu.memory_space<vmem>>) dst(%dma_wait3A_1837 : memref<12048x16xf32, #tpu.memory_space<vmem_shared>>)
        %mul3A_1838 = arith.constant 20 : i32
        %mul3A_1839 = arith.muli %sub3A_1683, %mul3A_1838 : i32
        %add3A_1840 = arith.constant 14 : i32
        %add3A_1841 = arith.addi %mul3A_1839, %add3A_1840 : i32
        %dma_wait3A_1842 = arith.constant 1 : i32
        %dma_wait3A_1843 = arith.constant 0 : i32
        %dma_wait3A_1844 = tpu.memref_slice %arg6[%add3A_1841, %dma_wait3A_1842, %dma_wait3A_1843] : memref<80x2x128xi32, #tpu.memory_space<vmem>> -> memref<1x1x128xi32, #tpu.memory_space<vmem>>
        %dma_wait3A_1845 = tpu.memref_squeeze %dma_wait3A_1844 : memref<1x1x128xi32, #tpu.memory_space<vmem>> -> memref<128xi32, #tpu.memory_space<vmem>>
        %dma_wait3A_1846 = arith.constant 0 : i32
        %dma_wait3A_1847 = arith.constant 0 : i32
        %dma_wait3A_1848 = tpu.memref_slice %arg48[%dma_wait3A_1846, %dma_wait3A_1847] : memref<12048x16xf32, #tpu.memory_space<vmem_shared>> -> memref<12048x16xf32, #tpu.memory_space<vmem_shared>>
        tpu.wait_indirect_dma semaphore(%arg50 : memref<!tpu.dma_semaphore, #tpu.memory_space<semaphore_mem>>) src(%arg41 : memref<128x16xf32, #tpu.memory_space<vmem>>) dst(%dma_wait3A_1848 : memref<12048x16xf32, #tpu.memory_space<vmem_shared>>)
        %mul3A_1849 = arith.constant 20 : i32
        %mul3A_1850 = arith.muli %sub3A_1683, %mul3A_1849 : i32
        %add3A_1851 = arith.constant 15 : i32
        %add3A_1852 = arith.addi %mul3A_1850, %add3A_1851 : i32
        %dma_wait3A_1853 = arith.constant 1 : i32
        %dma_wait3A_1854 = arith.constant 0 : i32
        %dma_wait3A_1855 = tpu.memref_slice %arg6[%add3A_1852, %dma_wait3A_1853, %dma_wait3A_1854] : memref<80x2x128xi32, #tpu.memory_space<vmem>> -> memref<1x1x128xi32, #tpu.memory_space<vmem>>
        %dma_wait3A_1856 = tpu.memref_squeeze %dma_wait3A_1855 : memref<1x1x128xi32, #tpu.memory_space<vmem>> -> memref<128xi32, #tpu.memory_space<vmem>>
        %dma_wait3A_1857 = arith.constant 0 : i32
        %dma_wait3A_1858 = arith.constant 0 : i32
        %dma_wait3A_1859 = tpu.memref_slice %arg48[%dma_wait3A_1857, %dma_wait3A_1858] : memref<12048x16xf32, #tpu.memory_space<vmem_shared>> -> memref<12048x16xf32, #tpu.memory_space<vmem_shared>>
        tpu.wait_indirect_dma semaphore(%arg50 : memref<!tpu.dma_semaphore, #tpu.memory_space<semaphore_mem>>) src(%arg42 : memref<128x16xf32, #tpu.memory_space<vmem>>) dst(%dma_wait3A_1859 : memref<12048x16xf32, #tpu.memory_space<vmem_shared>>)
        %mul3A_1860 = arith.constant 20 : i32
        %mul3A_1861 = arith.muli %sub3A_1683, %mul3A_1860 : i32
        %add3A_1862 = arith.constant 16 : i32
        %add3A_1863 = arith.addi %mul3A_1861, %add3A_1862 : i32
        %dma_wait3A_1864 = arith.constant 1 : i32
        %dma_wait3A_1865 = arith.constant 0 : i32
        %dma_wait3A_1866 = tpu.memref_slice %arg6[%add3A_1863, %dma_wait3A_1864, %dma_wait3A_1865] : memref<80x2x128xi32, #tpu.memory_space<vmem>> -> memref<1x1x128xi32, #tpu.memory_space<vmem>>
        %dma_wait3A_1867 = tpu.memref_squeeze %dma_wait3A_1866 : memref<1x1x128xi32, #tpu.memory_space<vmem>> -> memref<128xi32, #tpu.memory_space<vmem>>
        %dma_wait3A_1868 = arith.constant 0 : i32
        %dma_wait3A_1869 = arith.constant 0 : i32
        %dma_wait3A_1870 = tpu.memref_slice %arg48[%dma_wait3A_1868, %dma_wait3A_1869] : memref<12048x16xf32, #tpu.memory_space<vmem_shared>> -> memref<12048x16xf32, #tpu.memory_space<vmem_shared>>
        tpu.wait_indirect_dma semaphore(%arg50 : memref<!tpu.dma_semaphore, #tpu.memory_space<semaphore_mem>>) src(%arg43 : memref<128x16xf32, #tpu.memory_space<vmem>>) dst(%dma_wait3A_1870 : memref<12048x16xf32, #tpu.memory_space<vmem_shared>>)
        %mul3A_1871 = arith.constant 20 : i32
        %mul3A_1872 = arith.muli %sub3A_1683, %mul3A_1871 : i32
        %add3A_1873 = arith.constant 17 : i32
        %add3A_1874 = arith.addi %mul3A_1872, %add3A_1873 : i32
        %dma_wait3A_1875 = arith.constant 1 : i32
        %dma_wait3A_1876 = arith.constant 0 : i32
        %dma_wait3A_1877 = tpu.memref_slice %arg6[%add3A_1874, %dma_wait3A_1875, %dma_wait3A_1876] : memref<80x2x128xi32, #tpu.memory_space<vmem>> -> memref<1x1x128xi32, #tpu.memory_space<vmem>>
        %dma_wait3A_1878 = tpu.memref_squeeze %dma_wait3A_1877 : memref<1x1x128xi32, #tpu.memory_space<vmem>> -> memref<128xi32, #tpu.memory_space<vmem>>
        %dma_wait3A_1879 = arith.constant 0 : i32
        %dma_wait3A_1880 = arith.constant 0 : i32
        %dma_wait3A_1881 = tpu.memref_slice %arg48[%dma_wait3A_1879, %dma_wait3A_1880] : memref<12048x16xf32, #tpu.memory_space<vmem_shared>> -> memref<12048x16xf32, #tpu.memory_space<vmem_shared>>
        tpu.wait_indirect_dma semaphore(%arg50 : memref<!tpu.dma_semaphore, #tpu.memory_space<semaphore_mem>>) src(%arg44 : memref<128x16xf32, #tpu.memory_space<vmem>>) dst(%dma_wait3A_1881 : memref<12048x16xf32, #tpu.memory_space<vmem_shared>>)
        %mul3A_1882 = arith.constant 20 : i32
        %mul3A_1883 = arith.muli %sub3A_1683, %mul3A_1882 : i32
        %add3A_1884 = arith.constant 18 : i32
        %add3A_1885 = arith.addi %mul3A_1883, %add3A_1884 : i32
        %dma_wait3A_1886 = arith.constant 1 : i32
        %dma_wait3A_1887 = arith.constant 0 : i32
        %dma_wait3A_1888 = tpu.memref_slice %arg6[%add3A_1885, %dma_wait3A_1886, %dma_wait3A_1887] : memref<80x2x128xi32, #tpu.memory_space<vmem>> -> memref<1x1x128xi32, #tpu.memory_space<vmem>>
        %dma_wait3A_1889 = tpu.memref_squeeze %dma_wait3A_1888 : memref<1x1x128xi32, #tpu.memory_space<vmem>> -> memref<128xi32, #tpu.memory_space<vmem>>
        %dma_wait3A_1890 = arith.constant 0 : i32
        %dma_wait3A_1891 = arith.constant 0 : i32
        %dma_wait3A_1892 = tpu.memref_slice %arg48[%dma_wait3A_1890, %dma_wait3A_1891] : memref<12048x16xf32, #tpu.memory_space<vmem_shared>> -> memref<12048x16xf32, #tpu.memory_space<vmem_shared>>
        tpu.wait_indirect_dma semaphore(%arg50 : memref<!tpu.dma_semaphore, #tpu.memory_space<semaphore_mem>>) src(%arg45 : memref<128x16xf32, #tpu.memory_space<vmem>>) dst(%dma_wait3A_1892 : memref<12048x16xf32, #tpu.memory_space<vmem_shared>>)
        %mul3A_1893 = arith.constant 20 : i32
        %mul3A_1894 = arith.muli %sub3A_1683, %mul3A_1893 : i32
        %add3A_1895 = arith.constant 19 : i32
        %add3A_1896 = arith.addi %mul3A_1894, %add3A_1895 : i32
        %dma_wait3A_1897 = arith.constant 1 : i32
        %dma_wait3A_1898 = arith.constant 0 : i32
        %dma_wait3A_1899 = tpu.memref_slice %arg6[%add3A_1896, %dma_wait3A_1897, %dma_wait3A_1898] : memref<80x2x128xi32, #tpu.memory_space<vmem>> -> memref<1x1x128xi32, #tpu.memory_space<vmem>>
        %dma_wait3A_1900 = tpu.memref_squeeze %dma_wait3A_1899 : memref<1x1x128xi32, #tpu.memory_space<vmem>> -> memref<128xi32, #tpu.memory_space<vmem>>
        %dma_wait3A_1901 = arith.constant 0 : i32
        %dma_wait3A_1902 = arith.constant 0 : i32
        %dma_wait3A_1903 = tpu.memref_slice %arg48[%dma_wait3A_1901, %dma_wait3A_1902] : memref<12048x16xf32, #tpu.memory_space<vmem_shared>> -> memref<12048x16xf32, #tpu.memory_space<vmem_shared>>
        tpu.wait_indirect_dma semaphore(%arg50 : memref<!tpu.dma_semaphore, #tpu.memory_space<semaphore_mem>>) src(%arg46 : memref<128x16xf32, #tpu.memory_space<vmem>>) dst(%dma_wait3A_1903 : memref<12048x16xf32, #tpu.memory_space<vmem_shared>>)
      } else {
      }
      %mul3A_579 = arith.constant 20 : i32
      %mul3A_580 = arith.muli %mul3A_352, %mul3A_579 : i32
      %add3A_581 = arith.constant 0 : i32
      %add3A_582 = arith.addi %mul3A_580, %add3A_581 : i32
      %dma_start3A_583 = arith.constant 1 : i32
      %dma_start3A_584 = arith.constant 0 : i32
      %dma_start3A_585 = tpu.memref_slice %arg6[%add3A_582, %dma_start3A_583, %dma_start3A_584] : memref<80x2x128xi32, #tpu.memory_space<vmem>> -> memref<1x1x128xi32, #tpu.memory_space<vmem>>
      %dma_start3A_586 = tpu.memref_squeeze %dma_start3A_585 : memref<1x1x128xi32, #tpu.memory_space<vmem>> -> memref<128xi32, #tpu.memory_space<vmem>>
      %dma_start3A_587 = arith.constant 0 : i32
      %dma_start3A_588 = arith.constant 0 : i32
      %dma_start3A_589 = tpu.memref_slice %arg48[%dma_start3A_587, %dma_start3A_588] : memref<12048x16xf32, #tpu.memory_space<vmem_shared>> -> memref<12048x16xf32, #tpu.memory_space<vmem_shared>>
      tpu.enqueue_indirect_dma source(%arg7 : memref<128x16xf32, #tpu.memory_space<vmem>>) target(%dma_start3A_589 : memref<12048x16xf32, #tpu.memory_space<vmem_shared>>) offsets(%dma_start3A_586 : memref<128xi32, #tpu.memory_space<vmem>>) semaphore(%arg50 : memref<!tpu.dma_semaphore, #tpu.memory_space<semaphore_mem>>) {add = true}
      %mul3A_590 = arith.constant 20 : i32
      %mul3A_591 = arith.muli %mul3A_352, %mul3A_590 : i32
      %add3A_592 = arith.constant 1 : i32
      %add3A_593 = arith.addi %mul3A_591, %add3A_592 : i32
      %dma_start3A_594 = arith.constant 1 : i32
      %dma_start3A_595 = arith.constant 0 : i32
      %dma_start3A_596 = tpu.memref_slice %arg6[%add3A_593, %dma_start3A_594, %dma_start3A_595] : memref<80x2x128xi32, #tpu.memory_space<vmem>> -> memref<1x1x128xi32, #tpu.memory_space<vmem>>
      %dma_start3A_597 = tpu.memref_squeeze %dma_start3A_596 : memref<1x1x128xi32, #tpu.memory_space<vmem>> -> memref<128xi32, #tpu.memory_space<vmem>>
      %dma_start3A_598 = arith.constant 0 : i32
      %dma_start3A_599 = arith.constant 0 : i32
      %dma_start3A_600 = tpu.memref_slice %arg48[%dma_start3A_598, %dma_start3A_599] : memref<12048x16xf32, #tpu.memory_space<vmem_shared>> -> memref<12048x16xf32, #tpu.memory_space<vmem_shared>>
      tpu.enqueue_indirect_dma source(%arg8 : memref<128x16xf32, #tpu.memory_space<vmem>>) target(%dma_start3A_600 : memref<12048x16xf32, #tpu.memory_space<vmem_shared>>) offsets(%dma_start3A_597 : memref<128xi32, #tpu.memory_space<vmem>>) semaphore(%arg50 : memref<!tpu.dma_semaphore, #tpu.memory_space<semaphore_mem>>) {add = true}
      %mul3A_601 = arith.constant 20 : i32
      %mul3A_602 = arith.muli %mul3A_352, %mul3A_601 : i32
      %add3A_603 = arith.constant 2 : i32
      %add3A_604 = arith.addi %mul3A_602, %add3A_603 : i32
      %dma_start3A_605 = arith.constant 1 : i32
      %dma_start3A_606 = arith.constant 0 : i32
      %dma_start3A_607 = tpu.memref_slice %arg6[%add3A_604, %dma_start3A_605, %dma_start3A_606] : memref<80x2x128xi32, #tpu.memory_space<vmem>> -> memref<1x1x128xi32, #tpu.memory_space<vmem>>
      %dma_start3A_608 = tpu.memref_squeeze %dma_start3A_607 : memref<1x1x128xi32, #tpu.memory_space<vmem>> -> memref<128xi32, #tpu.memory_space<vmem>>
      %dma_start3A_609 = arith.constant 0 : i32
      %dma_start3A_610 = arith.constant 0 : i32
      %dma_start3A_611 = tpu.memref_slice %arg48[%dma_start3A_609, %dma_start3A_610] : memref<12048x16xf32, #tpu.memory_space<vmem_shared>> -> memref<12048x16xf32, #tpu.memory_space<vmem_shared>>
      tpu.enqueue_indirect_dma source(%arg9 : memref<128x16xf32, #tpu.memory_space<vmem>>) target(%dma_start3A_611 : memref<12048x16xf32, #tpu.memory_space<vmem_shared>>) offsets(%dma_start3A_608 : memref<128xi32, #tpu.memory_space<vmem>>) semaphore(%arg50 : memref<!tpu.dma_semaphore, #tpu.memory_space<semaphore_mem>>) {add = true}
      %mul3A_612 = arith.constant 20 : i32
      %mul3A_613 = arith.muli %mul3A_352, %mul3A_612 : i32
      %add3A_614 = arith.constant 3 : i32
      %add3A_615 = arith.addi %mul3A_613, %add3A_614 : i32
      %dma_start3A_616 = arith.constant 1 : i32
      %dma_start3A_617 = arith.constant 0 : i32
      %dma_start3A_618 = tpu.memref_slice %arg6[%add3A_615, %dma_start3A_616, %dma_start3A_617] : memref<80x2x128xi32, #tpu.memory_space<vmem>> -> memref<1x1x128xi32, #tpu.memory_space<vmem>>
      %dma_start3A_619 = tpu.memref_squeeze %dma_start3A_618 : memref<1x1x128xi32, #tpu.memory_space<vmem>> -> memref<128xi32, #tpu.memory_space<vmem>>
      %dma_start3A_620 = arith.constant 0 : i32
      %dma_start3A_621 = arith.constant 0 : i32
      %dma_start3A_622 = tpu.memref_slice %arg48[%dma_start3A_620, %dma_start3A_621] : memref<12048x16xf32, #tpu.memory_space<vmem_shared>> -> memref<12048x16xf32, #tpu.memory_space<vmem_shared>>
      tpu.enqueue_indirect_dma source(%arg10 : memref<128x16xf32, #tpu.memory_space<vmem>>) target(%dma_start3A_622 : memref<12048x16xf32, #tpu.memory_space<vmem_shared>>) offsets(%dma_start3A_619 : memref<128xi32, #tpu.memory_space<vmem>>) semaphore(%arg50 : memref<!tpu.dma_semaphore, #tpu.memory_space<semaphore_mem>>) {add = true}
      %mul3A_623 = arith.constant 20 : i32
      %mul3A_624 = arith.muli %mul3A_352, %mul3A_623 : i32
      %add3A_625 = arith.constant 4 : i32
      %add3A_626 = arith.addi %mul3A_624, %add3A_625 : i32
      %dma_start3A_627 = arith.constant 1 : i32
      %dma_start3A_628 = arith.constant 0 : i32
      %dma_start3A_629 = tpu.memref_slice %arg6[%add3A_626, %dma_start3A_627, %dma_start3A_628] : memref<80x2x128xi32, #tpu.memory_space<vmem>> -> memref<1x1x128xi32, #tpu.memory_space<vmem>>
      %dma_start3A_630 = tpu.memref_squeeze %dma_start3A_629 : memref<1x1x128xi32, #tpu.memory_space<vmem>> -> memref<128xi32, #tpu.memory_space<vmem>>
      %dma_start3A_631 = arith.constant 0 : i32
      %dma_start3A_632 = arith.constant 0 : i32
      %dma_start3A_633 = tpu.memref_slice %arg48[%dma_start3A_631, %dma_start3A_632] : memref<12048x16xf32, #tpu.memory_space<vmem_shared>> -> memref<12048x16xf32, #tpu.memory_space<vmem_shared>>
      tpu.enqueue_indirect_dma source(%arg11 : memref<128x16xf32, #tpu.memory_space<vmem>>) target(%dma_start3A_633 : memref<12048x16xf32, #tpu.memory_space<vmem_shared>>) offsets(%dma_start3A_630 : memref<128xi32, #tpu.memory_space<vmem>>) semaphore(%arg50 : memref<!tpu.dma_semaphore, #tpu.memory_space<semaphore_mem>>) {add = true}
      %mul3A_634 = arith.constant 20 : i32
      %mul3A_635 = arith.muli %mul3A_352, %mul3A_634 : i32
      %add3A_636 = arith.constant 5 : i32
      %add3A_637 = arith.addi %mul3A_635, %add3A_636 : i32
      %dma_start3A_638 = arith.constant 1 : i32
      %dma_start3A_639 = arith.constant 0 : i32
      %dma_start3A_640 = tpu.memref_slice %arg6[%add3A_637, %dma_start3A_638, %dma_start3A_639] : memref<80x2x128xi32, #tpu.memory_space<vmem>> -> memref<1x1x128xi32, #tpu.memory_space<vmem>>
      %dma_start3A_641 = tpu.memref_squeeze %dma_start3A_640 : memref<1x1x128xi32, #tpu.memory_space<vmem>> -> memref<128xi32, #tpu.memory_space<vmem>>
      %dma_start3A_642 = arith.constant 0 : i32
      %dma_start3A_643 = arith.constant 0 : i32
      %dma_start3A_644 = tpu.memref_slice %arg48[%dma_start3A_642, %dma_start3A_643] : memref<12048x16xf32, #tpu.memory_space<vmem_shared>> -> memref<12048x16xf32, #tpu.memory_space<vmem_shared>>
      tpu.enqueue_indirect_dma source(%arg12 : memref<128x16xf32, #tpu.memory_space<vmem>>) target(%dma_start3A_644 : memref<12048x16xf32, #tpu.memory_space<vmem_shared>>) offsets(%dma_start3A_641 : memref<128xi32, #tpu.memory_space<vmem>>) semaphore(%arg50 : memref<!tpu.dma_semaphore, #tpu.memory_space<semaphore_mem>>) {add = true}
      %mul3A_645 = arith.constant 20 : i32
      %mul3A_646 = arith.muli %mul3A_352, %mul3A_645 : i32
      %add3A_647 = arith.constant 6 : i32
      %add3A_648 = arith.addi %mul3A_646, %add3A_647 : i32
      %dma_start3A_649 = arith.constant 1 : i32
      %dma_start3A_650 = arith.constant 0 : i32
      %dma_start3A_651 = tpu.memref_slice %arg6[%add3A_648, %dma_start3A_649, %dma_start3A_650] : memref<80x2x128xi32, #tpu.memory_space<vmem>> -> memref<1x1x128xi32, #tpu.memory_space<vmem>>
      %dma_start3A_652 = tpu.memref_squeeze %dma_start3A_651 : memref<1x1x128xi32, #tpu.memory_space<vmem>> -> memref<128xi32, #tpu.memory_space<vmem>>
      %dma_start3A_653 = arith.constant 0 : i32
      %dma_start3A_654 = arith.constant 0 : i32
      %dma_start3A_655 = tpu.memref_slice %arg48[%dma_start3A_653, %dma_start3A_654] : memref<12048x16xf32, #tpu.memory_space<vmem_shared>> -> memref<12048x16xf32, #tpu.memory_space<vmem_shared>>
      tpu.enqueue_indirect_dma source(%arg13 : memref<128x16xf32, #tpu.memory_space<vmem>>) target(%dma_start3A_655 : memref<12048x16xf32, #tpu.memory_space<vmem_shared>>) offsets(%dma_start3A_652 : memref<128xi32, #tpu.memory_space<vmem>>) semaphore(%arg50 : memref<!tpu.dma_semaphore, #tpu.memory_space<semaphore_mem>>) {add = true}
      %mul3A_656 = arith.constant 20 : i32
      %mul3A_657 = arith.muli %mul3A_352, %mul3A_656 : i32
      %add3A_658 = arith.constant 7 : i32
      %add3A_659 = arith.addi %mul3A_657, %add3A_658 : i32
      %dma_start3A_660 = arith.constant 1 : i32
      %dma_start3A_661 = arith.constant 0 : i32
      %dma_start3A_662 = tpu.memref_slice %arg6[%add3A_659, %dma_start3A_660, %dma_start3A_661] : memref<80x2x128xi32, #tpu.memory_space<vmem>> -> memref<1x1x128xi32, #tpu.memory_space<vmem>>
      %dma_start3A_663 = tpu.memref_squeeze %dma_start3A_662 : memref<1x1x128xi32, #tpu.memory_space<vmem>> -> memref<128xi32, #tpu.memory_space<vmem>>
      %dma_start3A_664 = arith.constant 0 : i32
      %dma_start3A_665 = arith.constant 0 : i32
      %dma_start3A_666 = tpu.memref_slice %arg48[%dma_start3A_664, %dma_start3A_665] : memref<12048x16xf32, #tpu.memory_space<vmem_shared>> -> memref<12048x16xf32, #tpu.memory_space<vmem_shared>>
      tpu.enqueue_indirect_dma source(%arg14 : memref<128x16xf32, #tpu.memory_space<vmem>>) target(%dma_start3A_666 : memref<12048x16xf32, #tpu.memory_space<vmem_shared>>) offsets(%dma_start3A_663 : memref<128xi32, #tpu.memory_space<vmem>>) semaphore(%arg50 : memref<!tpu.dma_semaphore, #tpu.memory_space<semaphore_mem>>) {add = true}
      %mul3A_667 = arith.constant 20 : i32
      %mul3A_668 = arith.muli %mul3A_352, %mul3A_667 : i32
      %add3A_669 = arith.constant 8 : i32
      %add3A_670 = arith.addi %mul3A_668, %add3A_669 : i32
      %dma_start3A_671 = arith.constant 1 : i32
      %dma_start3A_672 = arith.constant 0 : i32
      %dma_start3A_673 = tpu.memref_slice %arg6[%add3A_670, %dma_start3A_671, %dma_start3A_672] : memref<80x2x128xi32, #tpu.memory_space<vmem>> -> memref<1x1x128xi32, #tpu.memory_space<vmem>>
      %dma_start3A_674 = tpu.memref_squeeze %dma_start3A_673 : memref<1x1x128xi32, #tpu.memory_space<vmem>> -> memref<128xi32, #tpu.memory_space<vmem>>
      %dma_start3A_675 = arith.constant 0 : i32
      %dma_start3A_676 = arith.constant 0 : i32
      %dma_start3A_677 = tpu.memref_slice %arg48[%dma_start3A_675, %dma_start3A_676] : memref<12048x16xf32, #tpu.memory_space<vmem_shared>> -> memref<12048x16xf32, #tpu.memory_space<vmem_shared>>
      tpu.enqueue_indirect_dma source(%arg15 : memref<128x16xf32, #tpu.memory_space<vmem>>) target(%dma_start3A_677 : memref<12048x16xf32, #tpu.memory_space<vmem_shared>>) offsets(%dma_start3A_674 : memref<128xi32, #tpu.memory_space<vmem>>) semaphore(%arg50 : memref<!tpu.dma_semaphore, #tpu.memory_space<semaphore_mem>>) {add = true}
      %mul3A_678 = arith.constant 20 : i32
      %mul3A_679 = arith.muli %mul3A_352, %mul3A_678 : i32
      %add3A_680 = arith.constant 9 : i32
      %add3A_681 = arith.addi %mul3A_679, %add3A_680 : i32
      %dma_start3A_682 = arith.constant 1 : i32
      %dma_start3A_683 = arith.constant 0 : i32
      %dma_start3A_684 = tpu.memref_slice %arg6[%add3A_681, %dma_start3A_682, %dma_start3A_683] : memref<80x2x128xi32, #tpu.memory_space<vmem>> -> memref<1x1x128xi32, #tpu.memory_space<vmem>>
      %dma_start3A_685 = tpu.memref_squeeze %dma_start3A_684 : memref<1x1x128xi32, #tpu.memory_space<vmem>> -> memref<128xi32, #tpu.memory_space<vmem>>
      %dma_start3A_686 = arith.constant 0 : i32
      %dma_start3A_687 = arith.constant 0 : i32
      %dma_start3A_688 = tpu.memref_slice %arg48[%dma_start3A_686, %dma_start3A_687] : memref<12048x16xf32, #tpu.memory_space<vmem_shared>> -> memref<12048x16xf32, #tpu.memory_space<vmem_shared>>
      tpu.enqueue_indirect_dma source(%arg16 : memref<128x16xf32, #tpu.memory_space<vmem>>) target(%dma_start3A_688 : memref<12048x16xf32, #tpu.memory_space<vmem_shared>>) offsets(%dma_start3A_685 : memref<128xi32, #tpu.memory_space<vmem>>) semaphore(%arg50 : memref<!tpu.dma_semaphore, #tpu.memory_space<semaphore_mem>>) {add = true}
      %mul3A_689 = arith.constant 20 : i32
      %mul3A_690 = arith.muli %mul3A_352, %mul3A_689 : i32
      %add3A_691 = arith.constant 10 : i32
      %add3A_692 = arith.addi %mul3A_690, %add3A_691 : i32
      %dma_start3A_693 = arith.constant 1 : i32
      %dma_start3A_694 = arith.constant 0 : i32
      %dma_start3A_695 = tpu.memref_slice %arg6[%add3A_692, %dma_start3A_693, %dma_start3A_694] : memref<80x2x128xi32, #tpu.memory_space<vmem>> -> memref<1x1x128xi32, #tpu.memory_space<vmem>>
      %dma_start3A_696 = tpu.memref_squeeze %dma_start3A_695 : memref<1x1x128xi32, #tpu.memory_space<vmem>> -> memref<128xi32, #tpu.memory_space<vmem>>
      %dma_start3A_697 = arith.constant 0 : i32
      %dma_start3A_698 = arith.constant 0 : i32
      %dma_start3A_699 = tpu.memref_slice %arg48[%dma_start3A_697, %dma_start3A_698] : memref<12048x16xf32, #tpu.memory_space<vmem_shared>> -> memref<12048x16xf32, #tpu.memory_space<vmem_shared>>
      tpu.enqueue_indirect_dma source(%arg17 : memref<128x16xf32, #tpu.memory_space<vmem>>) target(%dma_start3A_699 : memref<12048x16xf32, #tpu.memory_space<vmem_shared>>) offsets(%dma_start3A_696 : memref<128xi32, #tpu.memory_space<vmem>>) semaphore(%arg50 : memref<!tpu.dma_semaphore, #tpu.memory_space<semaphore_mem>>) {add = true}
      %mul3A_700 = arith.constant 20 : i32
      %mul3A_701 = arith.muli %mul3A_352, %mul3A_700 : i32
      %add3A_702 = arith.constant 11 : i32
      %add3A_703 = arith.addi %mul3A_701, %add3A_702 : i32
      %dma_start3A_704 = arith.constant 1 : i32
      %dma_start3A_705 = arith.constant 0 : i32
      %dma_start3A_706 = tpu.memref_slice %arg6[%add3A_703, %dma_start3A_704, %dma_start3A_705] : memref<80x2x128xi32, #tpu.memory_space<vmem>> -> memref<1x1x128xi32, #tpu.memory_space<vmem>>
      %dma_start3A_707 = tpu.memref_squeeze %dma_start3A_706 : memref<1x1x128xi32, #tpu.memory_space<vmem>> -> memref<128xi32, #tpu.memory_space<vmem>>
      %dma_start3A_708 = arith.constant 0 : i32
      %dma_start3A_709 = arith.constant 0 : i32
      %dma_start3A_710 = tpu.memref_slice %arg48[%dma_start3A_708, %dma_start3A_709] : memref<12048x16xf32, #tpu.memory_space<vmem_shared>> -> memref<12048x16xf32, #tpu.memory_space<vmem_shared>>
      tpu.enqueue_indirect_dma source(%arg18 : memref<128x16xf32, #tpu.memory_space<vmem>>) target(%dma_start3A_710 : memref<12048x16xf32, #tpu.memory_space<vmem_shared>>) offsets(%dma_start3A_707 : memref<128xi32, #tpu.memory_space<vmem>>) semaphore(%arg50 : memref<!tpu.dma_semaphore, #tpu.memory_space<semaphore_mem>>) {add = true}
      %mul3A_711 = arith.constant 20 : i32
      %mul3A_712 = arith.muli %mul3A_352, %mul3A_711 : i32
      %add3A_713 = arith.constant 12 : i32
      %add3A_714 = arith.addi %mul3A_712, %add3A_713 : i32
      %dma_start3A_715 = arith.constant 1 : i32
      %dma_start3A_716 = arith.constant 0 : i32
      %dma_start3A_717 = tpu.memref_slice %arg6[%add3A_714, %dma_start3A_715, %dma_start3A_716] : memref<80x2x128xi32, #tpu.memory_space<vmem>> -> memref<1x1x128xi32, #tpu.memory_space<vmem>>
      %dma_start3A_718 = tpu.memref_squeeze %dma_start3A_717 : memref<1x1x128xi32, #tpu.memory_space<vmem>> -> memref<128xi32, #tpu.memory_space<vmem>>
      %dma_start3A_719 = arith.constant 0 : i32
      %dma_start3A_720 = arith.constant 0 : i32
      %dma_start3A_721 = tpu.memref_slice %arg48[%dma_start3A_719, %dma_start3A_720] : memref<12048x16xf32, #tpu.memory_space<vmem_shared>> -> memref<12048x16xf32, #tpu.memory_space<vmem_shared>>
      tpu.enqueue_indirect_dma source(%arg19 : memref<128x16xf32, #tpu.memory_space<vmem>>) target(%dma_start3A_721 : memref<12048x16xf32, #tpu.memory_space<vmem_shared>>) offsets(%dma_start3A_718 : memref<128xi32, #tpu.memory_space<vmem>>) semaphore(%arg50 : memref<!tpu.dma_semaphore, #tpu.memory_space<semaphore_mem>>) {add = true}
      %mul3A_722 = arith.constant 20 : i32
      %mul3A_723 = arith.muli %mul3A_352, %mul3A_722 : i32
      %add3A_724 = arith.constant 13 : i32
      %add3A_725 = arith.addi %mul3A_723, %add3A_724 : i32
      %dma_start3A_726 = arith.constant 1 : i32
      %dma_start3A_727 = arith.constant 0 : i32
      %dma_start3A_728 = tpu.memref_slice %arg6[%add3A_725, %dma_start3A_726, %dma_start3A_727] : memref<80x2x128xi32, #tpu.memory_space<vmem>> -> memref<1x1x128xi32, #tpu.memory_space<vmem>>
      %dma_start3A_729 = tpu.memref_squeeze %dma_start3A_728 : memref<1x1x128xi32, #tpu.memory_space<vmem>> -> memref<128xi32, #tpu.memory_space<vmem>>
      %dma_start3A_730 = arith.constant 0 : i32
      %dma_start3A_731 = arith.constant 0 : i32
      %dma_start3A_732 = tpu.memref_slice %arg48[%dma_start3A_730, %dma_start3A_731] : memref<12048x16xf32, #tpu.memory_space<vmem_shared>> -> memref<12048x16xf32, #tpu.memory_space<vmem_shared>>
      tpu.enqueue_indirect_dma source(%arg20 : memref<128x16xf32, #tpu.memory_space<vmem>>) target(%dma_start3A_732 : memref<12048x16xf32, #tpu.memory_space<vmem_shared>>) offsets(%dma_start3A_729 : memref<128xi32, #tpu.memory_space<vmem>>) semaphore(%arg50 : memref<!tpu.dma_semaphore, #tpu.memory_space<semaphore_mem>>) {add = true}
      %mul3A_733 = arith.constant 20 : i32
      %mul3A_734 = arith.muli %mul3A_352, %mul3A_733 : i32
      %add3A_735 = arith.constant 14 : i32
      %add3A_736 = arith.addi %mul3A_734, %add3A_735 : i32
      %dma_start3A_737 = arith.constant 1 : i32
      %dma_start3A_738 = arith.constant 0 : i32
      %dma_start3A_739 = tpu.memref_slice %arg6[%add3A_736, %dma_start3A_737, %dma_start3A_738] : memref<80x2x128xi32, #tpu.memory_space<vmem>> -> memref<1x1x128xi32, #tpu.memory_space<vmem>>
      %dma_start3A_740 = tpu.memref_squeeze %dma_start3A_739 : memref<1x1x128xi32, #tpu.memory_space<vmem>> -> memref<128xi32, #tpu.memory_space<vmem>>
      %dma_start3A_741 = arith.constant 0 : i32
      %dma_start3A_742 = arith.constant 0 : i32
      %dma_start3A_743 = tpu.memref_slice %arg48[%dma_start3A_741, %dma_start3A_742] : memref<12048x16xf32, #tpu.memory_space<vmem_shared>> -> memref<12048x16xf32, #tpu.memory_space<vmem_shared>>
      tpu.enqueue_indirect_dma source(%arg21 : memref<128x16xf32, #tpu.memory_space<vmem>>) target(%dma_start3A_743 : memref<12048x16xf32, #tpu.memory_space<vmem_shared>>) offsets(%dma_start3A_740 : memref<128xi32, #tpu.memory_space<vmem>>) semaphore(%arg50 : memref<!tpu.dma_semaphore, #tpu.memory_space<semaphore_mem>>) {add = true}
      %mul3A_744 = arith.constant 20 : i32
      %mul3A_745 = arith.muli %mul3A_352, %mul3A_744 : i32
      %add3A_746 = arith.constant 15 : i32
      %add3A_747 = arith.addi %mul3A_745, %add3A_746 : i32
      %dma_start3A_748 = arith.constant 1 : i32
      %dma_start3A_749 = arith.constant 0 : i32
      %dma_start3A_750 = tpu.memref_slice %arg6[%add3A_747, %dma_start3A_748, %dma_start3A_749] : memref<80x2x128xi32, #tpu.memory_space<vmem>> -> memref<1x1x128xi32, #tpu.memory_space<vmem>>
      %dma_start3A_751 = tpu.memref_squeeze %dma_start3A_750 : memref<1x1x128xi32, #tpu.memory_space<vmem>> -> memref<128xi32, #tpu.memory_space<vmem>>
      %dma_start3A_752 = arith.constant 0 : i32
      %dma_start3A_753 = arith.constant 0 : i32
      %dma_start3A_754 = tpu.memref_slice %arg48[%dma_start3A_752, %dma_start3A_753] : memref<12048x16xf32, #tpu.memory_space<vmem_shared>> -> memref<12048x16xf32, #tpu.memory_space<vmem_shared>>
      tpu.enqueue_indirect_dma source(%arg22 : memref<128x16xf32, #tpu.memory_space<vmem>>) target(%dma_start3A_754 : memref<12048x16xf32, #tpu.memory_space<vmem_shared>>) offsets(%dma_start3A_751 : memref<128xi32, #tpu.memory_space<vmem>>) semaphore(%arg50 : memref<!tpu.dma_semaphore, #tpu.memory_space<semaphore_mem>>) {add = true}
      %mul3A_755 = arith.constant 20 : i32
      %mul3A_756 = arith.muli %mul3A_352, %mul3A_755 : i32
      %add3A_757 = arith.constant 16 : i32
      %add3A_758 = arith.addi %mul3A_756, %add3A_757 : i32
      %dma_start3A_759 = arith.constant 1 : i32
      %dma_start3A_760 = arith.constant 0 : i32
      %dma_start3A_761 = tpu.memref_slice %arg6[%add3A_758, %dma_start3A_759, %dma_start3A_760] : memref<80x2x128xi32, #tpu.memory_space<vmem>> -> memref<1x1x128xi32, #tpu.memory_space<vmem>>
      %dma_start3A_762 = tpu.memref_squeeze %dma_start3A_761 : memref<1x1x128xi32, #tpu.memory_space<vmem>> -> memref<128xi32, #tpu.memory_space<vmem>>
      %dma_start3A_763 = arith.constant 0 : i32
      %dma_start3A_764 = arith.constant 0 : i32
      %dma_start3A_765 = tpu.memref_slice %arg48[%dma_start3A_763, %dma_start3A_764] : memref<12048x16xf32, #tpu.memory_space<vmem_shared>> -> memref<12048x16xf32, #tpu.memory_space<vmem_shared>>
      tpu.enqueue_indirect_dma source(%arg23 : memref<128x16xf32, #tpu.memory_space<vmem>>) target(%dma_start3A_765 : memref<12048x16xf32, #tpu.memory_space<vmem_shared>>) offsets(%dma_start3A_762 : memref<128xi32, #tpu.memory_space<vmem>>) semaphore(%arg50 : memref<!tpu.dma_semaphore, #tpu.memory_space<semaphore_mem>>) {add = true}
      %mul3A_766 = arith.constant 20 : i32
      %mul3A_767 = arith.muli %mul3A_352, %mul3A_766 : i32
      %add3A_768 = arith.constant 17 : i32
      %add3A_769 = arith.addi %mul3A_767, %add3A_768 : i32
      %dma_start3A_770 = arith.constant 1 : i32
      %dma_start3A_771 = arith.constant 0 : i32
      %dma_start3A_772 = tpu.memref_slice %arg6[%add3A_769, %dma_start3A_770, %dma_start3A_771] : memref<80x2x128xi32, #tpu.memory_space<vmem>> -> memref<1x1x128xi32, #tpu.memory_space<vmem>>
      %dma_start3A_773 = tpu.memref_squeeze %dma_start3A_772 : memref<1x1x128xi32, #tpu.memory_space<vmem>> -> memref<128xi32, #tpu.memory_space<vmem>>
      %dma_start3A_774 = arith.constant 0 : i32
      %dma_start3A_775 = arith.constant 0 : i32
      %dma_start3A_776 = tpu.memref_slice %arg48[%dma_start3A_774, %dma_start3A_775] : memref<12048x16xf32, #tpu.memory_space<vmem_shared>> -> memref<12048x16xf32, #tpu.memory_space<vmem_shared>>
      tpu.enqueue_indirect_dma source(%arg24 : memref<128x16xf32, #tpu.memory_space<vmem>>) target(%dma_start3A_776 : memref<12048x16xf32, #tpu.memory_space<vmem_shared>>) offsets(%dma_start3A_773 : memref<128xi32, #tpu.memory_space<vmem>>) semaphore(%arg50 : memref<!tpu.dma_semaphore, #tpu.memory_space<semaphore_mem>>) {add = true}
      %mul3A_777 = arith.constant 20 : i32
      %mul3A_778 = arith.muli %mul3A_352, %mul3A_777 : i32
      %add3A_779 = arith.constant 18 : i32
      %add3A_780 = arith.addi %mul3A_778, %add3A_779 : i32
      %dma_start3A_781 = arith.constant 1 : i32
      %dma_start3A_782 = arith.constant 0 : i32
      %dma_start3A_783 = tpu.memref_slice %arg6[%add3A_780, %dma_start3A_781, %dma_start3A_782] : memref<80x2x128xi32, #tpu.memory_space<vmem>> -> memref<1x1x128xi32, #tpu.memory_space<vmem>>
      %dma_start3A_784 = tpu.memref_squeeze %dma_start3A_783 : memref<1x1x128xi32, #tpu.memory_space<vmem>> -> memref<128xi32, #tpu.memory_space<vmem>>
      %dma_start3A_785 = arith.constant 0 : i32
      %dma_start3A_786 = arith.constant 0 : i32
      %dma_start3A_787 = tpu.memref_slice %arg48[%dma_start3A_785, %dma_start3A_786] : memref<12048x16xf32, #tpu.memory_space<vmem_shared>> -> memref<12048x16xf32, #tpu.memory_space<vmem_shared>>
      tpu.enqueue_indirect_dma source(%arg25 : memref<128x16xf32, #tpu.memory_space<vmem>>) target(%dma_start3A_787 : memref<12048x16xf32, #tpu.memory_space<vmem_shared>>) offsets(%dma_start3A_784 : memref<128xi32, #tpu.memory_space<vmem>>) semaphore(%arg50 : memref<!tpu.dma_semaphore, #tpu.memory_space<semaphore_mem>>) {add = true}
      %mul3A_788 = arith.constant 20 : i32
      %mul3A_789 = arith.muli %mul3A_352, %mul3A_788 : i32
      %add3A_790 = arith.constant 19 : i32
      %add3A_791 = arith.addi %mul3A_789, %add3A_790 : i32
      %dma_start3A_792 = arith.constant 1 : i32
      %dma_start3A_793 = arith.constant 0 : i32
      %dma_start3A_794 = tpu.memref_slice %arg6[%add3A_791, %dma_start3A_792, %dma_start3A_793] : memref<80x2x128xi32, #tpu.memory_space<vmem>> -> memref<1x1x128xi32, #tpu.memory_space<vmem>>
      %dma_start3A_795 = tpu.memref_squeeze %dma_start3A_794 : memref<1x1x128xi32, #tpu.memory_space<vmem>> -> memref<128xi32, #tpu.memory_space<vmem>>
      %dma_start3A_796 = arith.constant 0 : i32
      %dma_start3A_797 = arith.constant 0 : i32
      %dma_start3A_798 = tpu.memref_slice %arg48[%dma_start3A_796, %dma_start3A_797] : memref<12048x16xf32, #tpu.memory_space<vmem_shared>> -> memref<12048x16xf32, #tpu.memory_space<vmem_shared>>
      tpu.enqueue_indirect_dma source(%arg26 : memref<128x16xf32, #tpu.memory_space<vmem>>) target(%dma_start3A_798 : memref<12048x16xf32, #tpu.memory_space<vmem_shared>>) offsets(%dma_start3A_795 : memref<128xi32, #tpu.memory_space<vmem>>) semaphore(%arg50 : memref<!tpu.dma_semaphore, #tpu.memory_space<semaphore_mem>>) {add = true}
      %mul3A_799 = arith.constant 20 : i32
      %mul3A_800 = arith.muli %add3A_354, %mul3A_799 : i32
      %add3A_801 = arith.constant 0 : i32
      %add3A_802 = arith.addi %mul3A_800, %add3A_801 : i32
      %dma_start3A_803 = arith.constant 0 : i32
      %dma_start3A_804 = arith.constant 0 : i32
      %dma_start3A_805 = tpu.memref_slice %arg6[%add3A_802, %dma_start3A_803, %dma_start3A_804] : memref<80x2x128xi32, #tpu.memory_space<vmem>> -> memref<1x1x128xi32, #tpu.memory_space<vmem>>
      %dma_start3A_806 = tpu.memref_squeeze %dma_start3A_805 : memref<1x1x128xi32, #tpu.memory_space<vmem>> -> memref<128xi32, #tpu.memory_space<vmem>>
      %dma_start3A_807 = arith.constant 0 : i32
      %dma_start3A_808 = arith.constant 0 : i32
      %dma_start3A_809 = tpu.memref_slice %arg2[%dma_start3A_807, %dma_start3A_808] : memref<10000x16xf32, #tpu.memory_space<hbm>> -> memref<10000x16xf32, #tpu.memory_space<hbm>>
      tpu.enqueue_indirect_dma source(%dma_start3A_809 : memref<10000x16xf32, #tpu.memory_space<hbm>>) target(%arg27 : memref<128x16xf32, #tpu.memory_space<vmem>>) offsets(%dma_start3A_806 : memref<128xi32, #tpu.memory_space<vmem>>) semaphore(%arg49 : memref<!tpu.dma_semaphore, #tpu.memory_space<semaphore_mem>>)
      %mul3A_810 = arith.constant 20 : i32
      %mul3A_811 = arith.muli %add3A_354, %mul3A_810 : i32
      %add3A_812 = arith.constant 1 : i32
      %add3A_813 = arith.addi %mul3A_811, %add3A_812 : i32
      %dma_start3A_814 = arith.constant 0 : i32
      %dma_start3A_815 = arith.constant 0 : i32
      %dma_start3A_816 = tpu.memref_slice %arg6[%add3A_813, %dma_start3A_814, %dma_start3A_815] : memref<80x2x128xi32, #tpu.memory_space<vmem>> -> memref<1x1x128xi32, #tpu.memory_space<vmem>>
      %dma_start3A_817 = tpu.memref_squeeze %dma_start3A_816 : memref<1x1x128xi32, #tpu.memory_space<vmem>> -> memref<128xi32, #tpu.memory_space<vmem>>
      %dma_start3A_818 = arith.constant 0 : i32
      %dma_start3A_819 = arith.constant 0 : i32
      %dma_start3A_820 = tpu.memref_slice %arg2[%dma_start3A_818, %dma_start3A_819] : memref<10000x16xf32, #tpu.memory_space<hbm>> -> memref<10000x16xf32, #tpu.memory_space<hbm>>
      tpu.enqueue_indirect_dma source(%dma_start3A_820 : memref<10000x16xf32, #tpu.memory_space<hbm>>) target(%arg28 : memref<128x16xf32, #tpu.memory_space<vmem>>) offsets(%dma_start3A_817 : memref<128xi32, #tpu.memory_space<vmem>>) semaphore(%arg49 : memref<!tpu.dma_semaphore, #tpu.memory_space<semaphore_mem>>)
      %mul3A_821 = arith.constant 20 : i32
      %mul3A_822 = arith.muli %add3A_354, %mul3A_821 : i32
      %add3A_823 = arith.constant 2 : i32
      %add3A_824 = arith.addi %mul3A_822, %add3A_823 : i32
      %dma_start3A_825 = arith.constant 0 : i32
      %dma_start3A_826 = arith.constant 0 : i32
      %dma_start3A_827 = tpu.memref_slice %arg6[%add3A_824, %dma_start3A_825, %dma_start3A_826] : memref<80x2x128xi32, #tpu.memory_space<vmem>> -> memref<1x1x128xi32, #tpu.memory_space<vmem>>
      %dma_start3A_828 = tpu.memref_squeeze %dma_start3A_827 : memref<1x1x128xi32, #tpu.memory_space<vmem>> -> memref<128xi32, #tpu.memory_space<vmem>>
      %dma_start3A_829 = arith.constant 0 : i32
      %dma_start3A_830 = arith.constant 0 : i32
      %dma_start3A_831 = tpu.memref_slice %arg2[%dma_start3A_829, %dma_start3A_830] : memref<10000x16xf32, #tpu.memory_space<hbm>> -> memref<10000x16xf32, #tpu.memory_space<hbm>>
      tpu.enqueue_indirect_dma source(%dma_start3A_831 : memref<10000x16xf32, #tpu.memory_space<hbm>>) target(%arg29 : memref<128x16xf32, #tpu.memory_space<vmem>>) offsets(%dma_start3A_828 : memref<128xi32, #tpu.memory_space<vmem>>) semaphore(%arg49 : memref<!tpu.dma_semaphore, #tpu.memory_space<semaphore_mem>>)
      %mul3A_832 = arith.constant 20 : i32
      %mul3A_833 = arith.muli %add3A_354, %mul3A_832 : i32
      %add3A_834 = arith.constant 3 : i32
      %add3A_835 = arith.addi %mul3A_833, %add3A_834 : i32
      %dma_start3A_836 = arith.constant 0 : i32
      %dma_start3A_837 = arith.constant 0 : i32
      %dma_start3A_838 = tpu.memref_slice %arg6[%add3A_835, %dma_start3A_836, %dma_start3A_837] : memref<80x2x128xi32, #tpu.memory_space<vmem>> -> memref<1x1x128xi32, #tpu.memory_space<vmem>>
      %dma_start3A_839 = tpu.memref_squeeze %dma_start3A_838 : memref<1x1x128xi32, #tpu.memory_space<vmem>> -> memref<128xi32, #tpu.memory_space<vmem>>
      %dma_start3A_840 = arith.constant 0 : i32
      %dma_start3A_841 = arith.constant 0 : i32
      %dma_start3A_842 = tpu.memref_slice %arg2[%dma_start3A_840, %dma_start3A_841] : memref<10000x16xf32, #tpu.memory_space<hbm>> -> memref<10000x16xf32, #tpu.memory_space<hbm>>
      tpu.enqueue_indirect_dma source(%dma_start3A_842 : memref<10000x16xf32, #tpu.memory_space<hbm>>) target(%arg30 : memref<128x16xf32, #tpu.memory_space<vmem>>) offsets(%dma_start3A_839 : memref<128xi32, #tpu.memory_space<vmem>>) semaphore(%arg49 : memref<!tpu.dma_semaphore, #tpu.memory_space<semaphore_mem>>)
      %mul3A_843 = arith.constant 20 : i32
      %mul3A_844 = arith.muli %add3A_354, %mul3A_843 : i32
      %add3A_845 = arith.constant 4 : i32
      %add3A_846 = arith.addi %mul3A_844, %add3A_845 : i32
      %dma_start3A_847 = arith.constant 0 : i32
      %dma_start3A_848 = arith.constant 0 : i32
      %dma_start3A_849 = tpu.memref_slice %arg6[%add3A_846, %dma_start3A_847, %dma_start3A_848] : memref<80x2x128xi32, #tpu.memory_space<vmem>> -> memref<1x1x128xi32, #tpu.memory_space<vmem>>
      %dma_start3A_850 = tpu.memref_squeeze %dma_start3A_849 : memref<1x1x128xi32, #tpu.memory_space<vmem>> -> memref<128xi32, #tpu.memory_space<vmem>>
      %dma_start3A_851 = arith.constant 0 : i32
      %dma_start3A_852 = arith.constant 0 : i32
      %dma_start3A_853 = tpu.memref_slice %arg2[%dma_start3A_851, %dma_start3A_852] : memref<10000x16xf32, #tpu.memory_space<hbm>> -> memref<10000x16xf32, #tpu.memory_space<hbm>>
      tpu.enqueue_indirect_dma source(%dma_start3A_853 : memref<10000x16xf32, #tpu.memory_space<hbm>>) target(%arg31 : memref<128x16xf32, #tpu.memory_space<vmem>>) offsets(%dma_start3A_850 : memref<128xi32, #tpu.memory_space<vmem>>) semaphore(%arg49 : memref<!tpu.dma_semaphore, #tpu.memory_space<semaphore_mem>>)
      %mul3A_854 = arith.constant 20 : i32
      %mul3A_855 = arith.muli %add3A_354, %mul3A_854 : i32
      %add3A_856 = arith.constant 5 : i32
      %add3A_857 = arith.addi %mul3A_855, %add3A_856 : i32
      %dma_start3A_858 = arith.constant 0 : i32
      %dma_start3A_859 = arith.constant 0 : i32
      %dma_start3A_860 = tpu.memref_slice %arg6[%add3A_857, %dma_start3A_858, %dma_start3A_859] : memref<80x2x128xi32, #tpu.memory_space<vmem>> -> memref<1x1x128xi32, #tpu.memory_space<vmem>>
      %dma_start3A_861 = tpu.memref_squeeze %dma_start3A_860 : memref<1x1x128xi32, #tpu.memory_space<vmem>> -> memref<128xi32, #tpu.memory_space<vmem>>
      %dma_start3A_862 = arith.constant 0 : i32
      %dma_start3A_863 = arith.constant 0 : i32
      %dma_start3A_864 = tpu.memref_slice %arg2[%dma_start3A_862, %dma_start3A_863] : memref<10000x16xf32, #tpu.memory_space<hbm>> -> memref<10000x16xf32, #tpu.memory_space<hbm>>
      tpu.enqueue_indirect_dma source(%dma_start3A_864 : memref<10000x16xf32, #tpu.memory_space<hbm>>) target(%arg32 : memref<128x16xf32, #tpu.memory_space<vmem>>) offsets(%dma_start3A_861 : memref<128xi32, #tpu.memory_space<vmem>>) semaphore(%arg49 : memref<!tpu.dma_semaphore, #tpu.memory_space<semaphore_mem>>)
      %mul3A_865 = arith.constant 20 : i32
      %mul3A_866 = arith.muli %add3A_354, %mul3A_865 : i32
      %add3A_867 = arith.constant 6 : i32
      %add3A_868 = arith.addi %mul3A_866, %add3A_867 : i32
      %dma_start3A_869 = arith.constant 0 : i32
      %dma_start3A_870 = arith.constant 0 : i32
      %dma_start3A_871 = tpu.memref_slice %arg6[%add3A_868, %dma_start3A_869, %dma_start3A_870] : memref<80x2x128xi32, #tpu.memory_space<vmem>> -> memref<1x1x128xi32, #tpu.memory_space<vmem>>
      %dma_start3A_872 = tpu.memref_squeeze %dma_start3A_871 : memref<1x1x128xi32, #tpu.memory_space<vmem>> -> memref<128xi32, #tpu.memory_space<vmem>>
      %dma_start3A_873 = arith.constant 0 : i32
      %dma_start3A_874 = arith.constant 0 : i32
      %dma_start3A_875 = tpu.memref_slice %arg2[%dma_start3A_873, %dma_start3A_874] : memref<10000x16xf32, #tpu.memory_space<hbm>> -> memref<10000x16xf32, #tpu.memory_space<hbm>>
      tpu.enqueue_indirect_dma source(%dma_start3A_875 : memref<10000x16xf32, #tpu.memory_space<hbm>>) target(%arg33 : memref<128x16xf32, #tpu.memory_space<vmem>>) offsets(%dma_start3A_872 : memref<128xi32, #tpu.memory_space<vmem>>) semaphore(%arg49 : memref<!tpu.dma_semaphore, #tpu.memory_space<semaphore_mem>>)
      %mul3A_876 = arith.constant 20 : i32
      %mul3A_877 = arith.muli %add3A_354, %mul3A_876 : i32
      %add3A_878 = arith.constant 7 : i32
      %add3A_879 = arith.addi %mul3A_877, %add3A_878 : i32
      %dma_start3A_880 = arith.constant 0 : i32
      %dma_start3A_881 = arith.constant 0 : i32
      %dma_start3A_882 = tpu.memref_slice %arg6[%add3A_879, %dma_start3A_880, %dma_start3A_881] : memref<80x2x128xi32, #tpu.memory_space<vmem>> -> memref<1x1x128xi32, #tpu.memory_space<vmem>>
      %dma_start3A_883 = tpu.memref_squeeze %dma_start3A_882 : memref<1x1x128xi32, #tpu.memory_space<vmem>> -> memref<128xi32, #tpu.memory_space<vmem>>
      %dma_start3A_884 = arith.constant 0 : i32
      %dma_start3A_885 = arith.constant 0 : i32
      %dma_start3A_886 = tpu.memref_slice %arg2[%dma_start3A_884, %dma_start3A_885] : memref<10000x16xf32, #tpu.memory_space<hbm>> -> memref<10000x16xf32, #tpu.memory_space<hbm>>
      tpu.enqueue_indirect_dma source(%dma_start3A_886 : memref<10000x16xf32, #tpu.memory_space<hbm>>) target(%arg34 : memref<128x16xf32, #tpu.memory_space<vmem>>) offsets(%dma_start3A_883 : memref<128xi32, #tpu.memory_space<vmem>>) semaphore(%arg49 : memref<!tpu.dma_semaphore, #tpu.memory_space<semaphore_mem>>)
      %mul3A_887 = arith.constant 20 : i32
      %mul3A_888 = arith.muli %add3A_354, %mul3A_887 : i32
      %add3A_889 = arith.constant 8 : i32
      %add3A_890 = arith.addi %mul3A_888, %add3A_889 : i32
      %dma_start3A_891 = arith.constant 0 : i32
      %dma_start3A_892 = arith.constant 0 : i32
      %dma_start3A_893 = tpu.memref_slice %arg6[%add3A_890, %dma_start3A_891, %dma_start3A_892] : memref<80x2x128xi32, #tpu.memory_space<vmem>> -> memref<1x1x128xi32, #tpu.memory_space<vmem>>
      %dma_start3A_894 = tpu.memref_squeeze %dma_start3A_893 : memref<1x1x128xi32, #tpu.memory_space<vmem>> -> memref<128xi32, #tpu.memory_space<vmem>>
      %dma_start3A_895 = arith.constant 0 : i32
      %dma_start3A_896 = arith.constant 0 : i32
      %dma_start3A_897 = tpu.memref_slice %arg2[%dma_start3A_895, %dma_start3A_896] : memref<10000x16xf32, #tpu.memory_space<hbm>> -> memref<10000x16xf32, #tpu.memory_space<hbm>>
      tpu.enqueue_indirect_dma source(%dma_start3A_897 : memref<10000x16xf32, #tpu.memory_space<hbm>>) target(%arg35 : memref<128x16xf32, #tpu.memory_space<vmem>>) offsets(%dma_start3A_894 : memref<128xi32, #tpu.memory_space<vmem>>) semaphore(%arg49 : memref<!tpu.dma_semaphore, #tpu.memory_space<semaphore_mem>>)
      %mul3A_898 = arith.constant 20 : i32
      %mul3A_899 = arith.muli %add3A_354, %mul3A_898 : i32
      %add3A_900 = arith.constant 9 : i32
      %add3A_901 = arith.addi %mul3A_899, %add3A_900 : i32
      %dma_start3A_902 = arith.constant 0 : i32
      %dma_start3A_903 = arith.constant 0 : i32
      %dma_start3A_904 = tpu.memref_slice %arg6[%add3A_901, %dma_start3A_902, %dma_start3A_903] : memref<80x2x128xi32, #tpu.memory_space<vmem>> -> memref<1x1x128xi32, #tpu.memory_space<vmem>>
      %dma_start3A_905 = tpu.memref_squeeze %dma_start3A_904 : memref<1x1x128xi32, #tpu.memory_space<vmem>> -> memref<128xi32, #tpu.memory_space<vmem>>
      %dma_start3A_906 = arith.constant 0 : i32
      %dma_start3A_907 = arith.constant 0 : i32
      %dma_start3A_908 = tpu.memref_slice %arg2[%dma_start3A_906, %dma_start3A_907] : memref<10000x16xf32, #tpu.memory_space<hbm>> -> memref<10000x16xf32, #tpu.memory_space<hbm>>
      tpu.enqueue_indirect_dma source(%dma_start3A_908 : memref<10000x16xf32, #tpu.memory_space<hbm>>) target(%arg36 : memref<128x16xf32, #tpu.memory_space<vmem>>) offsets(%dma_start3A_905 : memref<128xi32, #tpu.memory_space<vmem>>) semaphore(%arg49 : memref<!tpu.dma_semaphore, #tpu.memory_space<semaphore_mem>>)
      %mul3A_909 = arith.constant 20 : i32
      %mul3A_910 = arith.muli %add3A_354, %mul3A_909 : i32
      %add3A_911 = arith.constant 10 : i32
      %add3A_912 = arith.addi %mul3A_910, %add3A_911 : i32
      %dma_start3A_913 = arith.constant 0 : i32
      %dma_start3A_914 = arith.constant 0 : i32
      %dma_start3A_915 = tpu.memref_slice %arg6[%add3A_912, %dma_start3A_913, %dma_start3A_914] : memref<80x2x128xi32, #tpu.memory_space<vmem>> -> memref<1x1x128xi32, #tpu.memory_space<vmem>>
      %dma_start3A_916 = tpu.memref_squeeze %dma_start3A_915 : memref<1x1x128xi32, #tpu.memory_space<vmem>> -> memref<128xi32, #tpu.memory_space<vmem>>
      %dma_start3A_917 = arith.constant 0 : i32
      %dma_start3A_918 = arith.constant 0 : i32
      %dma_start3A_919 = tpu.memref_slice %arg2[%dma_start3A_917, %dma_start3A_918] : memref<10000x16xf32, #tpu.memory_space<hbm>> -> memref<10000x16xf32, #tpu.memory_space<hbm>>
      tpu.enqueue_indirect_dma source(%dma_start3A_919 : memref<10000x16xf32, #tpu.memory_space<hbm>>) target(%arg37 : memref<128x16xf32, #tpu.memory_space<vmem>>) offsets(%dma_start3A_916 : memref<128xi32, #tpu.memory_space<vmem>>) semaphore(%arg49 : memref<!tpu.dma_semaphore, #tpu.memory_space<semaphore_mem>>)
      %mul3A_920 = arith.constant 20 : i32
      %mul3A_921 = arith.muli %add3A_354, %mul3A_920 : i32
      %add3A_922 = arith.constant 11 : i32
      %add3A_923 = arith.addi %mul3A_921, %add3A_922 : i32
      %dma_start3A_924 = arith.constant 0 : i32
      %dma_start3A_925 = arith.constant 0 : i32
      %dma_start3A_926 = tpu.memref_slice %arg6[%add3A_923, %dma_start3A_924, %dma_start3A_925] : memref<80x2x128xi32, #tpu.memory_space<vmem>> -> memref<1x1x128xi32, #tpu.memory_space<vmem>>
      %dma_start3A_927 = tpu.memref_squeeze %dma_start3A_926 : memref<1x1x128xi32, #tpu.memory_space<vmem>> -> memref<128xi32, #tpu.memory_space<vmem>>
      %dma_start3A_928 = arith.constant 0 : i32
      %dma_start3A_929 = arith.constant 0 : i32
      %dma_start3A_930 = tpu.memref_slice %arg2[%dma_start3A_928, %dma_start3A_929] : memref<10000x16xf32, #tpu.memory_space<hbm>> -> memref<10000x16xf32, #tpu.memory_space<hbm>>
      tpu.enqueue_indirect_dma source(%dma_start3A_930 : memref<10000x16xf32, #tpu.memory_space<hbm>>) target(%arg38 : memref<128x16xf32, #tpu.memory_space<vmem>>) offsets(%dma_start3A_927 : memref<128xi32, #tpu.memory_space<vmem>>) semaphore(%arg49 : memref<!tpu.dma_semaphore, #tpu.memory_space<semaphore_mem>>)
      %mul3A_931 = arith.constant 20 : i32
      %mul3A_932 = arith.muli %add3A_354, %mul3A_931 : i32
      %add3A_933 = arith.constant 12 : i32
      %add3A_934 = arith.addi %mul3A_932, %add3A_933 : i32
      %dma_start3A_935 = arith.constant 0 : i32
      %dma_start3A_936 = arith.constant 0 : i32
      %dma_start3A_937 = tpu.memref_slice %arg6[%add3A_934, %dma_start3A_935, %dma_start3A_936] : memref<80x2x128xi32, #tpu.memory_space<vmem>> -> memref<1x1x128xi32, #tpu.memory_space<vmem>>
      %dma_start3A_938 = tpu.memref_squeeze %dma_start3A_937 : memref<1x1x128xi32, #tpu.memory_space<vmem>> -> memref<128xi32, #tpu.memory_space<vmem>>
      %dma_start3A_939 = arith.constant 0 : i32
      %dma_start3A_940 = arith.constant 0 : i32
      %dma_start3A_941 = tpu.memref_slice %arg2[%dma_start3A_939, %dma_start3A_940] : memref<10000x16xf32, #tpu.memory_space<hbm>> -> memref<10000x16xf32, #tpu.memory_space<hbm>>
      tpu.enqueue_indirect_dma source(%dma_start3A_941 : memref<10000x16xf32, #tpu.memory_space<hbm>>) target(%arg39 : memref<128x16xf32, #tpu.memory_space<vmem>>) offsets(%dma_start3A_938 : memref<128xi32, #tpu.memory_space<vmem>>) semaphore(%arg49 : memref<!tpu.dma_semaphore, #tpu.memory_space<semaphore_mem>>)
      %mul3A_942 = arith.constant 20 : i32
      %mul3A_943 = arith.muli %add3A_354, %mul3A_942 : i32
      %add3A_944 = arith.constant 13 : i32
      %add3A_945 = arith.addi %mul3A_943, %add3A_944 : i32
      %dma_start3A_946 = arith.constant 0 : i32
      %dma_start3A_947 = arith.constant 0 : i32
      %dma_start3A_948 = tpu.memref_slice %arg6[%add3A_945, %dma_start3A_946, %dma_start3A_947] : memref<80x2x128xi32, #tpu.memory_space<vmem>> -> memref<1x1x128xi32, #tpu.memory_space<vmem>>
      %dma_start3A_949 = tpu.memref_squeeze %dma_start3A_948 : memref<1x1x128xi32, #tpu.memory_space<vmem>> -> memref<128xi32, #tpu.memory_space<vmem>>
      %dma_start3A_950 = arith.constant 0 : i32
      %dma_start3A_951 = arith.constant 0 : i32
      %dma_start3A_952 = tpu.memref_slice %arg2[%dma_start3A_950, %dma_start3A_951] : memref<10000x16xf32, #tpu.memory_space<hbm>> -> memref<10000x16xf32, #tpu.memory_space<hbm>>
      tpu.enqueue_indirect_dma source(%dma_start3A_952 : memref<10000x16xf32, #tpu.memory_space<hbm>>) target(%arg40 : memref<128x16xf32, #tpu.memory_space<vmem>>) offsets(%dma_start3A_949 : memref<128xi32, #tpu.memory_space<vmem>>) semaphore(%arg49 : memref<!tpu.dma_semaphore, #tpu.memory_space<semaphore_mem>>)
      %mul3A_953 = arith.constant 20 : i32
      %mul3A_954 = arith.muli %add3A_354, %mul3A_953 : i32
      %add3A_955 = arith.constant 14 : i32
      %add3A_956 = arith.addi %mul3A_954, %add3A_955 : i32
      %dma_start3A_957 = arith.constant 0 : i32
      %dma_start3A_958 = arith.constant 0 : i32
      %dma_start3A_959 = tpu.memref_slice %arg6[%add3A_956, %dma_start3A_957, %dma_start3A_958] : memref<80x2x128xi32, #tpu.memory_space<vmem>> -> memref<1x1x128xi32, #tpu.memory_space<vmem>>
      %dma_start3A_960 = tpu.memref_squeeze %dma_start3A_959 : memref<1x1x128xi32, #tpu.memory_space<vmem>> -> memref<128xi32, #tpu.memory_space<vmem>>
      %dma_start3A_961 = arith.constant 0 : i32
      %dma_start3A_962 = arith.constant 0 : i32
      %dma_start3A_963 = tpu.memref_slice %arg2[%dma_start3A_961, %dma_start3A_962] : memref<10000x16xf32, #tpu.memory_space<hbm>> -> memref<10000x16xf32, #tpu.memory_space<hbm>>
      tpu.enqueue_indirect_dma source(%dma_start3A_963 : memref<10000x16xf32, #tpu.memory_space<hbm>>) target(%arg41 : memref<128x16xf32, #tpu.memory_space<vmem>>) offsets(%dma_start3A_960 : memref<128xi32, #tpu.memory_space<vmem>>) semaphore(%arg49 : memref<!tpu.dma_semaphore, #tpu.memory_space<semaphore_mem>>)
      %mul3A_964 = arith.constant 20 : i32
      %mul3A_965 = arith.muli %add3A_354, %mul3A_964 : i32
      %add3A_966 = arith.constant 15 : i32
      %add3A_967 = arith.addi %mul3A_965, %add3A_966 : i32
      %dma_start3A_968 = arith.constant 0 : i32
      %dma_start3A_969 = arith.constant 0 : i32
      %dma_start3A_970 = tpu.memref_slice %arg6[%add3A_967, %dma_start3A_968, %dma_start3A_969] : memref<80x2x128xi32, #tpu.memory_space<vmem>> -> memref<1x1x128xi32, #tpu.memory_space<vmem>>
      %dma_start3A_971 = tpu.memref_squeeze %dma_start3A_970 : memref<1x1x128xi32, #tpu.memory_space<vmem>> -> memref<128xi32, #tpu.memory_space<vmem>>
      %dma_start3A_972 = arith.constant 0 : i32
      %dma_start3A_973 = arith.constant 0 : i32
      %dma_start3A_974 = tpu.memref_slice %arg2[%dma_start3A_972, %dma_start3A_973] : memref<10000x16xf32, #tpu.memory_space<hbm>> -> memref<10000x16xf32, #tpu.memory_space<hbm>>
      tpu.enqueue_indirect_dma source(%dma_start3A_974 : memref<10000x16xf32, #tpu.memory_space<hbm>>) target(%arg42 : memref<128x16xf32, #tpu.memory_space<vmem>>) offsets(%dma_start3A_971 : memref<128xi32, #tpu.memory_space<vmem>>) semaphore(%arg49 : memref<!tpu.dma_semaphore, #tpu.memory_space<semaphore_mem>>)
      %mul3A_975 = arith.constant 20 : i32
      %mul3A_976 = arith.muli %add3A_354, %mul3A_975 : i32
      %add3A_977 = arith.constant 16 : i32
      %add3A_978 = arith.addi %mul3A_976, %add3A_977 : i32
      %dma_start3A_979 = arith.constant 0 : i32
      %dma_start3A_980 = arith.constant 0 : i32
      %dma_start3A_981 = tpu.memref_slice %arg6[%add3A_978, %dma_start3A_979, %dma_start3A_980] : memref<80x2x128xi32, #tpu.memory_space<vmem>> -> memref<1x1x128xi32, #tpu.memory_space<vmem>>
      %dma_start3A_982 = tpu.memref_squeeze %dma_start3A_981 : memref<1x1x128xi32, #tpu.memory_space<vmem>> -> memref<128xi32, #tpu.memory_space<vmem>>
      %dma_start3A_983 = arith.constant 0 : i32
      %dma_start3A_984 = arith.constant 0 : i32
      %dma_start3A_985 = tpu.memref_slice %arg2[%dma_start3A_983, %dma_start3A_984] : memref<10000x16xf32, #tpu.memory_space<hbm>> -> memref<10000x16xf32, #tpu.memory_space<hbm>>
      tpu.enqueue_indirect_dma source(%dma_start3A_985 : memref<10000x16xf32, #tpu.memory_space<hbm>>) target(%arg43 : memref<128x16xf32, #tpu.memory_space<vmem>>) offsets(%dma_start3A_982 : memref<128xi32, #tpu.memory_space<vmem>>) semaphore(%arg49 : memref<!tpu.dma_semaphore, #tpu.memory_space<semaphore_mem>>)
      %mul3A_986 = arith.constant 20 : i32
      %mul3A_987 = arith.muli %add3A_354, %mul3A_986 : i32
      %add3A_988 = arith.constant 17 : i32
      %add3A_989 = arith.addi %mul3A_987, %add3A_988 : i32
      %dma_start3A_990 = arith.constant 0 : i32
      %dma_start3A_991 = arith.constant 0 : i32
      %dma_start3A_992 = tpu.memref_slice %arg6[%add3A_989, %dma_start3A_990, %dma_start3A_991] : memref<80x2x128xi32, #tpu.memory_space<vmem>> -> memref<1x1x128xi32, #tpu.memory_space<vmem>>
      %dma_start3A_993 = tpu.memref_squeeze %dma_start3A_992 : memref<1x1x128xi32, #tpu.memory_space<vmem>> -> memref<128xi32, #tpu.memory_space<vmem>>
      %dma_start3A_994 = arith.constant 0 : i32
      %dma_start3A_995 = arith.constant 0 : i32
      %dma_start3A_996 = tpu.memref_slice %arg2[%dma_start3A_994, %dma_start3A_995] : memref<10000x16xf32, #tpu.memory_space<hbm>> -> memref<10000x16xf32, #tpu.memory_space<hbm>>
      tpu.enqueue_indirect_dma source(%dma_start3A_996 : memref<10000x16xf32, #tpu.memory_space<hbm>>) target(%arg44 : memref<128x16xf32, #tpu.memory_space<vmem>>) offsets(%dma_start3A_993 : memref<128xi32, #tpu.memory_space<vmem>>) semaphore(%arg49 : memref<!tpu.dma_semaphore, #tpu.memory_space<semaphore_mem>>)
      %mul3A_997 = arith.constant 20 : i32
      %mul3A_998 = arith.muli %add3A_354, %mul3A_997 : i32
      %add3A_999 = arith.constant 18 : i32
      %add3A_1000 = arith.addi %mul3A_998, %add3A_999 : i32
      %dma_start3A_1001 = arith.constant 0 : i32
      %dma_start3A_1002 = arith.constant 0 : i32
      %dma_start3A_1003 = tpu.memref_slice %arg6[%add3A_1000, %dma_start3A_1001, %dma_start3A_1002] : memref<80x2x128xi32, #tpu.memory_space<vmem>> -> memref<1x1x128xi32, #tpu.memory_space<vmem>>
      %dma_start3A_1004 = tpu.memref_squeeze %dma_start3A_1003 : memref<1x1x128xi32, #tpu.memory_space<vmem>> -> memref<128xi32, #tpu.memory_space<vmem>>
      %dma_start3A_1005 = arith.constant 0 : i32
      %dma_start3A_1006 = arith.constant 0 : i32
      %dma_start3A_1007 = tpu.memref_slice %arg2[%dma_start3A_1005, %dma_start3A_1006] : memref<10000x16xf32, #tpu.memory_space<hbm>> -> memref<10000x16xf32, #tpu.memory_space<hbm>>
      tpu.enqueue_indirect_dma source(%dma_start3A_1007 : memref<10000x16xf32, #tpu.memory_space<hbm>>) target(%arg45 : memref<128x16xf32, #tpu.memory_space<vmem>>) offsets(%dma_start3A_1004 : memref<128xi32, #tpu.memory_space<vmem>>) semaphore(%arg49 : memref<!tpu.dma_semaphore, #tpu.memory_space<semaphore_mem>>)
      %mul3A_1008 = arith.constant 20 : i32
      %mul3A_1009 = arith.muli %add3A_354, %mul3A_1008 : i32
      %add3A_1010 = arith.constant 19 : i32
      %add3A_1011 = arith.addi %mul3A_1009, %add3A_1010 : i32
      %dma_start3A_1012 = arith.constant 0 : i32
      %dma_start3A_1013 = arith.constant 0 : i32
      %dma_start3A_1014 = tpu.memref_slice %arg6[%add3A_1011, %dma_start3A_1012, %dma_start3A_1013] : memref<80x2x128xi32, #tpu.memory_space<vmem>> -> memref<1x1x128xi32, #tpu.memory_space<vmem>>
      %dma_start3A_1015 = tpu.memref_squeeze %dma_start3A_1014 : memref<1x1x128xi32, #tpu.memory_space<vmem>> -> memref<128xi32, #tpu.memory_space<vmem>>
      %dma_start3A_1016 = arith.constant 0 : i32
      %dma_start3A_1017 = arith.constant 0 : i32
      %dma_start3A_1018 = tpu.memref_slice %arg2[%dma_start3A_1016, %dma_start3A_1017] : memref<10000x16xf32, #tpu.memory_space<hbm>> -> memref<10000x16xf32, #tpu.memory_space<hbm>>
      tpu.enqueue_indirect_dma source(%dma_start3A_1018 : memref<10000x16xf32, #tpu.memory_space<hbm>>) target(%arg46 : memref<128x16xf32, #tpu.memory_space<vmem>>) offsets(%dma_start3A_1015 : memref<128xi32, #tpu.memory_space<vmem>>) semaphore(%arg49 : memref<!tpu.dma_semaphore, #tpu.memory_space<semaphore_mem>>)
      %mul3A_1019 = arith.constant 20 : i32
      %mul3A_1020 = arith.muli %add3A_354, %mul3A_1019 : i32
      %add3A_1021 = arith.constant 0 : i32
      %add3A_1022 = arith.addi %mul3A_1020, %add3A_1021 : i32
      %dma_wait3A_1023 = arith.constant 0 : i32
      %dma_wait3A_1024 = arith.constant 0 : i32
      %dma_wait3A_1025 = tpu.memref_slice %arg6[%add3A_1022, %dma_wait3A_1023, %dma_wait3A_1024] : memref<80x2x128xi32, #tpu.memory_space<vmem>> -> memref<1x1x128xi32, #tpu.memory_space<vmem>>
      %dma_wait3A_1026 = tpu.memref_squeeze %dma_wait3A_1025 : memref<1x1x128xi32, #tpu.memory_space<vmem>> -> memref<128xi32, #tpu.memory_space<vmem>>
      %dma_wait3A_1027 = arith.constant 0 : i32
      %dma_wait3A_1028 = arith.constant 0 : i32
      %dma_wait3A_1029 = tpu.memref_slice %arg2[%dma_wait3A_1027, %dma_wait3A_1028] : memref<10000x16xf32, #tpu.memory_space<hbm>> -> memref<10000x16xf32, #tpu.memory_space<hbm>>
      tpu.wait_indirect_dma semaphore(%arg49 : memref<!tpu.dma_semaphore, #tpu.memory_space<semaphore_mem>>) src(%dma_wait3A_1029 : memref<10000x16xf32, #tpu.memory_space<hbm>>) dst(%arg27 : memref<128x16xf32, #tpu.memory_space<vmem>>)
      %mul3A_1030 = arith.constant 20 : i32
      %mul3A_1031 = arith.muli %add3A_354, %mul3A_1030 : i32
      %add3A_1032 = arith.constant 1 : i32
      %add3A_1033 = arith.addi %mul3A_1031, %add3A_1032 : i32
      %dma_wait3A_1034 = arith.constant 0 : i32
      %dma_wait3A_1035 = arith.constant 0 : i32
      %dma_wait3A_1036 = tpu.memref_slice %arg6[%add3A_1033, %dma_wait3A_1034, %dma_wait3A_1035] : memref<80x2x128xi32, #tpu.memory_space<vmem>> -> memref<1x1x128xi32, #tpu.memory_space<vmem>>
      %dma_wait3A_1037 = tpu.memref_squeeze %dma_wait3A_1036 : memref<1x1x128xi32, #tpu.memory_space<vmem>> -> memref<128xi32, #tpu.memory_space<vmem>>
      %dma_wait3A_1038 = arith.constant 0 : i32
      %dma_wait3A_1039 = arith.constant 0 : i32
      %dma_wait3A_1040 = tpu.memref_slice %arg2[%dma_wait3A_1038, %dma_wait3A_1039] : memref<10000x16xf32, #tpu.memory_space<hbm>> -> memref<10000x16xf32, #tpu.memory_space<hbm>>
      tpu.wait_indirect_dma semaphore(%arg49 : memref<!tpu.dma_semaphore, #tpu.memory_space<semaphore_mem>>) src(%dma_wait3A_1040 : memref<10000x16xf32, #tpu.memory_space<hbm>>) dst(%arg28 : memref<128x16xf32, #tpu.memory_space<vmem>>)
      %mul3A_1041 = arith.constant 20 : i32
      %mul3A_1042 = arith.muli %add3A_354, %mul3A_1041 : i32
      %add3A_1043 = arith.constant 2 : i32
      %add3A_1044 = arith.addi %mul3A_1042, %add3A_1043 : i32
      %dma_wait3A_1045 = arith.constant 0 : i32
      %dma_wait3A_1046 = arith.constant 0 : i32
      %dma_wait3A_1047 = tpu.memref_slice %arg6[%add3A_1044, %dma_wait3A_1045, %dma_wait3A_1046] : memref<80x2x128xi32, #tpu.memory_space<vmem>> -> memref<1x1x128xi32, #tpu.memory_space<vmem>>
      %dma_wait3A_1048 = tpu.memref_squeeze %dma_wait3A_1047 : memref<1x1x128xi32, #tpu.memory_space<vmem>> -> memref<128xi32, #tpu.memory_space<vmem>>
      %dma_wait3A_1049 = arith.constant 0 : i32
      %dma_wait3A_1050 = arith.constant 0 : i32
      %dma_wait3A_1051 = tpu.memref_slice %arg2[%dma_wait3A_1049, %dma_wait3A_1050] : memref<10000x16xf32, #tpu.memory_space<hbm>> -> memref<10000x16xf32, #tpu.memory_space<hbm>>
      tpu.wait_indirect_dma semaphore(%arg49 : memref<!tpu.dma_semaphore, #tpu.memory_space<semaphore_mem>>) src(%dma_wait3A_1051 : memref<10000x16xf32, #tpu.memory_space<hbm>>) dst(%arg29 : memref<128x16xf32, #tpu.memory_space<vmem>>)
      %mul3A_1052 = arith.constant 20 : i32
      %mul3A_1053 = arith.muli %add3A_354, %mul3A_1052 : i32
      %add3A_1054 = arith.constant 3 : i32
      %add3A_1055 = arith.addi %mul3A_1053, %add3A_1054 : i32
      %dma_wait3A_1056 = arith.constant 0 : i32
      %dma_wait3A_1057 = arith.constant 0 : i32
      %dma_wait3A_1058 = tpu.memref_slice %arg6[%add3A_1055, %dma_wait3A_1056, %dma_wait3A_1057] : memref<80x2x128xi32, #tpu.memory_space<vmem>> -> memref<1x1x128xi32, #tpu.memory_space<vmem>>
      %dma_wait3A_1059 = tpu.memref_squeeze %dma_wait3A_1058 : memref<1x1x128xi32, #tpu.memory_space<vmem>> -> memref<128xi32, #tpu.memory_space<vmem>>
      %dma_wait3A_1060 = arith.constant 0 : i32
      %dma_wait3A_1061 = arith.constant 0 : i32
      %dma_wait3A_1062 = tpu.memref_slice %arg2[%dma_wait3A_1060, %dma_wait3A_1061] : memref<10000x16xf32, #tpu.memory_space<hbm>> -> memref<10000x16xf32, #tpu.memory_space<hbm>>
      tpu.wait_indirect_dma semaphore(%arg49 : memref<!tpu.dma_semaphore, #tpu.memory_space<semaphore_mem>>) src(%dma_wait3A_1062 : memref<10000x16xf32, #tpu.memory_space<hbm>>) dst(%arg30 : memref<128x16xf32, #tpu.memory_space<vmem>>)
      %mul3A_1063 = arith.constant 20 : i32
      %mul3A_1064 = arith.muli %add3A_354, %mul3A_1063 : i32
      %add3A_1065 = arith.constant 4 : i32
      %add3A_1066 = arith.addi %mul3A_1064, %add3A_1065 : i32
      %dma_wait3A_1067 = arith.constant 0 : i32
      %dma_wait3A_1068 = arith.constant 0 : i32
      %dma_wait3A_1069 = tpu.memref_slice %arg6[%add3A_1066, %dma_wait3A_1067, %dma_wait3A_1068] : memref<80x2x128xi32, #tpu.memory_space<vmem>> -> memref<1x1x128xi32, #tpu.memory_space<vmem>>
      %dma_wait3A_1070 = tpu.memref_squeeze %dma_wait3A_1069 : memref<1x1x128xi32, #tpu.memory_space<vmem>> -> memref<128xi32, #tpu.memory_space<vmem>>
      %dma_wait3A_1071 = arith.constant 0 : i32
      %dma_wait3A_1072 = arith.constant 0 : i32
      %dma_wait3A_1073 = tpu.memref_slice %arg2[%dma_wait3A_1071, %dma_wait3A_1072] : memref<10000x16xf32, #tpu.memory_space<hbm>> -> memref<10000x16xf32, #tpu.memory_space<hbm>>
      tpu.wait_indirect_dma semaphore(%arg49 : memref<!tpu.dma_semaphore, #tpu.memory_space<semaphore_mem>>) src(%dma_wait3A_1073 : memref<10000x16xf32, #tpu.memory_space<hbm>>) dst(%arg31 : memref<128x16xf32, #tpu.memory_space<vmem>>)
      %mul3A_1074 = arith.constant 20 : i32
      %mul3A_1075 = arith.muli %add3A_354, %mul3A_1074 : i32
      %add3A_1076 = arith.constant 5 : i32
      %add3A_1077 = arith.addi %mul3A_1075, %add3A_1076 : i32
      %dma_wait3A_1078 = arith.constant 0 : i32
      %dma_wait3A_1079 = arith.constant 0 : i32
      %dma_wait3A_1080 = tpu.memref_slice %arg6[%add3A_1077, %dma_wait3A_1078, %dma_wait3A_1079] : memref<80x2x128xi32, #tpu.memory_space<vmem>> -> memref<1x1x128xi32, #tpu.memory_space<vmem>>
      %dma_wait3A_1081 = tpu.memref_squeeze %dma_wait3A_1080 : memref<1x1x128xi32, #tpu.memory_space<vmem>> -> memref<128xi32, #tpu.memory_space<vmem>>
      %dma_wait3A_1082 = arith.constant 0 : i32
      %dma_wait3A_1083 = arith.constant 0 : i32
      %dma_wait3A_1084 = tpu.memref_slice %arg2[%dma_wait3A_1082, %dma_wait3A_1083] : memref<10000x16xf32, #tpu.memory_space<hbm>> -> memref<10000x16xf32, #tpu.memory_space<hbm>>
      tpu.wait_indirect_dma semaphore(%arg49 : memref<!tpu.dma_semaphore, #tpu.memory_space<semaphore_mem>>) src(%dma_wait3A_1084 : memref<10000x16xf32, #tpu.memory_space<hbm>>) dst(%arg32 : memref<128x16xf32, #tpu.memory_space<vmem>>)
      %mul3A_1085 = arith.constant 20 : i32
      %mul3A_1086 = arith.muli %add3A_354, %mul3A_1085 : i32
      %add3A_1087 = arith.constant 6 : i32
      %add3A_1088 = arith.addi %mul3A_1086, %add3A_1087 : i32
      %dma_wait3A_1089 = arith.constant 0 : i32
      %dma_wait3A_1090 = arith.constant 0 : i32
      %dma_wait3A_1091 = tpu.memref_slice %arg6[%add3A_1088, %dma_wait3A_1089, %dma_wait3A_1090] : memref<80x2x128xi32, #tpu.memory_space<vmem>> -> memref<1x1x128xi32, #tpu.memory_space<vmem>>
      %dma_wait3A_1092 = tpu.memref_squeeze %dma_wait3A_1091 : memref<1x1x128xi32, #tpu.memory_space<vmem>> -> memref<128xi32, #tpu.memory_space<vmem>>
      %dma_wait3A_1093 = arith.constant 0 : i32
      %dma_wait3A_1094 = arith.constant 0 : i32
      %dma_wait3A_1095 = tpu.memref_slice %arg2[%dma_wait3A_1093, %dma_wait3A_1094] : memref<10000x16xf32, #tpu.memory_space<hbm>> -> memref<10000x16xf32, #tpu.memory_space<hbm>>
      tpu.wait_indirect_dma semaphore(%arg49 : memref<!tpu.dma_semaphore, #tpu.memory_space<semaphore_mem>>) src(%dma_wait3A_1095 : memref<10000x16xf32, #tpu.memory_space<hbm>>) dst(%arg33 : memref<128x16xf32, #tpu.memory_space<vmem>>)
      %mul3A_1096 = arith.constant 20 : i32
      %mul3A_1097 = arith.muli %add3A_354, %mul3A_1096 : i32
      %add3A_1098 = arith.constant 7 : i32
      %add3A_1099 = arith.addi %mul3A_1097, %add3A_1098 : i32
      %dma_wait3A_1100 = arith.constant 0 : i32
      %dma_wait3A_1101 = arith.constant 0 : i32
      %dma_wait3A_1102 = tpu.memref_slice %arg6[%add3A_1099, %dma_wait3A_1100, %dma_wait3A_1101] : memref<80x2x128xi32, #tpu.memory_space<vmem>> -> memref<1x1x128xi32, #tpu.memory_space<vmem>>
      %dma_wait3A_1103 = tpu.memref_squeeze %dma_wait3A_1102 : memref<1x1x128xi32, #tpu.memory_space<vmem>> -> memref<128xi32, #tpu.memory_space<vmem>>
      %dma_wait3A_1104 = arith.constant 0 : i32
      %dma_wait3A_1105 = arith.constant 0 : i32
      %dma_wait3A_1106 = tpu.memref_slice %arg2[%dma_wait3A_1104, %dma_wait3A_1105] : memref<10000x16xf32, #tpu.memory_space<hbm>> -> memref<10000x16xf32, #tpu.memory_space<hbm>>
      tpu.wait_indirect_dma semaphore(%arg49 : memref<!tpu.dma_semaphore, #tpu.memory_space<semaphore_mem>>) src(%dma_wait3A_1106 : memref<10000x16xf32, #tpu.memory_space<hbm>>) dst(%arg34 : memref<128x16xf32, #tpu.memory_space<vmem>>)
      %mul3A_1107 = arith.constant 20 : i32
      %mul3A_1108 = arith.muli %add3A_354, %mul3A_1107 : i32
      %add3A_1109 = arith.constant 8 : i32
      %add3A_1110 = arith.addi %mul3A_1108, %add3A_1109 : i32
      %dma_wait3A_1111 = arith.constant 0 : i32
      %dma_wait3A_1112 = arith.constant 0 : i32
      %dma_wait3A_1113 = tpu.memref_slice %arg6[%add3A_1110, %dma_wait3A_1111, %dma_wait3A_1112] : memref<80x2x128xi32, #tpu.memory_space<vmem>> -> memref<1x1x128xi32, #tpu.memory_space<vmem>>
      %dma_wait3A_1114 = tpu.memref_squeeze %dma_wait3A_1113 : memref<1x1x128xi32, #tpu.memory_space<vmem>> -> memref<128xi32, #tpu.memory_space<vmem>>
      %dma_wait3A_1115 = arith.constant 0 : i32
      %dma_wait3A_1116 = arith.constant 0 : i32
      %dma_wait3A_1117 = tpu.memref_slice %arg2[%dma_wait3A_1115, %dma_wait3A_1116] : memref<10000x16xf32, #tpu.memory_space<hbm>> -> memref<10000x16xf32, #tpu.memory_space<hbm>>
      tpu.wait_indirect_dma semaphore(%arg49 : memref<!tpu.dma_semaphore, #tpu.memory_space<semaphore_mem>>) src(%dma_wait3A_1117 : memref<10000x16xf32, #tpu.memory_space<hbm>>) dst(%arg35 : memref<128x16xf32, #tpu.memory_space<vmem>>)
      %mul3A_1118 = arith.constant 20 : i32
      %mul3A_1119 = arith.muli %add3A_354, %mul3A_1118 : i32
      %add3A_1120 = arith.constant 9 : i32
      %add3A_1121 = arith.addi %mul3A_1119, %add3A_1120 : i32
      %dma_wait3A_1122 = arith.constant 0 : i32
      %dma_wait3A_1123 = arith.constant 0 : i32
      %dma_wait3A_1124 = tpu.memref_slice %arg6[%add3A_1121, %dma_wait3A_1122, %dma_wait3A_1123] : memref<80x2x128xi32, #tpu.memory_space<vmem>> -> memref<1x1x128xi32, #tpu.memory_space<vmem>>
      %dma_wait3A_1125 = tpu.memref_squeeze %dma_wait3A_1124 : memref<1x1x128xi32, #tpu.memory_space<vmem>> -> memref<128xi32, #tpu.memory_space<vmem>>
      %dma_wait3A_1126 = arith.constant 0 : i32
      %dma_wait3A_1127 = arith.constant 0 : i32
      %dma_wait3A_1128 = tpu.memref_slice %arg2[%dma_wait3A_1126, %dma_wait3A_1127] : memref<10000x16xf32, #tpu.memory_space<hbm>> -> memref<10000x16xf32, #tpu.memory_space<hbm>>
      tpu.wait_indirect_dma semaphore(%arg49 : memref<!tpu.dma_semaphore, #tpu.memory_space<semaphore_mem>>) src(%dma_wait3A_1128 : memref<10000x16xf32, #tpu.memory_space<hbm>>) dst(%arg36 : memref<128x16xf32, #tpu.memory_space<vmem>>)
      %mul3A_1129 = arith.constant 20 : i32
      %mul3A_1130 = arith.muli %add3A_354, %mul3A_1129 : i32
      %add3A_1131 = arith.constant 10 : i32
      %add3A_1132 = arith.addi %mul3A_1130, %add3A_1131 : i32
      %dma_wait3A_1133 = arith.constant 0 : i32
      %dma_wait3A_1134 = arith.constant 0 : i32
      %dma_wait3A_1135 = tpu.memref_slice %arg6[%add3A_1132, %dma_wait3A_1133, %dma_wait3A_1134] : memref<80x2x128xi32, #tpu.memory_space<vmem>> -> memref<1x1x128xi32, #tpu.memory_space<vmem>>
      %dma_wait3A_1136 = tpu.memref_squeeze %dma_wait3A_1135 : memref<1x1x128xi32, #tpu.memory_space<vmem>> -> memref<128xi32, #tpu.memory_space<vmem>>
      %dma_wait3A_1137 = arith.constant 0 : i32
      %dma_wait3A_1138 = arith.constant 0 : i32
      %dma_wait3A_1139 = tpu.memref_slice %arg2[%dma_wait3A_1137, %dma_wait3A_1138] : memref<10000x16xf32, #tpu.memory_space<hbm>> -> memref<10000x16xf32, #tpu.memory_space<hbm>>
      tpu.wait_indirect_dma semaphore(%arg49 : memref<!tpu.dma_semaphore, #tpu.memory_space<semaphore_mem>>) src(%dma_wait3A_1139 : memref<10000x16xf32, #tpu.memory_space<hbm>>) dst(%arg37 : memref<128x16xf32, #tpu.memory_space<vmem>>)
      %mul3A_1140 = arith.constant 20 : i32
      %mul3A_1141 = arith.muli %add3A_354, %mul3A_1140 : i32
      %add3A_1142 = arith.constant 11 : i32
      %add3A_1143 = arith.addi %mul3A_1141, %add3A_1142 : i32
      %dma_wait3A_1144 = arith.constant 0 : i32
      %dma_wait3A_1145 = arith.constant 0 : i32
      %dma_wait3A_1146 = tpu.memref_slice %arg6[%add3A_1143, %dma_wait3A_1144, %dma_wait3A_1145] : memref<80x2x128xi32, #tpu.memory_space<vmem>> -> memref<1x1x128xi32, #tpu.memory_space<vmem>>
      %dma_wait3A_1147 = tpu.memref_squeeze %dma_wait3A_1146 : memref<1x1x128xi32, #tpu.memory_space<vmem>> -> memref<128xi32, #tpu.memory_space<vmem>>
      %dma_wait3A_1148 = arith.constant 0 : i32
      %dma_wait3A_1149 = arith.constant 0 : i32
      %dma_wait3A_1150 = tpu.memref_slice %arg2[%dma_wait3A_1148, %dma_wait3A_1149] : memref<10000x16xf32, #tpu.memory_space<hbm>> -> memref<10000x16xf32, #tpu.memory_space<hbm>>
      tpu.wait_indirect_dma semaphore(%arg49 : memref<!tpu.dma_semaphore, #tpu.memory_space<semaphore_mem>>) src(%dma_wait3A_1150 : memref<10000x16xf32, #tpu.memory_space<hbm>>) dst(%arg38 : memref<128x16xf32, #tpu.memory_space<vmem>>)
      %mul3A_1151 = arith.constant 20 : i32
      %mul3A_1152 = arith.muli %add3A_354, %mul3A_1151 : i32
      %add3A_1153 = arith.constant 12 : i32
      %add3A_1154 = arith.addi %mul3A_1152, %add3A_1153 : i32
      %dma_wait3A_1155 = arith.constant 0 : i32
      %dma_wait3A_1156 = arith.constant 0 : i32
      %dma_wait3A_1157 = tpu.memref_slice %arg6[%add3A_1154, %dma_wait3A_1155, %dma_wait3A_1156] : memref<80x2x128xi32, #tpu.memory_space<vmem>> -> memref<1x1x128xi32, #tpu.memory_space<vmem>>
      %dma_wait3A_1158 = tpu.memref_squeeze %dma_wait3A_1157 : memref<1x1x128xi32, #tpu.memory_space<vmem>> -> memref<128xi32, #tpu.memory_space<vmem>>
      %dma_wait3A_1159 = arith.constant 0 : i32
      %dma_wait3A_1160 = arith.constant 0 : i32
      %dma_wait3A_1161 = tpu.memref_slice %arg2[%dma_wait3A_1159, %dma_wait3A_1160] : memref<10000x16xf32, #tpu.memory_space<hbm>> -> memref<10000x16xf32, #tpu.memory_space<hbm>>
      tpu.wait_indirect_dma semaphore(%arg49 : memref<!tpu.dma_semaphore, #tpu.memory_space<semaphore_mem>>) src(%dma_wait3A_1161 : memref<10000x16xf32, #tpu.memory_space<hbm>>) dst(%arg39 : memref<128x16xf32, #tpu.memory_space<vmem>>)
      %mul3A_1162 = arith.constant 20 : i32
      %mul3A_1163 = arith.muli %add3A_354, %mul3A_1162 : i32
      %add3A_1164 = arith.constant 13 : i32
      %add3A_1165 = arith.addi %mul3A_1163, %add3A_1164 : i32
      %dma_wait3A_1166 = arith.constant 0 : i32
      %dma_wait3A_1167 = arith.constant 0 : i32
      %dma_wait3A_1168 = tpu.memref_slice %arg6[%add3A_1165, %dma_wait3A_1166, %dma_wait3A_1167] : memref<80x2x128xi32, #tpu.memory_space<vmem>> -> memref<1x1x128xi32, #tpu.memory_space<vmem>>
      %dma_wait3A_1169 = tpu.memref_squeeze %dma_wait3A_1168 : memref<1x1x128xi32, #tpu.memory_space<vmem>> -> memref<128xi32, #tpu.memory_space<vmem>>
      %dma_wait3A_1170 = arith.constant 0 : i32
      %dma_wait3A_1171 = arith.constant 0 : i32
      %dma_wait3A_1172 = tpu.memref_slice %arg2[%dma_wait3A_1170, %dma_wait3A_1171] : memref<10000x16xf32, #tpu.memory_space<hbm>> -> memref<10000x16xf32, #tpu.memory_space<hbm>>
      tpu.wait_indirect_dma semaphore(%arg49 : memref<!tpu.dma_semaphore, #tpu.memory_space<semaphore_mem>>) src(%dma_wait3A_1172 : memref<10000x16xf32, #tpu.memory_space<hbm>>) dst(%arg40 : memref<128x16xf32, #tpu.memory_space<vmem>>)
      %mul3A_1173 = arith.constant 20 : i32
      %mul3A_1174 = arith.muli %add3A_354, %mul3A_1173 : i32
      %add3A_1175 = arith.constant 14 : i32
      %add3A_1176 = arith.addi %mul3A_1174, %add3A_1175 : i32
      %dma_wait3A_1177 = arith.constant 0 : i32
      %dma_wait3A_1178 = arith.constant 0 : i32
      %dma_wait3A_1179 = tpu.memref_slice %arg6[%add3A_1176, %dma_wait3A_1177, %dma_wait3A_1178] : memref<80x2x128xi32, #tpu.memory_space<vmem>> -> memref<1x1x128xi32, #tpu.memory_space<vmem>>
      %dma_wait3A_1180 = tpu.memref_squeeze %dma_wait3A_1179 : memref<1x1x128xi32, #tpu.memory_space<vmem>> -> memref<128xi32, #tpu.memory_space<vmem>>
      %dma_wait3A_1181 = arith.constant 0 : i32
      %dma_wait3A_1182 = arith.constant 0 : i32
      %dma_wait3A_1183 = tpu.memref_slice %arg2[%dma_wait3A_1181, %dma_wait3A_1182] : memref<10000x16xf32, #tpu.memory_space<hbm>> -> memref<10000x16xf32, #tpu.memory_space<hbm>>
      tpu.wait_indirect_dma semaphore(%arg49 : memref<!tpu.dma_semaphore, #tpu.memory_space<semaphore_mem>>) src(%dma_wait3A_1183 : memref<10000x16xf32, #tpu.memory_space<hbm>>) dst(%arg41 : memref<128x16xf32, #tpu.memory_space<vmem>>)
      %mul3A_1184 = arith.constant 20 : i32
      %mul3A_1185 = arith.muli %add3A_354, %mul3A_1184 : i32
      %add3A_1186 = arith.constant 15 : i32
      %add3A_1187 = arith.addi %mul3A_1185, %add3A_1186 : i32
      %dma_wait3A_1188 = arith.constant 0 : i32
      %dma_wait3A_1189 = arith.constant 0 : i32
      %dma_wait3A_1190 = tpu.memref_slice %arg6[%add3A_1187, %dma_wait3A_1188, %dma_wait3A_1189] : memref<80x2x128xi32, #tpu.memory_space<vmem>> -> memref<1x1x128xi32, #tpu.memory_space<vmem>>
      %dma_wait3A_1191 = tpu.memref_squeeze %dma_wait3A_1190 : memref<1x1x128xi32, #tpu.memory_space<vmem>> -> memref<128xi32, #tpu.memory_space<vmem>>
      %dma_wait3A_1192 = arith.constant 0 : i32
      %dma_wait3A_1193 = arith.constant 0 : i32
      %dma_wait3A_1194 = tpu.memref_slice %arg2[%dma_wait3A_1192, %dma_wait3A_1193] : memref<10000x16xf32, #tpu.memory_space<hbm>> -> memref<10000x16xf32, #tpu.memory_space<hbm>>
      tpu.wait_indirect_dma semaphore(%arg49 : memref<!tpu.dma_semaphore, #tpu.memory_space<semaphore_mem>>) src(%dma_wait3A_1194 : memref<10000x16xf32, #tpu.memory_space<hbm>>) dst(%arg42 : memref<128x16xf32, #tpu.memory_space<vmem>>)
      %mul3A_1195 = arith.constant 20 : i32
      %mul3A_1196 = arith.muli %add3A_354, %mul3A_1195 : i32
      %add3A_1197 = arith.constant 16 : i32
      %add3A_1198 = arith.addi %mul3A_1196, %add3A_1197 : i32
      %dma_wait3A_1199 = arith.constant 0 : i32
      %dma_wait3A_1200 = arith.constant 0 : i32
      %dma_wait3A_1201 = tpu.memref_slice %arg6[%add3A_1198, %dma_wait3A_1199, %dma_wait3A_1200] : memref<80x2x128xi32, #tpu.memory_space<vmem>> -> memref<1x1x128xi32, #tpu.memory_space<vmem>>
      %dma_wait3A_1202 = tpu.memref_squeeze %dma_wait3A_1201 : memref<1x1x128xi32, #tpu.memory_space<vmem>> -> memref<128xi32, #tpu.memory_space<vmem>>
      %dma_wait3A_1203 = arith.constant 0 : i32
      %dma_wait3A_1204 = arith.constant 0 : i32
      %dma_wait3A_1205 = tpu.memref_slice %arg2[%dma_wait3A_1203, %dma_wait3A_1204] : memref<10000x16xf32, #tpu.memory_space<hbm>> -> memref<10000x16xf32, #tpu.memory_space<hbm>>
      tpu.wait_indirect_dma semaphore(%arg49 : memref<!tpu.dma_semaphore, #tpu.memory_space<semaphore_mem>>) src(%dma_wait3A_1205 : memref<10000x16xf32, #tpu.memory_space<hbm>>) dst(%arg43 : memref<128x16xf32, #tpu.memory_space<vmem>>)
      %mul3A_1206 = arith.constant 20 : i32
      %mul3A_1207 = arith.muli %add3A_354, %mul3A_1206 : i32
      %add3A_1208 = arith.constant 17 : i32
      %add3A_1209 = arith.addi %mul3A_1207, %add3A_1208 : i32
      %dma_wait3A_1210 = arith.constant 0 : i32
      %dma_wait3A_1211 = arith.constant 0 : i32
      %dma_wait3A_1212 = tpu.memref_slice %arg6[%add3A_1209, %dma_wait3A_1210, %dma_wait3A_1211] : memref<80x2x128xi32, #tpu.memory_space<vmem>> -> memref<1x1x128xi32, #tpu.memory_space<vmem>>
      %dma_wait3A_1213 = tpu.memref_squeeze %dma_wait3A_1212 : memref<1x1x128xi32, #tpu.memory_space<vmem>> -> memref<128xi32, #tpu.memory_space<vmem>>
      %dma_wait3A_1214 = arith.constant 0 : i32
      %dma_wait3A_1215 = arith.constant 0 : i32
      %dma_wait3A_1216 = tpu.memref_slice %arg2[%dma_wait3A_1214, %dma_wait3A_1215] : memref<10000x16xf32, #tpu.memory_space<hbm>> -> memref<10000x16xf32, #tpu.memory_space<hbm>>
      tpu.wait_indirect_dma semaphore(%arg49 : memref<!tpu.dma_semaphore, #tpu.memory_space<semaphore_mem>>) src(%dma_wait3A_1216 : memref<10000x16xf32, #tpu.memory_space<hbm>>) dst(%arg44 : memref<128x16xf32, #tpu.memory_space<vmem>>)
      %mul3A_1217 = arith.constant 20 : i32
      %mul3A_1218 = arith.muli %add3A_354, %mul3A_1217 : i32
      %add3A_1219 = arith.constant 18 : i32
      %add3A_1220 = arith.addi %mul3A_1218, %add3A_1219 : i32
      %dma_wait3A_1221 = arith.constant 0 : i32
      %dma_wait3A_1222 = arith.constant 0 : i32
      %dma_wait3A_1223 = tpu.memref_slice %arg6[%add3A_1220, %dma_wait3A_1221, %dma_wait3A_1222] : memref<80x2x128xi32, #tpu.memory_space<vmem>> -> memref<1x1x128xi32, #tpu.memory_space<vmem>>
      %dma_wait3A_1224 = tpu.memref_squeeze %dma_wait3A_1223 : memref<1x1x128xi32, #tpu.memory_space<vmem>> -> memref<128xi32, #tpu.memory_space<vmem>>
      %dma_wait3A_1225 = arith.constant 0 : i32
      %dma_wait3A_1226 = arith.constant 0 : i32
      %dma_wait3A_1227 = tpu.memref_slice %arg2[%dma_wait3A_1225, %dma_wait3A_1226] : memref<10000x16xf32, #tpu.memory_space<hbm>> -> memref<10000x16xf32, #tpu.memory_space<hbm>>
      tpu.wait_indirect_dma semaphore(%arg49 : memref<!tpu.dma_semaphore, #tpu.memory_space<semaphore_mem>>) src(%dma_wait3A_1227 : memref<10000x16xf32, #tpu.memory_space<hbm>>) dst(%arg45 : memref<128x16xf32, #tpu.memory_space<vmem>>)
      %mul3A_1228 = arith.constant 20 : i32
      %mul3A_1229 = arith.muli %add3A_354, %mul3A_1228 : i32
      %add3A_1230 = arith.constant 19 : i32
      %add3A_1231 = arith.addi %mul3A_1229, %add3A_1230 : i32
      %dma_wait3A_1232 = arith.constant 0 : i32
      %dma_wait3A_1233 = arith.constant 0 : i32
      %dma_wait3A_1234 = tpu.memref_slice %arg6[%add3A_1231, %dma_wait3A_1232, %dma_wait3A_1233] : memref<80x2x128xi32, #tpu.memory_space<vmem>> -> memref<1x1x128xi32, #tpu.memory_space<vmem>>
      %dma_wait3A_1235 = tpu.memref_squeeze %dma_wait3A_1234 : memref<1x1x128xi32, #tpu.memory_space<vmem>> -> memref<128xi32, #tpu.memory_space<vmem>>
      %dma_wait3A_1236 = arith.constant 0 : i32
      %dma_wait3A_1237 = arith.constant 0 : i32
      %dma_wait3A_1238 = tpu.memref_slice %arg2[%dma_wait3A_1236, %dma_wait3A_1237] : memref<10000x16xf32, #tpu.memory_space<hbm>> -> memref<10000x16xf32, #tpu.memory_space<hbm>>
      tpu.wait_indirect_dma semaphore(%arg49 : memref<!tpu.dma_semaphore, #tpu.memory_space<semaphore_mem>>) src(%dma_wait3A_1238 : memref<10000x16xf32, #tpu.memory_space<hbm>>) dst(%arg46 : memref<128x16xf32, #tpu.memory_space<vmem>>)
      %mul3A_1239 = arith.constant 20 : i32
      %mul3A_1240 = arith.muli %mul3A_352, %mul3A_1239 : i32
      %add3A_1241 = arith.constant 0 : i32
      %add3A_1242 = arith.addi %mul3A_1240, %add3A_1241 : i32
      %dma_wait3A_1243 = arith.constant 1 : i32
      %dma_wait3A_1244 = arith.constant 0 : i32
      %dma_wait3A_1245 = tpu.memref_slice %arg6[%add3A_1242, %dma_wait3A_1243, %dma_wait3A_1244] : memref<80x2x128xi32, #tpu.memory_space<vmem>> -> memref<1x1x128xi32, #tpu.memory_space<vmem>>
      %dma_wait3A_1246 = tpu.memref_squeeze %dma_wait3A_1245 : memref<1x1x128xi32, #tpu.memory_space<vmem>> -> memref<128xi32, #tpu.memory_space<vmem>>
      %dma_wait3A_1247 = arith.constant 0 : i32
      %dma_wait3A_1248 = arith.constant 0 : i32
      %dma_wait3A_1249 = tpu.memref_slice %arg48[%dma_wait3A_1247, %dma_wait3A_1248] : memref<12048x16xf32, #tpu.memory_space<vmem_shared>> -> memref<12048x16xf32, #tpu.memory_space<vmem_shared>>
      tpu.wait_indirect_dma semaphore(%arg50 : memref<!tpu.dma_semaphore, #tpu.memory_space<semaphore_mem>>) src(%arg7 : memref<128x16xf32, #tpu.memory_space<vmem>>) dst(%dma_wait3A_1249 : memref<12048x16xf32, #tpu.memory_space<vmem_shared>>)
      %mul3A_1250 = arith.constant 20 : i32
      %mul3A_1251 = arith.muli %mul3A_352, %mul3A_1250 : i32
      %add3A_1252 = arith.constant 1 : i32
      %add3A_1253 = arith.addi %mul3A_1251, %add3A_1252 : i32
      %dma_wait3A_1254 = arith.constant 1 : i32
      %dma_wait3A_1255 = arith.constant 0 : i32
      %dma_wait3A_1256 = tpu.memref_slice %arg6[%add3A_1253, %dma_wait3A_1254, %dma_wait3A_1255] : memref<80x2x128xi32, #tpu.memory_space<vmem>> -> memref<1x1x128xi32, #tpu.memory_space<vmem>>
      %dma_wait3A_1257 = tpu.memref_squeeze %dma_wait3A_1256 : memref<1x1x128xi32, #tpu.memory_space<vmem>> -> memref<128xi32, #tpu.memory_space<vmem>>
      %dma_wait3A_1258 = arith.constant 0 : i32
      %dma_wait3A_1259 = arith.constant 0 : i32
      %dma_wait3A_1260 = tpu.memref_slice %arg48[%dma_wait3A_1258, %dma_wait3A_1259] : memref<12048x16xf32, #tpu.memory_space<vmem_shared>> -> memref<12048x16xf32, #tpu.memory_space<vmem_shared>>
      tpu.wait_indirect_dma semaphore(%arg50 : memref<!tpu.dma_semaphore, #tpu.memory_space<semaphore_mem>>) src(%arg8 : memref<128x16xf32, #tpu.memory_space<vmem>>) dst(%dma_wait3A_1260 : memref<12048x16xf32, #tpu.memory_space<vmem_shared>>)
      %mul3A_1261 = arith.constant 20 : i32
      %mul3A_1262 = arith.muli %mul3A_352, %mul3A_1261 : i32
      %add3A_1263 = arith.constant 2 : i32
      %add3A_1264 = arith.addi %mul3A_1262, %add3A_1263 : i32
      %dma_wait3A_1265 = arith.constant 1 : i32
      %dma_wait3A_1266 = arith.constant 0 : i32
      %dma_wait3A_1267 = tpu.memref_slice %arg6[%add3A_1264, %dma_wait3A_1265, %dma_wait3A_1266] : memref<80x2x128xi32, #tpu.memory_space<vmem>> -> memref<1x1x128xi32, #tpu.memory_space<vmem>>
      %dma_wait3A_1268 = tpu.memref_squeeze %dma_wait3A_1267 : memref<1x1x128xi32, #tpu.memory_space<vmem>> -> memref<128xi32, #tpu.memory_space<vmem>>
      %dma_wait3A_1269 = arith.constant 0 : i32
      %dma_wait3A_1270 = arith.constant 0 : i32
      %dma_wait3A_1271 = tpu.memref_slice %arg48[%dma_wait3A_1269, %dma_wait3A_1270] : memref<12048x16xf32, #tpu.memory_space<vmem_shared>> -> memref<12048x16xf32, #tpu.memory_space<vmem_shared>>
      tpu.wait_indirect_dma semaphore(%arg50 : memref<!tpu.dma_semaphore, #tpu.memory_space<semaphore_mem>>) src(%arg9 : memref<128x16xf32, #tpu.memory_space<vmem>>) dst(%dma_wait3A_1271 : memref<12048x16xf32, #tpu.memory_space<vmem_shared>>)
      %mul3A_1272 = arith.constant 20 : i32
      %mul3A_1273 = arith.muli %mul3A_352, %mul3A_1272 : i32
      %add3A_1274 = arith.constant 3 : i32
      %add3A_1275 = arith.addi %mul3A_1273, %add3A_1274 : i32
      %dma_wait3A_1276 = arith.constant 1 : i32
      %dma_wait3A_1277 = arith.constant 0 : i32
      %dma_wait3A_1278 = tpu.memref_slice %arg6[%add3A_1275, %dma_wait3A_1276, %dma_wait3A_1277] : memref<80x2x128xi32, #tpu.memory_space<vmem>> -> memref<1x1x128xi32, #tpu.memory_space<vmem>>
      %dma_wait3A_1279 = tpu.memref_squeeze %dma_wait3A_1278 : memref<1x1x128xi32, #tpu.memory_space<vmem>> -> memref<128xi32, #tpu.memory_space<vmem>>
      %dma_wait3A_1280 = arith.constant 0 : i32
      %dma_wait3A_1281 = arith.constant 0 : i32
      %dma_wait3A_1282 = tpu.memref_slice %arg48[%dma_wait3A_1280, %dma_wait3A_1281] : memref<12048x16xf32, #tpu.memory_space<vmem_shared>> -> memref<12048x16xf32, #tpu.memory_space<vmem_shared>>
      tpu.wait_indirect_dma semaphore(%arg50 : memref<!tpu.dma_semaphore, #tpu.memory_space<semaphore_mem>>) src(%arg10 : memref<128x16xf32, #tpu.memory_space<vmem>>) dst(%dma_wait3A_1282 : memref<12048x16xf32, #tpu.memory_space<vmem_shared>>)
      %mul3A_1283 = arith.constant 20 : i32
      %mul3A_1284 = arith.muli %mul3A_352, %mul3A_1283 : i32
      %add3A_1285 = arith.constant 4 : i32
      %add3A_1286 = arith.addi %mul3A_1284, %add3A_1285 : i32
      %dma_wait3A_1287 = arith.constant 1 : i32
      %dma_wait3A_1288 = arith.constant 0 : i32
      %dma_wait3A_1289 = tpu.memref_slice %arg6[%add3A_1286, %dma_wait3A_1287, %dma_wait3A_1288] : memref<80x2x128xi32, #tpu.memory_space<vmem>> -> memref<1x1x128xi32, #tpu.memory_space<vmem>>
      %dma_wait3A_1290 = tpu.memref_squeeze %dma_wait3A_1289 : memref<1x1x128xi32, #tpu.memory_space<vmem>> -> memref<128xi32, #tpu.memory_space<vmem>>
      %dma_wait3A_1291 = arith.constant 0 : i32
      %dma_wait3A_1292 = arith.constant 0 : i32
      %dma_wait3A_1293 = tpu.memref_slice %arg48[%dma_wait3A_1291, %dma_wait3A_1292] : memref<12048x16xf32, #tpu.memory_space<vmem_shared>> -> memref<12048x16xf32, #tpu.memory_space<vmem_shared>>
      tpu.wait_indirect_dma semaphore(%arg50 : memref<!tpu.dma_semaphore, #tpu.memory_space<semaphore_mem>>) src(%arg11 : memref<128x16xf32, #tpu.memory_space<vmem>>) dst(%dma_wait3A_1293 : memref<12048x16xf32, #tpu.memory_space<vmem_shared>>)
      %mul3A_1294 = arith.constant 20 : i32
      %mul3A_1295 = arith.muli %mul3A_352, %mul3A_1294 : i32
      %add3A_1296 = arith.constant 5 : i32
      %add3A_1297 = arith.addi %mul3A_1295, %add3A_1296 : i32
      %dma_wait3A_1298 = arith.constant 1 : i32
      %dma_wait3A_1299 = arith.constant 0 : i32
      %dma_wait3A_1300 = tpu.memref_slice %arg6[%add3A_1297, %dma_wait3A_1298, %dma_wait3A_1299] : memref<80x2x128xi32, #tpu.memory_space<vmem>> -> memref<1x1x128xi32, #tpu.memory_space<vmem>>
      %dma_wait3A_1301 = tpu.memref_squeeze %dma_wait3A_1300 : memref<1x1x128xi32, #tpu.memory_space<vmem>> -> memref<128xi32, #tpu.memory_space<vmem>>
      %dma_wait3A_1302 = arith.constant 0 : i32
      %dma_wait3A_1303 = arith.constant 0 : i32
      %dma_wait3A_1304 = tpu.memref_slice %arg48[%dma_wait3A_1302, %dma_wait3A_1303] : memref<12048x16xf32, #tpu.memory_space<vmem_shared>> -> memref<12048x16xf32, #tpu.memory_space<vmem_shared>>
      tpu.wait_indirect_dma semaphore(%arg50 : memref<!tpu.dma_semaphore, #tpu.memory_space<semaphore_mem>>) src(%arg12 : memref<128x16xf32, #tpu.memory_space<vmem>>) dst(%dma_wait3A_1304 : memref<12048x16xf32, #tpu.memory_space<vmem_shared>>)
      %mul3A_1305 = arith.constant 20 : i32
      %mul3A_1306 = arith.muli %mul3A_352, %mul3A_1305 : i32
      %add3A_1307 = arith.constant 6 : i32
      %add3A_1308 = arith.addi %mul3A_1306, %add3A_1307 : i32
      %dma_wait3A_1309 = arith.constant 1 : i32
      %dma_wait3A_1310 = arith.constant 0 : i32
      %dma_wait3A_1311 = tpu.memref_slice %arg6[%add3A_1308, %dma_wait3A_1309, %dma_wait3A_1310] : memref<80x2x128xi32, #tpu.memory_space<vmem>> -> memref<1x1x128xi32, #tpu.memory_space<vmem>>
      %dma_wait3A_1312 = tpu.memref_squeeze %dma_wait3A_1311 : memref<1x1x128xi32, #tpu.memory_space<vmem>> -> memref<128xi32, #tpu.memory_space<vmem>>
      %dma_wait3A_1313 = arith.constant 0 : i32
      %dma_wait3A_1314 = arith.constant 0 : i32
      %dma_wait3A_1315 = tpu.memref_slice %arg48[%dma_wait3A_1313, %dma_wait3A_1314] : memref<12048x16xf32, #tpu.memory_space<vmem_shared>> -> memref<12048x16xf32, #tpu.memory_space<vmem_shared>>
      tpu.wait_indirect_dma semaphore(%arg50 : memref<!tpu.dma_semaphore, #tpu.memory_space<semaphore_mem>>) src(%arg13 : memref<128x16xf32, #tpu.memory_space<vmem>>) dst(%dma_wait3A_1315 : memref<12048x16xf32, #tpu.memory_space<vmem_shared>>)
      %mul3A_1316 = arith.constant 20 : i32
      %mul3A_1317 = arith.muli %mul3A_352, %mul3A_1316 : i32
      %add3A_1318 = arith.constant 7 : i32
      %add3A_1319 = arith.addi %mul3A_1317, %add3A_1318 : i32
      %dma_wait3A_1320 = arith.constant 1 : i32
      %dma_wait3A_1321 = arith.constant 0 : i32
      %dma_wait3A_1322 = tpu.memref_slice %arg6[%add3A_1319, %dma_wait3A_1320, %dma_wait3A_1321] : memref<80x2x128xi32, #tpu.memory_space<vmem>> -> memref<1x1x128xi32, #tpu.memory_space<vmem>>
      %dma_wait3A_1323 = tpu.memref_squeeze %dma_wait3A_1322 : memref<1x1x128xi32, #tpu.memory_space<vmem>> -> memref<128xi32, #tpu.memory_space<vmem>>
      %dma_wait3A_1324 = arith.constant 0 : i32
      %dma_wait3A_1325 = arith.constant 0 : i32
      %dma_wait3A_1326 = tpu.memref_slice %arg48[%dma_wait3A_1324, %dma_wait3A_1325] : memref<12048x16xf32, #tpu.memory_space<vmem_shared>> -> memref<12048x16xf32, #tpu.memory_space<vmem_shared>>
      tpu.wait_indirect_dma semaphore(%arg50 : memref<!tpu.dma_semaphore, #tpu.memory_space<semaphore_mem>>) src(%arg14 : memref<128x16xf32, #tpu.memory_space<vmem>>) dst(%dma_wait3A_1326 : memref<12048x16xf32, #tpu.memory_space<vmem_shared>>)
      %mul3A_1327 = arith.constant 20 : i32
      %mul3A_1328 = arith.muli %mul3A_352, %mul3A_1327 : i32
      %add3A_1329 = arith.constant 8 : i32
      %add3A_1330 = arith.addi %mul3A_1328, %add3A_1329 : i32
      %dma_wait3A_1331 = arith.constant 1 : i32
      %dma_wait3A_1332 = arith.constant 0 : i32
      %dma_wait3A_1333 = tpu.memref_slice %arg6[%add3A_1330, %dma_wait3A_1331, %dma_wait3A_1332] : memref<80x2x128xi32, #tpu.memory_space<vmem>> -> memref<1x1x128xi32, #tpu.memory_space<vmem>>
      %dma_wait3A_1334 = tpu.memref_squeeze %dma_wait3A_1333 : memref<1x1x128xi32, #tpu.memory_space<vmem>> -> memref<128xi32, #tpu.memory_space<vmem>>
      %dma_wait3A_1335 = arith.constant 0 : i32
      %dma_wait3A_1336 = arith.constant 0 : i32
      %dma_wait3A_1337 = tpu.memref_slice %arg48[%dma_wait3A_1335, %dma_wait3A_1336] : memref<12048x16xf32, #tpu.memory_space<vmem_shared>> -> memref<12048x16xf32, #tpu.memory_space<vmem_shared>>
      tpu.wait_indirect_dma semaphore(%arg50 : memref<!tpu.dma_semaphore, #tpu.memory_space<semaphore_mem>>) src(%arg15 : memref<128x16xf32, #tpu.memory_space<vmem>>) dst(%dma_wait3A_1337 : memref<12048x16xf32, #tpu.memory_space<vmem_shared>>)
      %mul3A_1338 = arith.constant 20 : i32
      %mul3A_1339 = arith.muli %mul3A_352, %mul3A_1338 : i32
      %add3A_1340 = arith.constant 9 : i32
      %add3A_1341 = arith.addi %mul3A_1339, %add3A_1340 : i32
      %dma_wait3A_1342 = arith.constant 1 : i32
      %dma_wait3A_1343 = arith.constant 0 : i32
      %dma_wait3A_1344 = tpu.memref_slice %arg6[%add3A_1341, %dma_wait3A_1342, %dma_wait3A_1343] : memref<80x2x128xi32, #tpu.memory_space<vmem>> -> memref<1x1x128xi32, #tpu.memory_space<vmem>>
      %dma_wait3A_1345 = tpu.memref_squeeze %dma_wait3A_1344 : memref<1x1x128xi32, #tpu.memory_space<vmem>> -> memref<128xi32, #tpu.memory_space<vmem>>
      %dma_wait3A_1346 = arith.constant 0 : i32
      %dma_wait3A_1347 = arith.constant 0 : i32
      %dma_wait3A_1348 = tpu.memref_slice %arg48[%dma_wait3A_1346, %dma_wait3A_1347] : memref<12048x16xf32, #tpu.memory_space<vmem_shared>> -> memref<12048x16xf32, #tpu.memory_space<vmem_shared>>
      tpu.wait_indirect_dma semaphore(%arg50 : memref<!tpu.dma_semaphore, #tpu.memory_space<semaphore_mem>>) src(%arg16 : memref<128x16xf32, #tpu.memory_space<vmem>>) dst(%dma_wait3A_1348 : memref<12048x16xf32, #tpu.memory_space<vmem_shared>>)
      %mul3A_1349 = arith.constant 20 : i32
      %mul3A_1350 = arith.muli %mul3A_352, %mul3A_1349 : i32
      %add3A_1351 = arith.constant 10 : i32
      %add3A_1352 = arith.addi %mul3A_1350, %add3A_1351 : i32
      %dma_wait3A_1353 = arith.constant 1 : i32
      %dma_wait3A_1354 = arith.constant 0 : i32
      %dma_wait3A_1355 = tpu.memref_slice %arg6[%add3A_1352, %dma_wait3A_1353, %dma_wait3A_1354] : memref<80x2x128xi32, #tpu.memory_space<vmem>> -> memref<1x1x128xi32, #tpu.memory_space<vmem>>
      %dma_wait3A_1356 = tpu.memref_squeeze %dma_wait3A_1355 : memref<1x1x128xi32, #tpu.memory_space<vmem>> -> memref<128xi32, #tpu.memory_space<vmem>>
      %dma_wait3A_1357 = arith.constant 0 : i32
      %dma_wait3A_1358 = arith.constant 0 : i32
      %dma_wait3A_1359 = tpu.memref_slice %arg48[%dma_wait3A_1357, %dma_wait3A_1358] : memref<12048x16xf32, #tpu.memory_space<vmem_shared>> -> memref<12048x16xf32, #tpu.memory_space<vmem_shared>>
      tpu.wait_indirect_dma semaphore(%arg50 : memref<!tpu.dma_semaphore, #tpu.memory_space<semaphore_mem>>) src(%arg17 : memref<128x16xf32, #tpu.memory_space<vmem>>) dst(%dma_wait3A_1359 : memref<12048x16xf32, #tpu.memory_space<vmem_shared>>)
      %mul3A_1360 = arith.constant 20 : i32
      %mul3A_1361 = arith.muli %mul3A_352, %mul3A_1360 : i32
      %add3A_1362 = arith.constant 11 : i32
      %add3A_1363 = arith.addi %mul3A_1361, %add3A_1362 : i32
      %dma_wait3A_1364 = arith.constant 1 : i32
      %dma_wait3A_1365 = arith.constant 0 : i32
      %dma_wait3A_1366 = tpu.memref_slice %arg6[%add3A_1363, %dma_wait3A_1364, %dma_wait3A_1365] : memref<80x2x128xi32, #tpu.memory_space<vmem>> -> memref<1x1x128xi32, #tpu.memory_space<vmem>>
      %dma_wait3A_1367 = tpu.memref_squeeze %dma_wait3A_1366 : memref<1x1x128xi32, #tpu.memory_space<vmem>> -> memref<128xi32, #tpu.memory_space<vmem>>
      %dma_wait3A_1368 = arith.constant 0 : i32
      %dma_wait3A_1369 = arith.constant 0 : i32
      %dma_wait3A_1370 = tpu.memref_slice %arg48[%dma_wait3A_1368, %dma_wait3A_1369] : memref<12048x16xf32, #tpu.memory_space<vmem_shared>> -> memref<12048x16xf32, #tpu.memory_space<vmem_shared>>
      tpu.wait_indirect_dma semaphore(%arg50 : memref<!tpu.dma_semaphore, #tpu.memory_space<semaphore_mem>>) src(%arg18 : memref<128x16xf32, #tpu.memory_space<vmem>>) dst(%dma_wait3A_1370 : memref<12048x16xf32, #tpu.memory_space<vmem_shared>>)
      %mul3A_1371 = arith.constant 20 : i32
      %mul3A_1372 = arith.muli %mul3A_352, %mul3A_1371 : i32
      %add3A_1373 = arith.constant 12 : i32
      %add3A_1374 = arith.addi %mul3A_1372, %add3A_1373 : i32
      %dma_wait3A_1375 = arith.constant 1 : i32
      %dma_wait3A_1376 = arith.constant 0 : i32
      %dma_wait3A_1377 = tpu.memref_slice %arg6[%add3A_1374, %dma_wait3A_1375, %dma_wait3A_1376] : memref<80x2x128xi32, #tpu.memory_space<vmem>> -> memref<1x1x128xi32, #tpu.memory_space<vmem>>
      %dma_wait3A_1378 = tpu.memref_squeeze %dma_wait3A_1377 : memref<1x1x128xi32, #tpu.memory_space<vmem>> -> memref<128xi32, #tpu.memory_space<vmem>>
      %dma_wait3A_1379 = arith.constant 0 : i32
      %dma_wait3A_1380 = arith.constant 0 : i32
      %dma_wait3A_1381 = tpu.memref_slice %arg48[%dma_wait3A_1379, %dma_wait3A_1380] : memref<12048x16xf32, #tpu.memory_space<vmem_shared>> -> memref<12048x16xf32, #tpu.memory_space<vmem_shared>>
      tpu.wait_indirect_dma semaphore(%arg50 : memref<!tpu.dma_semaphore, #tpu.memory_space<semaphore_mem>>) src(%arg19 : memref<128x16xf32, #tpu.memory_space<vmem>>) dst(%dma_wait3A_1381 : memref<12048x16xf32, #tpu.memory_space<vmem_shared>>)
      %mul3A_1382 = arith.constant 20 : i32
      %mul3A_1383 = arith.muli %mul3A_352, %mul3A_1382 : i32
      %add3A_1384 = arith.constant 13 : i32
      %add3A_1385 = arith.addi %mul3A_1383, %add3A_1384 : i32
      %dma_wait3A_1386 = arith.constant 1 : i32
      %dma_wait3A_1387 = arith.constant 0 : i32
      %dma_wait3A_1388 = tpu.memref_slice %arg6[%add3A_1385, %dma_wait3A_1386, %dma_wait3A_1387] : memref<80x2x128xi32, #tpu.memory_space<vmem>> -> memref<1x1x128xi32, #tpu.memory_space<vmem>>
      %dma_wait3A_1389 = tpu.memref_squeeze %dma_wait3A_1388 : memref<1x1x128xi32, #tpu.memory_space<vmem>> -> memref<128xi32, #tpu.memory_space<vmem>>
      %dma_wait3A_1390 = arith.constant 0 : i32
      %dma_wait3A_1391 = arith.constant 0 : i32
      %dma_wait3A_1392 = tpu.memref_slice %arg48[%dma_wait3A_1390, %dma_wait3A_1391] : memref<12048x16xf32, #tpu.memory_space<vmem_shared>> -> memref<12048x16xf32, #tpu.memory_space<vmem_shared>>
      tpu.wait_indirect_dma semaphore(%arg50 : memref<!tpu.dma_semaphore, #tpu.memory_space<semaphore_mem>>) src(%arg20 : memref<128x16xf32, #tpu.memory_space<vmem>>) dst(%dma_wait3A_1392 : memref<12048x16xf32, #tpu.memory_space<vmem_shared>>)
      %mul3A_1393 = arith.constant 20 : i32
      %mul3A_1394 = arith.muli %mul3A_352, %mul3A_1393 : i32
      %add3A_1395 = arith.constant 14 : i32
      %add3A_1396 = arith.addi %mul3A_1394, %add3A_1395 : i32
      %dma_wait3A_1397 = arith.constant 1 : i32
      %dma_wait3A_1398 = arith.constant 0 : i32
      %dma_wait3A_1399 = tpu.memref_slice %arg6[%add3A_1396, %dma_wait3A_1397, %dma_wait3A_1398] : memref<80x2x128xi32, #tpu.memory_space<vmem>> -> memref<1x1x128xi32, #tpu.memory_space<vmem>>
      %dma_wait3A_1400 = tpu.memref_squeeze %dma_wait3A_1399 : memref<1x1x128xi32, #tpu.memory_space<vmem>> -> memref<128xi32, #tpu.memory_space<vmem>>
      %dma_wait3A_1401 = arith.constant 0 : i32
      %dma_wait3A_1402 = arith.constant 0 : i32
      %dma_wait3A_1403 = tpu.memref_slice %arg48[%dma_wait3A_1401, %dma_wait3A_1402] : memref<12048x16xf32, #tpu.memory_space<vmem_shared>> -> memref<12048x16xf32, #tpu.memory_space<vmem_shared>>
      tpu.wait_indirect_dma semaphore(%arg50 : memref<!tpu.dma_semaphore, #tpu.memory_space<semaphore_mem>>) src(%arg21 : memref<128x16xf32, #tpu.memory_space<vmem>>) dst(%dma_wait3A_1403 : memref<12048x16xf32, #tpu.memory_space<vmem_shared>>)
      %mul3A_1404 = arith.constant 20 : i32
      %mul3A_1405 = arith.muli %mul3A_352, %mul3A_1404 : i32
      %add3A_1406 = arith.constant 15 : i32
      %add3A_1407 = arith.addi %mul3A_1405, %add3A_1406 : i32
      %dma_wait3A_1408 = arith.constant 1 : i32
      %dma_wait3A_1409 = arith.constant 0 : i32
      %dma_wait3A_1410 = tpu.memref_slice %arg6[%add3A_1407, %dma_wait3A_1408, %dma_wait3A_1409] : memref<80x2x128xi32, #tpu.memory_space<vmem>> -> memref<1x1x128xi32, #tpu.memory_space<vmem>>
      %dma_wait3A_1411 = tpu.memref_squeeze %dma_wait3A_1410 : memref<1x1x128xi32, #tpu.memory_space<vmem>> -> memref<128xi32, #tpu.memory_space<vmem>>
      %dma_wait3A_1412 = arith.constant 0 : i32
      %dma_wait3A_1413 = arith.constant 0 : i32
      %dma_wait3A_1414 = tpu.memref_slice %arg48[%dma_wait3A_1412, %dma_wait3A_1413] : memref<12048x16xf32, #tpu.memory_space<vmem_shared>> -> memref<12048x16xf32, #tpu.memory_space<vmem_shared>>
      tpu.wait_indirect_dma semaphore(%arg50 : memref<!tpu.dma_semaphore, #tpu.memory_space<semaphore_mem>>) src(%arg22 : memref<128x16xf32, #tpu.memory_space<vmem>>) dst(%dma_wait3A_1414 : memref<12048x16xf32, #tpu.memory_space<vmem_shared>>)
      %mul3A_1415 = arith.constant 20 : i32
      %mul3A_1416 = arith.muli %mul3A_352, %mul3A_1415 : i32
      %add3A_1417 = arith.constant 16 : i32
      %add3A_1418 = arith.addi %mul3A_1416, %add3A_1417 : i32
      %dma_wait3A_1419 = arith.constant 1 : i32
      %dma_wait3A_1420 = arith.constant 0 : i32
      %dma_wait3A_1421 = tpu.memref_slice %arg6[%add3A_1418, %dma_wait3A_1419, %dma_wait3A_1420] : memref<80x2x128xi32, #tpu.memory_space<vmem>> -> memref<1x1x128xi32, #tpu.memory_space<vmem>>
      %dma_wait3A_1422 = tpu.memref_squeeze %dma_wait3A_1421 : memref<1x1x128xi32, #tpu.memory_space<vmem>> -> memref<128xi32, #tpu.memory_space<vmem>>
      %dma_wait3A_1423 = arith.constant 0 : i32
      %dma_wait3A_1424 = arith.constant 0 : i32
      %dma_wait3A_1425 = tpu.memref_slice %arg48[%dma_wait3A_1423, %dma_wait3A_1424] : memref<12048x16xf32, #tpu.memory_space<vmem_shared>> -> memref<12048x16xf32, #tpu.memory_space<vmem_shared>>
      tpu.wait_indirect_dma semaphore(%arg50 : memref<!tpu.dma_semaphore, #tpu.memory_space<semaphore_mem>>) src(%arg23 : memref<128x16xf32, #tpu.memory_space<vmem>>) dst(%dma_wait3A_1425 : memref<12048x16xf32, #tpu.memory_space<vmem_shared>>)
      %mul3A_1426 = arith.constant 20 : i32
      %mul3A_1427 = arith.muli %mul3A_352, %mul3A_1426 : i32
      %add3A_1428 = arith.constant 17 : i32
      %add3A_1429 = arith.addi %mul3A_1427, %add3A_1428 : i32
      %dma_wait3A_1430 = arith.constant 1 : i32
      %dma_wait3A_1431 = arith.constant 0 : i32
      %dma_wait3A_1432 = tpu.memref_slice %arg6[%add3A_1429, %dma_wait3A_1430, %dma_wait3A_1431] : memref<80x2x128xi32, #tpu.memory_space<vmem>> -> memref<1x1x128xi32, #tpu.memory_space<vmem>>
      %dma_wait3A_1433 = tpu.memref_squeeze %dma_wait3A_1432 : memref<1x1x128xi32, #tpu.memory_space<vmem>> -> memref<128xi32, #tpu.memory_space<vmem>>
      %dma_wait3A_1434 = arith.constant 0 : i32
      %dma_wait3A_1435 = arith.constant 0 : i32
      %dma_wait3A_1436 = tpu.memref_slice %arg48[%dma_wait3A_1434, %dma_wait3A_1435] : memref<12048x16xf32, #tpu.memory_space<vmem_shared>> -> memref<12048x16xf32, #tpu.memory_space<vmem_shared>>
      tpu.wait_indirect_dma semaphore(%arg50 : memref<!tpu.dma_semaphore, #tpu.memory_space<semaphore_mem>>) src(%arg24 : memref<128x16xf32, #tpu.memory_space<vmem>>) dst(%dma_wait3A_1436 : memref<12048x16xf32, #tpu.memory_space<vmem_shared>>)
      %mul3A_1437 = arith.constant 20 : i32
      %mul3A_1438 = arith.muli %mul3A_352, %mul3A_1437 : i32
      %add3A_1439 = arith.constant 18 : i32
      %add3A_1440 = arith.addi %mul3A_1438, %add3A_1439 : i32
      %dma_wait3A_1441 = arith.constant 1 : i32
      %dma_wait3A_1442 = arith.constant 0 : i32
      %dma_wait3A_1443 = tpu.memref_slice %arg6[%add3A_1440, %dma_wait3A_1441, %dma_wait3A_1442] : memref<80x2x128xi32, #tpu.memory_space<vmem>> -> memref<1x1x128xi32, #tpu.memory_space<vmem>>
      %dma_wait3A_1444 = tpu.memref_squeeze %dma_wait3A_1443 : memref<1x1x128xi32, #tpu.memory_space<vmem>> -> memref<128xi32, #tpu.memory_space<vmem>>
      %dma_wait3A_1445 = arith.constant 0 : i32
      %dma_wait3A_1446 = arith.constant 0 : i32
      %dma_wait3A_1447 = tpu.memref_slice %arg48[%dma_wait3A_1445, %dma_wait3A_1446] : memref<12048x16xf32, #tpu.memory_space<vmem_shared>> -> memref<12048x16xf32, #tpu.memory_space<vmem_shared>>
      tpu.wait_indirect_dma semaphore(%arg50 : memref<!tpu.dma_semaphore, #tpu.memory_space<semaphore_mem>>) src(%arg25 : memref<128x16xf32, #tpu.memory_space<vmem>>) dst(%dma_wait3A_1447 : memref<12048x16xf32, #tpu.memory_space<vmem_shared>>)
      %mul3A_1448 = arith.constant 20 : i32
      %mul3A_1449 = arith.muli %mul3A_352, %mul3A_1448 : i32
      %add3A_1450 = arith.constant 19 : i32
      %add3A_1451 = arith.addi %mul3A_1449, %add3A_1450 : i32
      %dma_wait3A_1452 = arith.constant 1 : i32
      %dma_wait3A_1453 = arith.constant 0 : i32
      %dma_wait3A_1454 = tpu.memref_slice %arg6[%add3A_1451, %dma_wait3A_1452, %dma_wait3A_1453] : memref<80x2x128xi32, #tpu.memory_space<vmem>> -> memref<1x1x128xi32, #tpu.memory_space<vmem>>
      %dma_wait3A_1455 = tpu.memref_squeeze %dma_wait3A_1454 : memref<1x1x128xi32, #tpu.memory_space<vmem>> -> memref<128xi32, #tpu.memory_space<vmem>>
      %dma_wait3A_1456 = arith.constant 0 : i32
      %dma_wait3A_1457 = arith.constant 0 : i32
      %dma_wait3A_1458 = tpu.memref_slice %arg48[%dma_wait3A_1456, %dma_wait3A_1457] : memref<12048x16xf32, #tpu.memory_space<vmem_shared>> -> memref<12048x16xf32, #tpu.memory_space<vmem_shared>>
      tpu.wait_indirect_dma semaphore(%arg50 : memref<!tpu.dma_semaphore, #tpu.memory_space<semaphore_mem>>) src(%arg26 : memref<128x16xf32, #tpu.memory_space<vmem>>) dst(%dma_wait3A_1458 : memref<12048x16xf32, #tpu.memory_space<vmem_shared>>)
      %mul3A_1459 = arith.constant 20 : i32
      %mul3A_1460 = arith.muli %add3A_354, %mul3A_1459 : i32
      %add3A_1461 = arith.constant 0 : i32
      %add3A_1462 = arith.addi %mul3A_1460, %add3A_1461 : i32
      %dma_start3A_1463 = arith.constant 1 : i32
      %dma_start3A_1464 = arith.constant 0 : i32
      %dma_start3A_1465 = tpu.memref_slice %arg6[%add3A_1462, %dma_start3A_1463, %dma_start3A_1464] : memref<80x2x128xi32, #tpu.memory_space<vmem>> -> memref<1x1x128xi32, #tpu.memory_space<vmem>>
      %dma_start3A_1466 = tpu.memref_squeeze %dma_start3A_1465 : memref<1x1x128xi32, #tpu.memory_space<vmem>> -> memref<128xi32, #tpu.memory_space<vmem>>
      %dma_start3A_1467 = arith.constant 0 : i32
      %dma_start3A_1468 = arith.constant 0 : i32
      %dma_start3A_1469 = tpu.memref_slice %arg48[%dma_start3A_1467, %dma_start3A_1468] : memref<12048x16xf32, #tpu.memory_space<vmem_shared>> -> memref<12048x16xf32, #tpu.memory_space<vmem_shared>>
      tpu.enqueue_indirect_dma source(%arg27 : memref<128x16xf32, #tpu.memory_space<vmem>>) target(%dma_start3A_1469 : memref<12048x16xf32, #tpu.memory_space<vmem_shared>>) offsets(%dma_start3A_1466 : memref<128xi32, #tpu.memory_space<vmem>>) semaphore(%arg50 : memref<!tpu.dma_semaphore, #tpu.memory_space<semaphore_mem>>) {add = true}
      %mul3A_1470 = arith.constant 20 : i32
      %mul3A_1471 = arith.muli %add3A_354, %mul3A_1470 : i32
      %add3A_1472 = arith.constant 1 : i32
      %add3A_1473 = arith.addi %mul3A_1471, %add3A_1472 : i32
      %dma_start3A_1474 = arith.constant 1 : i32
      %dma_start3A_1475 = arith.constant 0 : i32
      %dma_start3A_1476 = tpu.memref_slice %arg6[%add3A_1473, %dma_start3A_1474, %dma_start3A_1475] : memref<80x2x128xi32, #tpu.memory_space<vmem>> -> memref<1x1x128xi32, #tpu.memory_space<vmem>>
      %dma_start3A_1477 = tpu.memref_squeeze %dma_start3A_1476 : memref<1x1x128xi32, #tpu.memory_space<vmem>> -> memref<128xi32, #tpu.memory_space<vmem>>
      %dma_start3A_1478 = arith.constant 0 : i32
      %dma_start3A_1479 = arith.constant 0 : i32
      %dma_start3A_1480 = tpu.memref_slice %arg48[%dma_start3A_1478, %dma_start3A_1479] : memref<12048x16xf32, #tpu.memory_space<vmem_shared>> -> memref<12048x16xf32, #tpu.memory_space<vmem_shared>>
      tpu.enqueue_indirect_dma source(%arg28 : memref<128x16xf32, #tpu.memory_space<vmem>>) target(%dma_start3A_1480 : memref<12048x16xf32, #tpu.memory_space<vmem_shared>>) offsets(%dma_start3A_1477 : memref<128xi32, #tpu.memory_space<vmem>>) semaphore(%arg50 : memref<!tpu.dma_semaphore, #tpu.memory_space<semaphore_mem>>) {add = true}
      %mul3A_1481 = arith.constant 20 : i32
      %mul3A_1482 = arith.muli %add3A_354, %mul3A_1481 : i32
      %add3A_1483 = arith.constant 2 : i32
      %add3A_1484 = arith.addi %mul3A_1482, %add3A_1483 : i32
      %dma_start3A_1485 = arith.constant 1 : i32
      %dma_start3A_1486 = arith.constant 0 : i32
      %dma_start3A_1487 = tpu.memref_slice %arg6[%add3A_1484, %dma_start3A_1485, %dma_start3A_1486] : memref<80x2x128xi32, #tpu.memory_space<vmem>> -> memref<1x1x128xi32, #tpu.memory_space<vmem>>
      %dma_start3A_1488 = tpu.memref_squeeze %dma_start3A_1487 : memref<1x1x128xi32, #tpu.memory_space<vmem>> -> memref<128xi32, #tpu.memory_space<vmem>>
      %dma_start3A_1489 = arith.constant 0 : i32
      %dma_start3A_1490 = arith.constant 0 : i32
      %dma_start3A_1491 = tpu.memref_slice %arg48[%dma_start3A_1489, %dma_start3A_1490] : memref<12048x16xf32, #tpu.memory_space<vmem_shared>> -> memref<12048x16xf32, #tpu.memory_space<vmem_shared>>
      tpu.enqueue_indirect_dma source(%arg29 : memref<128x16xf32, #tpu.memory_space<vmem>>) target(%dma_start3A_1491 : memref<12048x16xf32, #tpu.memory_space<vmem_shared>>) offsets(%dma_start3A_1488 : memref<128xi32, #tpu.memory_space<vmem>>) semaphore(%arg50 : memref<!tpu.dma_semaphore, #tpu.memory_space<semaphore_mem>>) {add = true}
      %mul3A_1492 = arith.constant 20 : i32
      %mul3A_1493 = arith.muli %add3A_354, %mul3A_1492 : i32
      %add3A_1494 = arith.constant 3 : i32
      %add3A_1495 = arith.addi %mul3A_1493, %add3A_1494 : i32
      %dma_start3A_1496 = arith.constant 1 : i32
      %dma_start3A_1497 = arith.constant 0 : i32
      %dma_start3A_1498 = tpu.memref_slice %arg6[%add3A_1495, %dma_start3A_1496, %dma_start3A_1497] : memref<80x2x128xi32, #tpu.memory_space<vmem>> -> memref<1x1x128xi32, #tpu.memory_space<vmem>>
      %dma_start3A_1499 = tpu.memref_squeeze %dma_start3A_1498 : memref<1x1x128xi32, #tpu.memory_space<vmem>> -> memref<128xi32, #tpu.memory_space<vmem>>
      %dma_start3A_1500 = arith.constant 0 : i32
      %dma_start3A_1501 = arith.constant 0 : i32
      %dma_start3A_1502 = tpu.memref_slice %arg48[%dma_start3A_1500, %dma_start3A_1501] : memref<12048x16xf32, #tpu.memory_space<vmem_shared>> -> memref<12048x16xf32, #tpu.memory_space<vmem_shared>>
      tpu.enqueue_indirect_dma source(%arg30 : memref<128x16xf32, #tpu.memory_space<vmem>>) target(%dma_start3A_1502 : memref<12048x16xf32, #tpu.memory_space<vmem_shared>>) offsets(%dma_start3A_1499 : memref<128xi32, #tpu.memory_space<vmem>>) semaphore(%arg50 : memref<!tpu.dma_semaphore, #tpu.memory_space<semaphore_mem>>) {add = true}
      %mul3A_1503 = arith.constant 20 : i32
      %mul3A_1504 = arith.muli %add3A_354, %mul3A_1503 : i32
      %add3A_1505 = arith.constant 4 : i32
      %add3A_1506 = arith.addi %mul3A_1504, %add3A_1505 : i32
      %dma_start3A_1507 = arith.constant 1 : i32
      %dma_start3A_1508 = arith.constant 0 : i32
      %dma_start3A_1509 = tpu.memref_slice %arg6[%add3A_1506, %dma_start3A_1507, %dma_start3A_1508] : memref<80x2x128xi32, #tpu.memory_space<vmem>> -> memref<1x1x128xi32, #tpu.memory_space<vmem>>
      %dma_start3A_1510 = tpu.memref_squeeze %dma_start3A_1509 : memref<1x1x128xi32, #tpu.memory_space<vmem>> -> memref<128xi32, #tpu.memory_space<vmem>>
      %dma_start3A_1511 = arith.constant 0 : i32
      %dma_start3A_1512 = arith.constant 0 : i32
      %dma_start3A_1513 = tpu.memref_slice %arg48[%dma_start3A_1511, %dma_start3A_1512] : memref<12048x16xf32, #tpu.memory_space<vmem_shared>> -> memref<12048x16xf32, #tpu.memory_space<vmem_shared>>
      tpu.enqueue_indirect_dma source(%arg31 : memref<128x16xf32, #tpu.memory_space<vmem>>) target(%dma_start3A_1513 : memref<12048x16xf32, #tpu.memory_space<vmem_shared>>) offsets(%dma_start3A_1510 : memref<128xi32, #tpu.memory_space<vmem>>) semaphore(%arg50 : memref<!tpu.dma_semaphore, #tpu.memory_space<semaphore_mem>>) {add = true}
      %mul3A_1514 = arith.constant 20 : i32
      %mul3A_1515 = arith.muli %add3A_354, %mul3A_1514 : i32
      %add3A_1516 = arith.constant 5 : i32
      %add3A_1517 = arith.addi %mul3A_1515, %add3A_1516 : i32
      %dma_start3A_1518 = arith.constant 1 : i32
      %dma_start3A_1519 = arith.constant 0 : i32
      %dma_start3A_1520 = tpu.memref_slice %arg6[%add3A_1517, %dma_start3A_1518, %dma_start3A_1519] : memref<80x2x128xi32, #tpu.memory_space<vmem>> -> memref<1x1x128xi32, #tpu.memory_space<vmem>>
      %dma_start3A_1521 = tpu.memref_squeeze %dma_start3A_1520 : memref<1x1x128xi32, #tpu.memory_space<vmem>> -> memref<128xi32, #tpu.memory_space<vmem>>
      %dma_start3A_1522 = arith.constant 0 : i32
      %dma_start3A_1523 = arith.constant 0 : i32
      %dma_start3A_1524 = tpu.memref_slice %arg48[%dma_start3A_1522, %dma_start3A_1523] : memref<12048x16xf32, #tpu.memory_space<vmem_shared>> -> memref<12048x16xf32, #tpu.memory_space<vmem_shared>>
      tpu.enqueue_indirect_dma source(%arg32 : memref<128x16xf32, #tpu.memory_space<vmem>>) target(%dma_start3A_1524 : memref<12048x16xf32, #tpu.memory_space<vmem_shared>>) offsets(%dma_start3A_1521 : memref<128xi32, #tpu.memory_space<vmem>>) semaphore(%arg50 : memref<!tpu.dma_semaphore, #tpu.memory_space<semaphore_mem>>) {add = true}
      %mul3A_1525 = arith.constant 20 : i32
      %mul3A_1526 = arith.muli %add3A_354, %mul3A_1525 : i32
      %add3A_1527 = arith.constant 6 : i32
      %add3A_1528 = arith.addi %mul3A_1526, %add3A_1527 : i32
      %dma_start3A_1529 = arith.constant 1 : i32
      %dma_start3A_1530 = arith.constant 0 : i32
      %dma_start3A_1531 = tpu.memref_slice %arg6[%add3A_1528, %dma_start3A_1529, %dma_start3A_1530] : memref<80x2x128xi32, #tpu.memory_space<vmem>> -> memref<1x1x128xi32, #tpu.memory_space<vmem>>
      %dma_start3A_1532 = tpu.memref_squeeze %dma_start3A_1531 : memref<1x1x128xi32, #tpu.memory_space<vmem>> -> memref<128xi32, #tpu.memory_space<vmem>>
      %dma_start3A_1533 = arith.constant 0 : i32
      %dma_start3A_1534 = arith.constant 0 : i32
      %dma_start3A_1535 = tpu.memref_slice %arg48[%dma_start3A_1533, %dma_start3A_1534] : memref<12048x16xf32, #tpu.memory_space<vmem_shared>> -> memref<12048x16xf32, #tpu.memory_space<vmem_shared>>
      tpu.enqueue_indirect_dma source(%arg33 : memref<128x16xf32, #tpu.memory_space<vmem>>) target(%dma_start3A_1535 : memref<12048x16xf32, #tpu.memory_space<vmem_shared>>) offsets(%dma_start3A_1532 : memref<128xi32, #tpu.memory_space<vmem>>) semaphore(%arg50 : memref<!tpu.dma_semaphore, #tpu.memory_space<semaphore_mem>>) {add = true}
      %mul3A_1536 = arith.constant 20 : i32
      %mul3A_1537 = arith.muli %add3A_354, %mul3A_1536 : i32
      %add3A_1538 = arith.constant 7 : i32
      %add3A_1539 = arith.addi %mul3A_1537, %add3A_1538 : i32
      %dma_start3A_1540 = arith.constant 1 : i32
      %dma_start3A_1541 = arith.constant 0 : i32
      %dma_start3A_1542 = tpu.memref_slice %arg6[%add3A_1539, %dma_start3A_1540, %dma_start3A_1541] : memref<80x2x128xi32, #tpu.memory_space<vmem>> -> memref<1x1x128xi32, #tpu.memory_space<vmem>>
      %dma_start3A_1543 = tpu.memref_squeeze %dma_start3A_1542 : memref<1x1x128xi32, #tpu.memory_space<vmem>> -> memref<128xi32, #tpu.memory_space<vmem>>
      %dma_start3A_1544 = arith.constant 0 : i32
      %dma_start3A_1545 = arith.constant 0 : i32
      %dma_start3A_1546 = tpu.memref_slice %arg48[%dma_start3A_1544, %dma_start3A_1545] : memref<12048x16xf32, #tpu.memory_space<vmem_shared>> -> memref<12048x16xf32, #tpu.memory_space<vmem_shared>>
      tpu.enqueue_indirect_dma source(%arg34 : memref<128x16xf32, #tpu.memory_space<vmem>>) target(%dma_start3A_1546 : memref<12048x16xf32, #tpu.memory_space<vmem_shared>>) offsets(%dma_start3A_1543 : memref<128xi32, #tpu.memory_space<vmem>>) semaphore(%arg50 : memref<!tpu.dma_semaphore, #tpu.memory_space<semaphore_mem>>) {add = true}
      %mul3A_1547 = arith.constant 20 : i32
      %mul3A_1548 = arith.muli %add3A_354, %mul3A_1547 : i32
      %add3A_1549 = arith.constant 8 : i32
      %add3A_1550 = arith.addi %mul3A_1548, %add3A_1549 : i32
      %dma_start3A_1551 = arith.constant 1 : i32
      %dma_start3A_1552 = arith.constant 0 : i32
      %dma_start3A_1553 = tpu.memref_slice %arg6[%add3A_1550, %dma_start3A_1551, %dma_start3A_1552] : memref<80x2x128xi32, #tpu.memory_space<vmem>> -> memref<1x1x128xi32, #tpu.memory_space<vmem>>
      %dma_start3A_1554 = tpu.memref_squeeze %dma_start3A_1553 : memref<1x1x128xi32, #tpu.memory_space<vmem>> -> memref<128xi32, #tpu.memory_space<vmem>>
      %dma_start3A_1555 = arith.constant 0 : i32
      %dma_start3A_1556 = arith.constant 0 : i32
      %dma_start3A_1557 = tpu.memref_slice %arg48[%dma_start3A_1555, %dma_start3A_1556] : memref<12048x16xf32, #tpu.memory_space<vmem_shared>> -> memref<12048x16xf32, #tpu.memory_space<vmem_shared>>
      tpu.enqueue_indirect_dma source(%arg35 : memref<128x16xf32, #tpu.memory_space<vmem>>) target(%dma_start3A_1557 : memref<12048x16xf32, #tpu.memory_space<vmem_shared>>) offsets(%dma_start3A_1554 : memref<128xi32, #tpu.memory_space<vmem>>) semaphore(%arg50 : memref<!tpu.dma_semaphore, #tpu.memory_space<semaphore_mem>>) {add = true}
      %mul3A_1558 = arith.constant 20 : i32
      %mul3A_1559 = arith.muli %add3A_354, %mul3A_1558 : i32
      %add3A_1560 = arith.constant 9 : i32
      %add3A_1561 = arith.addi %mul3A_1559, %add3A_1560 : i32
      %dma_start3A_1562 = arith.constant 1 : i32
      %dma_start3A_1563 = arith.constant 0 : i32
      %dma_start3A_1564 = tpu.memref_slice %arg6[%add3A_1561, %dma_start3A_1562, %dma_start3A_1563] : memref<80x2x128xi32, #tpu.memory_space<vmem>> -> memref<1x1x128xi32, #tpu.memory_space<vmem>>
      %dma_start3A_1565 = tpu.memref_squeeze %dma_start3A_1564 : memref<1x1x128xi32, #tpu.memory_space<vmem>> -> memref<128xi32, #tpu.memory_space<vmem>>
      %dma_start3A_1566 = arith.constant 0 : i32
      %dma_start3A_1567 = arith.constant 0 : i32
      %dma_start3A_1568 = tpu.memref_slice %arg48[%dma_start3A_1566, %dma_start3A_1567] : memref<12048x16xf32, #tpu.memory_space<vmem_shared>> -> memref<12048x16xf32, #tpu.memory_space<vmem_shared>>
      tpu.enqueue_indirect_dma source(%arg36 : memref<128x16xf32, #tpu.memory_space<vmem>>) target(%dma_start3A_1568 : memref<12048x16xf32, #tpu.memory_space<vmem_shared>>) offsets(%dma_start3A_1565 : memref<128xi32, #tpu.memory_space<vmem>>) semaphore(%arg50 : memref<!tpu.dma_semaphore, #tpu.memory_space<semaphore_mem>>) {add = true}
      %mul3A_1569 = arith.constant 20 : i32
      %mul3A_1570 = arith.muli %add3A_354, %mul3A_1569 : i32
      %add3A_1571 = arith.constant 10 : i32
      %add3A_1572 = arith.addi %mul3A_1570, %add3A_1571 : i32
      %dma_start3A_1573 = arith.constant 1 : i32
      %dma_start3A_1574 = arith.constant 0 : i32
      %dma_start3A_1575 = tpu.memref_slice %arg6[%add3A_1572, %dma_start3A_1573, %dma_start3A_1574] : memref<80x2x128xi32, #tpu.memory_space<vmem>> -> memref<1x1x128xi32, #tpu.memory_space<vmem>>
      %dma_start3A_1576 = tpu.memref_squeeze %dma_start3A_1575 : memref<1x1x128xi32, #tpu.memory_space<vmem>> -> memref<128xi32, #tpu.memory_space<vmem>>
      %dma_start3A_1577 = arith.constant 0 : i32
      %dma_start3A_1578 = arith.constant 0 : i32
      %dma_start3A_1579 = tpu.memref_slice %arg48[%dma_start3A_1577, %dma_start3A_1578] : memref<12048x16xf32, #tpu.memory_space<vmem_shared>> -> memref<12048x16xf32, #tpu.memory_space<vmem_shared>>
      tpu.enqueue_indirect_dma source(%arg37 : memref<128x16xf32, #tpu.memory_space<vmem>>) target(%dma_start3A_1579 : memref<12048x16xf32, #tpu.memory_space<vmem_shared>>) offsets(%dma_start3A_1576 : memref<128xi32, #tpu.memory_space<vmem>>) semaphore(%arg50 : memref<!tpu.dma_semaphore, #tpu.memory_space<semaphore_mem>>) {add = true}
      %mul3A_1580 = arith.constant 20 : i32
      %mul3A_1581 = arith.muli %add3A_354, %mul3A_1580 : i32
      %add3A_1582 = arith.constant 11 : i32
      %add3A_1583 = arith.addi %mul3A_1581, %add3A_1582 : i32
      %dma_start3A_1584 = arith.constant 1 : i32
      %dma_start3A_1585 = arith.constant 0 : i32
      %dma_start3A_1586 = tpu.memref_slice %arg6[%add3A_1583, %dma_start3A_1584, %dma_start3A_1585] : memref<80x2x128xi32, #tpu.memory_space<vmem>> -> memref<1x1x128xi32, #tpu.memory_space<vmem>>
      %dma_start3A_1587 = tpu.memref_squeeze %dma_start3A_1586 : memref<1x1x128xi32, #tpu.memory_space<vmem>> -> memref<128xi32, #tpu.memory_space<vmem>>
      %dma_start3A_1588 = arith.constant 0 : i32
      %dma_start3A_1589 = arith.constant 0 : i32
      %dma_start3A_1590 = tpu.memref_slice %arg48[%dma_start3A_1588, %dma_start3A_1589] : memref<12048x16xf32, #tpu.memory_space<vmem_shared>> -> memref<12048x16xf32, #tpu.memory_space<vmem_shared>>
      tpu.enqueue_indirect_dma source(%arg38 : memref<128x16xf32, #tpu.memory_space<vmem>>) target(%dma_start3A_1590 : memref<12048x16xf32, #tpu.memory_space<vmem_shared>>) offsets(%dma_start3A_1587 : memref<128xi32, #tpu.memory_space<vmem>>) semaphore(%arg50 : memref<!tpu.dma_semaphore, #tpu.memory_space<semaphore_mem>>) {add = true}
      %mul3A_1591 = arith.constant 20 : i32
      %mul3A_1592 = arith.muli %add3A_354, %mul3A_1591 : i32
      %add3A_1593 = arith.constant 12 : i32
      %add3A_1594 = arith.addi %mul3A_1592, %add3A_1593 : i32
      %dma_start3A_1595 = arith.constant 1 : i32
      %dma_start3A_1596 = arith.constant 0 : i32
      %dma_start3A_1597 = tpu.memref_slice %arg6[%add3A_1594, %dma_start3A_1595, %dma_start3A_1596] : memref<80x2x128xi32, #tpu.memory_space<vmem>> -> memref<1x1x128xi32, #tpu.memory_space<vmem>>
      %dma_start3A_1598 = tpu.memref_squeeze %dma_start3A_1597 : memref<1x1x128xi32, #tpu.memory_space<vmem>> -> memref<128xi32, #tpu.memory_space<vmem>>
      %dma_start3A_1599 = arith.constant 0 : i32
      %dma_start3A_1600 = arith.constant 0 : i32
      %dma_start3A_1601 = tpu.memref_slice %arg48[%dma_start3A_1599, %dma_start3A_1600] : memref<12048x16xf32, #tpu.memory_space<vmem_shared>> -> memref<12048x16xf32, #tpu.memory_space<vmem_shared>>
      tpu.enqueue_indirect_dma source(%arg39 : memref<128x16xf32, #tpu.memory_space<vmem>>) target(%dma_start3A_1601 : memref<12048x16xf32, #tpu.memory_space<vmem_shared>>) offsets(%dma_start3A_1598 : memref<128xi32, #tpu.memory_space<vmem>>) semaphore(%arg50 : memref<!tpu.dma_semaphore, #tpu.memory_space<semaphore_mem>>) {add = true}
      %mul3A_1602 = arith.constant 20 : i32
      %mul3A_1603 = arith.muli %add3A_354, %mul3A_1602 : i32
      %add3A_1604 = arith.constant 13 : i32
      %add3A_1605 = arith.addi %mul3A_1603, %add3A_1604 : i32
      %dma_start3A_1606 = arith.constant 1 : i32
      %dma_start3A_1607 = arith.constant 0 : i32
      %dma_start3A_1608 = tpu.memref_slice %arg6[%add3A_1605, %dma_start3A_1606, %dma_start3A_1607] : memref<80x2x128xi32, #tpu.memory_space<vmem>> -> memref<1x1x128xi32, #tpu.memory_space<vmem>>
      %dma_start3A_1609 = tpu.memref_squeeze %dma_start3A_1608 : memref<1x1x128xi32, #tpu.memory_space<vmem>> -> memref<128xi32, #tpu.memory_space<vmem>>
      %dma_start3A_1610 = arith.constant 0 : i32
      %dma_start3A_1611 = arith.constant 0 : i32
      %dma_start3A_1612 = tpu.memref_slice %arg48[%dma_start3A_1610, %dma_start3A_1611] : memref<12048x16xf32, #tpu.memory_space<vmem_shared>> -> memref<12048x16xf32, #tpu.memory_space<vmem_shared>>
      tpu.enqueue_indirect_dma source(%arg40 : memref<128x16xf32, #tpu.memory_space<vmem>>) target(%dma_start3A_1612 : memref<12048x16xf32, #tpu.memory_space<vmem_shared>>) offsets(%dma_start3A_1609 : memref<128xi32, #tpu.memory_space<vmem>>) semaphore(%arg50 : memref<!tpu.dma_semaphore, #tpu.memory_space<semaphore_mem>>) {add = true}
      %mul3A_1613 = arith.constant 20 : i32
      %mul3A_1614 = arith.muli %add3A_354, %mul3A_1613 : i32
      %add3A_1615 = arith.constant 14 : i32
      %add3A_1616 = arith.addi %mul3A_1614, %add3A_1615 : i32
      %dma_start3A_1617 = arith.constant 1 : i32
      %dma_start3A_1618 = arith.constant 0 : i32
      %dma_start3A_1619 = tpu.memref_slice %arg6[%add3A_1616, %dma_start3A_1617, %dma_start3A_1618] : memref<80x2x128xi32, #tpu.memory_space<vmem>> -> memref<1x1x128xi32, #tpu.memory_space<vmem>>
      %dma_start3A_1620 = tpu.memref_squeeze %dma_start3A_1619 : memref<1x1x128xi32, #tpu.memory_space<vmem>> -> memref<128xi32, #tpu.memory_space<vmem>>
      %dma_start3A_1621 = arith.constant 0 : i32
      %dma_start3A_1622 = arith.constant 0 : i32
      %dma_start3A_1623 = tpu.memref_slice %arg48[%dma_start3A_1621, %dma_start3A_1622] : memref<12048x16xf32, #tpu.memory_space<vmem_shared>> -> memref<12048x16xf32, #tpu.memory_space<vmem_shared>>
      tpu.enqueue_indirect_dma source(%arg41 : memref<128x16xf32, #tpu.memory_space<vmem>>) target(%dma_start3A_1623 : memref<12048x16xf32, #tpu.memory_space<vmem_shared>>) offsets(%dma_start3A_1620 : memref<128xi32, #tpu.memory_space<vmem>>) semaphore(%arg50 : memref<!tpu.dma_semaphore, #tpu.memory_space<semaphore_mem>>) {add = true}
      %mul3A_1624 = arith.constant 20 : i32
      %mul3A_1625 = arith.muli %add3A_354, %mul3A_1624 : i32
      %add3A_1626 = arith.constant 15 : i32
      %add3A_1627 = arith.addi %mul3A_1625, %add3A_1626 : i32
      %dma_start3A_1628 = arith.constant 1 : i32
      %dma_start3A_1629 = arith.constant 0 : i32
      %dma_start3A_1630 = tpu.memref_slice %arg6[%add3A_1627, %dma_start3A_1628, %dma_start3A_1629] : memref<80x2x128xi32, #tpu.memory_space<vmem>> -> memref<1x1x128xi32, #tpu.memory_space<vmem>>
      %dma_start3A_1631 = tpu.memref_squeeze %dma_start3A_1630 : memref<1x1x128xi32, #tpu.memory_space<vmem>> -> memref<128xi32, #tpu.memory_space<vmem>>
      %dma_start3A_1632 = arith.constant 0 : i32
      %dma_start3A_1633 = arith.constant 0 : i32
      %dma_start3A_1634 = tpu.memref_slice %arg48[%dma_start3A_1632, %dma_start3A_1633] : memref<12048x16xf32, #tpu.memory_space<vmem_shared>> -> memref<12048x16xf32, #tpu.memory_space<vmem_shared>>
      tpu.enqueue_indirect_dma source(%arg42 : memref<128x16xf32, #tpu.memory_space<vmem>>) target(%dma_start3A_1634 : memref<12048x16xf32, #tpu.memory_space<vmem_shared>>) offsets(%dma_start3A_1631 : memref<128xi32, #tpu.memory_space<vmem>>) semaphore(%arg50 : memref<!tpu.dma_semaphore, #tpu.memory_space<semaphore_mem>>) {add = true}
      %mul3A_1635 = arith.constant 20 : i32
      %mul3A_1636 = arith.muli %add3A_354, %mul3A_1635 : i32
      %add3A_1637 = arith.constant 16 : i32
      %add3A_1638 = arith.addi %mul3A_1636, %add3A_1637 : i32
      %dma_start3A_1639 = arith.constant 1 : i32
      %dma_start3A_1640 = arith.constant 0 : i32
      %dma_start3A_1641 = tpu.memref_slice %arg6[%add3A_1638, %dma_start3A_1639, %dma_start3A_1640] : memref<80x2x128xi32, #tpu.memory_space<vmem>> -> memref<1x1x128xi32, #tpu.memory_space<vmem>>
      %dma_start3A_1642 = tpu.memref_squeeze %dma_start3A_1641 : memref<1x1x128xi32, #tpu.memory_space<vmem>> -> memref<128xi32, #tpu.memory_space<vmem>>
      %dma_start3A_1643 = arith.constant 0 : i32
      %dma_start3A_1644 = arith.constant 0 : i32
      %dma_start3A_1645 = tpu.memref_slice %arg48[%dma_start3A_1643, %dma_start3A_1644] : memref<12048x16xf32, #tpu.memory_space<vmem_shared>> -> memref<12048x16xf32, #tpu.memory_space<vmem_shared>>
      tpu.enqueue_indirect_dma source(%arg43 : memref<128x16xf32, #tpu.memory_space<vmem>>) target(%dma_start3A_1645 : memref<12048x16xf32, #tpu.memory_space<vmem_shared>>) offsets(%dma_start3A_1642 : memref<128xi32, #tpu.memory_space<vmem>>) semaphore(%arg50 : memref<!tpu.dma_semaphore, #tpu.memory_space<semaphore_mem>>) {add = true}
      %mul3A_1646 = arith.constant 20 : i32
      %mul3A_1647 = arith.muli %add3A_354, %mul3A_1646 : i32
      %add3A_1648 = arith.constant 17 : i32
      %add3A_1649 = arith.addi %mul3A_1647, %add3A_1648 : i32
      %dma_start3A_1650 = arith.constant 1 : i32
      %dma_start3A_1651 = arith.constant 0 : i32
      %dma_start3A_1652 = tpu.memref_slice %arg6[%add3A_1649, %dma_start3A_1650, %dma_start3A_1651] : memref<80x2x128xi32, #tpu.memory_space<vmem>> -> memref<1x1x128xi32, #tpu.memory_space<vmem>>
      %dma_start3A_1653 = tpu.memref_squeeze %dma_start3A_1652 : memref<1x1x128xi32, #tpu.memory_space<vmem>> -> memref<128xi32, #tpu.memory_space<vmem>>
      %dma_start3A_1654 = arith.constant 0 : i32
      %dma_start3A_1655 = arith.constant 0 : i32
      %dma_start3A_1656 = tpu.memref_slice %arg48[%dma_start3A_1654, %dma_start3A_1655] : memref<12048x16xf32, #tpu.memory_space<vmem_shared>> -> memref<12048x16xf32, #tpu.memory_space<vmem_shared>>
      tpu.enqueue_indirect_dma source(%arg44 : memref<128x16xf32, #tpu.memory_space<vmem>>) target(%dma_start3A_1656 : memref<12048x16xf32, #tpu.memory_space<vmem_shared>>) offsets(%dma_start3A_1653 : memref<128xi32, #tpu.memory_space<vmem>>) semaphore(%arg50 : memref<!tpu.dma_semaphore, #tpu.memory_space<semaphore_mem>>) {add = true}
      %mul3A_1657 = arith.constant 20 : i32
      %mul3A_1658 = arith.muli %add3A_354, %mul3A_1657 : i32
      %add3A_1659 = arith.constant 18 : i32
      %add3A_1660 = arith.addi %mul3A_1658, %add3A_1659 : i32
      %dma_start3A_1661 = arith.constant 1 : i32
      %dma_start3A_1662 = arith.constant 0 : i32
      %dma_start3A_1663 = tpu.memref_slice %arg6[%add3A_1660, %dma_start3A_1661, %dma_start3A_1662] : memref<80x2x128xi32, #tpu.memory_space<vmem>> -> memref<1x1x128xi32, #tpu.memory_space<vmem>>
      %dma_start3A_1664 = tpu.memref_squeeze %dma_start3A_1663 : memref<1x1x128xi32, #tpu.memory_space<vmem>> -> memref<128xi32, #tpu.memory_space<vmem>>
      %dma_start3A_1665 = arith.constant 0 : i32
      %dma_start3A_1666 = arith.constant 0 : i32
      %dma_start3A_1667 = tpu.memref_slice %arg48[%dma_start3A_1665, %dma_start3A_1666] : memref<12048x16xf32, #tpu.memory_space<vmem_shared>> -> memref<12048x16xf32, #tpu.memory_space<vmem_shared>>
      tpu.enqueue_indirect_dma source(%arg45 : memref<128x16xf32, #tpu.memory_space<vmem>>) target(%dma_start3A_1667 : memref<12048x16xf32, #tpu.memory_space<vmem_shared>>) offsets(%dma_start3A_1664 : memref<128xi32, #tpu.memory_space<vmem>>) semaphore(%arg50 : memref<!tpu.dma_semaphore, #tpu.memory_space<semaphore_mem>>) {add = true}
      %mul3A_1668 = arith.constant 20 : i32
      %mul3A_1669 = arith.muli %add3A_354, %mul3A_1668 : i32
      %add3A_1670 = arith.constant 19 : i32
      %add3A_1671 = arith.addi %mul3A_1669, %add3A_1670 : i32
      %dma_start3A_1672 = arith.constant 1 : i32
      %dma_start3A_1673 = arith.constant 0 : i32
      %dma_start3A_1674 = tpu.memref_slice %arg6[%add3A_1671, %dma_start3A_1672, %dma_start3A_1673] : memref<80x2x128xi32, #tpu.memory_space<vmem>> -> memref<1x1x128xi32, #tpu.memory_space<vmem>>
      %dma_start3A_1675 = tpu.memref_squeeze %dma_start3A_1674 : memref<1x1x128xi32, #tpu.memory_space<vmem>> -> memref<128xi32, #tpu.memory_space<vmem>>
      %dma_start3A_1676 = arith.constant 0 : i32
      %dma_start3A_1677 = arith.constant 0 : i32
      %dma_start3A_1678 = tpu.memref_slice %arg48[%dma_start3A_1676, %dma_start3A_1677] : memref<12048x16xf32, #tpu.memory_space<vmem_shared>> -> memref<12048x16xf32, #tpu.memory_space<vmem_shared>>
      tpu.enqueue_indirect_dma source(%arg46 : memref<128x16xf32, #tpu.memory_space<vmem>>) target(%dma_start3A_1678 : memref<12048x16xf32, #tpu.memory_space<vmem_shared>>) offsets(%dma_start3A_1675 : memref<128xi32, #tpu.memory_space<vmem>>) semaphore(%arg50 : memref<!tpu.dma_semaphore, #tpu.memory_space<semaphore_mem>>) {add = true}
      %lt3A = arith.constant 1 : i32
      %lt3A_1679 = arith.cmpi slt, %scan3A_350, %lt3A : i32
      %convert_element_type3A_1680 = arith.extui %lt3A_1679 : i1 to i32
      %cond3A_1681 = arith.constant 0 : i32
      %cond3A_1682 = arith.cmpi ne, %convert_element_type3A_1680, %cond3A_1681 : i32
      scf.if %cond3A_1682 {
        %add3A_1683 = arith.constant 2 : i32
        %add3A_1684 = arith.addi %mul3A_352, %add3A_1683 : i32
        %mul3A_1685 = arith.constant 20 : i32
        %mul3A_1686 = arith.muli %add3A_1684, %mul3A_1685 : i32
        %add3A_1687 = arith.constant 0 : i32
        %add3A_1688 = arith.addi %mul3A_1686, %add3A_1687 : i32
        %dma_start3A_1689 = arith.constant 0 : i32
        %dma_start3A_1690 = arith.constant 0 : i32
        %dma_start3A_1691 = tpu.memref_slice %arg6[%add3A_1688, %dma_start3A_1689, %dma_start3A_1690] : memref<80x2x128xi32, #tpu.memory_space<vmem>> -> memref<1x1x128xi32, #tpu.memory_space<vmem>>
        %dma_start3A_1692 = tpu.memref_squeeze %dma_start3A_1691 : memref<1x1x128xi32, #tpu.memory_space<vmem>> -> memref<128xi32, #tpu.memory_space<vmem>>
        %dma_start3A_1693 = arith.constant 0 : i32
        %dma_start3A_1694 = arith.constant 0 : i32
        %dma_start3A_1695 = tpu.memref_slice %arg2[%dma_start3A_1693, %dma_start3A_1694] : memref<10000x16xf32, #tpu.memory_space<hbm>> -> memref<10000x16xf32, #tpu.memory_space<hbm>>
        tpu.enqueue_indirect_dma source(%dma_start3A_1695 : memref<10000x16xf32, #tpu.memory_space<hbm>>) target(%arg7 : memref<128x16xf32, #tpu.memory_space<vmem>>) offsets(%dma_start3A_1692 : memref<128xi32, #tpu.memory_space<vmem>>) semaphore(%arg49 : memref<!tpu.dma_semaphore, #tpu.memory_space<semaphore_mem>>)
        %mul3A_1696 = arith.constant 20 : i32
        %mul3A_1697 = arith.muli %add3A_1684, %mul3A_1696 : i32
        %add3A_1698 = arith.constant 1 : i32
        %add3A_1699 = arith.addi %mul3A_1697, %add3A_1698 : i32
        %dma_start3A_1700 = arith.constant 0 : i32
        %dma_start3A_1701 = arith.constant 0 : i32
        %dma_start3A_1702 = tpu.memref_slice %arg6[%add3A_1699, %dma_start3A_1700, %dma_start3A_1701] : memref<80x2x128xi32, #tpu.memory_space<vmem>> -> memref<1x1x128xi32, #tpu.memory_space<vmem>>
        %dma_start3A_1703 = tpu.memref_squeeze %dma_start3A_1702 : memref<1x1x128xi32, #tpu.memory_space<vmem>> -> memref<128xi32, #tpu.memory_space<vmem>>
        %dma_start3A_1704 = arith.constant 0 : i32
        %dma_start3A_1705 = arith.constant 0 : i32
        %dma_start3A_1706 = tpu.memref_slice %arg2[%dma_start3A_1704, %dma_start3A_1705] : memref<10000x16xf32, #tpu.memory_space<hbm>> -> memref<10000x16xf32, #tpu.memory_space<hbm>>
        tpu.enqueue_indirect_dma source(%dma_start3A_1706 : memref<10000x16xf32, #tpu.memory_space<hbm>>) target(%arg8 : memref<128x16xf32, #tpu.memory_space<vmem>>) offsets(%dma_start3A_1703 : memref<128xi32, #tpu.memory_space<vmem>>) semaphore(%arg49 : memref<!tpu.dma_semaphore, #tpu.memory_space<semaphore_mem>>)
        %mul3A_1707 = arith.constant 20 : i32
        %mul3A_1708 = arith.muli %add3A_1684, %mul3A_1707 : i32
        %add3A_1709 = arith.constant 2 : i32
        %add3A_1710 = arith.addi %mul3A_1708, %add3A_1709 : i32
        %dma_start3A_1711 = arith.constant 0 : i32
        %dma_start3A_1712 = arith.constant 0 : i32
        %dma_start3A_1713 = tpu.memref_slice %arg6[%add3A_1710, %dma_start3A_1711, %dma_start3A_1712] : memref<80x2x128xi32, #tpu.memory_space<vmem>> -> memref<1x1x128xi32, #tpu.memory_space<vmem>>
        %dma_start3A_1714 = tpu.memref_squeeze %dma_start3A_1713 : memref<1x1x128xi32, #tpu.memory_space<vmem>> -> memref<128xi32, #tpu.memory_space<vmem>>
        %dma_start3A_1715 = arith.constant 0 : i32
        %dma_start3A_1716 = arith.constant 0 : i32
        %dma_start3A_1717 = tpu.memref_slice %arg2[%dma_start3A_1715, %dma_start3A_1716] : memref<10000x16xf32, #tpu.memory_space<hbm>> -> memref<10000x16xf32, #tpu.memory_space<hbm>>
        tpu.enqueue_indirect_dma source(%dma_start3A_1717 : memref<10000x16xf32, #tpu.memory_space<hbm>>) target(%arg9 : memref<128x16xf32, #tpu.memory_space<vmem>>) offsets(%dma_start3A_1714 : memref<128xi32, #tpu.memory_space<vmem>>) semaphore(%arg49 : memref<!tpu.dma_semaphore, #tpu.memory_space<semaphore_mem>>)
        %mul3A_1718 = arith.constant 20 : i32
        %mul3A_1719 = arith.muli %add3A_1684, %mul3A_1718 : i32
        %add3A_1720 = arith.constant 3 : i32
        %add3A_1721 = arith.addi %mul3A_1719, %add3A_1720 : i32
        %dma_start3A_1722 = arith.constant 0 : i32
        %dma_start3A_1723 = arith.constant 0 : i32
        %dma_start3A_1724 = tpu.memref_slice %arg6[%add3A_1721, %dma_start3A_1722, %dma_start3A_1723] : memref<80x2x128xi32, #tpu.memory_space<vmem>> -> memref<1x1x128xi32, #tpu.memory_space<vmem>>
        %dma_start3A_1725 = tpu.memref_squeeze %dma_start3A_1724 : memref<1x1x128xi32, #tpu.memory_space<vmem>> -> memref<128xi32, #tpu.memory_space<vmem>>
        %dma_start3A_1726 = arith.constant 0 : i32
        %dma_start3A_1727 = arith.constant 0 : i32
        %dma_start3A_1728 = tpu.memref_slice %arg2[%dma_start3A_1726, %dma_start3A_1727] : memref<10000x16xf32, #tpu.memory_space<hbm>> -> memref<10000x16xf32, #tpu.memory_space<hbm>>
        tpu.enqueue_indirect_dma source(%dma_start3A_1728 : memref<10000x16xf32, #tpu.memory_space<hbm>>) target(%arg10 : memref<128x16xf32, #tpu.memory_space<vmem>>) offsets(%dma_start3A_1725 : memref<128xi32, #tpu.memory_space<vmem>>) semaphore(%arg49 : memref<!tpu.dma_semaphore, #tpu.memory_space<semaphore_mem>>)
        %mul3A_1729 = arith.constant 20 : i32
        %mul3A_1730 = arith.muli %add3A_1684, %mul3A_1729 : i32
        %add3A_1731 = arith.constant 4 : i32
        %add3A_1732 = arith.addi %mul3A_1730, %add3A_1731 : i32
        %dma_start3A_1733 = arith.constant 0 : i32
        %dma_start3A_1734 = arith.constant 0 : i32
        %dma_start3A_1735 = tpu.memref_slice %arg6[%add3A_1732, %dma_start3A_1733, %dma_start3A_1734] : memref<80x2x128xi32, #tpu.memory_space<vmem>> -> memref<1x1x128xi32, #tpu.memory_space<vmem>>
        %dma_start3A_1736 = tpu.memref_squeeze %dma_start3A_1735 : memref<1x1x128xi32, #tpu.memory_space<vmem>> -> memref<128xi32, #tpu.memory_space<vmem>>
        %dma_start3A_1737 = arith.constant 0 : i32
        %dma_start3A_1738 = arith.constant 0 : i32
        %dma_start3A_1739 = tpu.memref_slice %arg2[%dma_start3A_1737, %dma_start3A_1738] : memref<10000x16xf32, #tpu.memory_space<hbm>> -> memref<10000x16xf32, #tpu.memory_space<hbm>>
        tpu.enqueue_indirect_dma source(%dma_start3A_1739 : memref<10000x16xf32, #tpu.memory_space<hbm>>) target(%arg11 : memref<128x16xf32, #tpu.memory_space<vmem>>) offsets(%dma_start3A_1736 : memref<128xi32, #tpu.memory_space<vmem>>) semaphore(%arg49 : memref<!tpu.dma_semaphore, #tpu.memory_space<semaphore_mem>>)
        %mul3A_1740 = arith.constant 20 : i32
        %mul3A_1741 = arith.muli %add3A_1684, %mul3A_1740 : i32
        %add3A_1742 = arith.constant 5 : i32
        %add3A_1743 = arith.addi %mul3A_1741, %add3A_1742 : i32
        %dma_start3A_1744 = arith.constant 0 : i32
        %dma_start3A_1745 = arith.constant 0 : i32
        %dma_start3A_1746 = tpu.memref_slice %arg6[%add3A_1743, %dma_start3A_1744, %dma_start3A_1745] : memref<80x2x128xi32, #tpu.memory_space<vmem>> -> memref<1x1x128xi32, #tpu.memory_space<vmem>>
        %dma_start3A_1747 = tpu.memref_squeeze %dma_start3A_1746 : memref<1x1x128xi32, #tpu.memory_space<vmem>> -> memref<128xi32, #tpu.memory_space<vmem>>
        %dma_start3A_1748 = arith.constant 0 : i32
        %dma_start3A_1749 = arith.constant 0 : i32
        %dma_start3A_1750 = tpu.memref_slice %arg2[%dma_start3A_1748, %dma_start3A_1749] : memref<10000x16xf32, #tpu.memory_space<hbm>> -> memref<10000x16xf32, #tpu.memory_space<hbm>>
        tpu.enqueue_indirect_dma source(%dma_start3A_1750 : memref<10000x16xf32, #tpu.memory_space<hbm>>) target(%arg12 : memref<128x16xf32, #tpu.memory_space<vmem>>) offsets(%dma_start3A_1747 : memref<128xi32, #tpu.memory_space<vmem>>) semaphore(%arg49 : memref<!tpu.dma_semaphore, #tpu.memory_space<semaphore_mem>>)
        %mul3A_1751 = arith.constant 20 : i32
        %mul3A_1752 = arith.muli %add3A_1684, %mul3A_1751 : i32
        %add3A_1753 = arith.constant 6 : i32
        %add3A_1754 = arith.addi %mul3A_1752, %add3A_1753 : i32
        %dma_start3A_1755 = arith.constant 0 : i32
        %dma_start3A_1756 = arith.constant 0 : i32
        %dma_start3A_1757 = tpu.memref_slice %arg6[%add3A_1754, %dma_start3A_1755, %dma_start3A_1756] : memref<80x2x128xi32, #tpu.memory_space<vmem>> -> memref<1x1x128xi32, #tpu.memory_space<vmem>>
        %dma_start3A_1758 = tpu.memref_squeeze %dma_start3A_1757 : memref<1x1x128xi32, #tpu.memory_space<vmem>> -> memref<128xi32, #tpu.memory_space<vmem>>
        %dma_start3A_1759 = arith.constant 0 : i32
        %dma_start3A_1760 = arith.constant 0 : i32
        %dma_start3A_1761 = tpu.memref_slice %arg2[%dma_start3A_1759, %dma_start3A_1760] : memref<10000x16xf32, #tpu.memory_space<hbm>> -> memref<10000x16xf32, #tpu.memory_space<hbm>>
        tpu.enqueue_indirect_dma source(%dma_start3A_1761 : memref<10000x16xf32, #tpu.memory_space<hbm>>) target(%arg13 : memref<128x16xf32, #tpu.memory_space<vmem>>) offsets(%dma_start3A_1758 : memref<128xi32, #tpu.memory_space<vmem>>) semaphore(%arg49 : memref<!tpu.dma_semaphore, #tpu.memory_space<semaphore_mem>>)
        %mul3A_1762 = arith.constant 20 : i32
        %mul3A_1763 = arith.muli %add3A_1684, %mul3A_1762 : i32
        %add3A_1764 = arith.constant 7 : i32
        %add3A_1765 = arith.addi %mul3A_1763, %add3A_1764 : i32
        %dma_start3A_1766 = arith.constant 0 : i32
        %dma_start3A_1767 = arith.constant 0 : i32
        %dma_start3A_1768 = tpu.memref_slice %arg6[%add3A_1765, %dma_start3A_1766, %dma_start3A_1767] : memref<80x2x128xi32, #tpu.memory_space<vmem>> -> memref<1x1x128xi32, #tpu.memory_space<vmem>>
        %dma_start3A_1769 = tpu.memref_squeeze %dma_start3A_1768 : memref<1x1x128xi32, #tpu.memory_space<vmem>> -> memref<128xi32, #tpu.memory_space<vmem>>
        %dma_start3A_1770 = arith.constant 0 : i32
        %dma_start3A_1771 = arith.constant 0 : i32
        %dma_start3A_1772 = tpu.memref_slice %arg2[%dma_start3A_1770, %dma_start3A_1771] : memref<10000x16xf32, #tpu.memory_space<hbm>> -> memref<10000x16xf32, #tpu.memory_space<hbm>>
        tpu.enqueue_indirect_dma source(%dma_start3A_1772 : memref<10000x16xf32, #tpu.memory_space<hbm>>) target(%arg14 : memref<128x16xf32, #tpu.memory_space<vmem>>) offsets(%dma_start3A_1769 : memref<128xi32, #tpu.memory_space<vmem>>) semaphore(%arg49 : memref<!tpu.dma_semaphore, #tpu.memory_space<semaphore_mem>>)
        %mul3A_1773 = arith.constant 20 : i32
        %mul3A_1774 = arith.muli %add3A_1684, %mul3A_1773 : i32
        %add3A_1775 = arith.constant 8 : i32
        %add3A_1776 = arith.addi %mul3A_1774, %add3A_1775 : i32
        %dma_start3A_1777 = arith.constant 0 : i32
        %dma_start3A_1778 = arith.constant 0 : i32
        %dma_start3A_1779 = tpu.memref_slice %arg6[%add3A_1776, %dma_start3A_1777, %dma_start3A_1778] : memref<80x2x128xi32, #tpu.memory_space<vmem>> -> memref<1x1x128xi32, #tpu.memory_space<vmem>>
        %dma_start3A_1780 = tpu.memref_squeeze %dma_start3A_1779 : memref<1x1x128xi32, #tpu.memory_space<vmem>> -> memref<128xi32, #tpu.memory_space<vmem>>
        %dma_start3A_1781 = arith.constant 0 : i32
        %dma_start3A_1782 = arith.constant 0 : i32
        %dma_start3A_1783 = tpu.memref_slice %arg2[%dma_start3A_1781, %dma_start3A_1782] : memref<10000x16xf32, #tpu.memory_space<hbm>> -> memref<10000x16xf32, #tpu.memory_space<hbm>>
        tpu.enqueue_indirect_dma source(%dma_start3A_1783 : memref<10000x16xf32, #tpu.memory_space<hbm>>) target(%arg15 : memref<128x16xf32, #tpu.memory_space<vmem>>) offsets(%dma_start3A_1780 : memref<128xi32, #tpu.memory_space<vmem>>) semaphore(%arg49 : memref<!tpu.dma_semaphore, #tpu.memory_space<semaphore_mem>>)
        %mul3A_1784 = arith.constant 20 : i32
        %mul3A_1785 = arith.muli %add3A_1684, %mul3A_1784 : i32
        %add3A_1786 = arith.constant 9 : i32
        %add3A_1787 = arith.addi %mul3A_1785, %add3A_1786 : i32
        %dma_start3A_1788 = arith.constant 0 : i32
        %dma_start3A_1789 = arith.constant 0 : i32
        %dma_start3A_1790 = tpu.memref_slice %arg6[%add3A_1787, %dma_start3A_1788, %dma_start3A_1789] : memref<80x2x128xi32, #tpu.memory_space<vmem>> -> memref<1x1x128xi32, #tpu.memory_space<vmem>>
        %dma_start3A_1791 = tpu.memref_squeeze %dma_start3A_1790 : memref<1x1x128xi32, #tpu.memory_space<vmem>> -> memref<128xi32, #tpu.memory_space<vmem>>
        %dma_start3A_1792 = arith.constant 0 : i32
        %dma_start3A_1793 = arith.constant 0 : i32
        %dma_start3A_1794 = tpu.memref_slice %arg2[%dma_start3A_1792, %dma_start3A_1793] : memref<10000x16xf32, #tpu.memory_space<hbm>> -> memref<10000x16xf32, #tpu.memory_space<hbm>>
        tpu.enqueue_indirect_dma source(%dma_start3A_1794 : memref<10000x16xf32, #tpu.memory_space<hbm>>) target(%arg16 : memref<128x16xf32, #tpu.memory_space<vmem>>) offsets(%dma_start3A_1791 : memref<128xi32, #tpu.memory_space<vmem>>) semaphore(%arg49 : memref<!tpu.dma_semaphore, #tpu.memory_space<semaphore_mem>>)
        %mul3A_1795 = arith.constant 20 : i32
        %mul3A_1796 = arith.muli %add3A_1684, %mul3A_1795 : i32
        %add3A_1797 = arith.constant 10 : i32
        %add3A_1798 = arith.addi %mul3A_1796, %add3A_1797 : i32
        %dma_start3A_1799 = arith.constant 0 : i32
        %dma_start3A_1800 = arith.constant 0 : i32
        %dma_start3A_1801 = tpu.memref_slice %arg6[%add3A_1798, %dma_start3A_1799, %dma_start3A_1800] : memref<80x2x128xi32, #tpu.memory_space<vmem>> -> memref<1x1x128xi32, #tpu.memory_space<vmem>>
        %dma_start3A_1802 = tpu.memref_squeeze %dma_start3A_1801 : memref<1x1x128xi32, #tpu.memory_space<vmem>> -> memref<128xi32, #tpu.memory_space<vmem>>
        %dma_start3A_1803 = arith.constant 0 : i32
        %dma_start3A_1804 = arith.constant 0 : i32
        %dma_start3A_1805 = tpu.memref_slice %arg2[%dma_start3A_1803, %dma_start3A_1804] : memref<10000x16xf32, #tpu.memory_space<hbm>> -> memref<10000x16xf32, #tpu.memory_space<hbm>>
        tpu.enqueue_indirect_dma source(%dma_start3A_1805 : memref<10000x16xf32, #tpu.memory_space<hbm>>) target(%arg17 : memref<128x16xf32, #tpu.memory_space<vmem>>) offsets(%dma_start3A_1802 : memref<128xi32, #tpu.memory_space<vmem>>) semaphore(%arg49 : memref<!tpu.dma_semaphore, #tpu.memory_space<semaphore_mem>>)
        %mul3A_1806 = arith.constant 20 : i32
        %mul3A_1807 = arith.muli %add3A_1684, %mul3A_1806 : i32
        %add3A_1808 = arith.constant 11 : i32
        %add3A_1809 = arith.addi %mul3A_1807, %add3A_1808 : i32
        %dma_start3A_1810 = arith.constant 0 : i32
        %dma_start3A_1811 = arith.constant 0 : i32
        %dma_start3A_1812 = tpu.memref_slice %arg6[%add3A_1809, %dma_start3A_1810, %dma_start3A_1811] : memref<80x2x128xi32, #tpu.memory_space<vmem>> -> memref<1x1x128xi32, #tpu.memory_space<vmem>>
        %dma_start3A_1813 = tpu.memref_squeeze %dma_start3A_1812 : memref<1x1x128xi32, #tpu.memory_space<vmem>> -> memref<128xi32, #tpu.memory_space<vmem>>
        %dma_start3A_1814 = arith.constant 0 : i32
        %dma_start3A_1815 = arith.constant 0 : i32
        %dma_start3A_1816 = tpu.memref_slice %arg2[%dma_start3A_1814, %dma_start3A_1815] : memref<10000x16xf32, #tpu.memory_space<hbm>> -> memref<10000x16xf32, #tpu.memory_space<hbm>>
        tpu.enqueue_indirect_dma source(%dma_start3A_1816 : memref<10000x16xf32, #tpu.memory_space<hbm>>) target(%arg18 : memref<128x16xf32, #tpu.memory_space<vmem>>) offsets(%dma_start3A_1813 : memref<128xi32, #tpu.memory_space<vmem>>) semaphore(%arg49 : memref<!tpu.dma_semaphore, #tpu.memory_space<semaphore_mem>>)
        %mul3A_1817 = arith.constant 20 : i32
        %mul3A_1818 = arith.muli %add3A_1684, %mul3A_1817 : i32
        %add3A_1819 = arith.constant 12 : i32
        %add3A_1820 = arith.addi %mul3A_1818, %add3A_1819 : i32
        %dma_start3A_1821 = arith.constant 0 : i32
        %dma_start3A_1822 = arith.constant 0 : i32
        %dma_start3A_1823 = tpu.memref_slice %arg6[%add3A_1820, %dma_start3A_1821, %dma_start3A_1822] : memref<80x2x128xi32, #tpu.memory_space<vmem>> -> memref<1x1x128xi32, #tpu.memory_space<vmem>>
        %dma_start3A_1824 = tpu.memref_squeeze %dma_start3A_1823 : memref<1x1x128xi32, #tpu.memory_space<vmem>> -> memref<128xi32, #tpu.memory_space<vmem>>
        %dma_start3A_1825 = arith.constant 0 : i32
        %dma_start3A_1826 = arith.constant 0 : i32
        %dma_start3A_1827 = tpu.memref_slice %arg2[%dma_start3A_1825, %dma_start3A_1826] : memref<10000x16xf32, #tpu.memory_space<hbm>> -> memref<10000x16xf32, #tpu.memory_space<hbm>>
        tpu.enqueue_indirect_dma source(%dma_start3A_1827 : memref<10000x16xf32, #tpu.memory_space<hbm>>) target(%arg19 : memref<128x16xf32, #tpu.memory_space<vmem>>) offsets(%dma_start3A_1824 : memref<128xi32, #tpu.memory_space<vmem>>) semaphore(%arg49 : memref<!tpu.dma_semaphore, #tpu.memory_space<semaphore_mem>>)
        %mul3A_1828 = arith.constant 20 : i32
        %mul3A_1829 = arith.muli %add3A_1684, %mul3A_1828 : i32
        %add3A_1830 = arith.constant 13 : i32
        %add3A_1831 = arith.addi %mul3A_1829, %add3A_1830 : i32
        %dma_start3A_1832 = arith.constant 0 : i32
        %dma_start3A_1833 = arith.constant 0 : i32
        %dma_start3A_1834 = tpu.memref_slice %arg6[%add3A_1831, %dma_start3A_1832, %dma_start3A_1833] : memref<80x2x128xi32, #tpu.memory_space<vmem>> -> memref<1x1x128xi32, #tpu.memory_space<vmem>>
        %dma_start3A_1835 = tpu.memref_squeeze %dma_start3A_1834 : memref<1x1x128xi32, #tpu.memory_space<vmem>> -> memref<128xi32, #tpu.memory_space<vmem>>
        %dma_start3A_1836 = arith.constant 0 : i32
        %dma_start3A_1837 = arith.constant 0 : i32
        %dma_start3A_1838 = tpu.memref_slice %arg2[%dma_start3A_1836, %dma_start3A_1837] : memref<10000x16xf32, #tpu.memory_space<hbm>> -> memref<10000x16xf32, #tpu.memory_space<hbm>>
        tpu.enqueue_indirect_dma source(%dma_start3A_1838 : memref<10000x16xf32, #tpu.memory_space<hbm>>) target(%arg20 : memref<128x16xf32, #tpu.memory_space<vmem>>) offsets(%dma_start3A_1835 : memref<128xi32, #tpu.memory_space<vmem>>) semaphore(%arg49 : memref<!tpu.dma_semaphore, #tpu.memory_space<semaphore_mem>>)
        %mul3A_1839 = arith.constant 20 : i32
        %mul3A_1840 = arith.muli %add3A_1684, %mul3A_1839 : i32
        %add3A_1841 = arith.constant 14 : i32
        %add3A_1842 = arith.addi %mul3A_1840, %add3A_1841 : i32
        %dma_start3A_1843 = arith.constant 0 : i32
        %dma_start3A_1844 = arith.constant 0 : i32
        %dma_start3A_1845 = tpu.memref_slice %arg6[%add3A_1842, %dma_start3A_1843, %dma_start3A_1844] : memref<80x2x128xi32, #tpu.memory_space<vmem>> -> memref<1x1x128xi32, #tpu.memory_space<vmem>>
        %dma_start3A_1846 = tpu.memref_squeeze %dma_start3A_1845 : memref<1x1x128xi32, #tpu.memory_space<vmem>> -> memref<128xi32, #tpu.memory_space<vmem>>
        %dma_start3A_1847 = arith.constant 0 : i32
        %dma_start3A_1848 = arith.constant 0 : i32
        %dma_start3A_1849 = tpu.memref_slice %arg2[%dma_start3A_1847, %dma_start3A_1848] : memref<10000x16xf32, #tpu.memory_space<hbm>> -> memref<10000x16xf32, #tpu.memory_space<hbm>>
        tpu.enqueue_indirect_dma source(%dma_start3A_1849 : memref<10000x16xf32, #tpu.memory_space<hbm>>) target(%arg21 : memref<128x16xf32, #tpu.memory_space<vmem>>) offsets(%dma_start3A_1846 : memref<128xi32, #tpu.memory_space<vmem>>) semaphore(%arg49 : memref<!tpu.dma_semaphore, #tpu.memory_space<semaphore_mem>>)
        %mul3A_1850 = arith.constant 20 : i32
        %mul3A_1851 = arith.muli %add3A_1684, %mul3A_1850 : i32
        %add3A_1852 = arith.constant 15 : i32
        %add3A_1853 = arith.addi %mul3A_1851, %add3A_1852 : i32
        %dma_start3A_1854 = arith.constant 0 : i32
        %dma_start3A_1855 = arith.constant 0 : i32
        %dma_start3A_1856 = tpu.memref_slice %arg6[%add3A_1853, %dma_start3A_1854, %dma_start3A_1855] : memref<80x2x128xi32, #tpu.memory_space<vmem>> -> memref<1x1x128xi32, #tpu.memory_space<vmem>>
        %dma_start3A_1857 = tpu.memref_squeeze %dma_start3A_1856 : memref<1x1x128xi32, #tpu.memory_space<vmem>> -> memref<128xi32, #tpu.memory_space<vmem>>
        %dma_start3A_1858 = arith.constant 0 : i32
        %dma_start3A_1859 = arith.constant 0 : i32
        %dma_start3A_1860 = tpu.memref_slice %arg2[%dma_start3A_1858, %dma_start3A_1859] : memref<10000x16xf32, #tpu.memory_space<hbm>> -> memref<10000x16xf32, #tpu.memory_space<hbm>>
        tpu.enqueue_indirect_dma source(%dma_start3A_1860 : memref<10000x16xf32, #tpu.memory_space<hbm>>) target(%arg22 : memref<128x16xf32, #tpu.memory_space<vmem>>) offsets(%dma_start3A_1857 : memref<128xi32, #tpu.memory_space<vmem>>) semaphore(%arg49 : memref<!tpu.dma_semaphore, #tpu.memory_space<semaphore_mem>>)
        %mul3A_1861 = arith.constant 20 : i32
        %mul3A_1862 = arith.muli %add3A_1684, %mul3A_1861 : i32
        %add3A_1863 = arith.constant 16 : i32
        %add3A_1864 = arith.addi %mul3A_1862, %add3A_1863 : i32
        %dma_start3A_1865 = arith.constant 0 : i32
        %dma_start3A_1866 = arith.constant 0 : i32
        %dma_start3A_1867 = tpu.memref_slice %arg6[%add3A_1864, %dma_start3A_1865, %dma_start3A_1866] : memref<80x2x128xi32, #tpu.memory_space<vmem>> -> memref<1x1x128xi32, #tpu.memory_space<vmem>>
        %dma_start3A_1868 = tpu.memref_squeeze %dma_start3A_1867 : memref<1x1x128xi32, #tpu.memory_space<vmem>> -> memref<128xi32, #tpu.memory_space<vmem>>
        %dma_start3A_1869 = arith.constant 0 : i32
        %dma_start3A_1870 = arith.constant 0 : i32
        %dma_start3A_1871 = tpu.memref_slice %arg2[%dma_start3A_1869, %dma_start3A_1870] : memref<10000x16xf32, #tpu.memory_space<hbm>> -> memref<10000x16xf32, #tpu.memory_space<hbm>>
        tpu.enqueue_indirect_dma source(%dma_start3A_1871 : memref<10000x16xf32, #tpu.memory_space<hbm>>) target(%arg23 : memref<128x16xf32, #tpu.memory_space<vmem>>) offsets(%dma_start3A_1868 : memref<128xi32, #tpu.memory_space<vmem>>) semaphore(%arg49 : memref<!tpu.dma_semaphore, #tpu.memory_space<semaphore_mem>>)
        %mul3A_1872 = arith.constant 20 : i32
        %mul3A_1873 = arith.muli %add3A_1684, %mul3A_1872 : i32
        %add3A_1874 = arith.constant 17 : i32
        %add3A_1875 = arith.addi %mul3A_1873, %add3A_1874 : i32
        %dma_start3A_1876 = arith.constant 0 : i32
        %dma_start3A_1877 = arith.constant 0 : i32
        %dma_start3A_1878 = tpu.memref_slice %arg6[%add3A_1875, %dma_start3A_1876, %dma_start3A_1877] : memref<80x2x128xi32, #tpu.memory_space<vmem>> -> memref<1x1x128xi32, #tpu.memory_space<vmem>>
        %dma_start3A_1879 = tpu.memref_squeeze %dma_start3A_1878 : memref<1x1x128xi32, #tpu.memory_space<vmem>> -> memref<128xi32, #tpu.memory_space<vmem>>
        %dma_start3A_1880 = arith.constant 0 : i32
        %dma_start3A_1881 = arith.constant 0 : i32
        %dma_start3A_1882 = tpu.memref_slice %arg2[%dma_start3A_1880, %dma_start3A_1881] : memref<10000x16xf32, #tpu.memory_space<hbm>> -> memref<10000x16xf32, #tpu.memory_space<hbm>>
        tpu.enqueue_indirect_dma source(%dma_start3A_1882 : memref<10000x16xf32, #tpu.memory_space<hbm>>) target(%arg24 : memref<128x16xf32, #tpu.memory_space<vmem>>) offsets(%dma_start3A_1879 : memref<128xi32, #tpu.memory_space<vmem>>) semaphore(%arg49 : memref<!tpu.dma_semaphore, #tpu.memory_space<semaphore_mem>>)
        %mul3A_1883 = arith.constant 20 : i32
        %mul3A_1884 = arith.muli %add3A_1684, %mul3A_1883 : i32
        %add3A_1885 = arith.constant 18 : i32
        %add3A_1886 = arith.addi %mul3A_1884, %add3A_1885 : i32
        %dma_start3A_1887 = arith.constant 0 : i32
        %dma_start3A_1888 = arith.constant 0 : i32
        %dma_start3A_1889 = tpu.memref_slice %arg6[%add3A_1886, %dma_start3A_1887, %dma_start3A_1888] : memref<80x2x128xi32, #tpu.memory_space<vmem>> -> memref<1x1x128xi32, #tpu.memory_space<vmem>>
        %dma_start3A_1890 = tpu.memref_squeeze %dma_start3A_1889 : memref<1x1x128xi32, #tpu.memory_space<vmem>> -> memref<128xi32, #tpu.memory_space<vmem>>
        %dma_start3A_1891 = arith.constant 0 : i32
        %dma_start3A_1892 = arith.constant 0 : i32
        %dma_start3A_1893 = tpu.memref_slice %arg2[%dma_start3A_1891, %dma_start3A_1892] : memref<10000x16xf32, #tpu.memory_space<hbm>> -> memref<10000x16xf32, #tpu.memory_space<hbm>>
        tpu.enqueue_indirect_dma source(%dma_start3A_1893 : memref<10000x16xf32, #tpu.memory_space<hbm>>) target(%arg25 : memref<128x16xf32, #tpu.memory_space<vmem>>) offsets(%dma_start3A_1890 : memref<128xi32, #tpu.memory_space<vmem>>) semaphore(%arg49 : memref<!tpu.dma_semaphore, #tpu.memory_space<semaphore_mem>>)
        %mul3A_1894 = arith.constant 20 : i32
        %mul3A_1895 = arith.muli %add3A_1684, %mul3A_1894 : i32
        %add3A_1896 = arith.constant 19 : i32
        %add3A_1897 = arith.addi %mul3A_1895, %add3A_1896 : i32
        %dma_start3A_1898 = arith.constant 0 : i32
        %dma_start3A_1899 = arith.constant 0 : i32
        %dma_start3A_1900 = tpu.memref_slice %arg6[%add3A_1897, %dma_start3A_1898, %dma_start3A_1899] : memref<80x2x128xi32, #tpu.memory_space<vmem>> -> memref<1x1x128xi32, #tpu.memory_space<vmem>>
        %dma_start3A_1901 = tpu.memref_squeeze %dma_start3A_1900 : memref<1x1x128xi32, #tpu.memory_space<vmem>> -> memref<128xi32, #tpu.memory_space<vmem>>
        %dma_start3A_1902 = arith.constant 0 : i32
        %dma_start3A_1903 = arith.constant 0 : i32
        %dma_start3A_1904 = tpu.memref_slice %arg2[%dma_start3A_1902, %dma_start3A_1903] : memref<10000x16xf32, #tpu.memory_space<hbm>> -> memref<10000x16xf32, #tpu.memory_space<hbm>>
        tpu.enqueue_indirect_dma source(%dma_start3A_1904 : memref<10000x16xf32, #tpu.memory_space<hbm>>) target(%arg26 : memref<128x16xf32, #tpu.memory_space<vmem>>) offsets(%dma_start3A_1901 : memref<128xi32, #tpu.memory_space<vmem>>) semaphore(%arg49 : memref<!tpu.dma_semaphore, #tpu.memory_space<semaphore_mem>>)
      } else {
      }
    }
    %scan3A_187 = arith.constant 2 : i32
    %dma_wait3A = arith.constant 60 : i32
    %dma_wait3A_188 = arith.constant 1 : i32
    %dma_wait3A_189 = arith.constant 0 : i32
    %dma_wait3A_190 = tpu.memref_slice %arg6[%dma_wait3A, %dma_wait3A_188, %dma_wait3A_189] : memref<80x2x128xi32, #tpu.memory_space<vmem>> -> memref<1x1x128xi32, #tpu.memory_space<vmem>>
    %dma_wait3A_191 = tpu.memref_squeeze %dma_wait3A_190 : memref<1x1x128xi32, #tpu.memory_space<vmem>> -> memref<128xi32, #tpu.memory_space<vmem>>
    %dma_wait3A_192 = arith.constant 0 : i32
    %dma_wait3A_193 = arith.constant 0 : i32
    %dma_wait3A_194 = tpu.memref_slice %arg48[%dma_wait3A_192, %dma_wait3A_193] : memref<12048x16xf32, #tpu.memory_space<vmem_shared>> -> memref<12048x16xf32, #tpu.memory_space<vmem_shared>>
    tpu.wait_indirect_dma semaphore(%arg50 : memref<!tpu.dma_semaphore, #tpu.memory_space<semaphore_mem>>) src(%arg27 : memref<128x16xf32, #tpu.memory_space<vmem>>) dst(%dma_wait3A_194 : memref<12048x16xf32, #tpu.memory_space<vmem_shared>>)
    %dma_wait3A_195 = arith.constant 61 : i32
    %dma_wait3A_196 = arith.constant 1 : i32
    %dma_wait3A_197 = arith.constant 0 : i32
    %dma_wait3A_198 = tpu.memref_slice %arg6[%dma_wait3A_195, %dma_wait3A_196, %dma_wait3A_197] : memref<80x2x128xi32, #tpu.memory_space<vmem>> -> memref<1x1x128xi32, #tpu.memory_space<vmem>>
    %dma_wait3A_199 = tpu.memref_squeeze %dma_wait3A_198 : memref<1x1x128xi32, #tpu.memory_space<vmem>> -> memref<128xi32, #tpu.memory_space<vmem>>
    %dma_wait3A_200 = arith.constant 0 : i32
    %dma_wait3A_201 = arith.constant 0 : i32
    %dma_wait3A_202 = tpu.memref_slice %arg48[%dma_wait3A_200, %dma_wait3A_201] : memref<12048x16xf32, #tpu.memory_space<vmem_shared>> -> memref<12048x16xf32, #tpu.memory_space<vmem_shared>>
    tpu.wait_indirect_dma semaphore(%arg50 : memref<!tpu.dma_semaphore, #tpu.memory_space<semaphore_mem>>) src(%arg28 : memref<128x16xf32, #tpu.memory_space<vmem>>) dst(%dma_wait3A_202 : memref<12048x16xf32, #tpu.memory_space<vmem_shared>>)
    %dma_wait3A_203 = arith.constant 62 : i32
    %dma_wait3A_204 = arith.constant 1 : i32
    %dma_wait3A_205 = arith.constant 0 : i32
    %dma_wait3A_206 = tpu.memref_slice %arg6[%dma_wait3A_203, %dma_wait3A_204, %dma_wait3A_205] : memref<80x2x128xi32, #tpu.memory_space<vmem>> -> memref<1x1x128xi32, #tpu.memory_space<vmem>>
    %dma_wait3A_207 = tpu.memref_squeeze %dma_wait3A_206 : memref<1x1x128xi32, #tpu.memory_space<vmem>> -> memref<128xi32, #tpu.memory_space<vmem>>
    %dma_wait3A_208 = arith.constant 0 : i32
    %dma_wait3A_209 = arith.constant 0 : i32
    %dma_wait3A_210 = tpu.memref_slice %arg48[%dma_wait3A_208, %dma_wait3A_209] : memref<12048x16xf32, #tpu.memory_space<vmem_shared>> -> memref<12048x16xf32, #tpu.memory_space<vmem_shared>>
    tpu.wait_indirect_dma semaphore(%arg50 : memref<!tpu.dma_semaphore, #tpu.memory_space<semaphore_mem>>) src(%arg29 : memref<128x16xf32, #tpu.memory_space<vmem>>) dst(%dma_wait3A_210 : memref<12048x16xf32, #tpu.memory_space<vmem_shared>>)
    %dma_wait3A_211 = arith.constant 63 : i32
    %dma_wait3A_212 = arith.constant 1 : i32
    %dma_wait3A_213 = arith.constant 0 : i32
    %dma_wait3A_214 = tpu.memref_slice %arg6[%dma_wait3A_211, %dma_wait3A_212, %dma_wait3A_213] : memref<80x2x128xi32, #tpu.memory_space<vmem>> -> memref<1x1x128xi32, #tpu.memory_space<vmem>>
    %dma_wait3A_215 = tpu.memref_squeeze %dma_wait3A_214 : memref<1x1x128xi32, #tpu.memory_space<vmem>> -> memref<128xi32, #tpu.memory_space<vmem>>
    %dma_wait3A_216 = arith.constant 0 : i32
    %dma_wait3A_217 = arith.constant 0 : i32
    %dma_wait3A_218 = tpu.memref_slice %arg48[%dma_wait3A_216, %dma_wait3A_217] : memref<12048x16xf32, #tpu.memory_space<vmem_shared>> -> memref<12048x16xf32, #tpu.memory_space<vmem_shared>>
    tpu.wait_indirect_dma semaphore(%arg50 : memref<!tpu.dma_semaphore, #tpu.memory_space<semaphore_mem>>) src(%arg30 : memref<128x16xf32, #tpu.memory_space<vmem>>) dst(%dma_wait3A_218 : memref<12048x16xf32, #tpu.memory_space<vmem_shared>>)
    %dma_wait3A_219 = arith.constant 64 : i32
    %dma_wait3A_220 = arith.constant 1 : i32
    %dma_wait3A_221 = arith.constant 0 : i32
    %dma_wait3A_222 = tpu.memref_slice %arg6[%dma_wait3A_219, %dma_wait3A_220, %dma_wait3A_221] : memref<80x2x128xi32, #tpu.memory_space<vmem>> -> memref<1x1x128xi32, #tpu.memory_space<vmem>>
    %dma_wait3A_223 = tpu.memref_squeeze %dma_wait3A_222 : memref<1x1x128xi32, #tpu.memory_space<vmem>> -> memref<128xi32, #tpu.memory_space<vmem>>
    %dma_wait3A_224 = arith.constant 0 : i32
    %dma_wait3A_225 = arith.constant 0 : i32
    %dma_wait3A_226 = tpu.memref_slice %arg48[%dma_wait3A_224, %dma_wait3A_225] : memref<12048x16xf32, #tpu.memory_space<vmem_shared>> -> memref<12048x16xf32, #tpu.memory_space<vmem_shared>>
    tpu.wait_indirect_dma semaphore(%arg50 : memref<!tpu.dma_semaphore, #tpu.memory_space<semaphore_mem>>) src(%arg31 : memref<128x16xf32, #tpu.memory_space<vmem>>) dst(%dma_wait3A_226 : memref<12048x16xf32, #tpu.memory_space<vmem_shared>>)
    %dma_wait3A_227 = arith.constant 65 : i32
    %dma_wait3A_228 = arith.constant 1 : i32
    %dma_wait3A_229 = arith.constant 0 : i32
    %dma_wait3A_230 = tpu.memref_slice %arg6[%dma_wait3A_227, %dma_wait3A_228, %dma_wait3A_229] : memref<80x2x128xi32, #tpu.memory_space<vmem>> -> memref<1x1x128xi32, #tpu.memory_space<vmem>>
    %dma_wait3A_231 = tpu.memref_squeeze %dma_wait3A_230 : memref<1x1x128xi32, #tpu.memory_space<vmem>> -> memref<128xi32, #tpu.memory_space<vmem>>
    %dma_wait3A_232 = arith.constant 0 : i32
    %dma_wait3A_233 = arith.constant 0 : i32
    %dma_wait3A_234 = tpu.memref_slice %arg48[%dma_wait3A_232, %dma_wait3A_233] : memref<12048x16xf32, #tpu.memory_space<vmem_shared>> -> memref<12048x16xf32, #tpu.memory_space<vmem_shared>>
    tpu.wait_indirect_dma semaphore(%arg50 : memref<!tpu.dma_semaphore, #tpu.memory_space<semaphore_mem>>) src(%arg32 : memref<128x16xf32, #tpu.memory_space<vmem>>) dst(%dma_wait3A_234 : memref<12048x16xf32, #tpu.memory_space<vmem_shared>>)
    %dma_wait3A_235 = arith.constant 66 : i32
    %dma_wait3A_236 = arith.constant 1 : i32
    %dma_wait3A_237 = arith.constant 0 : i32
    %dma_wait3A_238 = tpu.memref_slice %arg6[%dma_wait3A_235, %dma_wait3A_236, %dma_wait3A_237] : memref<80x2x128xi32, #tpu.memory_space<vmem>> -> memref<1x1x128xi32, #tpu.memory_space<vmem>>
    %dma_wait3A_239 = tpu.memref_squeeze %dma_wait3A_238 : memref<1x1x128xi32, #tpu.memory_space<vmem>> -> memref<128xi32, #tpu.memory_space<vmem>>
    %dma_wait3A_240 = arith.constant 0 : i32
    %dma_wait3A_241 = arith.constant 0 : i32
    %dma_wait3A_242 = tpu.memref_slice %arg48[%dma_wait3A_240, %dma_wait3A_241] : memref<12048x16xf32, #tpu.memory_space<vmem_shared>> -> memref<12048x16xf32, #tpu.memory_space<vmem_shared>>
    tpu.wait_indirect_dma semaphore(%arg50 : memref<!tpu.dma_semaphore, #tpu.memory_space<semaphore_mem>>) src(%arg33 : memref<128x16xf32, #tpu.memory_space<vmem>>) dst(%dma_wait3A_242 : memref<12048x16xf32, #tpu.memory_space<vmem_shared>>)
    %dma_wait3A_243 = arith.constant 67 : i32
    %dma_wait3A_244 = arith.constant 1 : i32
    %dma_wait3A_245 = arith.constant 0 : i32
    %dma_wait3A_246 = tpu.memref_slice %arg6[%dma_wait3A_243, %dma_wait3A_244, %dma_wait3A_245] : memref<80x2x128xi32, #tpu.memory_space<vmem>> -> memref<1x1x128xi32, #tpu.memory_space<vmem>>
    %dma_wait3A_247 = tpu.memref_squeeze %dma_wait3A_246 : memref<1x1x128xi32, #tpu.memory_space<vmem>> -> memref<128xi32, #tpu.memory_space<vmem>>
    %dma_wait3A_248 = arith.constant 0 : i32
    %dma_wait3A_249 = arith.constant 0 : i32
    %dma_wait3A_250 = tpu.memref_slice %arg48[%dma_wait3A_248, %dma_wait3A_249] : memref<12048x16xf32, #tpu.memory_space<vmem_shared>> -> memref<12048x16xf32, #tpu.memory_space<vmem_shared>>
    tpu.wait_indirect_dma semaphore(%arg50 : memref<!tpu.dma_semaphore, #tpu.memory_space<semaphore_mem>>) src(%arg34 : memref<128x16xf32, #tpu.memory_space<vmem>>) dst(%dma_wait3A_250 : memref<12048x16xf32, #tpu.memory_space<vmem_shared>>)
    %dma_wait3A_251 = arith.constant 68 : i32
    %dma_wait3A_252 = arith.constant 1 : i32
    %dma_wait3A_253 = arith.constant 0 : i32
    %dma_wait3A_254 = tpu.memref_slice %arg6[%dma_wait3A_251, %dma_wait3A_252, %dma_wait3A_253] : memref<80x2x128xi32, #tpu.memory_space<vmem>> -> memref<1x1x128xi32, #tpu.memory_space<vmem>>
    %dma_wait3A_255 = tpu.memref_squeeze %dma_wait3A_254 : memref<1x1x128xi32, #tpu.memory_space<vmem>> -> memref<128xi32, #tpu.memory_space<vmem>>
    %dma_wait3A_256 = arith.constant 0 : i32
    %dma_wait3A_257 = arith.constant 0 : i32
    %dma_wait3A_258 = tpu.memref_slice %arg48[%dma_wait3A_256, %dma_wait3A_257] : memref<12048x16xf32, #tpu.memory_space<vmem_shared>> -> memref<12048x16xf32, #tpu.memory_space<vmem_shared>>
    tpu.wait_indirect_dma semaphore(%arg50 : memref<!tpu.dma_semaphore, #tpu.memory_space<semaphore_mem>>) src(%arg35 : memref<128x16xf32, #tpu.memory_space<vmem>>) dst(%dma_wait3A_258 : memref<12048x16xf32, #tpu.memory_space<vmem_shared>>)
    %dma_wait3A_259 = arith.constant 69 : i32
    %dma_wait3A_260 = arith.constant 1 : i32
    %dma_wait3A_261 = arith.constant 0 : i32
    %dma_wait3A_262 = tpu.memref_slice %arg6[%dma_wait3A_259, %dma_wait3A_260, %dma_wait3A_261] : memref<80x2x128xi32, #tpu.memory_space<vmem>> -> memref<1x1x128xi32, #tpu.memory_space<vmem>>
    %dma_wait3A_263 = tpu.memref_squeeze %dma_wait3A_262 : memref<1x1x128xi32, #tpu.memory_space<vmem>> -> memref<128xi32, #tpu.memory_space<vmem>>
    %dma_wait3A_264 = arith.constant 0 : i32
    %dma_wait3A_265 = arith.constant 0 : i32
    %dma_wait3A_266 = tpu.memref_slice %arg48[%dma_wait3A_264, %dma_wait3A_265] : memref<12048x16xf32, #tpu.memory_space<vmem_shared>> -> memref<12048x16xf32, #tpu.memory_space<vmem_shared>>
    tpu.wait_indirect_dma semaphore(%arg50 : memref<!tpu.dma_semaphore, #tpu.memory_space<semaphore_mem>>) src(%arg36 : memref<128x16xf32, #tpu.memory_space<vmem>>) dst(%dma_wait3A_266 : memref<12048x16xf32, #tpu.memory_space<vmem_shared>>)
    %dma_wait3A_267 = arith.constant 70 : i32
    %dma_wait3A_268 = arith.constant 1 : i32
    %dma_wait3A_269 = arith.constant 0 : i32
    %dma_wait3A_270 = tpu.memref_slice %arg6[%dma_wait3A_267, %dma_wait3A_268, %dma_wait3A_269] : memref<80x2x128xi32, #tpu.memory_space<vmem>> -> memref<1x1x128xi32, #tpu.memory_space<vmem>>
    %dma_wait3A_271 = tpu.memref_squeeze %dma_wait3A_270 : memref<1x1x128xi32, #tpu.memory_space<vmem>> -> memref<128xi32, #tpu.memory_space<vmem>>
    %dma_wait3A_272 = arith.constant 0 : i32
    %dma_wait3A_273 = arith.constant 0 : i32
    %dma_wait3A_274 = tpu.memref_slice %arg48[%dma_wait3A_272, %dma_wait3A_273] : memref<12048x16xf32, #tpu.memory_space<vmem_shared>> -> memref<12048x16xf32, #tpu.memory_space<vmem_shared>>
    tpu.wait_indirect_dma semaphore(%arg50 : memref<!tpu.dma_semaphore, #tpu.memory_space<semaphore_mem>>) src(%arg37 : memref<128x16xf32, #tpu.memory_space<vmem>>) dst(%dma_wait3A_274 : memref<12048x16xf32, #tpu.memory_space<vmem_shared>>)
    %dma_wait3A_275 = arith.constant 71 : i32
    %dma_wait3A_276 = arith.constant 1 : i32
    %dma_wait3A_277 = arith.constant 0 : i32
    %dma_wait3A_278 = tpu.memref_slice %arg6[%dma_wait3A_275, %dma_wait3A_276, %dma_wait3A_277] : memref<80x2x128xi32, #tpu.memory_space<vmem>> -> memref<1x1x128xi32, #tpu.memory_space<vmem>>
    %dma_wait3A_279 = tpu.memref_squeeze %dma_wait3A_278 : memref<1x1x128xi32, #tpu.memory_space<vmem>> -> memref<128xi32, #tpu.memory_space<vmem>>
    %dma_wait3A_280 = arith.constant 0 : i32
    %dma_wait3A_281 = arith.constant 0 : i32
    %dma_wait3A_282 = tpu.memref_slice %arg48[%dma_wait3A_280, %dma_wait3A_281] : memref<12048x16xf32, #tpu.memory_space<vmem_shared>> -> memref<12048x16xf32, #tpu.memory_space<vmem_shared>>
    tpu.wait_indirect_dma semaphore(%arg50 : memref<!tpu.dma_semaphore, #tpu.memory_space<semaphore_mem>>) src(%arg38 : memref<128x16xf32, #tpu.memory_space<vmem>>) dst(%dma_wait3A_282 : memref<12048x16xf32, #tpu.memory_space<vmem_shared>>)
    %dma_wait3A_283 = arith.constant 72 : i32
    %dma_wait3A_284 = arith.constant 1 : i32
    %dma_wait3A_285 = arith.constant 0 : i32
    %dma_wait3A_286 = tpu.memref_slice %arg6[%dma_wait3A_283, %dma_wait3A_284, %dma_wait3A_285] : memref<80x2x128xi32, #tpu.memory_space<vmem>> -> memref<1x1x128xi32, #tpu.memory_space<vmem>>
    %dma_wait3A_287 = tpu.memref_squeeze %dma_wait3A_286 : memref<1x1x128xi32, #tpu.memory_space<vmem>> -> memref<128xi32, #tpu.memory_space<vmem>>
    %dma_wait3A_288 = arith.constant 0 : i32
    %dma_wait3A_289 = arith.constant 0 : i32
    %dma_wait3A_290 = tpu.memref_slice %arg48[%dma_wait3A_288, %dma_wait3A_289] : memref<12048x16xf32, #tpu.memory_space<vmem_shared>> -> memref<12048x16xf32, #tpu.memory_space<vmem_shared>>
    tpu.wait_indirect_dma semaphore(%arg50 : memref<!tpu.dma_semaphore, #tpu.memory_space<semaphore_mem>>) src(%arg39 : memref<128x16xf32, #tpu.memory_space<vmem>>) dst(%dma_wait3A_290 : memref<12048x16xf32, #tpu.memory_space<vmem_shared>>)
    %dma_wait3A_291 = arith.constant 73 : i32
    %dma_wait3A_292 = arith.constant 1 : i32
    %dma_wait3A_293 = arith.constant 0 : i32
    %dma_wait3A_294 = tpu.memref_slice %arg6[%dma_wait3A_291, %dma_wait3A_292, %dma_wait3A_293] : memref<80x2x128xi32, #tpu.memory_space<vmem>> -> memref<1x1x128xi32, #tpu.memory_space<vmem>>
    %dma_wait3A_295 = tpu.memref_squeeze %dma_wait3A_294 : memref<1x1x128xi32, #tpu.memory_space<vmem>> -> memref<128xi32, #tpu.memory_space<vmem>>
    %dma_wait3A_296 = arith.constant 0 : i32
    %dma_wait3A_297 = arith.constant 0 : i32
    %dma_wait3A_298 = tpu.memref_slice %arg48[%dma_wait3A_296, %dma_wait3A_297] : memref<12048x16xf32, #tpu.memory_space<vmem_shared>> -> memref<12048x16xf32, #tpu.memory_space<vmem_shared>>
    tpu.wait_indirect_dma semaphore(%arg50 : memref<!tpu.dma_semaphore, #tpu.memory_space<semaphore_mem>>) src(%arg40 : memref<128x16xf32, #tpu.memory_space<vmem>>) dst(%dma_wait3A_298 : memref<12048x16xf32, #tpu.memory_space<vmem_shared>>)
    %dma_wait3A_299 = arith.constant 74 : i32
    %dma_wait3A_300 = arith.constant 1 : i32
    %dma_wait3A_301 = arith.constant 0 : i32
    %dma_wait3A_302 = tpu.memref_slice %arg6[%dma_wait3A_299, %dma_wait3A_300, %dma_wait3A_301] : memref<80x2x128xi32, #tpu.memory_space<vmem>> -> memref<1x1x128xi32, #tpu.memory_space<vmem>>
    %dma_wait3A_303 = tpu.memref_squeeze %dma_wait3A_302 : memref<1x1x128xi32, #tpu.memory_space<vmem>> -> memref<128xi32, #tpu.memory_space<vmem>>
    %dma_wait3A_304 = arith.constant 0 : i32
    %dma_wait3A_305 = arith.constant 0 : i32
    %dma_wait3A_306 = tpu.memref_slice %arg48[%dma_wait3A_304, %dma_wait3A_305] : memref<12048x16xf32, #tpu.memory_space<vmem_shared>> -> memref<12048x16xf32, #tpu.memory_space<vmem_shared>>
    tpu.wait_indirect_dma semaphore(%arg50 : memref<!tpu.dma_semaphore, #tpu.memory_space<semaphore_mem>>) src(%arg41 : memref<128x16xf32, #tpu.memory_space<vmem>>) dst(%dma_wait3A_306 : memref<12048x16xf32, #tpu.memory_space<vmem_shared>>)
    %dma_wait3A_307 = arith.constant 75 : i32
    %dma_wait3A_308 = arith.constant 1 : i32
    %dma_wait3A_309 = arith.constant 0 : i32
    %dma_wait3A_310 = tpu.memref_slice %arg6[%dma_wait3A_307, %dma_wait3A_308, %dma_wait3A_309] : memref<80x2x128xi32, #tpu.memory_space<vmem>> -> memref<1x1x128xi32, #tpu.memory_space<vmem>>
    %dma_wait3A_311 = tpu.memref_squeeze %dma_wait3A_310 : memref<1x1x128xi32, #tpu.memory_space<vmem>> -> memref<128xi32, #tpu.memory_space<vmem>>
    %dma_wait3A_312 = arith.constant 0 : i32
    %dma_wait3A_313 = arith.constant 0 : i32
    %dma_wait3A_314 = tpu.memref_slice %arg48[%dma_wait3A_312, %dma_wait3A_313] : memref<12048x16xf32, #tpu.memory_space<vmem_shared>> -> memref<12048x16xf32, #tpu.memory_space<vmem_shared>>
    tpu.wait_indirect_dma semaphore(%arg50 : memref<!tpu.dma_semaphore, #tpu.memory_space<semaphore_mem>>) src(%arg42 : memref<128x16xf32, #tpu.memory_space<vmem>>) dst(%dma_wait3A_314 : memref<12048x16xf32, #tpu.memory_space<vmem_shared>>)
    %dma_wait3A_315 = arith.constant 76 : i32
    %dma_wait3A_316 = arith.constant 1 : i32
    %dma_wait3A_317 = arith.constant 0 : i32
    %dma_wait3A_318 = tpu.memref_slice %arg6[%dma_wait3A_315, %dma_wait3A_316, %dma_wait3A_317] : memref<80x2x128xi32, #tpu.memory_space<vmem>> -> memref<1x1x128xi32, #tpu.memory_space<vmem>>
    %dma_wait3A_319 = tpu.memref_squeeze %dma_wait3A_318 : memref<1x1x128xi32, #tpu.memory_space<vmem>> -> memref<128xi32, #tpu.memory_space<vmem>>
    %dma_wait3A_320 = arith.constant 0 : i32
    %dma_wait3A_321 = arith.constant 0 : i32
    %dma_wait3A_322 = tpu.memref_slice %arg48[%dma_wait3A_320, %dma_wait3A_321] : memref<12048x16xf32, #tpu.memory_space<vmem_shared>> -> memref<12048x16xf32, #tpu.memory_space<vmem_shared>>
    tpu.wait_indirect_dma semaphore(%arg50 : memref<!tpu.dma_semaphore, #tpu.memory_space<semaphore_mem>>) src(%arg43 : memref<128x16xf32, #tpu.memory_space<vmem>>) dst(%dma_wait3A_322 : memref<12048x16xf32, #tpu.memory_space<vmem_shared>>)
    %dma_wait3A_323 = arith.constant 77 : i32
    %dma_wait3A_324 = arith.constant 1 : i32
    %dma_wait3A_325 = arith.constant 0 : i32
    %dma_wait3A_326 = tpu.memref_slice %arg6[%dma_wait3A_323, %dma_wait3A_324, %dma_wait3A_325] : memref<80x2x128xi32, #tpu.memory_space<vmem>> -> memref<1x1x128xi32, #tpu.memory_space<vmem>>
    %dma_wait3A_327 = tpu.memref_squeeze %dma_wait3A_326 : memref<1x1x128xi32, #tpu.memory_space<vmem>> -> memref<128xi32, #tpu.memory_space<vmem>>
    %dma_wait3A_328 = arith.constant 0 : i32
    %dma_wait3A_329 = arith.constant 0 : i32
    %dma_wait3A_330 = tpu.memref_slice %arg48[%dma_wait3A_328, %dma_wait3A_329] : memref<12048x16xf32, #tpu.memory_space<vmem_shared>> -> memref<12048x16xf32, #tpu.memory_space<vmem_shared>>
    tpu.wait_indirect_dma semaphore(%arg50 : memref<!tpu.dma_semaphore, #tpu.memory_space<semaphore_mem>>) src(%arg44 : memref<128x16xf32, #tpu.memory_space<vmem>>) dst(%dma_wait3A_330 : memref<12048x16xf32, #tpu.memory_space<vmem_shared>>)
    %dma_wait3A_331 = arith.constant 78 : i32
    %dma_wait3A_332 = arith.constant 1 : i32
    %dma_wait3A_333 = arith.constant 0 : i32
    %dma_wait3A_334 = tpu.memref_slice %arg6[%dma_wait3A_331, %dma_wait3A_332, %dma_wait3A_333] : memref<80x2x128xi32, #tpu.memory_space<vmem>> -> memref<1x1x128xi32, #tpu.memory_space<vmem>>
    %dma_wait3A_335 = tpu.memref_squeeze %dma_wait3A_334 : memref<1x1x128xi32, #tpu.memory_space<vmem>> -> memref<128xi32, #tpu.memory_space<vmem>>
    %dma_wait3A_336 = arith.constant 0 : i32
    %dma_wait3A_337 = arith.constant 0 : i32
    %dma_wait3A_338 = tpu.memref_slice %arg48[%dma_wait3A_336, %dma_wait3A_337] : memref<12048x16xf32, #tpu.memory_space<vmem_shared>> -> memref<12048x16xf32, #tpu.memory_space<vmem_shared>>
    tpu.wait_indirect_dma semaphore(%arg50 : memref<!tpu.dma_semaphore, #tpu.memory_space<semaphore_mem>>) src(%arg45 : memref<128x16xf32, #tpu.memory_space<vmem>>) dst(%dma_wait3A_338 : memref<12048x16xf32, #tpu.memory_space<vmem_shared>>)
    %dma_wait3A_339 = arith.constant 79 : i32
    %dma_wait3A_340 = arith.constant 1 : i32
    %dma_wait3A_341 = arith.constant 0 : i32
    %dma_wait3A_342 = tpu.memref_slice %arg6[%dma_wait3A_339, %dma_wait3A_340, %dma_wait3A_341] : memref<80x2x128xi32, #tpu.memory_space<vmem>> -> memref<1x1x128xi32, #tpu.memory_space<vmem>>
    %dma_wait3A_343 = tpu.memref_squeeze %dma_wait3A_342 : memref<1x1x128xi32, #tpu.memory_space<vmem>> -> memref<128xi32, #tpu.memory_space<vmem>>
    %dma_wait3A_344 = arith.constant 0 : i32
    %dma_wait3A_345 = arith.constant 0 : i32
    %dma_wait3A_346 = tpu.memref_slice %arg48[%dma_wait3A_344, %dma_wait3A_345] : memref<12048x16xf32, #tpu.memory_space<vmem_shared>> -> memref<12048x16xf32, #tpu.memory_space<vmem_shared>>
    tpu.wait_indirect_dma semaphore(%arg50 : memref<!tpu.dma_semaphore, #tpu.memory_space<semaphore_mem>>) src(%arg46 : memref<128x16xf32, #tpu.memory_space<vmem>>) dst(%dma_wait3A_346 : memref<12048x16xf32, #tpu.memory_space<vmem_shared>>)
    %barrier3A_347 = arith.constant 0 : index
    tpu.barrier barrier_id(%barrier3A_347)
    %mul3A_348 = arith.constant 625 : i32
    %mul3A_349 = arith.muli %arg1, %mul3A_348 : i32
    "tpu.region"() ({
      %run_scoped3A = tpu.sem_alloc : memref<!tpu.dma_semaphore, #tpu.memory_space<semaphore_mem>>
      %dma_start3A_350 = arith.constant 0 : i32
      %dma_start3A_351 = tpu.memref_slice %arg48[%mul3A_349, %dma_start3A_350] : memref<12048x16xf32, #tpu.memory_space<vmem_shared>> -> memref<625x16xf32, #tpu.memory_space<vmem_shared>>
      %dma_start3A_352 = arith.constant 0 : i32
      %dma_start3A_353 = tpu.memref_slice %arg48[%mul3A_349, %dma_start3A_352] : memref<12048x16xf32, #tpu.memory_space<vmem_shared>> -> memref<625x16xf32, #tpu.memory_space<vmem_shared>>
      tpu.enqueue_dma source(%dma_start3A_353 : memref<625x16xf32, #tpu.memory_space<vmem_shared>>) target(%arg47 : memref<625x16xf32, #tpu.memory_space<vmem>>) target_semaphore(%run_scoped3A : memref<!tpu.dma_semaphore, #tpu.memory_space<semaphore_mem>>)
      %dma_wait3A_354 = arith.constant 0 : i32
      %dma_wait3A_355 = tpu.memref_slice %arg48[%mul3A_349, %dma_wait3A_354] : memref<12048x16xf32, #tpu.memory_space<vmem_shared>> -> memref<625x16xf32, #tpu.memory_space<vmem_shared>>
      %dma_wait3A_356 = arith.constant 0 : i32
      %dma_wait3A_357 = tpu.memref_slice %arg48[%mul3A_349, %dma_wait3A_356] : memref<12048x16xf32, #tpu.memory_space<vmem_shared>> -> memref<625x16xf32, #tpu.memory_space<vmem_shared>>
      tpu.wait_dma2 semaphore(%run_scoped3A : memref<!tpu.dma_semaphore, #tpu.memory_space<semaphore_mem>>) src(%dma_wait3A_357 : memref<625x16xf32, #tpu.memory_space<vmem_shared>>) dst(%arg47 : memref<625x16xf32, #tpu.memory_space<vmem>>)
      tpu.yield
    }) : () -> ()
    "tpu.region"() ({
      %run_scoped3A = tpu.sem_alloc : memref<!tpu.dma_semaphore, #tpu.memory_space<semaphore_mem>>
      %dma_start3A_350 = arith.constant 0 : i32
      %dma_start3A_351 = arith.constant 0 : i32
      %dma_start3A_352 = tpu.memref_slice %arg5[%arg0, %arg1, %dma_start3A_350, %dma_start3A_351] : memref<2x16x625x16xf32, #tpu.memory_space<hbm>> -> memref<1x1x625x16xf32, #tpu.memory_space<hbm>>
      %dma_start3A_353 = tpu.memref_squeeze %dma_start3A_352 : memref<1x1x625x16xf32, #tpu.memory_space<hbm>> -> memref<625x16xf32, #tpu.memory_space<hbm>>
      %dma_start3A_354 = arith.constant 0 : i32
      %dma_start3A_355 = arith.constant 0 : i32
      %dma_start3A_356 = tpu.memref_slice %arg5[%arg0, %arg1, %dma_start3A_354, %dma_start3A_355] : memref<2x16x625x16xf32, #tpu.memory_space<hbm>> -> memref<1x1x625x16xf32, #tpu.memory_space<hbm>>
      %dma_start3A_357 = tpu.memref_squeeze %dma_start3A_356 : memref<1x1x625x16xf32, #tpu.memory_space<hbm>> -> memref<625x16xf32, #tpu.memory_space<hbm>>
      tpu.enqueue_dma source(%arg47 : memref<625x16xf32, #tpu.memory_space<vmem>>) target(%dma_start3A_357 : memref<625x16xf32, #tpu.memory_space<hbm>>) target_semaphore(%run_scoped3A : memref<!tpu.dma_semaphore, #tpu.memory_space<semaphore_mem>>)
      %dma_wait3A_358 = arith.constant 0 : i32
      %dma_wait3A_359 = arith.constant 0 : i32
      %dma_wait3A_360 = tpu.memref_slice %arg5[%arg0, %arg1, %dma_wait3A_358, %dma_wait3A_359] : memref<2x16x625x16xf32, #tpu.memory_space<hbm>> -> memref<1x1x625x16xf32, #tpu.memory_space<hbm>>
      %dma_wait3A_361 = tpu.memref_squeeze %dma_wait3A_360 : memref<1x1x625x16xf32, #tpu.memory_space<hbm>> -> memref<625x16xf32, #tpu.memory_space<hbm>>
      %dma_wait3A_362 = arith.constant 0 : i32
      %dma_wait3A_363 = arith.constant 0 : i32
      %dma_wait3A_364 = tpu.memref_slice %arg5[%arg0, %arg1, %dma_wait3A_362, %dma_wait3A_363] : memref<2x16x625x16xf32, #tpu.memory_space<hbm>> -> memref<1x1x625x16xf32, #tpu.memory_space<hbm>>
      %dma_wait3A_365 = tpu.memref_squeeze %dma_wait3A_364 : memref<1x1x625x16xf32, #tpu.memory_space<hbm>> -> memref<625x16xf32, #tpu.memory_space<hbm>>
      tpu.wait_dma2 semaphore(%run_scoped3A : memref<!tpu.dma_semaphore, #tpu.memory_space<semaphore_mem>>) src(%arg47 : memref<625x16xf32, #tpu.memory_space<vmem>>) dst(%dma_wait3A_365 : memref<625x16xf32, #tpu.memory_space<hbm>>)
      tpu.yield
    }) : () -> ()
    return
  }
}

module attributes {stable_mosaic.version = 14 : i64} {
  func.func @_proj_body(%arg0: i32, %arg1: memref<125x8x128xf32, #tpu.memory_space<vmem>>, %arg2: memref<32x128xf32, #tpu.memory_space<vmem>>, %arg3: memref<1x16xf32, #tpu.memory_space<vmem>>, %arg4: memref<1250x128xf32, #tpu.memory_space<vmem>>, %arg5: memref<1250x128xf32, #tpu.memory_space<vmem>>) attributes {dimension_semantics = [#tpu.dimension_semantics<arbitrary>], iteration_bounds = array<i64: 10>, scalar_prefetch = 0 : i64, scratch_operands = 0 : i64, tpu.core_type = #tpu.core_type<tc>, window_params = [{transform_indices = @transform_0, window_bounds = array<i64: 125, 8, 128>}, {pipeline_mode = #tpu.pipeline_mode<synchronous>, transform_indices = @transform_1, window_bounds = array<i64: 32, 128>}, {pipeline_mode = #tpu.pipeline_mode<synchronous>, transform_indices = @transform_2, window_bounds = array<i64: 1, 16>}, {pipeline_mode = #tpu.pipeline_mode<synchronous>, transform_indices = @transform_3, window_bounds = array<i64: 1250, 128>}, {pipeline_mode = #tpu.pipeline_mode<synchronous>, transform_indices = @transform_4, window_bounds = array<i64: 1250, 128>}]} {
    %get3A = arith.constant 0 : index
    %get3A_0 = arith.constant 0 : index
    %get3A_1 = vector.load %arg2[%get3A, %get3A_0] : memref<32x128xf32, #tpu.memory_space<vmem>>, vector<32x128xf32>
    %mul3A = arith.constant 125 : i32
    %mul3A_2 = arith.muli %arg0, %mul3A : i32
    %get3A_3 = arith.constant 0 : index
    %get3A_4 = arith.constant 0 : index
    %get3A_5 = arith.constant 0 : index
    %get3A_6 = vector.load %arg1[%get3A_3, %get3A_4, %get3A_5] : memref<125x8x128xf32, #tpu.memory_space<vmem>>, vector<125x1x128xf32>
    %get3A_7 = vector.shape_cast %get3A_6 : vector<125x1x128xf32> to vector<125x128xf32>
    %dot_general3A = arith.constant dense<0.000000e+00> : vector<125x32xf32>
    %dot_general3A_8 = tpu.matmul %get3A_7, %get3A_1, %dot_general3A {dimension_numbers = #tpu.dot_dimension_numbers<[1], [1], [0], [0], [0, 0, 1, 0], [], []>, transpose_lhs_hint = false} : vector<125x128xf32>, vector<32x128xf32>, vector<125x32xf32> -> vector<125x32xf32>
    %slice3A = vector.extract_strided_slice %dot_general3A_8 {offsets = [0, 0], sizes = [125, 16], strides = [1, 1]} : vector<125x32xf32> to vector<125x16xf32>
    %swap3A = arith.index_cast %mul3A_2 : i32 to index
    %swap3A_9 = arith.constant 0 : index
    %swap3A_10 = vector.load %arg4[%swap3A, %swap3A_9] : memref<1250x128xf32, #tpu.memory_space<vmem>>, vector<125x16xf32>
    tpu.vector_store %arg4[%swap3A, %swap3A_9], %slice3A {strides = array<i32>} : memref<1250x128xf32, #tpu.memory_space<vmem>>, vector<125x16xf32>,
    %slice3A_11 = vector.extract_strided_slice %dot_general3A_8 {offsets = [0, 16], sizes = [125, 16], strides = [1, 1]} : vector<125x32xf32> to vector<125x16xf32>
    %get3A_12 = arith.constant 0 : index
    %get3A_13 = arith.constant 0 : index
    %get3A_14 = vector.load %arg3[%get3A_12, %get3A_13] : memref<1x16xf32, #tpu.memory_space<vmem>>, vector<1x16xf32>
    %add3A = vector.broadcast %get3A_14 : vector<1x16xf32> to vector<125x16xf32>
    %add3A_15 = arith.addf %slice3A_11, %add3A : vector<125x16xf32>
    %swap3A_16 = arith.index_cast %mul3A_2 : i32 to index
    %swap3A_17 = arith.constant 0 : index
    %swap3A_18 = vector.load %arg5[%swap3A_16, %swap3A_17] : memref<1250x128xf32, #tpu.memory_space<vmem>>, vector<125x16xf32>
    tpu.vector_store %arg5[%swap3A_16, %swap3A_17], %add3A_15 {strides = array<i32>} : memref<1250x128xf32, #tpu.memory_space<vmem>>, vector<125x16xf32>,
    %get3A_19 = arith.constant 0 : index
    %get3A_20 = arith.constant 1 : index
    %get3A_21 = arith.constant 0 : index
    %get3A_22 = vector.load %arg1[%get3A_19, %get3A_20, %get3A_21] : memref<125x8x128xf32, #tpu.memory_space<vmem>>, vector<125x1x128xf32>
    %get3A_23 = vector.shape_cast %get3A_22 : vector<125x1x128xf32> to vector<125x128xf32>
    %dot_general3A_24 = arith.constant dense<0.000000e+00> : vector<125x32xf32>
    %dot_general3A_25 = tpu.matmul %get3A_23, %get3A_1, %dot_general3A_24 {dimension_numbers = #tpu.dot_dimension_numbers<[1], [1], [0], [0], [0, 0, 1, 0], [], []>, transpose_lhs_hint = false} : vector<125x128xf32>, vector<32x128xf32>, vector<125x32xf32> -> vector<125x32xf32>
    %slice3A_26 = vector.extract_strided_slice %dot_general3A_25 {offsets = [0, 0], sizes = [125, 16], strides = [1, 1]} : vector<125x32xf32> to vector<125x16xf32>
    %swap3A_27 = arith.index_cast %mul3A_2 : i32 to index
    %swap3A_28 = arith.constant 16 : index
    %swap3A_29 = vector.load %arg4[%swap3A_27, %swap3A_28] : memref<1250x128xf32, #tpu.memory_space<vmem>>, vector<125x16xf32>
    tpu.vector_store %arg4[%swap3A_27, %swap3A_28], %slice3A_26 {strides = array<i32>} : memref<1250x128xf32, #tpu.memory_space<vmem>>, vector<125x16xf32>,
    %slice3A_30 = vector.extract_strided_slice %dot_general3A_25 {offsets = [0, 16], sizes = [125, 16], strides = [1, 1]} : vector<125x32xf32> to vector<125x16xf32>
    %get3A_31 = arith.constant 0 : index
    %get3A_32 = arith.constant 0 : index
    %get3A_33 = vector.load %arg3[%get3A_31, %get3A_32] : memref<1x16xf32, #tpu.memory_space<vmem>>, vector<1x16xf32>
    %add3A_34 = vector.broadcast %get3A_33 : vector<1x16xf32> to vector<125x16xf32>
    %add3A_35 = arith.addf %slice3A_30, %add3A_34 : vector<125x16xf32>
    %swap3A_36 = arith.index_cast %mul3A_2 : i32 to index
    %swap3A_37 = arith.constant 16 : index
    %swap3A_38 = vector.load %arg5[%swap3A_36, %swap3A_37] : memref<1250x128xf32, #tpu.memory_space<vmem>>, vector<125x16xf32>
    tpu.vector_store %arg5[%swap3A_36, %swap3A_37], %add3A_35 {strides = array<i32>} : memref<1250x128xf32, #tpu.memory_space<vmem>>, vector<125x16xf32>,
    %get3A_39 = arith.constant 0 : index
    %get3A_40 = arith.constant 2 : index
    %get3A_41 = arith.constant 0 : index
    %get3A_42 = vector.load %arg1[%get3A_39, %get3A_40, %get3A_41] : memref<125x8x128xf32, #tpu.memory_space<vmem>>, vector<125x1x128xf32>
    %get3A_43 = vector.shape_cast %get3A_42 : vector<125x1x128xf32> to vector<125x128xf32>
    %dot_general3A_44 = arith.constant dense<0.000000e+00> : vector<125x32xf32>
    %dot_general3A_45 = tpu.matmul %get3A_43, %get3A_1, %dot_general3A_44 {dimension_numbers = #tpu.dot_dimension_numbers<[1], [1], [0], [0], [0, 0, 1, 0], [], []>, transpose_lhs_hint = false} : vector<125x128xf32>, vector<32x128xf32>, vector<125x32xf32> -> vector<125x32xf32>
    %slice3A_46 = vector.extract_strided_slice %dot_general3A_45 {offsets = [0, 0], sizes = [125, 16], strides = [1, 1]} : vector<125x32xf32> to vector<125x16xf32>
    %swap3A_47 = arith.index_cast %mul3A_2 : i32 to index
    %swap3A_48 = arith.constant 32 : index
    %swap3A_49 = vector.load %arg4[%swap3A_47, %swap3A_48] : memref<1250x128xf32, #tpu.memory_space<vmem>>, vector<125x16xf32>
    tpu.vector_store %arg4[%swap3A_47, %swap3A_48], %slice3A_46 {strides = array<i32>} : memref<1250x128xf32, #tpu.memory_space<vmem>>, vector<125x16xf32>,
    %slice3A_50 = vector.extract_strided_slice %dot_general3A_45 {offsets = [0, 16], sizes = [125, 16], strides = [1, 1]} : vector<125x32xf32> to vector<125x16xf32>
    %get3A_51 = arith.constant 0 : index
    %get3A_52 = arith.constant 0 : index
    %get3A_53 = vector.load %arg3[%get3A_51, %get3A_52] : memref<1x16xf32, #tpu.memory_space<vmem>>, vector<1x16xf32>
    %add3A_54 = vector.broadcast %get3A_53 : vector<1x16xf32> to vector<125x16xf32>
    %add3A_55 = arith.addf %slice3A_50, %add3A_54 : vector<125x16xf32>
    %swap3A_56 = arith.index_cast %mul3A_2 : i32 to index
    %swap3A_57 = arith.constant 32 : index
    %swap3A_58 = vector.load %arg5[%swap3A_56, %swap3A_57] : memref<1250x128xf32, #tpu.memory_space<vmem>>, vector<125x16xf32>
    tpu.vector_store %arg5[%swap3A_56, %swap3A_57], %add3A_55 {strides = array<i32>} : memref<1250x128xf32, #tpu.memory_space<vmem>>, vector<125x16xf32>,
    %get3A_59 = arith.constant 0 : index
    %get3A_60 = arith.constant 3 : index
    %get3A_61 = arith.constant 0 : index
    %get3A_62 = vector.load %arg1[%get3A_59, %get3A_60, %get3A_61] : memref<125x8x128xf32, #tpu.memory_space<vmem>>, vector<125x1x128xf32>
    %get3A_63 = vector.shape_cast %get3A_62 : vector<125x1x128xf32> to vector<125x128xf32>
    %dot_general3A_64 = arith.constant dense<0.000000e+00> : vector<125x32xf32>
    %dot_general3A_65 = tpu.matmul %get3A_63, %get3A_1, %dot_general3A_64 {dimension_numbers = #tpu.dot_dimension_numbers<[1], [1], [0], [0], [0, 0, 1, 0], [], []>, transpose_lhs_hint = false} : vector<125x128xf32>, vector<32x128xf32>, vector<125x32xf32> -> vector<125x32xf32>
    %slice3A_66 = vector.extract_strided_slice %dot_general3A_65 {offsets = [0, 0], sizes = [125, 16], strides = [1, 1]} : vector<125x32xf32> to vector<125x16xf32>
    %swap3A_67 = arith.index_cast %mul3A_2 : i32 to index
    %swap3A_68 = arith.constant 48 : index
    %swap3A_69 = vector.load %arg4[%swap3A_67, %swap3A_68] : memref<1250x128xf32, #tpu.memory_space<vmem>>, vector<125x16xf32>
    tpu.vector_store %arg4[%swap3A_67, %swap3A_68], %slice3A_66 {strides = array<i32>} : memref<1250x128xf32, #tpu.memory_space<vmem>>, vector<125x16xf32>,
    %slice3A_70 = vector.extract_strided_slice %dot_general3A_65 {offsets = [0, 16], sizes = [125, 16], strides = [1, 1]} : vector<125x32xf32> to vector<125x16xf32>
    %get3A_71 = arith.constant 0 : index
    %get3A_72 = arith.constant 0 : index
    %get3A_73 = vector.load %arg3[%get3A_71, %get3A_72] : memref<1x16xf32, #tpu.memory_space<vmem>>, vector<1x16xf32>
    %add3A_74 = vector.broadcast %get3A_73 : vector<1x16xf32> to vector<125x16xf32>
    %add3A_75 = arith.addf %slice3A_70, %add3A_74 : vector<125x16xf32>
    %swap3A_76 = arith.index_cast %mul3A_2 : i32 to index
    %swap3A_77 = arith.constant 48 : index
    %swap3A_78 = vector.load %arg5[%swap3A_76, %swap3A_77] : memref<1250x128xf32, #tpu.memory_space<vmem>>, vector<125x16xf32>
    tpu.vector_store %arg5[%swap3A_76, %swap3A_77], %add3A_75 {strides = array<i32>} : memref<1250x128xf32, #tpu.memory_space<vmem>>, vector<125x16xf32>,
    %get3A_79 = arith.constant 0 : index
    %get3A_80 = arith.constant 4 : index
    %get3A_81 = arith.constant 0 : index
    %get3A_82 = vector.load %arg1[%get3A_79, %get3A_80, %get3A_81] : memref<125x8x128xf32, #tpu.memory_space<vmem>>, vector<125x1x128xf32>
    %get3A_83 = vector.shape_cast %get3A_82 : vector<125x1x128xf32> to vector<125x128xf32>
    %dot_general3A_84 = arith.constant dense<0.000000e+00> : vector<125x32xf32>
    %dot_general3A_85 = tpu.matmul %get3A_83, %get3A_1, %dot_general3A_84 {dimension_numbers = #tpu.dot_dimension_numbers<[1], [1], [0], [0], [0, 0, 1, 0], [], []>, transpose_lhs_hint = false} : vector<125x128xf32>, vector<32x128xf32>, vector<125x32xf32> -> vector<125x32xf32>
    %slice3A_86 = vector.extract_strided_slice %dot_general3A_85 {offsets = [0, 0], sizes = [125, 16], strides = [1, 1]} : vector<125x32xf32> to vector<125x16xf32>
    %swap3A_87 = arith.index_cast %mul3A_2 : i32 to index
    %swap3A_88 = arith.constant 64 : index
    %swap3A_89 = vector.load %arg4[%swap3A_87, %swap3A_88] : memref<1250x128xf32, #tpu.memory_space<vmem>>, vector<125x16xf32>
    tpu.vector_store %arg4[%swap3A_87, %swap3A_88], %slice3A_86 {strides = array<i32>} : memref<1250x128xf32, #tpu.memory_space<vmem>>, vector<125x16xf32>,
    %slice3A_90 = vector.extract_strided_slice %dot_general3A_85 {offsets = [0, 16], sizes = [125, 16], strides = [1, 1]} : vector<125x32xf32> to vector<125x16xf32>
    %get3A_91 = arith.constant 0 : index
    %get3A_92 = arith.constant 0 : index
    %get3A_93 = vector.load %arg3[%get3A_91, %get3A_92] : memref<1x16xf32, #tpu.memory_space<vmem>>, vector<1x16xf32>
    %add3A_94 = vector.broadcast %get3A_93 : vector<1x16xf32> to vector<125x16xf32>
    %add3A_95 = arith.addf %slice3A_90, %add3A_94 : vector<125x16xf32>
    %swap3A_96 = arith.index_cast %mul3A_2 : i32 to index
    %swap3A_97 = arith.constant 64 : index
    %swap3A_98 = vector.load %arg5[%swap3A_96, %swap3A_97] : memref<1250x128xf32, #tpu.memory_space<vmem>>, vector<125x16xf32>
    tpu.vector_store %arg5[%swap3A_96, %swap3A_97], %add3A_95 {strides = array<i32>} : memref<1250x128xf32, #tpu.memory_space<vmem>>, vector<125x16xf32>,
    %get3A_99 = arith.constant 0 : index
    %get3A_100 = arith.constant 5 : index
    %get3A_101 = arith.constant 0 : index
    %get3A_102 = vector.load %arg1[%get3A_99, %get3A_100, %get3A_101] : memref<125x8x128xf32, #tpu.memory_space<vmem>>, vector<125x1x128xf32>
    %get3A_103 = vector.shape_cast %get3A_102 : vector<125x1x128xf32> to vector<125x128xf32>
    %dot_general3A_104 = arith.constant dense<0.000000e+00> : vector<125x32xf32>
    %dot_general3A_105 = tpu.matmul %get3A_103, %get3A_1, %dot_general3A_104 {dimension_numbers = #tpu.dot_dimension_numbers<[1], [1], [0], [0], [0, 0, 1, 0], [], []>, transpose_lhs_hint = false} : vector<125x128xf32>, vector<32x128xf32>, vector<125x32xf32> -> vector<125x32xf32>
    %slice3A_106 = vector.extract_strided_slice %dot_general3A_105 {offsets = [0, 0], sizes = [125, 16], strides = [1, 1]} : vector<125x32xf32> to vector<125x16xf32>
    %swap3A_107 = arith.index_cast %mul3A_2 : i32 to index
    %swap3A_108 = arith.constant 80 : index
    %swap3A_109 = vector.load %arg4[%swap3A_107, %swap3A_108] : memref<1250x128xf32, #tpu.memory_space<vmem>>, vector<125x16xf32>
    tpu.vector_store %arg4[%swap3A_107, %swap3A_108], %slice3A_106 {strides = array<i32>} : memref<1250x128xf32, #tpu.memory_space<vmem>>, vector<125x16xf32>,
    %slice3A_110 = vector.extract_strided_slice %dot_general3A_105 {offsets = [0, 16], sizes = [125, 16], strides = [1, 1]} : vector<125x32xf32> to vector<125x16xf32>
    %get3A_111 = arith.constant 0 : index
    %get3A_112 = arith.constant 0 : index
    %get3A_113 = vector.load %arg3[%get3A_111, %get3A_112] : memref<1x16xf32, #tpu.memory_space<vmem>>, vector<1x16xf32>
    %add3A_114 = vector.broadcast %get3A_113 : vector<1x16xf32> to vector<125x16xf32>
    %add3A_115 = arith.addf %slice3A_110, %add3A_114 : vector<125x16xf32>
    %swap3A_116 = arith.index_cast %mul3A_2 : i32 to index
    %swap3A_117 = arith.constant 80 : index
    %swap3A_118 = vector.load %arg5[%swap3A_116, %swap3A_117] : memref<1250x128xf32, #tpu.memory_space<vmem>>, vector<125x16xf32>
    tpu.vector_store %arg5[%swap3A_116, %swap3A_117], %add3A_115 {strides = array<i32>} : memref<1250x128xf32, #tpu.memory_space<vmem>>, vector<125x16xf32>,
    %get3A_119 = arith.constant 0 : index
    %get3A_120 = arith.constant 6 : index
    %get3A_121 = arith.constant 0 : index
    %get3A_122 = vector.load %arg1[%get3A_119, %get3A_120, %get3A_121] : memref<125x8x128xf32, #tpu.memory_space<vmem>>, vector<125x1x128xf32>
    %get3A_123 = vector.shape_cast %get3A_122 : vector<125x1x128xf32> to vector<125x128xf32>
    %dot_general3A_124 = arith.constant dense<0.000000e+00> : vector<125x32xf32>
    %dot_general3A_125 = tpu.matmul %get3A_123, %get3A_1, %dot_general3A_124 {dimension_numbers = #tpu.dot_dimension_numbers<[1], [1], [0], [0], [0, 0, 1, 0], [], []>, transpose_lhs_hint = false} : vector<125x128xf32>, vector<32x128xf32>, vector<125x32xf32> -> vector<125x32xf32>
    %slice3A_126 = vector.extract_strided_slice %dot_general3A_125 {offsets = [0, 0], sizes = [125, 16], strides = [1, 1]} : vector<125x32xf32> to vector<125x16xf32>
    %swap3A_127 = arith.index_cast %mul3A_2 : i32 to index
    %swap3A_128 = arith.constant 96 : index
    %swap3A_129 = vector.load %arg4[%swap3A_127, %swap3A_128] : memref<1250x128xf32, #tpu.memory_space<vmem>>, vector<125x16xf32>
    tpu.vector_store %arg4[%swap3A_127, %swap3A_128], %slice3A_126 {strides = array<i32>} : memref<1250x128xf32, #tpu.memory_space<vmem>>, vector<125x16xf32>,
    %slice3A_130 = vector.extract_strided_slice %dot_general3A_125 {offsets = [0, 16], sizes = [125, 16], strides = [1, 1]} : vector<125x32xf32> to vector<125x16xf32>
    %get3A_131 = arith.constant 0 : index
    %get3A_132 = arith.constant 0 : index
    %get3A_133 = vector.load %arg3[%get3A_131, %get3A_132] : memref<1x16xf32, #tpu.memory_space<vmem>>, vector<1x16xf32>
    %add3A_134 = vector.broadcast %get3A_133 : vector<1x16xf32> to vector<125x16xf32>
    %add3A_135 = arith.addf %slice3A_130, %add3A_134 : vector<125x16xf32>
    %swap3A_136 = arith.index_cast %mul3A_2 : i32 to index
    %swap3A_137 = arith.constant 96 : index
    %swap3A_138 = vector.load %arg5[%swap3A_136, %swap3A_137] : memref<1250x128xf32, #tpu.memory_space<vmem>>, vector<125x16xf32>
    tpu.vector_store %arg5[%swap3A_136, %swap3A_137], %add3A_135 {strides = array<i32>} : memref<1250x128xf32, #tpu.memory_space<vmem>>, vector<125x16xf32>,
    %get3A_139 = arith.constant 0 : index
    %get3A_140 = arith.constant 7 : index
    %get3A_141 = arith.constant 0 : index
    %get3A_142 = vector.load %arg1[%get3A_139, %get3A_140, %get3A_141] : memref<125x8x128xf32, #tpu.memory_space<vmem>>, vector<125x1x128xf32>
    %get3A_143 = vector.shape_cast %get3A_142 : vector<125x1x128xf32> to vector<125x128xf32>
    %dot_general3A_144 = arith.constant dense<0.000000e+00> : vector<125x32xf32>
    %dot_general3A_145 = tpu.matmul %get3A_143, %get3A_1, %dot_general3A_144 {dimension_numbers = #tpu.dot_dimension_numbers<[1], [1], [0], [0], [0, 0, 1, 0], [], []>, transpose_lhs_hint = false} : vector<125x128xf32>, vector<32x128xf32>, vector<125x32xf32> -> vector<125x32xf32>
    %slice3A_146 = vector.extract_strided_slice %dot_general3A_145 {offsets = [0, 0], sizes = [125, 16], strides = [1, 1]} : vector<125x32xf32> to vector<125x16xf32>
    %swap3A_147 = arith.index_cast %mul3A_2 : i32 to index
    %swap3A_148 = arith.constant 112 : index
    %swap3A_149 = vector.load %arg4[%swap3A_147, %swap3A_148] : memref<1250x128xf32, #tpu.memory_space<vmem>>, vector<125x16xf32>
    tpu.vector_store %arg4[%swap3A_147, %swap3A_148], %slice3A_146 {strides = array<i32>} : memref<1250x128xf32, #tpu.memory_space<vmem>>, vector<125x16xf32>,
    %slice3A_150 = vector.extract_strided_slice %dot_general3A_145 {offsets = [0, 16], sizes = [125, 16], strides = [1, 1]} : vector<125x32xf32> to vector<125x16xf32>
    %get3A_151 = arith.constant 0 : index
    %get3A_152 = arith.constant 0 : index
    %get3A_153 = vector.load %arg3[%get3A_151, %get3A_152] : memref<1x16xf32, #tpu.memory_space<vmem>>, vector<1x16xf32>
    %add3A_154 = vector.broadcast %get3A_153 : vector<1x16xf32> to vector<125x16xf32>
    %add3A_155 = arith.addf %slice3A_150, %add3A_154 : vector<125x16xf32>
    %swap3A_156 = arith.index_cast %mul3A_2 : i32 to index
    %swap3A_157 = arith.constant 112 : index
    %swap3A_158 = vector.load %arg5[%swap3A_156, %swap3A_157] : memref<1250x128xf32, #tpu.memory_space<vmem>>, vector<125x16xf32>
    tpu.vector_store %arg5[%swap3A_156, %swap3A_157], %add3A_155 {strides = array<i32>} : memref<1250x128xf32, #tpu.memory_space<vmem>>, vector<125x16xf32>,
    return
  }
  func.func @transform_0(%arg0: i32) -> (i32, i32, i32) {
    %c0_i32 = arith.constant 0 : i32
    %c0_i32_0 = arith.constant 0 : i32
    %c0_i32_1 = arith.constant 0 : i32
    return %arg0, %c0_i32, %c0_i32_0 : i32, i32, i32
  }
  func.func @transform_1(%arg0: i32) -> (i32, i32) {
    %c0_i32 = arith.constant 0 : i32
    %c0_i32_0 = arith.constant 0 : i32
    %c0_i32_1 = arith.constant 0 : i32
    return %c0_i32, %c0_i32_0 : i32, i32
  }
  func.func @transform_2(%arg0: i32) -> (i32, i32) {
    %c0_i32 = arith.constant 0 : i32
    %c0_i32_0 = arith.constant 0 : i32
    %c0_i32_1 = arith.constant 0 : i32
    return %c0_i32, %c0_i32_0 : i32, i32
  }
  func.func @transform_3(%arg0: i32) -> (i32, i32) {
    %c0_i32 = arith.constant 0 : i32
    %c0_i32_0 = arith.constant 0 : i32
    %c0_i32_1 = arith.constant 0 : i32
    return %c0_i32, %c0_i32_0 : i32, i32
  }
  func.func @transform_4(%arg0: i32) -> (i32, i32) {
    %c0_i32 = arith.constant 0 : i32
    %c0_i32_0 = arith.constant 0 : i32
    %c0_i32_1 = arith.constant 0 : i32
    return %c0_i32, %c0_i32_0 : i32, i32
  }
}

module attributes {stable_mosaic.version = 14 : i64} {
  func.func @_mlp_body(%arg0: memref<2x1250x128xf32, #tpu.memory_space<vmem>>, %arg1: memref<1250x128xf32, #tpu.memory_space<vmem>>, %arg2: memref<128x128xf32, #tpu.memory_space<vmem>>, %arg3: memref<1x128xf32, #tpu.memory_space<vmem>>, %arg4: memref<128x128xf32, #tpu.memory_space<vmem>>, %arg5: memref<1x128xf32, #tpu.memory_space<vmem>>, %arg6: memref<1250x128xf32, #tpu.memory_space<vmem>>) attributes {dimension_semantics = [], scalar_prefetch = 0 : i64, scratch_operands = 0 : i64, tpu.core_type = #tpu.core_type<tc>} {
    %get3A = arith.constant 0 : index
    %get3A_0 = arith.constant 0 : index
    %get3A_1 = arith.constant 0 : index
    %get3A_2 = vector.load %arg0[%get3A, %get3A_0, %get3A_1] : memref<2x1250x128xf32, #tpu.memory_space<vmem>>, vector<1x1250x128xf32>
    %get3A_3 = vector.shape_cast %get3A_2 : vector<1x1250x128xf32> to vector<1250x128xf32>
    %get3A_4 = arith.constant 1 : index
    %get3A_5 = arith.constant 0 : index
    %get3A_6 = arith.constant 0 : index
    %get3A_7 = vector.load %arg0[%get3A_4, %get3A_5, %get3A_6] : memref<2x1250x128xf32, #tpu.memory_space<vmem>>, vector<1x1250x128xf32>
    %get3A_8 = vector.shape_cast %get3A_7 : vector<1x1250x128xf32> to vector<1250x128xf32>
    %add3A = arith.addf %get3A_3, %get3A_8 : vector<1250x128xf32>
    %get3A_9 = arith.constant 0 : index
    %get3A_10 = arith.constant 0 : index
    %get3A_11 = vector.load %arg1[%get3A_9, %get3A_10] : memref<1250x128xf32, #tpu.memory_space<vmem>>, vector<1250x128xf32>
    %add3A_12 = arith.addf %add3A, %get3A_11 : vector<1250x128xf32>
    %mul3A = arith.constant 0.00999999977 : f32
    %mul3A_13 = vector.broadcast %mul3A : f32 to vector<1250x128xf32>
    %mul3A_14 = arith.mulf %mul3A_13, %add3A_12 : vector<1250x128xf32>
    %max3A = arith.maximumf %add3A_12, %mul3A_14 : vector<1250x128xf32>
    %get3A_15 = arith.constant 0 : index
    %get3A_16 = arith.constant 0 : index
    %get3A_17 = vector.load %arg2[%get3A_15, %get3A_16] : memref<128x128xf32, #tpu.memory_space<vmem>>, vector<128x128xf32>
    %dot_general3A = arith.constant dense<0.000000e+00> : vector<1250x128xf32>
    %dot_general3A_18 = tpu.matmul %max3A, %get3A_17, %dot_general3A {dimension_numbers = #tpu.dot_dimension_numbers<[1], [0], [0], [1], [0, 0, 1, 1], [], []>, transpose_lhs_hint = false} : vector<1250x128xf32>, vector<128x128xf32>, vector<1250x128xf32> -> vector<1250x128xf32>
    %get3A_19 = arith.constant 0 : index
    %get3A_20 = arith.constant 0 : index
    %get3A_21 = vector.load %arg3[%get3A_19, %get3A_20] : memref<1x128xf32, #tpu.memory_space<vmem>>, vector<1x128xf32>
    %add3A_22 = vector.broadcast %get3A_21 : vector<1x128xf32> to vector<1250x128xf32>
    %add3A_23 = arith.addf %dot_general3A_18, %add3A_22 : vector<1250x128xf32>
    %mul3A_24 = arith.constant 0.00999999977 : f32
    %mul3A_25 = vector.broadcast %mul3A_24 : f32 to vector<1250x128xf32>
    %mul3A_26 = arith.mulf %mul3A_25, %add3A_23 : vector<1250x128xf32>
    %max3A_27 = arith.maximumf %add3A_23, %mul3A_26 : vector<1250x128xf32>
    %get3A_28 = arith.constant 0 : index
    %get3A_29 = arith.constant 0 : index
    %get3A_30 = vector.load %arg4[%get3A_28, %get3A_29] : memref<128x128xf32, #tpu.memory_space<vmem>>, vector<128x128xf32>
    %dot_general3A_31 = arith.constant dense<0.000000e+00> : vector<1250x128xf32>
    %dot_general3A_32 = tpu.matmul %max3A_27, %get3A_30, %dot_general3A_31 {dimension_numbers = #tpu.dot_dimension_numbers<[1], [0], [0], [1], [0, 0, 1, 1], [], []>, transpose_lhs_hint = false} : vector<1250x128xf32>, vector<128x128xf32>, vector<1250x128xf32> -> vector<1250x128xf32>
    %get3A_33 = arith.constant 0 : index
    %get3A_34 = arith.constant 0 : index
    %get3A_35 = vector.load %arg5[%get3A_33, %get3A_34] : memref<1x128xf32, #tpu.memory_space<vmem>>, vector<1x128xf32>
    %add3A_36 = vector.broadcast %get3A_35 : vector<1x128xf32> to vector<1250x128xf32>
    %add3A_37 = arith.addf %dot_general3A_32, %add3A_36 : vector<1250x128xf32>
    %swap3A = arith.constant 0 : index
    %swap3A_38 = arith.constant 0 : index
    %swap3A_39 = vector.load %arg6[%swap3A, %swap3A_38] : memref<1250x128xf32, #tpu.memory_space<vmem>>, vector<1250x128xf32>
    tpu.vector_store %arg6[%swap3A, %swap3A_38], %add3A_37 {strides = array<i32>} : memref<1250x128xf32, #tpu.memory_space<vmem>>, vector<1250x128xf32>,
    return
  }
}

</mosaic_0001>

<sc_bundles>
// kernel: kernel.5.cloned.1.call-start
scs
__scs_entry_jumppad:
0x0: {  	(pc) =	sbr.rel $0x88, $3  }
0x1: {  	(tag) =	ssettag $0x0;
	lr =	simm.s32 $0x1  }
0x2: {  	[smem:$0x3F98] =	sst lr;
	_ =	strace $0xD0000000  }
0x3: {  	_ = 	snop  }
0x4: {  	_ = 	snop  }
0x5: {  	_ = 	snop  }
0x6: {  	_ = 	snop  }
0x7: {  	_ = 	snop  }
__scs_overlays_trampoline_lowered:
0x8: {  	[smem:$0x3FA7] =	sst s0  }
0x9: {  	[smem:$0x3FA8] =	sst s1  }
0xa: {  	[smem:$0x3FA9] =	sst s2  }
0xb: {  	[smem:$0x3FAA] =	sst s3  }
0xc: {  	[smem:$0x3FAB] =	sst s4  }
0xd: {  	[smem:$0x3FAC] =	sst s5  }
0xe: {  	[smem:$0x3FAD] =	sst s6  }
0xf: {  	[smem:$0x3FAE] =	sst s7  }
0x10: {  	[smem:$0x3FAF] =	sst s8  }
0x11: {  	[smem:$0x3FB0] =	sst s9;
	s0 =	simm.s32 @!p0 $0x0  }
0x12: {  	s1 =	sld [smem:$0x3F96];
	s0 =	simm.s32 @p0 $0x1  }
0x13: {  	[smem:$0x3FB1] =	sst s0;
	s0 =	simm.s32 @!p1 $0x0  }
0x14: {  	s2 =	sld [smem:$0x3F95];
	s0 =	simm.s32 @p1 $0x1  }
0x15: {  	[smem:$0x3FB2] =	sst s0;
	s0 =	simm.s32 @!p2 $0x0  }
0x16: {  	s3 =	sld [smem:$0x3FDB];
	s0 =	simm.s32 @p2 $0x1  }
0x17: {  	s4 =	simm.s32 $0x1BF5;
	[smem:$0x3FB4] =	sst s0  }
0x18: {  	s0 =	sld [smem:$0x3F97];
	_ =	swait.ge [sflag:s4], $0x0  }
0x19: {  	s7 =	sld [smem:$0x3F98]  }
0x1a: {  	s8 =	sadd.s32 $0xFFFFE003, lr  }
0x1b: {  	s9 =	sadd.s32 $0xFFFFFEF7, lr;
	s5 =	simm.s32 $0xFFFFFFFF;
	p2 =	slt.u32 s8, $0xFFFFF086  }
0x1c: {  	p1 =	slt.u32 s9, $0xF7A;
	s5 =	simm.s32 @!p2 $0x0  }
0x1d: {  	s5 =	simm.s32 @p1 $0x1;
	p0 =	seq.s32 s7, s2  }
0x1e: {  	s7 =	smul.u32 @!p0 $0xF7A, s2;
	p2 =	seq.s32 @!p0 s5, $0x0  }
0x1f: {  	s9 =	smul.u32 $0xF7A, s1;
	s8 =	simm.s32 @!p0 $0x1BF5;
	p2 =	por !p2, p0  }
0x20: {  	[sflag:s8] =	ssyncset.s32 @!p0 $0xFFFFF086;
	s6 =	sadd.s32 @!p0 s3, s7;
	s7 =	simm.s32 @!p0 $0x108  }
0x21: {  	s3 =	sadd.s32 s3, s9;
	s6 =	sadd.s32 @!p0 $0x88, s6;
	s7 =	simm.s32 @p2 $0x1082  }
0x22: {  	[simem:s7], [sflag:s8] =	dma.local @!p0 [hbm:s6], $0xF7A  }
0x23: {  	s9 =	sor.u32 $0xD0000000, s2;
	s6 =	simm.s32 $0x108;
	_ =	swait.ge @!p0 [sflag:s8], $0x0  }
0x24: {  	s3 =	sadd.s32 $0x88, s3;
	s6 =	simm.s32 @!p1 $0x1082;
	[sflag:s4] =	ssyncset.s32 $0xFFFFF086  }
0x25: {  	[simem:s6], [sflag:s4] =	dma.local [hbm:s3], $0xF7A  }
0x26: {  	[smem:$0x3F98] =	sst s1;
	(tag) =	ssettag s2;
	_ =	strace s9  }
0x27: {  	s1 =	sld [smem:$0x3FA8]  }
0x28: {  	s2 =	sld [smem:$0x3FA9]  }
0x29: {  	s4 =	sld [smem:$0x3FAB]  }
0x2a: {  	p0 =	seq.s32 s5, $0x0;
	s5 =	sld [smem:$0x3FAC]  }
0x2b: {  	s6 =	sld [smem:$0x3FAD]  }
0x2c: {  	s7 =	sld [smem:$0x3FAE]  }
0x2d: {  	s3 =	simm.s32 $0x108;
	s8 =	sld [smem:$0x3FAF]  }
0x2e: {  	s3 =	simm.s32 @!p0 $0x1082;
	s9 =	sld [smem:$0x3FB0]  }
0x2f: {  	lr =	sadd.s32 s0, s3;
	s0 =	sld [smem:$0x3FA7]  }
0x30: {  	s3 =	sld [smem:$0x3FAA]  }
0x31: {  	[smem:$0x3FB3] =	sst s10  }
0x32: {  	s10 =	sld [smem:$0x3FB1];
	_ =	sdelay $0x3  }
0x33: {  	p0 =	seq.s32 s10, $0x1;
	s10 =	sld [smem:$0x3FB3];
	_ =	sdelay $0x3  }
0x34: {  	[smem:$0x3FB3] =	sst s10  }
0x35: {  	s10 =	sld [smem:$0x3FB2];
	_ =	sdelay $0x3  }
0x36: {  	p1 =	seq.s32 s10, $0x1;
	s10 =	sld [smem:$0x3FB3];
	_ =	sdelay $0x3  }
0x37: {  	[smem:$0x3FB3] =	sst s10  }
0x38: {  	s10 =	sld [smem:$0x3FB4]  }
0x39: {  	_ = 	snop;
	(pc) =	sbr.ind lr, $3  }
0x3a: {  	_ = 	snop  }
0x3b: {  	_ = 	snop  }
0x3c: {  	p2 =	seq.s32 s10, $0x1;
	s10 =	sld [smem:$0x3FB3]  }
0x3d: {  	_ =	shalt  }
0x3e: {  	_ =	shalt  }
0x3f: {  	_ =	shalt  }
0x40: {  	_ =	shalt  }
0x41: {  	_ =	shalt  }
0x42: {  	_ =	shalt  }
0x43: {  	_ =	shalt  }
0x44: {  	_ =	shalt  }
0x45: {  	_ =	shalt  }
0x46: {  	_ =	shalt  }
0x47: {  	_ =	shalt  }
0x48: {  	_ =	shalt  }
0x49: {  	_ =	shalt  }
0x4a: {  	_ =	shalt  }
0x4b: {  	_ =	shalt  }
0x4c: {  	_ =	shalt  }
0x4d: {  	_ =	shalt  }
0x4e: {  	_ =	shalt  }
0x4f: {  	_ =	shalt  }
0x50: {  	_ =	shalt  }
0x51: {  	_ =	shalt  }
0x52: {  	_ =	shalt  }
0x53: {  	_ =	shalt  }
0x54: {  	_ =	shalt  }
0x55: {  	_ =	shalt  }
0x56: {  	_ =	shalt  }
0x57: {  	_ =	shalt  }
0x58: {  	_ =	shalt  }
0x59: {  	_ =	shalt  }
0x5a: {  	_ =	shalt  }
0x5b: {  	_ =	shalt  }
0x5c: {  	_ =	shalt  }
0x5d: {  	_ =	shalt  }
0x5e: {  	_ =	shalt  }
0x5f: {  	_ =	shalt  }
0x60: {  	_ =	shalt  }
0x61: {  	_ =	shalt  }
0x62: {  	_ =	shalt  }
0x63: {  	_ =	shalt  }
0x64: {  	_ =	shalt  }
0x65: {  	_ =	shalt  }
0x66: {  	_ =	shalt  }
0x67: {  	_ =	shalt  }
0x68: {  	_ =	shalt  }
0x69: {  	_ =	shalt  }
0x6a: {  	_ =	shalt  }
0x6b: {  	_ =	shalt  }
0x6c: {  	_ =	shalt  }
0x6d: {  	_ =	shalt  }
0x6e: {  	_ =	shalt  }
0x6f: {  	_ =	shalt  }
0x70: {  	_ =	shalt  }
0x71: {  	_ =	shalt  }
0x72: {  	_ =	shalt  }
0x73: {  	_ =	shalt  }
0x74: {  	_ =	shalt  }
0x75: {  	_ =	shalt  }
0x76: {  	_ =	shalt  }
0x77: {  	_ =	shalt  }
0x78: {  	_ =	shalt  }
0x79: {  	_ =	shalt  }
0x7a: {  	_ =	shalt  }
0x7b: {  	_ =	shalt  }
0x7c: {  	_ =	shalt  }
0x7d: {  	_ =	shalt  }
0x7e: {  	_ =	shalt  }
0x7f: {  	_ =	shalt  }
0x80: {  	_ =	shalt  }
0x81: {  	_ =	shalt  }
0x82: {  	_ =	shalt  }
0x83: {  	_ =	shalt  }
0x84: {  	_ =	shalt  }
0x85: {  	_ =	shalt  }
0x86: {  	_ =	shalt  }
0x87: {  	_ =	shalt  }
.Lfunc_end0:
.L_simem_size_0:
called_computation_lowered:
.L_overlay_start_0:
0x88: {  	s2 =	sld [smem:$0x3FD9]  }
0x89: {  	s3 =	sld [smem:$0x3FFE];
	_ =	sdelay $0x1  }
0x8a: {  	s1 =	srdreg.scid  }
0x8b: {  	s0 =	sand.u32 $0x1, s1  }
0x8c: {  	s17 =	sshll.u32 s0, $0xA;
	s2 =	sadd.s32 s3, s2  }
0x8d: {  	s2 =	sadd.s32 s2, s17  }
0x8e: {  	[smem:$0x3FBF] =	sst s2  }
0x8f: {  	_ = 	snop  }
0x90: {  	s2 =	sld [smem:$0x3FC8]  }
0x91: {  	s18 =	sld [smem:$0x3FD0];
	(tm) =	ssettm $0x1  }
0x92: {  	s4 =	sld [smem:$0x3FFB];
	_ =	sdelay $0x3  }
0x93: {  	_ =	strace s4  }
0x94: {  	s4 =	sld [smem:$0x3FFC];
	_ =	sdelay $0x3  }
0x95: {  	_ =	strace s4  }
0x96: {  	s4 =	sld [smem:$0x3FFD];
	_ =	sdelay $0x3  }
0x97: {  	_ =	strace s4  }
0x98: {  	_ =	strace $0x8FFFFFFF  }
0x99: {  	s19 =	sld [smem:$0x3FDB];
	_ =	sdelay $0x1  }
0x9a: {  	s5 =	simm.s32 $_scs_section_size  }
0x9b: {  	s6 =	simm.s32 $_size__tile_overlayer_lowered;
	s7 =	simm.s32 $_tile_overlayer_lowered  }
0x9c: {  	s22 =	simm.s32 $0x1BFF;
	s21 =	sshll.u32 s7, $0x1;
	s4 =	sadd.s32 s5, s19  }
0x9d: {  	s8 =	simm.s32 $0x0;
	s20 =	sshll.u32 s6, $0x1;
	s6 =	sadd.s32 s21, s4  }
0x9e: {  	[timem:s8], [sflag:s22] =	dma.local [hbm:s6], s20  }
0x9f: {  	_ =	swait.ge [sflag:s22], s20  }
0xa0: {  	s5 =	ssub.s32 $0x0, s20;
	[sflag:s22] =	ssyncset.done $0x0  }
0xa1: {  	[sflag:s22] =	ssyncadd.s32 s5;
	_ =	sdelay $0x1  }
0xa2: {  	s23 =	simm.s32 $0x1B8B  }
0xa3: {  	_ =	swait.ge [sflag:s23], $0x1  }
0xa4: {  	[sflag:s23] =	ssyncset.done $0x0  }
0xa5: {  	s25 =	simm.s32 $0x1B8E;
	s24 =	sld [smem:$0x3FFE];
	[sflag:s23] =	ssyncadd.s32 $0xFFFFFFFF  }
0xa6: {  	s26 =	simm.s32 $execute0_lowered;
	[smem:$0x3FD2] =	sst s25  }
0xa7: {  	s6 =	sshll.u32 s26, $0x1;
	_ =	strace $0x80000046;
	[dreg:$0x1] =	wrdreg $0xFFFFFFFF  }
0xa8: {  	s28 =	simm.s32 $_size_execute0_lowered;
	s4 =	sadd.s32 s4, s6;
	[dreg:$0x0] =	wrdreg $0x0  }
0xa9: {  	s6 =	sshll.u32 s28, $0x1;
	[dreg:$0x2] =	wrdreg s4  }
0xaa: {  	[dreg:$0x3] =	wrdreg s6  }
0xab: {  	[dreg:$0x4] =	wrdreg $0xC0  }
0xac: {  	_ =	task [dreg:s8], $0x5FFFF  }
0xad: {  	[dreg:$0x1] =	wrdreg $0xFFFFFFFF  }
0xae: {  	[dreg:$0x0] =	wrdreg $0x60  }
0xaf: {  	[dreg:$0x2] =	wrdreg s18  }
0xb0: {  	[dreg:$0x3] =	wrdreg s2  }
0xb1: {  	[dreg:$0x4] =	wrdreg s24  }
0xb2: {  	[dreg:$0x5] =	wrdreg $0x1B7100  }
0xb3: {  	[dreg:$0x6] =	wrdreg $0x9  }
0xb4: {  	_ =	task.clear_ibuf [dreg:s8], $0x7FFFF;
	_ =	strace $0x90000046  }
0xb5: {  	s29 =	simm.s32 $0x9;
	_ =	strace $0x80000048  }
0xb6: {  	_ =	swait.ge [sflag:s29], $0x1  }
0xb7: {  	[sflag:s29] =	ssyncadd.s32 $0xFFFFFFFF  }
0xb8: {  	_ =	strace $0x90000048  }
0xb9: {  	_ =	sfence  }
0xba: {  	s30 =	sld [smem:$0x0];
	_ =	sdelay $0x2  }
0xbb: {  	s31 =	sshll.u32 s1, $0xD;
	s1 =	sshrl.u32 s1, $0x2  }
0xbc: {  	s3 =	sand.u32 $0x4000, s31;
	s1 =	sadd.s32 s1, s30  }
0xbd: {  	s0 =	sor.u32 s3, s0;
	s1 =	sshll.u32 s1, $0x11  }
0xbe: {  	s0 =	sor.u32 s1, s0  }
0xbf: {  	s0 =	sadd.s32 $0x8F2B, s0  }
0xc0: {  	[sflag:s0] =	ssyncadd.remote.s32 $0x1  }
0xc1: {  	_ =	sfence.sel $0xFFFF  }
0xc2: {  	[dreg:$0x0] =	wrdreg $0xFFFFFFFF;
	(pc) =	sbr.abs _section_cstart, $3  }
0xc3: {  	[dreg:$0x1] =	wrdreg $0xFFFFFFFF  }
0xc4: {  	_ =	task.clear_ibuf [dreg:s8], $0x2FFFF;
	_ =	strace $0x9FFFFFFF  }
0xc5: {  	(tm) =	ssettm $0x7FFFFFFF  }
tec
execute0_lowered:
.L_overlay_start_1:
0x0: {  	(tag) =	ssettag $0x1  }
0x1: {  	s1 =	rddreg [dreg:$0x0]  }
0x2: {  	s0 =	rddreg [dreg:$0x1]  }
0x3: {  	s2 =	rddreg [dreg:$0x2]  }
0x4: {  	s3 =	rddreg [dreg:$0x3];
	s4 =	srdreg.scid  }
0x5: {  	s8 =	stileid.u32;
	s9 =	simm.s32 $0x0;
	s11 =	simm.s32 $0x80  }
0x6: {  	s10 =	simm.s32 $0x8800;
	s29 =	simm.s32 $0x14000;
	s31 =	simm.s32 $0x14800  }
0x7: {  	s28 =	simm.s32 $0x16800;
	s4 =	sand.u32 $0x1, s4;
	s6 =	smul.u32 $0x2710, s8  }
0x8: {  	[smem:$0x7FF] =	sst s9;
	s21 =	sadd.s32 $0x1800, s2;
	s5 =	smul.u32 $0x27100, s4  }
0x9: {  	s7 =	sshll.u32 s4, $0x4;
	_ =	strace $0x80000047;
	s4 =	ssub.s32 $0x2, s4  }
0xa: {  	[dreg:$0x5] =	wrdreg s21;
	s21 =	simm.s32 $0x2;
	s7 =	sor.u32 s8, s7  }
0xb: {  	s8 =	smul.u32 $0x9C40, s8;
	s22 =	sshrl.u32 s4, $0x1;
	s5 =	sadd.s32 s6, s5  }
0xc: {  	s20 =	smul.u32 $0xA00, s7;
	s4 =	ssub.s32 s4, s22;
	p0 =	seq.s32 s7, $0x1F  }
0xd: {  	s5 =	sshrl.u32 s5, $0x3;
	s24 =	sshrl.u32 s8, $0x2;
	s30 =	smax.u32 s4, $0x1  }
.Ltmp0:
0xe: {  	s23 =	sadd.s32 s0, s20;
	[dreg:$0xa] =	wrdreg s30;
	(pc) =	sbr.rel .LBB2_1-.Ltmp0, $4  }
0xf: {  	s8 =	simm.s32 $0x9800;
	s0 =	sadd.s32 $0x13600, s0;
	[dreg:$0x6] =	wrdreg s23  }
0x10: {  	s2 =	sadd.s32 s5, s2;
	s25 =	sadd.s32 s24, s3;
	[dreg:$0x7] =	wrdreg s0  }
0x11: {  	s5 =	simm.s32 $0x1;
	[dreg:$0x8] =	wrdreg s25;
	s26 =	sadd.s32 $0x2000, s2  }
0x12: {  	v0 =	vimm.f32 $0.0e+00;
	s0 =	simm.s32 $0x0;
	s23 =	simm.s32 $0x9000;
	[dreg:$0x9] =	wrdreg s26  }
.LBB2_6:
0x13: {  	_ =	swait.ge [sflag:s21], $0x800  }
0x14: {  	[sflag:s21] =	ssyncset.done $0x0  }
0x15: {  	[sflag:s21] =	ssyncadd.s32 $0xFFFFF800  }
0x16: {  	_ =	swait.ge [sflag:s21], $0x800  }
0x17: {  	[sflag:s21] =	ssyncset.done $0x0  }
0x18: {  	[sflag:s21] =	ssyncadd.s32 $0xFFFFF800  }
0x19: {  	_ =	swait.ge [sflag:s21], $0x800  }
0x1a: {  	[sflag:s21] =	ssyncset.done $0x0  }
0x1b: {  	[sflag:s21] =	ssyncadd.s32 $0xFFFFF800  }
0x1c: {  	_ =	swait.ge [sflag:s21], $0x800  }
0x1d: {  	[sflag:s21] =	ssyncset.done $0x0  }
0x1e: {  	[sflag:s21] =	ssyncadd.s32 $0xFFFFF800  }
0x1f: {  	_ =	swait.ge [sflag:s21], $0x800  }
0x20: {  	[sflag:s21] =	ssyncset.done $0x0  }
0x21: {  	[sflag:s21] =	ssyncadd.s32 $0xFFFFF800  }
0x22: {  	_ =	swait.ge [sflag:s21], $0x800  }
0x23: {  	[sflag:s21] =	ssyncset.done $0x0  }
0x24: {  	[sflag:s21] =	ssyncadd.s32 $0xFFFFF800  }
0x25: {  	_ =	swait.ge [sflag:s21], $0x800  }
0x26: {  	[sflag:s21] =	ssyncset.done $0x0  }
0x27: {  	[sflag:s21] =	ssyncadd.s32 $0xFFFFF800  }
0x28: {  	_ =	swait.ge [sflag:s21], $0x800  }
0x29: {  	[sflag:s21] =	ssyncset.done $0x0  }
0x2a: {  	[sflag:s21] =	ssyncadd.s32 $0xFFFFF800  }
0x2b: {  	_ =	swait.ge [sflag:s21], $0x800  }
0x2c: {  	[sflag:s21] =	ssyncset.done $0x0  }
0x2d: {  	[sflag:s21] =	ssyncadd.s32 $0xFFFFF800  }
0x2e: {  	_ =	swait.ge [sflag:s21], $0x800  }
0x2f: {  	[sflag:s21] =	ssyncset.done $0x0  }
0x30: {  	[sflag:s21] =	ssyncadd.s32 $0xFFFFF800  }
0x31: {  	_ =	swait.ge [sflag:s21], $0x800  }
0x32: {  	[sflag:s21] =	ssyncset.done $0x0  }
0x33: {  	[sflag:s21] =	ssyncadd.s32 $0xFFFFF800  }
0x34: {  	_ =	swait.ge [sflag:s21], $0x800  }
0x35: {  	[sflag:s21] =	ssyncset.done $0x0  }
0x36: {  	[sflag:s21] =	ssyncadd.s32 $0xFFFFF800  }
0x37: {  	_ =	swait.ge [sflag:s21], $0x800  }
0x38: {  	[sflag:s21] =	ssyncset.done $0x0  }
0x39: {  	[sflag:s21] =	ssyncadd.s32 $0xFFFFF800  }
0x3a: {  	_ =	swait.ge [sflag:s21], $0x800  }
0x3b: {  	[sflag:s21] =	ssyncset.done $0x0  }
0x3c: {  	[sflag:s21] =	ssyncadd.s32 $0xFFFFF800  }
0x3d: {  	_ =	swait.ge [sflag:s21], $0x800  }
0x3e: {  	[sflag:s21] =	ssyncset.done $0x0  }
0x3f: {  	[sflag:s21] =	ssyncadd.s32 $0xFFFFF800  }
0x40: {  	_ =	swait.ge [sflag:s21], $0x800  }
0x41: {  	[sflag:s21] =	ssyncset.done $0x0  }
0x42: {  	[sflag:s21] =	ssyncadd.s32 $0xFFFFF800  }
0x43: {  	_ =	swait.ge [sflag:s21], $0x800  }
0x44: {  	[sflag:s21] =	ssyncset.done $0x0  }
0x45: {  	[sflag:s21] =	ssyncadd.s32 $0xFFFFF800  }
0x46: {  	_ =	swait.ge [sflag:s21], $0x800  }
0x47: {  	[sflag:s21] =	ssyncset.done $0x0  }
0x48: {  	[sflag:s21] =	ssyncadd.s32 $0xFFFFF800  }
0x49: {  	_ =	swait.ge [sflag:s21], $0x800  }
0x4a: {  	[sflag:s21] =	ssyncset.done $0x0  }
0x4b: {  	[sflag:s21] =	ssyncadd.s32 $0xFFFFF800  }
0x4c: {  	_ =	swait.ge [sflag:s21], $0x800  }
0x4d: {  	[sflag:s21] =	ssyncset.done $0x0  }
0x4e: {  	[sflag:s21] =	ssyncadd.s32 $0xFFFFF800  }
0x4f: {  	[bflag:$0x0] =	sbarrier.arrive $0xFFFF  }
0x50: {  	s0 =	simm.s32 $0x19000;
	s2 =	simm.s32 $0x3;
	s4 =	rddreg [dreg:$0x8]  }
0x51: {  	[tilespmem:s0], [sflag:$0x3] =	stream.linear.gather [spmem:s4], $0x2710, $0x38;
	[tilespmem:$0x1E620] =	vst v63  }
0x52: {  	_ =	swait.ge [sflag:s2], $0x2710  }
0x53: {  	[sflag:s2] =	ssyncset.done $0x0  }
0x54: {  	s25 =	simm.s32 $0x0;
	s24 =	rddreg [dreg:$0x9];
	[sflag:s2] =	ssyncadd.s32 $0xFFFFD8F0  }
0x55: {  	[hbm4b:s24+s25] =	stream.linear.scatter [tilespmem:s0], [sflag:$0x3], $0x2710, $0x38;
	[tilespmem:$0x1E620] =	vst v63  }
0x56: {  	_ =	swait.ge [sflag:s2], $0x2710  }
0x57: {  	s26 =	rddreg [dreg:$0xb]  }
0x58: {  	s30 =	rddreg [dreg:$0xa];
	s0 =	sadd.s32 $0x1, s26  }
0x59: {  	p1 =	sne.s32 s0, s30  }
.Ltmp1:
0x5a: {  	_ = 	snop;
	(pc) =	sbr.rel @!p1 .LBB2_7-.Ltmp1, $3  }
0x5b: {  	_ =	sdelay $0x1  }
0x5c: {  	[sflag:s2] =	ssyncset.done $0x0  }
0x5d: {  	[sflag:s2] =	ssyncadd.s32 $0xFFFFD8F0  }
.LBB2_1:
0x5e: {  	s25 =	simm.s32 @p0 $0x0;
	s4 =	rddreg [dreg:$0x7]  }
0x5f: {  	[tilespmem:s25], [sflag:$0x1] =	stream.linear.gather @p0 [hbm4b:s4+s25], $0x1400, $0x38;
	[tilespmem:$0x1E620] =	vst v63  }
0x60: {  	s30 =	simm.s32 @p0 $0x1400;
	s4 =	rddreg [dreg:$0x5]  }
0x61: {  	[tilespmem:s30], [sflag:$0x1] =	stream.linear.gather @p0 [hbm4b:s4+s25], $0x3C00, $0x38;
	[tilespmem:$0x1E620] =	vst v63  }
0x62: {  	s25 =	simm.s32 @!p0 $0x0;
	s4 =	rddreg [dreg:$0x6]  }
0x63: {  	[tilespmem:s25], [sflag:$0x1] =	stream.linear.gather @!p0 [hbm4b:s4+s25], $0x5000, $0x38;
	[tilespmem:$0x1E620] =	vst v63  }
0x64: {  	[dreg:$0xb] =	wrdreg s0;
	s30 =	simm.s32 $0x0;
	s25 =	simm.s32 $0x40  }
.LBB2_2:
0x65: {  	p1 =	sne.s32 s25, $0x9C00;
	[tilespmem:s30+$0x19000] =	vst v0;
	s30 =	smov.u32 s25;
	s25 =	sadd.s32 $0x40, s25  }
.Ltmp2:
0x66: {  	(pc) =	sbr.rel @p1 .LBB2_2-.Ltmp2, $2  }
0x67: {  	_ =	sdelay $0x2  }
0x68: {  	s30 =	sshra.s32 s30, $0x2  }
0x69: {  	[tilespmem:s30+$0x19000] =	vst v0;
	s25 =	simm.s32 @p0 $0x1  }
0x6a: {  	_ =	swait.ge @p0 [sflag:s25], $0x1400  }
0x6b: {  	[sflag:s25] =	ssyncset.done @p0 $0x0  }
0x6c: {  	[sflag:s25] =	ssyncadd.s32 @p0 $0xFFFFEC00  }
0x6d: {  	_ =	swait.ge @p0 [sflag:s25], $0x3C00  }
0x6e: {  	[sflag:s25] =	ssyncset.done @p0 $0x0  }
0x6f: {  	[sflag:s25] =	ssyncadd.s32 @p0 $0xFFFFC400;
	s25 =	simm.s32 @!p0 $0x1  }
0x70: {  	_ =	swait.ge @!p0 [sflag:s25], $0x5000  }
0x71: {  	[sflag:s25] =	ssyncset.done @!p0 $0x0  }
0x72: {  	s4 =	simm.s32 $0x5000;
	[sflag:s25] =	ssyncadd.s32 @!p0 $0xFFFFB000;
	s25 =	simm.s32 $0x0  }
0x73: {  	[tilespmem:s4], [sflag:$0x1] =	stream.indirect.gather [hbm4b:s1+s11], $0x10, s25, s11, $0xb8;
	[tilespmem:$0x1E620] =	vst v63  }
0x74: {  	s18 =	simm.s32 $0x100;
	s7 =	simm.s32 $0x5800  }
0x75: {  	[tilespmem:s7], [sflag:$0x1] =	stream.indirect.gather [hbm4b:s1+s11], $0x10, s18, s11, $0xb8;
	[tilespmem:$0x1E620] =	vst v63  }
0x76: {  	s19 =	simm.s32 $0x200;
	s9 =	simm.s32 $0x6000  }
0x77: {  	[tilespmem:s9], [sflag:$0x1] =	stream.indirect.gather [hbm4b:s1+s11], $0x10, s19, s11, $0xb8;
	[tilespmem:$0x1E620] =	vst v63  }
0x78: {  	s20 =	simm.s32 $0x300;
	s13 =	simm.s32 $0x6800  }
0x79: {  	[tilespmem:s13], [sflag:$0x1] =	stream.indirect.gather [hbm4b:s1+s11], $0x10, s20, s11, $0xb8;
	[tilespmem:$0x1E620] =	vst v63  }
0x7a: {  	s22 =	simm.s32 $0x400;
	s15 =	simm.s32 $0x7000  }
0x7b: {  	[tilespmem:s15], [sflag:$0x1] =	stream.indirect.gather [hbm4b:s1+s11], $0x10, s22, s11, $0xb8;
	[tilespmem:$0x1E620] =	vst v63  }
0x7c: {  	s24 =	simm.s32 $0x500;
	s17 =	simm.s32 $0x7800  }
0x7d: {  	[tilespmem:s17], [sflag:$0x1] =	stream.indirect.gather [hbm4b:s1+s11], $0x10, s24, s11, $0xb8;
	[tilespmem:$0x1E620] =	vst v63  }
0x7e: {  	s26 =	simm.s32 $0x600;
	s19 =	simm.s32 $0x8000  }
0x7f: {  	[tilespmem:s19], [sflag:$0x1] =	stream.indirect.gather [hbm4b:s1+s11], $0x10, s26, s11, $0xb8;
	[tilespmem:$0x1E620] =	vst v63  }
0x80: {  	s30 =	simm.s32 $0x700  }
0x81: {  	[tilespmem:s10], [sflag:$0x1] =	stream.indirect.gather [hbm4b:s1+s11], $0x10, s30, s11, $0xb8;
	[tilespmem:$0x1E620] =	vst v63  }
0x82: {  	s0 =	simm.s32 $0x800  }
0x83: {  	[tilespmem:s23], [sflag:$0x1] =	stream.indirect.gather [hbm4b:s1+s11], $0x10, s0, s11, $0xb8;
	[tilespmem:$0x1E620] =	vst v63  }
0x84: {  	s2 =	simm.s32 $0x900  }
0x85: {  	[tilespmem:s8], [sflag:$0x1] =	stream.indirect.gather [hbm4b:s1+s11], $0x10, s2, s11, $0xb8;
	[tilespmem:$0x1E620] =	vst v63  }
0x86: {  	s6 =	simm.s32 $0xA00;
	s0 =	simm.s32 $0xA000  }
0x87: {  	[tilespmem:s0], [sflag:$0x1] =	stream.indirect.gather [hbm4b:s1+s11], $0x10, s6, s11, $0xb8;
	[tilespmem:$0x1E620] =	vst v63  }
0x88: {  	s12 =	simm.s32 $0xB00;
	s2 =	simm.s32 $0xA800  }
0x89: {  	[tilespmem:s2], [sflag:$0x1] =	stream.indirect.gather [hbm4b:s1+s11], $0x10, s12, s11, $0xb8;
	[tilespmem:$0x1E620] =	vst v63  }
0x8a: {  	s14 =	simm.s32 $0xC00;
	s12 =	simm.s32 $0xB000  }
0x8b: {  	[tilespmem:s12], [sflag:$0x1] =	stream.indirect.gather [hbm4b:s1+s11], $0x10, s14, s11, $0xb8;
	[tilespmem:$0x1E620] =	vst v63  }
0x8c: {  	s16 =	simm.s32 $0xD00;
	s14 =	simm.s32 $0xB800  }
0x8d: {  	[tilespmem:s14], [sflag:$0x1] =	stream.indirect.gather [hbm4b:s1+s11], $0x10, s16, s11, $0xb8;
	[tilespmem:$0x1E620] =	vst v63  }
0x8e: {  	s18 =	simm.s32 $0xE00;
	s16 =	simm.s32 $0xC000  }
0x8f: {  	[tilespmem:s16], [sflag:$0x1] =	stream.indirect.gather [hbm4b:s1+s11], $0x10, s18, s11, $0xb8;
	[tilespmem:$0x1E620] =	vst v63  }
0x90: {  	s20 =	simm.s32 $0xF00;
	s18 =	simm.s32 $0xC800  }
0x91: {  	[tilespmem:s18], [sflag:$0x1] =	stream.indirect.gather [hbm4b:s1+s11], $0x10, s20, s11, $0xb8;
	[tilespmem:$0x1E620] =	vst v63  }
0x92: {  	s22 =	simm.s32 $0x1000;
	s20 =	simm.s32 $0xD000  }
0x93: {  	[tilespmem:s20], [sflag:$0x1] =	stream.indirect.gather [hbm4b:s1+s11], $0x10, s22, s11, $0xb8;
	[tilespmem:$0x1E620] =	vst v63  }
0x94: {  	s24 =	simm.s32 $0x1100;
	s22 =	simm.s32 $0xD800  }
0x95: {  	[tilespmem:s22], [sflag:$0x1] =	stream.indirect.gather [hbm4b:s1+s11], $0x10, s24, s11, $0xb8;
	[tilespmem:$0x1E620] =	vst v63  }
0x96: {  	s26 =	simm.s32 $0x1200;
	s24 =	simm.s32 $0xE000  }
0x97: {  	[tilespmem:s24], [sflag:$0x1] =	stream.indirect.gather [hbm4b:s1+s11], $0x10, s26, s11, $0xb8;
	[tilespmem:$0x1E620] =	vst v63  }
0x98: {  	s30 =	simm.s32 $0x1300;
	s26 =	simm.s32 $0xE800  }
0x99: {  	[tilespmem:s26], [sflag:$0x1] =	stream.indirect.gather [hbm4b:s1+s11], $0x10, s30, s11, $0xb8;
	[tilespmem:$0x1E620] =	vst v63  }
0x9a: {  	s0 =	rddreg [dreg:$0x8];
	s6 =	simm.s32 $0x19000;
	s30 =	simm.s32 $0x3  }
0x9b: {  	[spmem:s0] =	stream.linear.scatter [tilespmem:s6], [sflag:$0x3], $0x2710, $0x38;
	[tilespmem:$0x1E620] =	vst v63  }
0x9c: {  	_ =	swait.ge [sflag:s30], $0x2710  }
0x9d: {  	[sflag:s30] =	ssyncset.done $0x0  }
0x9e: {  	[sflag:s30] =	ssyncadd.s32 $0xFFFFD8F0  }
0x9f: {  	p1 =	por $0x0, $0x0;
	s4 =	simm.s32 $0x5000;
	[bflag:$0x0] =	sbarrier.arrive $0xFFFF  }
.LBB2_4:
0xa0: {  	_ =	swait.ge [sflag:s5], $0x800  }
0xa1: {  	[sflag:s5] =	ssyncset.done $0x0  }
0xa2: {  	[sflag:s5] =	ssyncadd.s32 $0xFFFFF800  }
0xa3: {  	_ =	swait.ge [sflag:s5], $0x800  }
0xa4: {  	[sflag:s5] =	ssyncset.done $0x0  }
0xa5: {  	[sflag:s5] =	ssyncadd.s32 $0xFFFFF800  }
0xa6: {  	_ =	swait.ge [sflag:s5], $0x800  }
0xa7: {  	[sflag:s5] =	ssyncset.done $0x0  }
0xa8: {  	[sflag:s5] =	ssyncadd.s32 $0xFFFFF800  }
0xa9: {  	_ =	swait.ge [sflag:s5], $0x800  }
0xaa: {  	[sflag:s5] =	ssyncset.done $0x0  }
0xab: {  	[sflag:s5] =	ssyncadd.s32 $0xFFFFF800  }
0xac: {  	_ =	swait.ge [sflag:s5], $0x800  }
0xad: {  	[sflag:s5] =	ssyncset.done $0x0  }
0xae: {  	[sflag:s5] =	ssyncadd.s32 $0xFFFFF800  }
0xaf: {  	_ =	swait.ge [sflag:s5], $0x800  }
0xb0: {  	[sflag:s5] =	ssyncset.done $0x0  }
0xb1: {  	[sflag:s5] =	ssyncadd.s32 $0xFFFFF800  }
0xb2: {  	_ =	swait.ge [sflag:s5], $0x800  }
0xb3: {  	[sflag:s5] =	ssyncset.done $0x0  }
0xb4: {  	[sflag:s5] =	ssyncadd.s32 $0xFFFFF800  }
0xb5: {  	_ =	swait.ge [sflag:s5], $0x800  }
0xb6: {  	[sflag:s5] =	ssyncset.done $0x0  }
0xb7: {  	[sflag:s5] =	ssyncadd.s32 $0xFFFFF800  }
0xb8: {  	_ =	swait.ge [sflag:s5], $0x800  }
0xb9: {  	[sflag:s5] =	ssyncset.done $0x0  }
0xba: {  	[sflag:s5] =	ssyncadd.s32 $0xFFFFF800  }
0xbb: {  	_ =	swait.ge [sflag:s5], $0x800  }
0xbc: {  	[sflag:s5] =	ssyncset.done $0x0  }
0xbd: {  	[sflag:s5] =	ssyncadd.s32 $0xFFFFF800  }
0xbe: {  	_ =	swait.ge [sflag:s5], $0x800  }
0xbf: {  	[sflag:s5] =	ssyncset.done $0x0  }
0xc0: {  	[sflag:s5] =	ssyncadd.s32 $0xFFFFF800  }
0xc1: {  	_ =	swait.ge [sflag:s5], $0x800  }
0xc2: {  	[sflag:s5] =	ssyncset.done $0x0  }
0xc3: {  	[sflag:s5] =	ssyncadd.s32 $0xFFFFF800  }
0xc4: {  	_ =	swait.ge [sflag:s5], $0x800  }
0xc5: {  	[sflag:s5] =	ssyncset.done $0x0  }
0xc6: {  	[sflag:s5] =	ssyncadd.s32 $0xFFFFF800  }
0xc7: {  	_ =	swait.ge [sflag:s5], $0x800  }
0xc8: {  	[sflag:s5] =	ssyncset.done $0x0  }
0xc9: {  	[sflag:s5] =	ssyncadd.s32 $0xFFFFF800  }
0xca: {  	_ =	swait.ge [sflag:s5], $0x800  }
0xcb: {  	[sflag:s5] =	ssyncset.done $0x0  }
0xcc: {  	[sflag:s5] =	ssyncadd.s32 $0xFFFFF800  }
0xcd: {  	_ =	swait.ge [sflag:s5], $0x800  }
0xce: {  	[sflag:s5] =	ssyncset.done $0x0  }
0xcf: {  	[sflag:s5] =	ssyncadd.s32 $0xFFFFF800  }
0xd0: {  	_ =	swait.ge [sflag:s5], $0x800  }
0xd1: {  	[sflag:s5] =	ssyncset.done $0x0  }
0xd2: {  	[sflag:s5] =	ssyncadd.s32 $0xFFFFF800  }
0xd3: {  	_ =	swait.ge [sflag:s5], $0x800  }
0xd4: {  	[sflag:s5] =	ssyncset.done $0x0  }
0xd5: {  	[sflag:s5] =	ssyncadd.s32 $0xFFFFF800  }
0xd6: {  	_ =	swait.ge [sflag:s5], $0x800  }
0xd7: {  	[sflag:s5] =	ssyncset.done $0x0  }
0xd8: {  	[sflag:s5] =	ssyncadd.s32 $0xFFFFF800  }
0xd9: {  	_ =	swait.ge [sflag:s5], $0x800  }
0xda: {  	[sflag:s5] =	ssyncset.done $0x0  }
0xdb: {  	s30 =	simm.s32 @p1 $0x2;
	[sflag:s5] =	ssyncadd.s32 $0xFFFFF800  }
0xdc: {  	_ =	swait.ge @p1 [sflag:s30], $0x800  }
0xdd: {  	[sflag:s30] =	ssyncset.done @p1 $0x0  }
0xde: {  	[sflag:s30] =	ssyncadd.s32 @p1 $0xFFFFF800  }
0xdf: {  	_ =	swait.ge @p1 [sflag:s30], $0x800  }
0xe0: {  	[sflag:s30] =	ssyncset.done @p1 $0x0  }
0xe1: {  	[sflag:s30] =	ssyncadd.s32 @p1 $0xFFFFF800  }
0xe2: {  	_ =	swait.ge @p1 [sflag:s30], $0x800  }
0xe3: {  	[sflag:s30] =	ssyncset.done @p1 $0x0  }
0xe4: {  	[sflag:s30] =	ssyncadd.s32 @p1 $0xFFFFF800  }
0xe5: {  	_ =	swait.ge @p1 [sflag:s30], $0x800  }
0xe6: {  	[sflag:s30] =	ssyncset.done @p1 $0x0  }
0xe7: {  	[sflag:s30] =	ssyncadd.s32 @p1 $0xFFFFF800  }
0xe8: {  	_ =	swait.ge @p1 [sflag:s30], $0x800  }
0xe9: {  	[sflag:s30] =	ssyncset.done @p1 $0x0  }
0xea: {  	[sflag:s30] =	ssyncadd.s32 @p1 $0xFFFFF800  }
0xeb: {  	_ =	swait.ge @p1 [sflag:s30], $0x800  }
0xec: {  	[sflag:s30] =	ssyncset.done @p1 $0x0  }
0xed: {  	[sflag:s30] =	ssyncadd.s32 @p1 $0xFFFFF800  }
0xee: {  	_ =	swait.ge @p1 [sflag:s30], $0x800  }
0xef: {  	[sflag:s30] =	ssyncset.done @p1 $0x0  }
0xf0: {  	[sflag:s30] =	ssyncadd.s32 @p1 $0xFFFFF800  }
0xf1: {  	_ =	swait.ge @p1 [sflag:s30], $0x800  }
0xf2: {  	[sflag:s30] =	ssyncset.done @p1 $0x0  }
0xf3: {  	[sflag:s30] =	ssyncadd.s32 @p1 $0xFFFFF800  }
0xf4: {  	_ =	swait.ge @p1 [sflag:s30], $0x800  }
0xf5: {  	[sflag:s30] =	ssyncset.done @p1 $0x0  }
0xf6: {  	[sflag:s30] =	ssyncadd.s32 @p1 $0xFFFFF800  }
0xf7: {  	_ =	swait.ge @p1 [sflag:s30], $0x800  }
0xf8: {  	[sflag:s30] =	ssyncset.done @p1 $0x0  }
0xf9: {  	[sflag:s30] =	ssyncadd.s32 @p1 $0xFFFFF800  }
0xfa: {  	_ =	swait.ge @p1 [sflag:s30], $0x800  }
0xfb: {  	[sflag:s30] =	ssyncset.done @p1 $0x0  }
0xfc: {  	[sflag:s30] =	ssyncadd.s32 @p1 $0xFFFFF800  }
0xfd: {  	_ =	swait.ge @p1 [sflag:s30], $0x800  }
0xfe: {  	[sflag:s30] =	ssyncset.done @p1 $0x0  }
0xff: {  	[sflag:s30] =	ssyncadd.s32 @p1 $0xFFFFF800  }
0x100: {  	_ =	swait.ge @p1 [sflag:s30], $0x800  }
0x101: {  	[sflag:s30] =	ssyncset.done @p1 $0x0  }
0x102: {  	[sflag:s30] =	ssyncadd.s32 @p1 $0xFFFFF800  }
0x103: {  	_ =	swait.ge @p1 [sflag:s30], $0x800  }
0x104: {  	[sflag:s30] =	ssyncset.done @p1 $0x0  }
0x105: {  	[sflag:s30] =	ssyncadd.s32 @p1 $0xFFFFF800  }
0x106: {  	_ =	swait.ge @p1 [sflag:s30], $0x800  }
0x107: {  	[sflag:s30] =	ssyncset.done @p1 $0x0  }
0x108: {  	[sflag:s30] =	ssyncadd.s32 @p1 $0xFFFFF800  }
0x109: {  	_ =	swait.ge @p1 [sflag:s30], $0x800  }
0x10a: {  	[sflag:s30] =	ssyncset.done @p1 $0x0  }
0x10b: {  	[sflag:s30] =	ssyncadd.s32 @p1 $0xFFFFF800  }
0x10c: {  	_ =	swait.ge @p1 [sflag:s30], $0x800  }
0x10d: {  	[sflag:s30] =	ssyncset.done @p1 $0x0  }
0x10e: {  	[sflag:s30] =	ssyncadd.s32 @p1 $0xFFFFF800  }
0x10f: {  	_ =	swait.ge @p1 [sflag:s30], $0x800  }
0x110: {  	[sflag:s30] =	ssyncset.done @p1 $0x0  }
0x111: {  	[sflag:s30] =	ssyncadd.s32 @p1 $0xFFFFF800  }
0x112: {  	_ =	swait.ge @p1 [sflag:s30], $0x800  }
0x113: {  	[sflag:s30] =	ssyncset.done @p1 $0x0  }
0x114: {  	[sflag:s30] =	ssyncadd.s32 @p1 $0xFFFFF800  }
0x115: {  	_ =	swait.ge @p1 [sflag:s30], $0x800  }
0x116: {  	s25 =	sshra.s32 s25, $0x2;
	[sflag:s30] =	ssyncset.done @p1 $0x0  }
0x117: {  	s6 =	sadd.s32 $0x80, s25;
	[sflag:s30] =	ssyncadd.s32 @p1 $0xFFFFF800  }
0x118: {  	[spmem:s3] =	stream.indirect.scatter.add.f32 [tilespmem:s4], [sflag:$0x2], $0x10, s6, s11, $0xb8;
	[tilespmem:$0x1E620] =	vst v63  }
0x119: {  	s0 =	sadd.s32 $0x180, s25  }
0x11a: {  	[spmem:s3] =	stream.indirect.scatter.add.f32 [tilespmem:s7], [sflag:$0x2], $0x10, s0, s11, $0xb8;
	[tilespmem:$0x1E620] =	vst v63  }
0x11b: {  	s6 =	sadd.s32 $0x280, s25  }
0x11c: {  	[spmem:s3] =	stream.indirect.scatter.add.f32 [tilespmem:s9], [sflag:$0x2], $0x10, s6, s11, $0xb8;
	[tilespmem:$0x1E620] =	vst v63  }
0x11d: {  	s7 =	sadd.s32 $0x380, s25  }
0x11e: {  	[spmem:s3] =	stream.indirect.scatter.add.f32 [tilespmem:s13], [sflag:$0x2], $0x10, s7, s11, $0xb8;
	[tilespmem:$0x1E620] =	vst v63  }
0x11f: {  	s9 =	sadd.s32 $0x480, s25  }
0x120: {  	[spmem:s3] =	stream.indirect.scatter.add.f32 [tilespmem:s15], [sflag:$0x2], $0x10, s9, s11, $0xb8;
	[tilespmem:$0x1E620] =	vst v63  }
0x121: {  	s13 =	sadd.s32 $0x580, s25  }
0x122: {  	[spmem:s3] =	stream.indirect.scatter.add.f32 [tilespmem:s17], [sflag:$0x2], $0x10, s13, s11, $0xb8;
	[tilespmem:$0x1E620] =	vst v63  }
0x123: {  	s15 =	sadd.s32 $0x680, s25  }
0x124: {  	[spmem:s3] =	stream.indirect.scatter.add.f32 [tilespmem:s19], [sflag:$0x2], $0x10, s15, s11, $0xb8;
	[tilespmem:$0x1E620] =	vst v63  }
0x125: {  	s17 =	sadd.s32 $0x780, s25  }
0x126: {  	[spmem:s3] =	stream.indirect.scatter.add.f32 [tilespmem:s10], [sflag:$0x2], $0x10, s17, s11, $0xb8;
	[tilespmem:$0x1E620] =	vst v63  }
0x127: {  	s19 =	sadd.s32 $0x880, s25  }
0x128: {  	[spmem:s3] =	stream.indirect.scatter.add.f32 [tilespmem:s23], [sflag:$0x2], $0x10, s19, s11, $0xb8;
	[tilespmem:$0x1E620] =	vst v63  }
0x129: {  	s0 =	sadd.s32 $0x980, s25  }
0x12a: {  	[spmem:s3] =	stream.indirect.scatter.add.f32 [tilespmem:s8], [sflag:$0x2], $0x10, s0, s11, $0xb8;
	[tilespmem:$0x1E620] =	vst v63  }
0x12b: {  	s6 =	sadd.s32 $0xA80, s25;
	s0 =	simm.s32 $0xA000  }
0x12c: {  	[spmem:s3] =	stream.indirect.scatter.add.f32 [tilespmem:s0], [sflag:$0x2], $0x10, s6, s11, $0xb8;
	[tilespmem:$0x1E620] =	vst v63  }
0x12d: {  	s7 =	sadd.s32 $0xB80, s25  }
0x12e: {  	[spmem:s3] =	stream.indirect.scatter.add.f32 [tilespmem:s2], [sflag:$0x2], $0x10, s7, s11, $0xb8;
	[tilespmem:$0x1E620] =	vst v63  }
0x12f: {  	s9 =	sadd.s32 $0xC80, s25  }
0x130: {  	[spmem:s3] =	stream.indirect.scatter.add.f32 [tilespmem:s12], [sflag:$0x2], $0x10, s9, s11, $0xb8;
	[tilespmem:$0x1E620] =	vst v63  }
0x131: {  	s12 =	sadd.s32 $0xD80, s25  }
0x132: {  	[spmem:s3] =	stream.indirect.scatter.add.f32 [tilespmem:s14], [sflag:$0x2], $0x10, s12, s11, $0xb8;
	[tilespmem:$0x1E620] =	vst v63  }
0x133: {  	s13 =	sadd.s32 $0xE80, s25  }
0x134: {  	[spmem:s3] =	stream.indirect.scatter.add.f32 [tilespmem:s16], [sflag:$0x2], $0x10, s13, s11, $0xb8;
	[tilespmem:$0x1E620] =	vst v63  }
0x135: {  	s14 =	sadd.s32 $0xF80, s25  }
0x136: {  	[spmem:s3] =	stream.indirect.scatter.add.f32 [tilespmem:s18], [sflag:$0x2], $0x10, s14, s11, $0xb8;
	[tilespmem:$0x1E620] =	vst v63  }
0x137: {  	s15 =	sadd.s32 $0x1080, s25  }
0x138: {  	[spmem:s3] =	stream.indirect.scatter.add.f32 [tilespmem:s20], [sflag:$0x2], $0x10, s15, s11, $0xb8;
	[tilespmem:$0x1E620] =	vst v63  }
0x139: {  	s16 =	sadd.s32 $0x1180, s25  }
0x13a: {  	[spmem:s3] =	stream.indirect.scatter.add.f32 [tilespmem:s22], [sflag:$0x2], $0x10, s16, s11, $0xb8;
	[tilespmem:$0x1E620] =	vst v63  }
0x13b: {  	s17 =	sadd.s32 $0x1280, s25  }
0x13c: {  	[spmem:s3] =	stream.indirect.scatter.add.f32 [tilespmem:s24], [sflag:$0x2], $0x10, s17, s11, $0xb8;
	[tilespmem:$0x1E620] =	vst v63  }
0x13d: {  	s18 =	sadd.s32 $0x1380, s25  }
0x13e: {  	[spmem:s3] =	stream.indirect.scatter.add.f32 [tilespmem:s26], [sflag:$0x2], $0x10, s18, s11, $0xb8;
	[tilespmem:$0x1E620] =	vst v63  }
0x13f: {  	s19 =	sadd.s32 $0x1400, s25;
	s0 =	simm.s32 $0xF000  }
0x140: {  	[tilespmem:s0], [sflag:$0x1] =	stream.indirect.gather [hbm4b:s1+s11], $0x10, s19, s11, $0xb8;
	[tilespmem:$0x1E620] =	vst v63  }
0x141: {  	s2 =	simm.s32 $0xF800;
	s20 =	sadd.s32 $0x1500, s25  }
0x142: {  	[tilespmem:s2], [sflag:$0x1] =	stream.indirect.gather [hbm4b:s1+s11], $0x10, s20, s11, $0xb8;
	[tilespmem:$0x1E620] =	vst v63  }
0x143: {  	s12 =	simm.s32 $0x10000;
	s22 =	sadd.s32 $0x1600, s25  }
0x144: {  	[tilespmem:s12], [sflag:$0x1] =	stream.indirect.gather [hbm4b:s1+s11], $0x10, s22, s11, $0xb8;
	[tilespmem:$0x1E620] =	vst v63  }
0x145: {  	s14 =	simm.s32 $0x10800;
	s24 =	sadd.s32 $0x1700, s25  }
0x146: {  	[tilespmem:s14], [sflag:$0x1] =	stream.indirect.gather [hbm4b:s1+s11], $0x10, s24, s11, $0xb8;
	[tilespmem:$0x1E620] =	vst v63  }
0x147: {  	s16 =	simm.s32 $0x11000;
	s26 =	sadd.s32 $0x1800, s25  }
0x148: {  	[tilespmem:s16], [sflag:$0x1] =	stream.indirect.gather [hbm4b:s1+s11], $0x10, s26, s11, $0xb8;
	[tilespmem:$0x1E620] =	vst v63  }
0x149: {  	s6 =	sadd.s32 $0x1900, s25;
	s18 =	simm.s32 $0x11800  }
0x14a: {  	[tilespmem:s18], [sflag:$0x1] =	stream.indirect.gather [hbm4b:s1+s11], $0x10, s6, s11, $0xb8;
	[tilespmem:$0x1E620] =	vst v63  }
0x14b: {  	s7 =	sadd.s32 $0x1A00, s25;
	s20 =	simm.s32 $0x12000  }
0x14c: {  	[tilespmem:s20], [sflag:$0x1] =	stream.indirect.gather [hbm4b:s1+s11], $0x10, s7, s11, $0xb8;
	[tilespmem:$0x1E620] =	vst v63  }
0x14d: {  	s9 =	sadd.s32 $0x1B00, s25;
	s22 =	simm.s32 $0x12800  }
0x14e: {  	[tilespmem:s22], [sflag:$0x1] =	stream.indirect.gather [hbm4b:s1+s11], $0x10, s9, s11, $0xb8;
	[tilespmem:$0x1E620] =	vst v63  }
0x14f: {  	s13 =	sadd.s32 $0x1C00, s25;
	s24 =	simm.s32 $0x13000  }
0x150: {  	[tilespmem:s24], [sflag:$0x1] =	stream.indirect.gather [hbm4b:s1+s11], $0x10, s13, s11, $0xb8;
	[tilespmem:$0x1E620] =	vst v63  }
0x151: {  	s15 =	sadd.s32 $0x1D00, s25;
	s26 =	simm.s32 $0x13800  }
0x152: {  	[tilespmem:s26], [sflag:$0x1] =	stream.indirect.gather [hbm4b:s1+s11], $0x10, s15, s11, $0xb8;
	[tilespmem:$0x1E620] =	vst v63  }
0x153: {  	s17 =	sadd.s32 $0x1E00, s25  }
0x154: {  	[tilespmem:s29], [sflag:$0x1] =	stream.indirect.gather [hbm4b:s1+s11], $0x10, s17, s11, $0xb8;
	[tilespmem:$0x1E620] =	vst v63  }
0x155: {  	s19 =	sadd.s32 $0x1F00, s25  }
0x156: {  	[tilespmem:s31], [sflag:$0x1] =	stream.indirect.gather [hbm4b:s1+s11], $0x10, s19, s11, $0xb8;
	[tilespmem:$0x1E620] =	vst v63  }
0x157: {  	s6 =	sadd.s32 $0x2000, s25;
	s13 =	simm.s32 $0x15000  }
0x158: {  	[tilespmem:s13], [sflag:$0x1] =	stream.indirect.gather [hbm4b:s1+s11], $0x10, s6, s11, $0xb8;
	[tilespmem:$0x1E620] =	vst v63  }
0x159: {  	s7 =	sadd.s32 $0x2100, s25;
	s17 =	simm.s32 $0x15800  }
0x15a: {  	[tilespmem:s17], [sflag:$0x1] =	stream.indirect.gather [hbm4b:s1+s11], $0x10, s7, s11, $0xb8;
	[tilespmem:$0x1E620] =	vst v63  }
0x15b: {  	s9 =	sadd.s32 $0x2200, s25;
	s19 =	simm.s32 $0x16000  }
0x15c: {  	[tilespmem:s19], [sflag:$0x1] =	stream.indirect.gather [hbm4b:s1+s11], $0x10, s9, s11, $0xb8;
	[tilespmem:$0x1E620] =	vst v63  }
0x15d: {  	s15 =	sadd.s32 $0x2300, s25  }
0x15e: {  	[tilespmem:s28], [sflag:$0x1] =	stream.indirect.gather [hbm4b:s1+s11], $0x10, s15, s11, $0xb8;
	[tilespmem:$0x1E620] =	vst v63  }
0x15f: {  	s6 =	sadd.s32 $0x2400, s25;
	s15 =	simm.s32 $0x17000  }
0x160: {  	[tilespmem:s15], [sflag:$0x1] =	stream.indirect.gather [hbm4b:s1+s11], $0x10, s6, s11, $0xb8;
	[tilespmem:$0x1E620] =	vst v63  }
0x161: {  	s7 =	sadd.s32 $0x2500, s25;
	s6 =	simm.s32 $0x17800  }
0x162: {  	[tilespmem:s6], [sflag:$0x1] =	stream.indirect.gather [hbm4b:s1+s11], $0x10, s7, s11, $0xb8;
	[tilespmem:$0x1E620] =	vst v63  }
0x163: {  	s9 =	sadd.s32 $0x2600, s25;
	s7 =	simm.s32 $0x18000  }
0x164: {  	[tilespmem:s7], [sflag:$0x1] =	stream.indirect.gather [hbm4b:s1+s11], $0x10, s9, s11, $0xb8;
	[tilespmem:$0x1E620] =	vst v63  }
0x165: {  	s30 =	sadd.s32 $0x2700, s25;
	s9 =	simm.s32 $0x18800  }
0x166: {  	[tilespmem:s9], [sflag:$0x1] =	stream.indirect.gather [hbm4b:s1+s11], $0x10, s30, s11, $0xb8;
	[tilespmem:$0x1E620] =	vst v63  }
0x167: {  	_ =	swait.ge [sflag:s5], $0x800  }
0x168: {  	[sflag:s5] =	ssyncset.done $0x0  }
0x169: {  	[sflag:s5] =	ssyncadd.s32 $0xFFFFF800  }
0x16a: {  	_ =	swait.ge [sflag:s5], $0x800  }
0x16b: {  	[sflag:s5] =	ssyncset.done $0x0  }
0x16c: {  	[sflag:s5] =	ssyncadd.s32 $0xFFFFF800  }
0x16d: {  	_ =	swait.ge [sflag:s5], $0x800  }
0x16e: {  	[sflag:s5] =	ssyncset.done $0x0  }
0x16f: {  	[sflag:s5] =	ssyncadd.s32 $0xFFFFF800  }
0x170: {  	_ =	swait.ge [sflag:s5], $0x800  }
0x171: {  	[sflag:s5] =	ssyncset.done $0x0  }
0x172: {  	[sflag:s5] =	ssyncadd.s32 $0xFFFFF800  }
0x173: {  	_ =	swait.ge [sflag:s5], $0x800  }
0x174: {  	[sflag:s5] =	ssyncset.done $0x0  }
0x175: {  	[sflag:s5] =	ssyncadd.s32 $0xFFFFF800  }
0x176: {  	_ =	swait.ge [sflag:s5], $0x800  }
0x177: {  	[sflag:s5] =	ssyncset.done $0x0  }
0x178: {  	[sflag:s5] =	ssyncadd.s32 $0xFFFFF800  }
0x179: {  	_ =	swait.ge [sflag:s5], $0x800  }
0x17a: {  	[sflag:s5] =	ssyncset.done $0x0  }
0x17b: {  	[sflag:s5] =	ssyncadd.s32 $0xFFFFF800  }
0x17c: {  	_ =	swait.ge [sflag:s5], $0x800  }
0x17d: {  	[sflag:s5] =	ssyncset.done $0x0  }
0x17e: {  	[sflag:s5] =	ssyncadd.s32 $0xFFFFF800  }
0x17f: {  	_ =	swait.ge [sflag:s5], $0x800  }
0x180: {  	[sflag:s5] =	ssyncset.done $0x0  }
0x181: {  	[sflag:s5] =	ssyncadd.s32 $0xFFFFF800  }
0x182: {  	_ =	swait.ge [sflag:s5], $0x800  }
0x183: {  	[sflag:s5] =	ssyncset.done $0x0  }
0x184: {  	[sflag:s5] =	ssyncadd.s32 $0xFFFFF800  }
0x185: {  	_ =	swait.ge [sflag:s5], $0x800  }
0x186: {  	[sflag:s5] =	ssyncset.done $0x0  }
0x187: {  	[sflag:s5] =	ssyncadd.s32 $0xFFFFF800  }
0x188: {  	_ =	swait.ge [sflag:s5], $0x800  }
0x189: {  	[sflag:s5] =	ssyncset.done $0x0  }
0x18a: {  	[sflag:s5] =	ssyncadd.s32 $0xFFFFF800  }
0x18b: {  	_ =	swait.ge [sflag:s5], $0x800  }
0x18c: {  	[sflag:s5] =	ssyncset.done $0x0  }
0x18d: {  	[sflag:s5] =	ssyncadd.s32 $0xFFFFF800  }
0x18e: {  	_ =	swait.ge [sflag:s5], $0x800  }
0x18f: {  	[sflag:s5] =	ssyncset.done $0x0  }
0x190: {  	[sflag:s5] =	ssyncadd.s32 $0xFFFFF800  }
0x191: {  	_ =	swait.ge [sflag:s5], $0x800  }
0x192: {  	[sflag:s5] =	ssyncset.done $0x0  }
0x193: {  	[sflag:s5] =	ssyncadd.s32 $0xFFFFF800  }
0x194: {  	_ =	swait.ge [sflag:s5], $0x800  }
0x195: {  	[sflag:s5] =	ssyncset.done $0x0  }
0x196: {  	[sflag:s5] =	ssyncadd.s32 $0xFFFFF800  }
0x197: {  	_ =	swait.ge [sflag:s5], $0x800  }
0x198: {  	[sflag:s5] =	ssyncset.done $0x0  }
0x199: {  	[sflag:s5] =	ssyncadd.s32 $0xFFFFF800  }
0x19a: {  	_ =	swait.ge [sflag:s5], $0x800  }
0x19b: {  	[sflag:s5] =	ssyncset.done $0x0  }
0x19c: {  	[sflag:s5] =	ssyncadd.s32 $0xFFFFF800  }
0x19d: {  	_ =	swait.ge [sflag:s5], $0x800  }
0x19e: {  	[sflag:s5] =	ssyncset.done $0x0  }
0x19f: {  	[sflag:s5] =	ssyncadd.s32 $0xFFFFF800  }
0x1a0: {  	_ =	swait.ge [sflag:s5], $0x800  }
0x1a1: {  	[sflag:s5] =	ssyncset.done $0x0  }
0x1a2: {  	[sflag:s5] =	ssyncadd.s32 $0xFFFFF800  }
0x1a3: {  	_ =	swait.ge [sflag:s21], $0x800  }
0x1a4: {  	[sflag:s21] =	ssyncset.done $0x0  }
0x1a5: {  	[sflag:s21] =	ssyncadd.s32 $0xFFFFF800  }
0x1a6: {  	_ =	swait.ge [sflag:s21], $0x800  }
0x1a7: {  	[sflag:s21] =	ssyncset.done $0x0  }
0x1a8: {  	[sflag:s21] =	ssyncadd.s32 $0xFFFFF800  }
0x1a9: {  	_ =	swait.ge [sflag:s21], $0x800  }
0x1aa: {  	[sflag:s21] =	ssyncset.done $0x0  }
0x1ab: {  	[sflag:s21] =	ssyncadd.s32 $0xFFFFF800  }
0x1ac: {  	_ =	swait.ge [sflag:s21], $0x800  }
0x1ad: {  	[sflag:s21] =	ssyncset.done $0x0  }
0x1ae: {  	[sflag:s21] =	ssyncadd.s32 $0xFFFFF800  }
0x1af: {  	_ =	swait.ge [sflag:s21], $0x800  }
0x1b0: {  	[sflag:s21] =	ssyncset.done $0x0  }
0x1b1: {  	[sflag:s21] =	ssyncadd.s32 $0xFFFFF800  }
0x1b2: {  	_ =	swait.ge [sflag:s21], $0x800  }
0x1b3: {  	[sflag:s21] =	ssyncset.done $0x0  }
0x1b4: {  	[sflag:s21] =	ssyncadd.s32 $0xFFFFF800  }
0x1b5: {  	_ =	swait.ge [sflag:s21], $0x800  }
0x1b6: {  	[sflag:s21] =	ssyncset.done $0x0  }
0x1b7: {  	[sflag:s21] =	ssyncadd.s32 $0xFFFFF800  }
0x1b8: {  	_ =	swait.ge [sflag:s21], $0x800  }
0x1b9: {  	[sflag:s21] =	ssyncset.done $0x0  }
0x1ba: {  	[sflag:s21] =	ssyncadd.s32 $0xFFFFF800  }
0x1bb: {  	_ =	swait.ge [sflag:s21], $0x800  }
0x1bc: {  	[sflag:s21] =	ssyncset.done $0x0  }
0x1bd: {  	[sflag:s21] =	ssyncadd.s32 $0xFFFFF800  }
0x1be: {  	_ =	swait.ge [sflag:s21], $0x800  }
0x1bf: {  	[sflag:s21] =	ssyncset.done $0x0  }
0x1c0: {  	[sflag:s21] =	ssyncadd.s32 $0xFFFFF800  }
0x1c1: {  	_ =	swait.ge [sflag:s21], $0x800  }
0x1c2: {  	[sflag:s21] =	ssyncset.done $0x0  }
0x1c3: {  	[sflag:s21] =	ssyncadd.s32 $0xFFFFF800  }
0x1c4: {  	_ =	swait.ge [sflag:s21], $0x800  }
0x1c5: {  	[sflag:s21] =	ssyncset.done $0x0  }
0x1c6: {  	[sflag:s21] =	ssyncadd.s32 $0xFFFFF800  }
0x1c7: {  	_ =	swait.ge [sflag:s21], $0x800  }
0x1c8: {  	[sflag:s21] =	ssyncset.done $0x0  }
0x1c9: {  	[sflag:s21] =	ssyncadd.s32 $0xFFFFF800  }
0x1ca: {  	_ =	swait.ge [sflag:s21], $0x800  }
0x1cb: {  	[sflag:s21] =	ssyncset.done $0x0  }
0x1cc: {  	[sflag:s21] =	ssyncadd.s32 $0xFFFFF800  }
0x1cd: {  	_ =	swait.ge [sflag:s21], $0x800  }
0x1ce: {  	[sflag:s21] =	ssyncset.done $0x0  }
0x1cf: {  	[sflag:s21] =	ssyncadd.s32 $0xFFFFF800  }
0x1d0: {  	_ =	swait.ge [sflag:s21], $0x800  }
0x1d1: {  	[sflag:s21] =	ssyncset.done $0x0  }
0x1d2: {  	[sflag:s21] =	ssyncadd.s32 $0xFFFFF800  }
0x1d3: {  	_ =	swait.ge [sflag:s21], $0x800  }
0x1d4: {  	[sflag:s21] =	ssyncset.done $0x0  }
0x1d5: {  	[sflag:s21] =	ssyncadd.s32 $0xFFFFF800  }
0x1d6: {  	_ =	swait.ge [sflag:s21], $0x800  }
0x1d7: {  	[sflag:s21] =	ssyncset.done $0x0  }
0x1d8: {  	[sflag:s21] =	ssyncadd.s32 $0xFFFFF800  }
0x1d9: {  	_ =	swait.ge [sflag:s21], $0x800  }
0x1da: {  	[sflag:s21] =	ssyncset.done $0x0  }
0x1db: {  	[sflag:s21] =	ssyncadd.s32 $0xFFFFF800  }
0x1dc: {  	_ =	swait.ge [sflag:s21], $0x800  }
0x1dd: {  	[sflag:s21] =	ssyncset.done $0x0  }
0x1de: {  	s30 =	sadd.s32 $0x1480, s25;
	[sflag:s21] =	ssyncadd.s32 $0xFFFFF800  }
0x1df: {  	[spmem:s3] =	stream.indirect.scatter.add.f32 [tilespmem:s0], [sflag:$0x2], $0x10, s30, s11, $0xb8;
	[tilespmem:$0x1E620] =	vst v63  }
0x1e0: {  	s0 =	sadd.s32 $0x1580, s25  }
0x1e1: {  	[spmem:s3] =	stream.indirect.scatter.add.f32 [tilespmem:s2], [sflag:$0x2], $0x10, s0, s11, $0xb8;
	[tilespmem:$0x1E620] =	vst v63  }
0x1e2: {  	s2 =	sadd.s32 $0x1680, s25  }
0x1e3: {  	[spmem:s3] =	stream.indirect.scatter.add.f32 [tilespmem:s12], [sflag:$0x2], $0x10, s2, s11, $0xb8;
	[tilespmem:$0x1E620] =	vst v63  }
0x1e4: {  	s12 =	sadd.s32 $0x1780, s25  }
0x1e5: {  	[spmem:s3] =	stream.indirect.scatter.add.f32 [tilespmem:s14], [sflag:$0x2], $0x10, s12, s11, $0xb8;
	[tilespmem:$0x1E620] =	vst v63  }
0x1e6: {  	s14 =	sadd.s32 $0x1880, s25  }
0x1e7: {  	[spmem:s3] =	stream.indirect.scatter.add.f32 [tilespmem:s16], [sflag:$0x2], $0x10, s14, s11, $0xb8;
	[tilespmem:$0x1E620] =	vst v63  }
0x1e8: {  	s16 =	sadd.s32 $0x1980, s25  }
0x1e9: {  	[spmem:s3] =	stream.indirect.scatter.add.f32 [tilespmem:s18], [sflag:$0x2], $0x10, s16, s11, $0xb8;
	[tilespmem:$0x1E620] =	vst v63  }
0x1ea: {  	s18 =	sadd.s32 $0x1A80, s25  }
0x1eb: {  	[spmem:s3] =	stream.indirect.scatter.add.f32 [tilespmem:s20], [sflag:$0x2], $0x10, s18, s11, $0xb8;
	[tilespmem:$0x1E620] =	vst v63  }
0x1ec: {  	s20 =	sadd.s32 $0x1B80, s25  }
0x1ed: {  	[spmem:s3] =	stream.indirect.scatter.add.f32 [tilespmem:s22], [sflag:$0x2], $0x10, s20, s11, $0xb8;
	[tilespmem:$0x1E620] =	vst v63  }
0x1ee: {  	s22 =	sadd.s32 $0x1C80, s25  }
0x1ef: {  	[spmem:s3] =	stream.indirect.scatter.add.f32 [tilespmem:s24], [sflag:$0x2], $0x10, s22, s11, $0xb8;
	[tilespmem:$0x1E620] =	vst v63  }
0x1f0: {  	s0 =	sadd.s32 $0x1D80, s25  }
0x1f1: {  	[spmem:s3] =	stream.indirect.scatter.add.f32 [tilespmem:s26], [sflag:$0x2], $0x10, s0, s11, $0xb8;
	[tilespmem:$0x1E620] =	vst v63  }
0x1f2: {  	s2 =	sadd.s32 $0x1E80, s25  }
0x1f3: {  	[spmem:s3] =	stream.indirect.scatter.add.f32 [tilespmem:s29], [sflag:$0x2], $0x10, s2, s11, $0xb8;
	[tilespmem:$0x1E620] =	vst v63  }
0x1f4: {  	s12 =	sadd.s32 $0x1F80, s25  }
0x1f5: {  	[spmem:s3] =	stream.indirect.scatter.add.f32 [tilespmem:s31], [sflag:$0x2], $0x10, s12, s11, $0xb8;
	[tilespmem:$0x1E620] =	vst v63  }
0x1f6: {  	s14 =	sadd.s32 $0x2080, s25  }
0x1f7: {  	[spmem:s3] =	stream.indirect.scatter.add.f32 [tilespmem:s13], [sflag:$0x2], $0x10, s14, s11, $0xb8;
	[tilespmem:$0x1E620] =	vst v63  }
0x1f8: {  	s16 =	sadd.s32 $0x2180, s25  }
0x1f9: {  	[spmem:s3] =	stream.indirect.scatter.add.f32 [tilespmem:s17], [sflag:$0x2], $0x10, s16, s11, $0xb8;
	[tilespmem:$0x1E620] =	vst v63  }
0x1fa: {  	s18 =	sadd.s32 $0x2280, s25  }
0x1fb: {  	[spmem:s3] =	stream.indirect.scatter.add.f32 [tilespmem:s19], [sflag:$0x2], $0x10, s18, s11, $0xb8;
	[tilespmem:$0x1E620] =	vst v63  }
0x1fc: {  	s20 =	sadd.s32 $0x2380, s25  }
0x1fd: {  	[spmem:s3] =	stream.indirect.scatter.add.f32 [tilespmem:s28], [sflag:$0x2], $0x10, s20, s11, $0xb8;
	[tilespmem:$0x1E620] =	vst v63  }
0x1fe: {  	s22 =	sadd.s32 $0x2480, s25;
	s24 =	sadd.s32 $0x2580, s25  }
0x1ff: {  	[spmem:s3] =	stream.indirect.scatter.add.f32 [tilespmem:s15], [sflag:$0x2], $0x10, s22, s11, $0xb8;
	[tilespmem:$0x1E620] =	vst v63  }
0x200: {  	s26 =	sadd.s32 $0x2680, s25;
	s25 =	sadd.s32 $0x2780, s25;
	s0 =	simm.s32 $0xA800  }
0x201: {  	[spmem:s3] =	stream.indirect.scatter.add.f32 [tilespmem:s6], [sflag:$0x2], $0x10, s24, s11, $0xb8;
	[tilespmem:$0x1E620] =	vst v63  }
.Ltmp3:
0x202: {  	s2 =	simm.s32 $0xB000;
	s12 =	simm.s32 $0xB800;
	(pc) =	sbr.rel @p1 .LBB2_6-.Ltmp3, $4  }
0x203: {  	s14 =	simm.s32 $0xC000;
	s16 =	simm.s32 $0xC800;
	s18 =	simm.s32 $0xD000  }
0x204: {  	[spmem:s3] =	stream.indirect.scatter.add.f32 [tilespmem:s7], [sflag:$0x2], $0x10, s26, s11, $0xb8;
	[tilespmem:$0x1E620] =	vst v63  }
0x205: {  	s20 =	simm.s32 $0xD800;
	s22 =	simm.s32 $0xE000;
	s24 =	simm.s32 $0xE800  }
0x206: {  	[spmem:s3] =	stream.indirect.scatter.add.f32 [tilespmem:s9], [sflag:$0x2], $0x10, s25, s11, $0xb8;
	[tilespmem:$0x1E620] =	vst v63  }
0x207: {  	s6 =	simm.s32 $0x2800  }
0x208: {  	[tilespmem:s4], [sflag:$0x1] =	stream.indirect.gather [hbm4b:s1+s11], $0x10, s6, s11, $0xb8;
	[tilespmem:$0x1E620] =	vst v63  }
0x209: {  	s13 =	simm.s32 $0x2900;
	s7 =	simm.s32 $0x5800  }
0x20a: {  	[tilespmem:s7], [sflag:$0x1] =	stream.indirect.gather [hbm4b:s1+s11], $0x10, s13, s11, $0xb8;
	[tilespmem:$0x1E620] =	vst v63  }
0x20b: {  	s15 =	simm.s32 $0x2A00;
	s9 =	simm.s32 $0x6000  }
0x20c: {  	[tilespmem:s9], [sflag:$0x1] =	stream.indirect.gather [hbm4b:s1+s11], $0x10, s15, s11, $0xb8;
	[tilespmem:$0x1E620] =	vst v63  }
0x20d: {  	s17 =	simm.s32 $0x2B00;
	s13 =	simm.s32 $0x6800  }
0x20e: {  	[tilespmem:s13], [sflag:$0x1] =	stream.indirect.gather [hbm4b:s1+s11], $0x10, s17, s11, $0xb8;
	[tilespmem:$0x1E620] =	vst v63  }
0x20f: {  	s19 =	simm.s32 $0x2C00;
	s15 =	simm.s32 $0x7000  }
0x210: {  	[tilespmem:s15], [sflag:$0x1] =	stream.indirect.gather [hbm4b:s1+s11], $0x10, s19, s11, $0xb8;
	[tilespmem:$0x1E620] =	vst v63  }
0x211: {  	s25 =	simm.s32 $0x2D00;
	s17 =	simm.s32 $0x7800  }
0x212: {  	[tilespmem:s17], [sflag:$0x1] =	stream.indirect.gather [hbm4b:s1+s11], $0x10, s25, s11, $0xb8;
	[tilespmem:$0x1E620] =	vst v63  }
0x213: {  	s26 =	simm.s32 $0x2E00;
	s19 =	simm.s32 $0x8000  }
0x214: {  	[tilespmem:s19], [sflag:$0x1] =	stream.indirect.gather [hbm4b:s1+s11], $0x10, s26, s11, $0xb8;
	[tilespmem:$0x1E620] =	vst v63  }
0x215: {  	s30 =	simm.s32 $0x2F00  }
0x216: {  	[tilespmem:s10], [sflag:$0x1] =	stream.indirect.gather [hbm4b:s1+s11], $0x10, s30, s11, $0xb8;
	[tilespmem:$0x1E620] =	vst v63  }
0x217: {  	s25 =	simm.s32 $0x3000  }
0x218: {  	[tilespmem:s23], [sflag:$0x1] =	stream.indirect.gather [hbm4b:s1+s11], $0x10, s25, s11, $0xb8;
	[tilespmem:$0x1E620] =	vst v63  }
0x219: {  	s26 =	simm.s32 $0x3100  }
0x21a: {  	[tilespmem:s8], [sflag:$0x1] =	stream.indirect.gather [hbm4b:s1+s11], $0x10, s26, s11, $0xb8;
	[tilespmem:$0x1E620] =	vst v63  }
0x21b: {  	s30 =	simm.s32 $0x3200;
	s25 =	simm.s32 $0xA000  }
0x21c: {  	[tilespmem:s25], [sflag:$0x1] =	stream.indirect.gather [hbm4b:s1+s11], $0x10, s30, s11, $0xb8;
	[tilespmem:$0x1E620] =	vst v63  }
0x21d: {  	s26 =	simm.s32 $0x3300  }
0x21e: {  	[tilespmem:s0], [sflag:$0x1] =	stream.indirect.gather [hbm4b:s1+s11], $0x10, s26, s11, $0xb8;
	[tilespmem:$0x1E620] =	vst v63  }
0x21f: {  	s30 =	simm.s32 $0x3400  }
0x220: {  	[tilespmem:s2], [sflag:$0x1] =	stream.indirect.gather [hbm4b:s1+s11], $0x10, s30, s11, $0xb8;
	[tilespmem:$0x1E620] =	vst v63  }
0x221: {  	s6 =	simm.s32 $0x3500  }
0x222: {  	[tilespmem:s12], [sflag:$0x1] =	stream.indirect.gather [hbm4b:s1+s11], $0x10, s6, s11, $0xb8;
	[tilespmem:$0x1E620] =	vst v63  }
0x223: {  	s12 =	simm.s32 $0x3600  }
0x224: {  	[tilespmem:s14], [sflag:$0x1] =	stream.indirect.gather [hbm4b:s1+s11], $0x10, s12, s11, $0xb8;
	[tilespmem:$0x1E620] =	vst v63  }
0x225: {  	s14 =	simm.s32 $0x3700  }
0x226: {  	[tilespmem:s16], [sflag:$0x1] =	stream.indirect.gather [hbm4b:s1+s11], $0x10, s14, s11, $0xb8;
	[tilespmem:$0x1E620] =	vst v63  }
0x227: {  	p1 =	por $0x1, $0x1;
	s26 =	simm.s32 $0x3A00;
	s16 =	simm.s32 $0x3800  }
0x228: {  	[tilespmem:s18], [sflag:$0x1] =	stream.indirect.gather [hbm4b:s1+s11], $0x10, s16, s11, $0xb8;
	[tilespmem:$0x1E620] =	vst v63  }
0x229: {  	s30 =	simm.s32 $0x3B00;
	s2 =	simm.s32 $0xA800;
	s18 =	simm.s32 $0x3900  }
0x22a: {  	[tilespmem:s20], [sflag:$0x1] =	stream.indirect.gather [hbm4b:s1+s11], $0x10, s18, s11, $0xb8;
	[tilespmem:$0x1E620] =	vst v63  }
.Ltmp4:
0x22b: {  	s12 =	simm.s32 $0xB000;
	s14 =	simm.s32 $0xB800;
	(pc) =	sbr.rel .LBB2_4-.Ltmp4, $4  }
0x22c: {  	[tilespmem:s22], [sflag:$0x1] =	stream.indirect.gather [hbm4b:s1+s11], $0x10, s26, s11, $0xb8;
	[tilespmem:$0x1E620] =	vst v63  }
0x22d: {  	s16 =	simm.s32 $0xC000;
	s20 =	simm.s32 $0xD000;
	s18 =	simm.s32 $0xC800  }
0x22e: {  	[tilespmem:s24], [sflag:$0x1] =	stream.indirect.gather [hbm4b:s1+s11], $0x10, s30, s11, $0xb8;
	[tilespmem:$0x1E620] =	vst v63  }
0x22f: {  	s26 =	simm.s32 $0xE800;
	s22 =	simm.s32 $0xD800;
	s24 =	simm.s32 $0xE000  }
.LBB2_7:
0x230: {  	_ =	sfence.sel $0x180000  }
0x231: {  	[bflag:$0x0] =	sbarrier.arrive $0xFFFF  }
0x232: {  	_ =	strace $0x90000047  }
0x233: {  	s0 =	stileid.u32;
	[bflag:$0x2] =	sbarrier.arrive $0xFFFF  }
0x234: {  	p0 =	sne.s32 s0, $0x0;
	s0 =	rddreg [dreg:$0x4]  }
0x235: {  	s0 =	sadd.s32 @!p0 $0x100000, s0  }
0x236: {  	[sflag:s0] =	ssyncadd.tile.s32 @!p0 $0x1;
	_ =	shalt  }
.Lfunc_end2:
_tile_overlayer_lowered:
.L_overlay_start_2:
0x237: {  	(tag) =	ssettag $0x2  }
0x238: {  	s0 =	rddreg [dreg:$0x0];
	s2 =	stileid.u32  }
0x239: {  	s1 =	rddreg [dreg:$0x1];
	p0 =	sne.s32 s2, $0x0  }
0x23a: {  	s3 =	rddreg [dreg:$0x2];
	[bflag:$0x3] =	sbarrier.arrive $0xFFFF;
	s2 =	simm.s32 @!p0 $0x1C03  }
0x23b: {  	[timem:s3], [sflag:s2] =	dma.local @!p0 [hbm:s0], s1  }
0x23c: {  	s0 =	simm.s32 @!p0 $0x3  }
0x23d: {  	_ =	swait.ge @!p0 [sflag:s0], s1  }
0x23e: {  	s1 =	ssub.s32 @!p0 $0x0, s1;
	[sflag:s0] =	ssyncset.done @!p0 $0x0  }
0x23f: {  	[sflag:s0] =	ssyncadd.s32 @!p0 s1  }
0x240: {  	[bflag:$0x3] =	sbarrier.arrive $0xFFFF  }
0x241: {  	_ =	shalt  }

</sc_bundles>
